<compile_context>
chip_gen: v7x
topology: tpu7x:2x2x1
jax: 0.10.2.dev20260603
libtpu: 0.0.44.dev20260713+nightly
codegen_flags: <defaults>
</compile_context>

<pallas_src>
import functools

import jax
import jax.numpy as jnp
from jax import lax
from jax.experimental import pallas as pl
from jax.experimental.pallas import tpu as pltpu
from jax.experimental.pallas import tpu_sc as plsc

N_NODES = 10000
NPAD = 10240
N_EDGES = 160000
TILES = 16
K = 105
E_PAD = 161280
NCH_A = E_PAD // (TILES * K)
NPH_A = 2
NCH_B = E_PAD // (2 * TILES * K)
NPH_B = 1
CPP = 48
NODE_SLICE = NPAD // TILES


def _pipe_agg(table, srcr, dstr, plane, nph, idx_v, rows_v, gsem, ssem,
              acc, deg=None):
    def gather_desc(j, p):
        return pltpu.make_async_copy(table.at[idx_v.at[0, j]],
                                     rows_v.at[p], gsem)

    def scatter_start(j, p):
        pltpu.async_copy(rows_v.at[p], acc.at[idx_v.at[1, j]], ssem,
                         add=True)

    def scatter_wait(j, p):
        pltpu.make_async_copy(rows_v.at[p], acc.at[idx_v.at[1, j]],
                              ssem).wait()

    for ph in range(nph):
        pltpu.sync_copy(srcr.at[plane, pl.ds(ph * CPP, CPP)], idx_v.at[0])
        pltpu.sync_copy(dstr.at[plane, pl.ds(ph * CPP, CPP)], idx_v.at[1])
        gather_desc(0, 0).start()

        def body(j, carry):
            p = lax.bitwise_and(j, 1)
            gather_desc(j, p).wait()
            pl.when(j >= 1)(lambda: scatter_wait(j - 1, 1 - p))
            pl.when(j < CPP - 1)(lambda: gather_desc(j + 1, 1 - p).start())
            scatter_start(j, p)
            if deg is not None:
                ones_v, degacc, dsem = deg
                pltpu.async_copy(ones_v, degacc.at[idx_v.at[1, j]], dsem,
                                 add=True)
            return carry

        lax.fori_loop(0, CPP, body, 0)
        scatter_wait(CPP - 1, (CPP - 1) & 1)

    if deg is not None:
        ones_v, degacc, dsem = deg

        def drain(j, carry):
            pltpu.make_async_copy(ones_v, degacc.at[idx_v.at[1, 0]],
                                  dsem).wait()
            return carry
        lax.fori_loop(0, nph * CPP, drain, 0)


def _sc_agg(table0, table1, src3d, dst3d, zeros2d, zeros1d, with_deg):
    mesh = plsc.VectorSubcoreMesh(core_axis_name="c", subcore_axis_name="s")
    out_type = [jax.ShapeDtypeStruct((NPAD, 128), jnp.float32),
                jax.ShapeDtypeStruct((NPAD, 128), jnp.float32)]
    scratch = [
        pltpu.VMEM((2, CPP, K), jnp.int32),
        pltpu.VMEM((2, K, 128), jnp.float32),
        pltpu.VMEM_SHARED((NPAD, 128), jnp.float32),
        pltpu.SemaphoreType.DMA,
        pltpu.SemaphoreType.DMA,
    ]
    if with_deg:
        out_type.append(jax.ShapeDtypeStruct((NPAD,), jnp.float32))
        scratch.append(pltpu.VMEM((K,), jnp.float32))
        scratch.append(pltpu.VMEM_SHARED((NPAD,), jnp.float32))
        scratch.append(pltpu.SemaphoreType.DMA)

    def body(t0, t1, srcr, dstr, z2, z1, *refs):
        if with_deg:
            o0, o1, degout = refs[:3]
            idx_v, rows_v, acc, gsem, ssem, ones_v, degacc, dsem = refs[3:]
        else:
            o0, o1 = refs[:2]
            idx_v, rows_v, acc, gsem, ssem = refs[2:]
        c = lax.axis_index("c")
        s = lax.axis_index("s")
        row0 = s * NODE_SLICE
        pltpu.sync_copy(z2.at[pl.ds(row0, NODE_SLICE)],
                        acc.at[pl.ds(row0, NODE_SLICE)])
        if with_deg:
            @pl.when(c == 0)
            def _():
                pltpu.sync_copy(z1.at[pl.ds(row0, NODE_SLICE)],
                                degacc.at[pl.ds(row0, NODE_SLICE)])
            for j in range(0, K - 15, 16):
                ones_v[pl.ds(j, 16)] = jnp.full((16,), 1.0, jnp.float32)
            ones_v[pl.ds(K - 16, 16)] = jnp.full((16,), 1.0, jnp.float32)
        plsc.subcore_barrier()
        deg = (ones_v, degacc, dsem) if with_deg else None
        pl.when(c == 0)(lambda: _pipe_agg(t0, srcr, dstr, s, NPH_A,
                                          idx_v, rows_v, gsem, ssem, acc,
                                          deg))
        pl.when(c == 1)(lambda: _pipe_agg(t1, srcr, dstr, s, NPH_A,
                                          idx_v, rows_v, gsem, ssem, acc))
        plsc.subcore_barrier()
        pl.when(c == 0)(lambda: pltpu.sync_copy(
            acc.at[pl.ds(row0, NODE_SLICE)], o0.at[pl.ds(row0, NODE_SLICE)]))
        pl.when(c == 1)(lambda: pltpu.sync_copy(
            acc.at[pl.ds(row0, NODE_SLICE)], o1.at[pl.ds(row0, NODE_SLICE)]))
        if with_deg:
            @pl.when(c == 0)
            def _():
                pltpu.sync_copy(degacc.at[pl.ds(row0, NODE_SLICE)],
                                degout.at[pl.ds(row0, NODE_SLICE)])

    run_kernel = pl.kernel(body, out_type=out_type, mesh=mesh,
                           scratch_types=scratch)
    return run_kernel(table0, table1, src3d, dst3d, zeros2d, zeros1d)


def _sc_agg_edgesplit(table_a, table_b, src3d, dst3d, zeros2d):
    mesh = plsc.VectorSubcoreMesh(core_axis_name="c", subcore_axis_name="s")
    out_type = [jax.ShapeDtypeStruct((NPAD, 128), jnp.float32),
                jax.ShapeDtypeStruct((NPAD, 128), jnp.float32)]
    scratch = [
        pltpu.VMEM((2, CPP, K), jnp.int32),
        pltpu.VMEM((2, K, 128), jnp.float32),
        pltpu.VMEM_SHARED((NPAD, 128), jnp.float32),
        pltpu.SemaphoreType.DMA,
        pltpu.SemaphoreType.DMA,
    ]

    def body(ta, tb, srcr, dstr, z2, o0, o1, idx_v, rows_v, acc, gsem,
             ssem):
        c = lax.axis_index("c")
        s = lax.axis_index("s")
        q = c * TILES + s
        row0 = s * NODE_SLICE
        pltpu.sync_copy(z2.at[pl.ds(row0, NODE_SLICE)],
                        acc.at[pl.ds(row0, NODE_SLICE)])
        plsc.subcore_barrier()
        pl.when(c == 0)(lambda: _pipe_agg(ta, srcr, dstr, q, NPH_B,
                                          idx_v, rows_v, gsem, ssem, acc))
        pl.when(c == 1)(lambda: _pipe_agg(tb, srcr, dstr, q, NPH_B,
                                          idx_v, rows_v, gsem, ssem, acc))
        plsc.subcore_barrier()
        pl.when(c == 0)(lambda: pltpu.sync_copy(
            acc.at[pl.ds(row0, NODE_SLICE)], o0.at[pl.ds(row0, NODE_SLICE)]))
        pl.when(c == 1)(lambda: pltpu.sync_copy(
            acc.at[pl.ds(row0, NODE_SLICE)], o1.at[pl.ds(row0, NODE_SLICE)]))

    run_kernel = pl.kernel(body, out_type=out_type, mesh=mesh,
                           scratch_types=scratch)
    return run_kernel(table_a, table_b, src3d, dst3d, zeros2d)


def _dot_t(a, w):
    return lax.dot_general(a, w, (((1,), (1,)), ((), ())),
                           preferred_element_type=jnp.float32)


def _tc_layer_body(with_p, *refs):
    if with_p:
        (a0, a1, t0, t1, deg, wll, wlr, wrl, wrr, b, wp,
         o0, o1, po, po2) = refs
    else:
        a0, a1, t0, t1, deg, wll, wlr, wrl, wrr, b, o0, o1 = refs
    inv = 1.0 / jnp.maximum(deg[...], 1.0)
    h = (_dot_t(a0[...] * inv, wll[...]) + _dot_t(a1[...] * inv, wlr[...])
         + _dot_t(t0[...], wrl[...]) + _dot_t(t1[...], wrr[...]) + b[...])
    h = jnp.maximum(h, 0.0)
    o0[...] = h[:, :128]
    o1[...] = h[:, 128:]
    if with_p:
        p = _dot_t(h, wp[...])
        po[...] = p
        po2[...] = p


def _tc_layer(a0, a1, t0, t1, deg, Wl, Wr, b, Wp=None):
    BN = 1024
    grid = (NPAD // BN,)
    half = pl.BlockSpec((BN, 128), lambda i: (i, 0))
    wspec = pl.BlockSpec((256, 128), lambda i: (0, 0))
    in_specs = [half, half, half, half,
                pl.BlockSpec((BN, 1), lambda i: (i, 0)),
                wspec, wspec, wspec, wspec,
                pl.BlockSpec((1, 256), lambda i: (0, 0))]
    out_shape = [jax.ShapeDtypeStruct((NPAD, 128), jnp.float32),
                 jax.ShapeDtypeStruct((NPAD, 128), jnp.float32)]
    out_specs = [half, half]
    args = [a0, a1, t0, t1, deg,
            Wl[:, :128], Wl[:, 128:], Wr[:, :128], Wr[:, 128:],
            b.reshape(1, 256)]
    if Wp is not None:
        in_specs.append(pl.BlockSpec((128, 256), lambda i: (0, 0)))
        out_shape += [jax.ShapeDtypeStruct((NPAD, 128), jnp.float32),
                      jax.ShapeDtypeStruct((NPAD, 128), jnp.float32)]
        out_specs += [half, half]
        args.append(Wp)
    return pl.pallas_call(
        functools.partial(_tc_layer_body, Wp is not None),
        grid=grid, in_specs=in_specs, out_specs=out_specs,
        out_shape=out_shape)(*args)


def _tc_final_body(a0, a1, t0, t1, deg, bl3, wr3l, wr3r, wreg, breg,
                   wd1, bd1, wd2, bd2, out):
    inv = 1.0 / jnp.maximum(deg[...], 1.0)
    m = (a0[...] + a1[...]) * inv
    h3 = m + bl3[...] + _dot_t(t0[...], wr3l[...]) + _dot_t(t1[...], wr3r[...])
    lat = _dot_t(h3, wreg[...]) + breg[...]
    d = jnp.maximum(_dot_t(lat, wd1[...]) + bd1[...], 0.0)
    out[...] = _dot_t(d, wd2[...]) + bd2[...]


def _tc_final(a0, a1, t0, t1, deg, bl3, Wr3, Wreg, breg, Wd1, bd1, Wd2, bd2):
    BN = 1024
    grid = (NPAD // BN,)
    in_specs = [pl.BlockSpec((BN, 128), lambda i: (i, 0)),
                pl.BlockSpec((BN, 128), lambda i: (i, 0)),
                pl.BlockSpec((BN, 128), lambda i: (i, 0)),
                pl.BlockSpec((BN, 128), lambda i: (i, 0)),
                pl.BlockSpec((BN, 1), lambda i: (i, 0)),
                pl.BlockSpec((1, 128), lambda i: (0, 0)),
                pl.BlockSpec((128, 128), lambda i: (0, 0)),
                pl.BlockSpec((128, 128), lambda i: (0, 0)),
                pl.BlockSpec((128, 128), lambda i: (0, 0)),
                pl.BlockSpec((1, 128), lambda i: (0, 0)),
                pl.BlockSpec((256, 128), lambda i: (0, 0)),
                pl.BlockSpec((1, 256), lambda i: (0, 0)),
                pl.BlockSpec((256, 256), lambda i: (0, 0)),
                pl.BlockSpec((1, 256), lambda i: (0, 0))]
    return pl.pallas_call(
        _tc_final_body, grid=grid, in_specs=in_specs,
        out_specs=pl.BlockSpec((BN, 256), lambda i: (i, 0)),
        out_shape=jax.ShapeDtypeStruct((NPAD, 256), jnp.float32),
    )(a0, a1, t0, t1, deg, bl3.reshape(1, 128),
      Wr3[:, :128], Wr3[:, 128:], Wreg, breg.reshape(1, 128),
      Wd1, bd1.reshape(1, 256), Wd2, bd2.reshape(1, 256))


def kernel(x, edge_index, Wl1, bl1, Wr1, Wl2, bl2, Wr2, Wl3, bl3, Wr3,
           Wreg, breg, Wd1, bd1, Wd2, bd2):
    ei = edge_index.astype(jnp.int32)
    def pad_edges(n):
        s = jnp.concatenate([ei[0], jnp.zeros((n - N_EDGES,), jnp.int32)])
        fill = N_NODES + jnp.arange(n - N_EDGES, dtype=jnp.int32) % (
            NPAD - N_NODES)
        d = jnp.concatenate([ei[1], fill])
        return s, d
    srca, dsta = pad_edges(E_PAD)
    src2d = srca.reshape(TILES, NCH_A, K)
    dst2d = dsta.reshape(TILES, NCH_A, K)
    src3b = srca.reshape(2 * TILES, NCH_B, K)
    dst3b = dsta.reshape(2 * TILES, NCH_B, K)
    xp = jnp.pad(x, ((0, NPAD - N_NODES), (0, 0)))
    x0, x1 = xp[:, :128], xp[:, 128:]
    z128 = jnp.zeros((NPAD, 128), jnp.float32)
    z1 = jnp.zeros((NPAD,), jnp.float32)

    seg1_0, seg1_1, deg = _sc_agg(x0, x1, src2d, dst2d, z128, z1,
                                  with_deg=True)
    deg = deg.reshape(NPAD, 1)
    h1_0, h1_1 = _tc_layer(seg1_0, seg1_1, x0, x1, deg, Wl1, Wr1, bl1)
    seg2_0, seg2_1 = _sc_agg(h1_0, h1_1, src2d, dst2d, z128, z1,
                             with_deg=False)
    h2_0, h2_1, pa, pb = _tc_layer(seg2_0, seg2_1, h1_0, h1_1, deg,
                                   Wl2, Wr2, bl2, Wp=Wl3)
    seg3_0, seg3_1 = _sc_agg_edgesplit(pa, pb, src3b, dst3b, z128)
    out = _tc_final(seg3_0, seg3_1, h2_0, h2_1, deg, bl3, Wr3,
                    Wreg, breg, Wd1, bd1, Wd2, bd2)
    return out[:N_NODES]

# --- scband reference (transcript-rebuilt; emitter-appended) ---
"""Pipeline reference for scband-surf-sage-autoencoder-40999757808030 (READ-ONLY COPY).

The authoritative reference and input builder live on the scoring server;
editing this copy changes nothing except your own understanding.
"""

import jax, jax.numpy as jnp
import numpy as np

N_NODES = 10000
N_EDGES = 160000
D_FEAT = 256
HIDDEN = 256
LATENT = 128


def _param(key, shape, fan_in):
    bound = 1.0 / np.sqrt(fan_in)
    return jax.random.uniform(key, shape, minval=-bound, maxval=bound, dtype=jnp.float32)


def setup_inputs(seed: int = 0) -> dict:
    key = jax.random.key(seed)
    ks = jax.random.split(key, 20)
    x = jax.random.normal(ks[0], (N_NODES, D_FEAT), dtype=jnp.float32)
    edge_index = jax.random.randint(ks[1], (2, N_EDGES), 0, N_NODES, dtype=jnp.int64 if jax.config.jax_enable_x64 else jnp.int32)
    # SAGEConv params: lin_l (neighbor, with bias), lin_r (root, no bias)
    Wl1 = _param(ks[2], (HIDDEN, D_FEAT), D_FEAT); bl1 = _param(ks[3], (HIDDEN,), D_FEAT); Wr1 = _param(ks[4], (HIDDEN, D_FEAT), D_FEAT)
    Wl2 = _param(ks[5], (HIDDEN, HIDDEN), HIDDEN); bl2 = _param(ks[6], (HIDDEN,), HIDDEN); Wr2 = _param(ks[7], (HIDDEN, HIDDEN), HIDDEN)
    Wl3 = _param(ks[8], (LATENT, HIDDEN), HIDDEN); bl3 = _param(ks[9], (LATENT,), HIDDEN); Wr3 = _param(ks[10], (LATENT, HIDDEN), HIDDEN)
    Wreg = _param(ks[11], (LATENT, LATENT), LATENT); breg = _param(ks[12], (LATENT,), LATENT)
    Wd1 = _param(ks[13], (HIDDEN, LATENT), LATENT); bd1 = _param(ks[14], (HIDDEN,), LATENT)
    Wd2 = _param(ks[15], (D_FEAT, HIDDEN), HIDDEN); bd2 = _param(ks[16], (D_FEAT,), HIDDEN)
    return {"x": x, "edge_index": edge_index, "Wl1": Wl1, "bl1": bl1, "Wr1": Wr1,
            "Wl2": Wl2, "bl2": bl2, "Wr2": Wr2, "Wl3": Wl3, "bl3": bl3, "Wr3": Wr3,
            "Wreg": Wreg, "breg": breg, "Wd1": Wd1, "bd1": bd1, "Wd2": Wd2, "bd2": bd2}


def _sage_conv(x, src, dst, Wl, bl, Wr):
    # mean aggregation of source-node features into destination nodes
    msgs = x[src]
    neigh_sum = jax.ops.segment_sum(msgs, dst, num_segments=N_NODES)
    deg = jax.ops.segment_sum(jnp.ones((src.shape[0],), dtype=x.dtype), dst, num_segments=N_NODES)
    neigh_mean = neigh_sum / jnp.clip(deg, 1.0)[:, None]
    return neigh_mean @ Wl.T + bl + x @ Wr.T


def reference(x, edge_index, Wl1, bl1, Wr1, Wl2, bl2, Wr2, Wl3, bl3, Wr3, Wreg, breg, Wd1, bd1, Wd2, bd2):
    src = edge_index[0]
    dst = edge_index[1]
    # encoder (eval mode: dropout is identity)
    h = _sage_conv(x, src, dst, Wl1, bl1, Wr1)
    h = jax.nn.relu(h)
    h = _sage_conv(h, src, dst, Wl2, bl2, Wr2)
    h = jax.nn.relu(h)
    h = _sage_conv(h, src, dst, Wl3, bl3, Wr3)
    latent = h @ Wreg.T + breg
    # node decoder
    d = latent @ Wd1.T + bd1
    d = jax.nn.relu(d)
    out = d @ Wd2.T + bd2
    return out

if __name__ == "__main__":
    import jax
    _d = setup_inputs()
    print(jax.jit(kernel)(*tuple(_d.values())))

</pallas_src>

<mosaic_0001>
#map = affine_map<(d0, d1) -> (0, 0)>
#map1 = affine_map<(d0, d1) -> (0, 0, 0)>
#map2 = affine_map<(d0, d1) -> (0)>
module attributes {stable_mosaic.version = 14 : i64} {
  func.func @body(%arg0: i32, %arg1: i32, %arg2: memref<10240x128xf32, #tpu.memory_space<hbm>>, %arg3: memref<10240x128xf32, #tpu.memory_space<hbm>>, %arg4: memref<16x96x105xi32, #tpu.memory_space<hbm>>, %arg5: memref<16x96x105xi32, #tpu.memory_space<hbm>>, %arg6: memref<10240x128xf32, #tpu.memory_space<hbm>>, %arg7: memref<10240xf32, #tpu.memory_space<hbm>>, %arg8: memref<10240x128xf32, #tpu.memory_space<hbm>>, %arg9: memref<10240x128xf32, #tpu.memory_space<hbm>>, %arg10: memref<10240xf32, #tpu.memory_space<hbm>>, %arg11: memref<2x48x105xi32, #tpu.memory_space<vmem>>, %arg12: memref<2x105x128xf32, #tpu.memory_space<vmem>>, %arg13: memref<10240x128xf32, #tpu.memory_space<vmem_shared>>, %arg14: memref<!tpu.dma_semaphore, #tpu.memory_space<semaphore_mem>>, %arg15: memref<!tpu.dma_semaphore, #tpu.memory_space<semaphore_mem>>, %arg16: memref<105xf32, #tpu.memory_space<vmem>>, %arg17: memref<10240xf32, #tpu.memory_space<vmem_shared>>, %arg18: memref<!tpu.dma_semaphore, #tpu.memory_space<semaphore_mem>>) attributes {dimension_semantics = [#tpu.dimension_semantics<core_parallel>, #tpu.dimension_semantics<subcore_parallel>], iteration_bounds = array<i64: 2, 16>, scalar_prefetch = 0 : i64, scratch_operands = 8 : i64, tpu.core_type = #tpu.core_type<sc_vector_subcore>, window_params = [{transform_indices = #map}, {transform_indices = #map}, {transform_indices = #map1}, {transform_indices = #map1}, {transform_indices = #map}, {transform_indices = #map2}, {transform_indices = #map}, {transform_indices = #map}, {transform_indices = #map2}]} {
    %mul3A = arith.constant 640 : i32
    %mul3A_0 = arith.muli %arg1, %mul3A : i32
    "tpu.region"() ({
      %run_scoped3A = tpu.sem_alloc : memref<!tpu.dma_semaphore, #tpu.memory_space<semaphore_mem>>
      %dma_start3A = arith.constant 0 : i32
      %dma_start3A_69 = tpu.memref_slice %arg13[%mul3A_0, %dma_start3A] : memref<10240x128xf32, #tpu.memory_space<vmem_shared>> -> memref<640x128xf32, #tpu.memory_space<vmem_shared>>
      %dma_start3A_70 = arith.constant 0 : i32
      %dma_start3A_71 = tpu.memref_slice %arg6[%mul3A_0, %dma_start3A_70] : memref<10240x128xf32, #tpu.memory_space<hbm>> -> memref<640x128xf32, #tpu.memory_space<hbm>>
      tpu.enqueue_dma source(%dma_start3A_71 : memref<640x128xf32, #tpu.memory_space<hbm>>) target(%dma_start3A_69 : memref<640x128xf32, #tpu.memory_space<vmem_shared>>) target_semaphore(%run_scoped3A : memref<!tpu.dma_semaphore, #tpu.memory_space<semaphore_mem>>)
      %dma_wait3A = arith.constant 0 : i32
      %dma_wait3A_72 = tpu.memref_slice %arg13[%mul3A_0, %dma_wait3A] : memref<10240x128xf32, #tpu.memory_space<vmem_shared>> -> memref<640x128xf32, #tpu.memory_space<vmem_shared>>
      %dma_wait3A_73 = arith.constant 0 : i32
      %dma_wait3A_74 = tpu.memref_slice %arg6[%mul3A_0, %dma_wait3A_73] : memref<10240x128xf32, #tpu.memory_space<hbm>> -> memref<640x128xf32, #tpu.memory_space<hbm>>
      tpu.wait_dma2 semaphore(%run_scoped3A : memref<!tpu.dma_semaphore, #tpu.memory_space<semaphore_mem>>) src(%dma_wait3A_74 : memref<640x128xf32, #tpu.memory_space<hbm>>) dst(%dma_wait3A_72 : memref<640x128xf32, #tpu.memory_space<vmem_shared>>)
      tpu.yield
    }) : () -> ()
    %eq3A = arith.constant 0 : i32
    %eq3A_1 = arith.cmpi eq, %arg0, %eq3A : i32
    %convert_element_type3A = arith.extui %eq3A_1 : i1 to i32
    %cond3A = arith.constant 0 : i32
    %cond3A_2 = arith.cmpi ne, %convert_element_type3A, %cond3A : i32
    scf.if %cond3A_2 {
      "tpu.region"() ({
        %run_scoped3A = tpu.sem_alloc : memref<!tpu.dma_semaphore, #tpu.memory_space<semaphore_mem>>
        %dma_start3A = tpu.memref_slice %arg17[%mul3A_0] : memref<10240xf32, #tpu.memory_space<vmem_shared>> -> memref<640xf32, #tpu.memory_space<vmem_shared>>
        %dma_start3A_69 = tpu.memref_slice %arg7[%mul3A_0] : memref<10240xf32, #tpu.memory_space<hbm>> -> memref<640xf32, #tpu.memory_space<hbm>>
        tpu.enqueue_dma source(%dma_start3A_69 : memref<640xf32, #tpu.memory_space<hbm>>) target(%dma_start3A : memref<640xf32, #tpu.memory_space<vmem_shared>>) target_semaphore(%run_scoped3A : memref<!tpu.dma_semaphore, #tpu.memory_space<semaphore_mem>>)
        %dma_wait3A = tpu.memref_slice %arg17[%mul3A_0] : memref<10240xf32, #tpu.memory_space<vmem_shared>> -> memref<640xf32, #tpu.memory_space<vmem_shared>>
        %dma_wait3A_70 = tpu.memref_slice %arg7[%mul3A_0] : memref<10240xf32, #tpu.memory_space<hbm>> -> memref<640xf32, #tpu.memory_space<hbm>>
        tpu.wait_dma2 semaphore(%run_scoped3A : memref<!tpu.dma_semaphore, #tpu.memory_space<semaphore_mem>>) src(%dma_wait3A_70 : memref<640xf32, #tpu.memory_space<hbm>>) dst(%dma_wait3A : memref<640xf32, #tpu.memory_space<vmem_shared>>)
        tpu.yield
      }) : () -> ()
    } else {
    }
    %broadcast_in_dim3A = arith.constant 1.000000e+00 : f32
    %broadcast_in_dim3A_3 = vector.broadcast %broadcast_in_dim3A : f32 to vector<16xf32>
    %swap3A = arith.constant 0 : index
    %swap3A_4 = tpu.vector_load %arg16[%swap3A] {strides = array<i32>} : memref<105xf32, #tpu.memory_space<vmem>>, vector<16xf32>,
    %swap3A_5 = vector.shape_cast %swap3A_4 : vector<16xf32> to vector<16xf32>
    %swap3A_6 = vector.shape_cast %broadcast_in_dim3A_3 : vector<16xf32> to vector<16xf32>
    tpu.vector_store %arg16[%swap3A], %swap3A_6 {strides = array<i32>} : memref<105xf32, #tpu.memory_space<vmem>>, vector<16xf32>,
    %broadcast_in_dim3A_7 = arith.constant 1.000000e+00 : f32
    %broadcast_in_dim3A_8 = vector.broadcast %broadcast_in_dim3A_7 : f32 to vector<16xf32>
    %swap3A_9 = arith.constant 16 : index
    %swap3A_10 = tpu.vector_load %arg16[%swap3A_9] {strides = array<i32>} : memref<105xf32, #tpu.memory_space<vmem>>, vector<16xf32>,
    %swap3A_11 = vector.shape_cast %swap3A_10 : vector<16xf32> to vector<16xf32>
    %swap3A_12 = vector.shape_cast %broadcast_in_dim3A_8 : vector<16xf32> to vector<16xf32>
    tpu.vector_store %arg16[%swap3A_9], %swap3A_12 {strides = array<i32>} : memref<105xf32, #tpu.memory_space<vmem>>, vector<16xf32>,
    %broadcast_in_dim3A_13 = arith.constant 1.000000e+00 : f32
    %broadcast_in_dim3A_14 = vector.broadcast %broadcast_in_dim3A_13 : f32 to vector<16xf32>
    %swap3A_15 = arith.constant 32 : index
    %swap3A_16 = tpu.vector_load %arg16[%swap3A_15] {strides = array<i32>} : memref<105xf32, #tpu.memory_space<vmem>>, vector<16xf32>,
    %swap3A_17 = vector.shape_cast %swap3A_16 : vector<16xf32> to vector<16xf32>
    %swap3A_18 = vector.shape_cast %broadcast_in_dim3A_14 : vector<16xf32> to vector<16xf32>
    tpu.vector_store %arg16[%swap3A_15], %swap3A_18 {strides = array<i32>} : memref<105xf32, #tpu.memory_space<vmem>>, vector<16xf32>,
    %broadcast_in_dim3A_19 = arith.constant 1.000000e+00 : f32
    %broadcast_in_dim3A_20 = vector.broadcast %broadcast_in_dim3A_19 : f32 to vector<16xf32>
    %swap3A_21 = arith.constant 48 : index
    %swap3A_22 = tpu.vector_load %arg16[%swap3A_21] {strides = array<i32>} : memref<105xf32, #tpu.memory_space<vmem>>, vector<16xf32>,
    %swap3A_23 = vector.shape_cast %swap3A_22 : vector<16xf32> to vector<16xf32>
    %swap3A_24 = vector.shape_cast %broadcast_in_dim3A_20 : vector<16xf32> to vector<16xf32>
    tpu.vector_store %arg16[%swap3A_21], %swap3A_24 {strides = array<i32>} : memref<105xf32, #tpu.memory_space<vmem>>, vector<16xf32>,
    %broadcast_in_dim3A_25 = arith.constant 1.000000e+00 : f32
    %broadcast_in_dim3A_26 = vector.broadcast %broadcast_in_dim3A_25 : f32 to vector<16xf32>
    %swap3A_27 = arith.constant 64 : index
    %swap3A_28 = tpu.vector_load %arg16[%swap3A_27] {strides = array<i32>} : memref<105xf32, #tpu.memory_space<vmem>>, vector<16xf32>,
    %swap3A_29 = vector.shape_cast %swap3A_28 : vector<16xf32> to vector<16xf32>
    %swap3A_30 = vector.shape_cast %broadcast_in_dim3A_26 : vector<16xf32> to vector<16xf32>
    tpu.vector_store %arg16[%swap3A_27], %swap3A_30 {strides = array<i32>} : memref<105xf32, #tpu.memory_space<vmem>>, vector<16xf32>,
    %broadcast_in_dim3A_31 = arith.constant 1.000000e+00 : f32
    %broadcast_in_dim3A_32 = vector.broadcast %broadcast_in_dim3A_31 : f32 to vector<16xf32>
    %swap3A_33 = arith.constant 80 : index
    %swap3A_34 = tpu.vector_load %arg16[%swap3A_33] {strides = array<i32>} : memref<105xf32, #tpu.memory_space<vmem>>, vector<16xf32>,
    %swap3A_35 = vector.shape_cast %swap3A_34 : vector<16xf32> to vector<16xf32>
    %swap3A_36 = vector.shape_cast %broadcast_in_dim3A_32 : vector<16xf32> to vector<16xf32>
    tpu.vector_store %arg16[%swap3A_33], %swap3A_36 {strides = array<i32>} : memref<105xf32, #tpu.memory_space<vmem>>, vector<16xf32>,
    %broadcast_in_dim3A_37 = arith.constant 1.000000e+00 : f32
    %broadcast_in_dim3A_38 = vector.broadcast %broadcast_in_dim3A_37 : f32 to vector<16xf32>
    %swap3A_39 = arith.constant 89 : index
    %swap3A_40 = tpu.vector_load %arg16[%swap3A_39] {strides = array<i32>} : memref<105xf32, #tpu.memory_space<vmem>>, vector<16xf32>,
    %swap3A_41 = vector.shape_cast %swap3A_40 : vector<16xf32> to vector<16xf32>
    %swap3A_42 = vector.shape_cast %broadcast_in_dim3A_38 : vector<16xf32> to vector<16xf32>
    tpu.vector_store %arg16[%swap3A_39], %swap3A_42 {strides = array<i32>} : memref<105xf32, #tpu.memory_space<vmem>>, vector<16xf32>,
    %barrier3A = arith.constant 0 : index
    tpu.barrier barrier_id(%barrier3A)
    %eq3A_43 = arith.constant 0 : i32
    %eq3A_44 = arith.cmpi eq, %arg0, %eq3A_43 : i32
    %convert_element_type3A_45 = arith.extui %eq3A_44 : i1 to i32
    %cond3A_46 = arith.constant 0 : i32
    %cond3A_47 = arith.cmpi ne, %convert_element_type3A_45, %cond3A_46 : i32
    scf.if %cond3A_47 {
      %run_scoped3A = arith.constant 0 : i32
      "tpu.region"() ({
        %run_scoped3A_139 = tpu.sem_alloc : memref<!tpu.dma_semaphore, #tpu.memory_space<semaphore_mem>>
        %dma_start3A_140 = arith.constant 0 : i32
        %dma_start3A_141 = arith.constant 0 : i32
        %dma_start3A_142 = tpu.memref_slice %arg11[%run_scoped3A, %dma_start3A_140, %dma_start3A_141] : memref<2x48x105xi32, #tpu.memory_space<vmem>> -> memref<1x48x105xi32, #tpu.memory_space<vmem>>
        %dma_start3A_143 = tpu.memref_squeeze %dma_start3A_142 : memref<1x48x105xi32, #tpu.memory_space<vmem>> -> memref<48x105xi32, #tpu.memory_space<vmem>>
        %dma_start3A_144 = arith.constant 0 : i32
        %dma_start3A_145 = arith.constant 0 : i32
        %dma_start3A_146 = tpu.memref_slice %arg4[%arg1, %dma_start3A_144, %dma_start3A_145] : memref<16x96x105xi32, #tpu.memory_space<hbm>> -> memref<1x48x105xi32, #tpu.memory_space<hbm>>
        %dma_start3A_147 = tpu.memref_squeeze %dma_start3A_146 : memref<1x48x105xi32, #tpu.memory_space<hbm>> -> memref<48x105xi32, #tpu.memory_space<hbm>>
        %dma_start3A_148 = arith.constant 0 : i32
        %dma_start3A_149 = arith.constant 0 : i32
        %dma_start3A_150 = tpu.memref_slice %arg11[%run_scoped3A, %dma_start3A_148, %dma_start3A_149] : memref<2x48x105xi32, #tpu.memory_space<vmem>> -> memref<1x48x105xi32, #tpu.memory_space<vmem>>
        %dma_start3A_151 = tpu.memref_squeeze %dma_start3A_150 : memref<1x48x105xi32, #tpu.memory_space<vmem>> -> memref<48x105xi32, #tpu.memory_space<vmem>>
        %dma_start3A_152 = arith.constant 0 : i32
        %dma_start3A_153 = arith.constant 0 : i32
        %dma_start3A_154 = tpu.memref_slice %arg4[%arg1, %dma_start3A_152, %dma_start3A_153] : memref<16x96x105xi32, #tpu.memory_space<hbm>> -> memref<1x48x105xi32, #tpu.memory_space<hbm>>
        %dma_start3A_155 = tpu.memref_squeeze %dma_start3A_154 : memref<1x48x105xi32, #tpu.memory_space<hbm>> -> memref<48x105xi32, #tpu.memory_space<hbm>>
        tpu.enqueue_dma source(%dma_start3A_155 : memref<48x105xi32, #tpu.memory_space<hbm>>) target(%dma_start3A_151 : memref<48x105xi32, #tpu.memory_space<vmem>>) target_semaphore(%run_scoped3A_139 : memref<!tpu.dma_semaphore, #tpu.memory_space<semaphore_mem>>)
        %dma_wait3A_156 = arith.constant 0 : i32
        %dma_wait3A_157 = arith.constant 0 : i32
        %dma_wait3A_158 = tpu.memref_slice %arg11[%run_scoped3A, %dma_wait3A_156, %dma_wait3A_157] : memref<2x48x105xi32, #tpu.memory_space<vmem>> -> memref<1x48x105xi32, #tpu.memory_space<vmem>>
        %dma_wait3A_159 = tpu.memref_squeeze %dma_wait3A_158 : memref<1x48x105xi32, #tpu.memory_space<vmem>> -> memref<48x105xi32, #tpu.memory_space<vmem>>
        %dma_wait3A_160 = arith.constant 0 : i32
        %dma_wait3A_161 = arith.constant 0 : i32
        %dma_wait3A_162 = tpu.memref_slice %arg4[%arg1, %dma_wait3A_160, %dma_wait3A_161] : memref<16x96x105xi32, #tpu.memory_space<hbm>> -> memref<1x48x105xi32, #tpu.memory_space<hbm>>
        %dma_wait3A_163 = tpu.memref_squeeze %dma_wait3A_162 : memref<1x48x105xi32, #tpu.memory_space<hbm>> -> memref<48x105xi32, #tpu.memory_space<hbm>>
        %dma_wait3A_164 = arith.constant 0 : i32
        %dma_wait3A_165 = arith.constant 0 : i32
        %dma_wait3A_166 = tpu.memref_slice %arg11[%run_scoped3A, %dma_wait3A_164, %dma_wait3A_165] : memref<2x48x105xi32, #tpu.memory_space<vmem>> -> memref<1x48x105xi32, #tpu.memory_space<vmem>>
        %dma_wait3A_167 = tpu.memref_squeeze %dma_wait3A_166 : memref<1x48x105xi32, #tpu.memory_space<vmem>> -> memref<48x105xi32, #tpu.memory_space<vmem>>
        %dma_wait3A_168 = arith.constant 0 : i32
        %dma_wait3A_169 = arith.constant 0 : i32
        %dma_wait3A_170 = tpu.memref_slice %arg4[%arg1, %dma_wait3A_168, %dma_wait3A_169] : memref<16x96x105xi32, #tpu.memory_space<hbm>> -> memref<1x48x105xi32, #tpu.memory_space<hbm>>
        %dma_wait3A_171 = tpu.memref_squeeze %dma_wait3A_170 : memref<1x48x105xi32, #tpu.memory_space<hbm>> -> memref<48x105xi32, #tpu.memory_space<hbm>>
        tpu.wait_dma2 semaphore(%run_scoped3A_139 : memref<!tpu.dma_semaphore, #tpu.memory_space<semaphore_mem>>) src(%dma_wait3A_171 : memref<48x105xi32, #tpu.memory_space<hbm>>) dst(%dma_wait3A_167 : memref<48x105xi32, #tpu.memory_space<vmem>>)
        tpu.yield
      }) : () -> ()
      %run_scoped3A_69 = arith.constant 1 : i32
      "tpu.region"() ({
        %run_scoped3A_139 = tpu.sem_alloc : memref<!tpu.dma_semaphore, #tpu.memory_space<semaphore_mem>>
        %dma_start3A_140 = arith.constant 0 : i32
        %dma_start3A_141 = arith.constant 0 : i32
        %dma_start3A_142 = tpu.memref_slice %arg11[%run_scoped3A_69, %dma_start3A_140, %dma_start3A_141] : memref<2x48x105xi32, #tpu.memory_space<vmem>> -> memref<1x48x105xi32, #tpu.memory_space<vmem>>
        %dma_start3A_143 = tpu.memref_squeeze %dma_start3A_142 : memref<1x48x105xi32, #tpu.memory_space<vmem>> -> memref<48x105xi32, #tpu.memory_space<vmem>>
        %dma_start3A_144 = arith.constant 0 : i32
        %dma_start3A_145 = arith.constant 0 : i32
        %dma_start3A_146 = tpu.memref_slice %arg5[%arg1, %dma_start3A_144, %dma_start3A_145] : memref<16x96x105xi32, #tpu.memory_space<hbm>> -> memref<1x48x105xi32, #tpu.memory_space<hbm>>
        %dma_start3A_147 = tpu.memref_squeeze %dma_start3A_146 : memref<1x48x105xi32, #tpu.memory_space<hbm>> -> memref<48x105xi32, #tpu.memory_space<hbm>>
        %dma_start3A_148 = arith.constant 0 : i32
        %dma_start3A_149 = arith.constant 0 : i32
        %dma_start3A_150 = tpu.memref_slice %arg11[%run_scoped3A_69, %dma_start3A_148, %dma_start3A_149] : memref<2x48x105xi32, #tpu.memory_space<vmem>> -> memref<1x48x105xi32, #tpu.memory_space<vmem>>
        %dma_start3A_151 = tpu.memref_squeeze %dma_start3A_150 : memref<1x48x105xi32, #tpu.memory_space<vmem>> -> memref<48x105xi32, #tpu.memory_space<vmem>>
        %dma_start3A_152 = arith.constant 0 : i32
        %dma_start3A_153 = arith.constant 0 : i32
        %dma_start3A_154 = tpu.memref_slice %arg5[%arg1, %dma_start3A_152, %dma_start3A_153] : memref<16x96x105xi32, #tpu.memory_space<hbm>> -> memref<1x48x105xi32, #tpu.memory_space<hbm>>
        %dma_start3A_155 = tpu.memref_squeeze %dma_start3A_154 : memref<1x48x105xi32, #tpu.memory_space<hbm>> -> memref<48x105xi32, #tpu.memory_space<hbm>>
        tpu.enqueue_dma source(%dma_start3A_155 : memref<48x105xi32, #tpu.memory_space<hbm>>) target(%dma_start3A_151 : memref<48x105xi32, #tpu.memory_space<vmem>>) target_semaphore(%run_scoped3A_139 : memref<!tpu.dma_semaphore, #tpu.memory_space<semaphore_mem>>)
        %dma_wait3A_156 = arith.constant 0 : i32
        %dma_wait3A_157 = arith.constant 0 : i32
        %dma_wait3A_158 = tpu.memref_slice %arg11[%run_scoped3A_69, %dma_wait3A_156, %dma_wait3A_157] : memref<2x48x105xi32, #tpu.memory_space<vmem>> -> memref<1x48x105xi32, #tpu.memory_space<vmem>>
        %dma_wait3A_159 = tpu.memref_squeeze %dma_wait3A_158 : memref<1x48x105xi32, #tpu.memory_space<vmem>> -> memref<48x105xi32, #tpu.memory_space<vmem>>
        %dma_wait3A_160 = arith.constant 0 : i32
        %dma_wait3A_161 = arith.constant 0 : i32
        %dma_wait3A_162 = tpu.memref_slice %arg5[%arg1, %dma_wait3A_160, %dma_wait3A_161] : memref<16x96x105xi32, #tpu.memory_space<hbm>> -> memref<1x48x105xi32, #tpu.memory_space<hbm>>
        %dma_wait3A_163 = tpu.memref_squeeze %dma_wait3A_162 : memref<1x48x105xi32, #tpu.memory_space<hbm>> -> memref<48x105xi32, #tpu.memory_space<hbm>>
        %dma_wait3A_164 = arith.constant 0 : i32
        %dma_wait3A_165 = arith.constant 0 : i32
        %dma_wait3A_166 = tpu.memref_slice %arg11[%run_scoped3A_69, %dma_wait3A_164, %dma_wait3A_165] : memref<2x48x105xi32, #tpu.memory_space<vmem>> -> memref<1x48x105xi32, #tpu.memory_space<vmem>>
        %dma_wait3A_167 = tpu.memref_squeeze %dma_wait3A_166 : memref<1x48x105xi32, #tpu.memory_space<vmem>> -> memref<48x105xi32, #tpu.memory_space<vmem>>
        %dma_wait3A_168 = arith.constant 0 : i32
        %dma_wait3A_169 = arith.constant 0 : i32
        %dma_wait3A_170 = tpu.memref_slice %arg5[%arg1, %dma_wait3A_168, %dma_wait3A_169] : memref<16x96x105xi32, #tpu.memory_space<hbm>> -> memref<1x48x105xi32, #tpu.memory_space<hbm>>
        %dma_wait3A_171 = tpu.memref_squeeze %dma_wait3A_170 : memref<1x48x105xi32, #tpu.memory_space<hbm>> -> memref<48x105xi32, #tpu.memory_space<hbm>>
        tpu.wait_dma2 semaphore(%run_scoped3A_139 : memref<!tpu.dma_semaphore, #tpu.memory_space<semaphore_mem>>) src(%dma_wait3A_171 : memref<48x105xi32, #tpu.memory_space<hbm>>) dst(%dma_wait3A_167 : memref<48x105xi32, #tpu.memory_space<vmem>>)
        tpu.yield
      }) : () -> ()
      %dma_start3A = arith.constant 0 : i32
      %dma_start3A_70 = arith.constant 0 : i32
      %dma_start3A_71 = arith.constant 0 : i32
      %dma_start3A_72 = arith.constant 0 : i32
      %dma_start3A_73 = arith.constant 0 : i32
      %dma_start3A_74 = tpu.memref_slice %arg12[%dma_start3A_71, %dma_start3A_72, %dma_start3A_73] : memref<2x105x128xf32, #tpu.memory_space<vmem>> -> memref<1x105x128xf32, #tpu.memory_space<vmem>>
      %dma_start3A_75 = tpu.memref_squeeze %dma_start3A_74 : memref<1x105x128xf32, #tpu.memory_space<vmem>> -> memref<105x128xf32, #tpu.memory_space<vmem>>
      %dma_start3A_76 = arith.constant 0 : i32
      %dma_start3A_77 = tpu.memref_slice %arg11[%dma_start3A, %dma_start3A_70, %dma_start3A_76] : memref<2x48x105xi32, #tpu.memory_space<vmem>> -> memref<1x1x105xi32, #tpu.memory_space<vmem>>
      %dma_start3A_78 = tpu.memref_squeeze %dma_start3A_77 : memref<1x1x105xi32, #tpu.memory_space<vmem>> -> memref<105xi32, #tpu.memory_space<vmem>>
      %dma_start3A_79 = arith.constant 0 : i32
      %dma_start3A_80 = arith.constant 0 : i32
      %dma_start3A_81 = tpu.memref_slice %arg2[%dma_start3A_79, %dma_start3A_80] : memref<10240x128xf32, #tpu.memory_space<hbm>> -> memref<10240x128xf32, #tpu.memory_space<hbm>>
      tpu.enqueue_indirect_dma source(%dma_start3A_81 : memref<10240x128xf32, #tpu.memory_space<hbm>>) target(%dma_start3A_75 : memref<105x128xf32, #tpu.memory_space<vmem>>) offsets(%dma_start3A_78 : memref<105xi32, #tpu.memory_space<vmem>>) semaphore(%arg14 : memref<!tpu.dma_semaphore, #tpu.memory_space<semaphore_mem>>)
      %scan3A = arith.constant 0 : i32
      %scan3A_82 = arith.constant 0 : i32
      %scan3A_83 = arith.constant 48 : i32
      %scan3A_84 = arith.addi %scan3A_82, %scan3A_83 : i32
      %scan3A_85 = arith.constant 1 : i32
      scf.for %scan3A_139 = %scan3A_82 to %scan3A_84 step %scan3A_85  : i32 {
        %and3A = arith.constant 1 : i32
        %and3A_140 = arith.andi %scan3A_139, %and3A : i32
        %dma_wait3A_141 = arith.constant 0 : i32
        %dma_wait3A_142 = arith.constant 0 : i32
        %dma_wait3A_143 = arith.constant 0 : i32
        %dma_wait3A_144 = tpu.memref_slice %arg12[%and3A_140, %dma_wait3A_142, %dma_wait3A_143] : memref<2x105x128xf32, #tpu.memory_space<vmem>> -> memref<1x105x128xf32, #tpu.memory_space<vmem>>
        %dma_wait3A_145 = tpu.memref_squeeze %dma_wait3A_144 : memref<1x105x128xf32, #tpu.memory_space<vmem>> -> memref<105x128xf32, #tpu.memory_space<vmem>>
        %dma_wait3A_146 = arith.constant 0 : i32
        %dma_wait3A_147 = tpu.memref_slice %arg11[%dma_wait3A_141, %scan3A_139, %dma_wait3A_146] : memref<2x48x105xi32, #tpu.memory_space<vmem>> -> memref<1x1x105xi32, #tpu.memory_space<vmem>>
        %dma_wait3A_148 = tpu.memref_squeeze %dma_wait3A_147 : memref<1x1x105xi32, #tpu.memory_space<vmem>> -> memref<105xi32, #tpu.memory_space<vmem>>
        %dma_wait3A_149 = arith.constant 0 : i32
        %dma_wait3A_150 = arith.constant 0 : i32
        %dma_wait3A_151 = tpu.memref_slice %arg2[%dma_wait3A_149, %dma_wait3A_150] : memref<10240x128xf32, #tpu.memory_space<hbm>> -> memref<10240x128xf32, #tpu.memory_space<hbm>>
        tpu.wait_indirect_dma semaphore(%arg14 : memref<!tpu.dma_semaphore, #tpu.memory_space<semaphore_mem>>) src(%dma_wait3A_151 : memref<10240x128xf32, #tpu.memory_space<hbm>>) dst(%dma_wait3A_145 : memref<105x128xf32, #tpu.memory_space<vmem>>)
        %ge3A = arith.constant 1 : i32
        %ge3A_152 = arith.cmpi sge, %scan3A_139, %ge3A : i32
        %convert_element_type3A_153 = arith.extui %ge3A_152 : i1 to i32
        %cond3A_154 = arith.constant 0 : i32
        %cond3A_155 = arith.cmpi ne, %convert_element_type3A_153, %cond3A_154 : i32
        scf.if %cond3A_155 {
          %sub3A = arith.constant 1 : i32
          %sub3A_177 = arith.subi %scan3A_139, %sub3A : i32
          %sub3A_178 = arith.constant 1 : i32
          %sub3A_179 = arith.subi %sub3A_178, %and3A_140 : i32
          %dma_wait3A_180 = arith.constant 1 : i32
          %dma_wait3A_181 = arith.constant 0 : i32
          %dma_wait3A_182 = arith.constant 0 : i32
          %dma_wait3A_183 = tpu.memref_slice %arg12[%sub3A_179, %dma_wait3A_181, %dma_wait3A_182] : memref<2x105x128xf32, #tpu.memory_space<vmem>> -> memref<1x105x128xf32, #tpu.memory_space<vmem>>
          %dma_wait3A_184 = tpu.memref_squeeze %dma_wait3A_183 : memref<1x105x128xf32, #tpu.memory_space<vmem>> -> memref<105x128xf32, #tpu.memory_space<vmem>>
          %dma_wait3A_185 = arith.constant 0 : i32
          %dma_wait3A_186 = tpu.memref_slice %arg11[%dma_wait3A_180, %sub3A_177, %dma_wait3A_185] : memref<2x48x105xi32, #tpu.memory_space<vmem>> -> memref<1x1x105xi32, #tpu.memory_space<vmem>>
          %dma_wait3A_187 = tpu.memref_squeeze %dma_wait3A_186 : memref<1x1x105xi32, #tpu.memory_space<vmem>> -> memref<105xi32, #tpu.memory_space<vmem>>
          %dma_wait3A_188 = arith.constant 0 : i32
          %dma_wait3A_189 = arith.constant 0 : i32
          %dma_wait3A_190 = tpu.memref_slice %arg13[%dma_wait3A_188, %dma_wait3A_189] : memref<10240x128xf32, #tpu.memory_space<vmem_shared>> -> memref<10240x128xf32, #tpu.memory_space<vmem_shared>>
          tpu.wait_indirect_dma semaphore(%arg15 : memref<!tpu.dma_semaphore, #tpu.memory_space<semaphore_mem>>) src(%dma_wait3A_184 : memref<105x128xf32, #tpu.memory_space<vmem>>) dst(%dma_wait3A_190 : memref<10240x128xf32, #tpu.memory_space<vmem_shared>>)
        } else {
        }
        %lt3A = arith.constant 47 : i32
        %lt3A_156 = arith.cmpi slt, %scan3A_139, %lt3A : i32
        %convert_element_type3A_157 = arith.extui %lt3A_156 : i1 to i32
        %cond3A_158 = arith.constant 0 : i32
        %cond3A_159 = arith.cmpi ne, %convert_element_type3A_157, %cond3A_158 : i32
        scf.if %cond3A_159 {
          %add3A = arith.constant 1 : i32
          %add3A_177 = arith.addi %scan3A_139, %add3A : i32
          %sub3A = arith.constant 1 : i32
          %sub3A_178 = arith.subi %sub3A, %and3A_140 : i32
          %dma_start3A_179 = arith.constant 0 : i32
          %dma_start3A_180 = arith.constant 0 : i32
          %dma_start3A_181 = arith.constant 0 : i32
          %dma_start3A_182 = tpu.memref_slice %arg12[%sub3A_178, %dma_start3A_180, %dma_start3A_181] : memref<2x105x128xf32, #tpu.memory_space<vmem>> -> memref<1x105x128xf32, #tpu.memory_space<vmem>>
          %dma_start3A_183 = tpu.memref_squeeze %dma_start3A_182 : memref<1x105x128xf32, #tpu.memory_space<vmem>> -> memref<105x128xf32, #tpu.memory_space<vmem>>
          %dma_start3A_184 = arith.constant 0 : i32
          %dma_start3A_185 = tpu.memref_slice %arg11[%dma_start3A_179, %add3A_177, %dma_start3A_184] : memref<2x48x105xi32, #tpu.memory_space<vmem>> -> memref<1x1x105xi32, #tpu.memory_space<vmem>>
          %dma_start3A_186 = tpu.memref_squeeze %dma_start3A_185 : memref<1x1x105xi32, #tpu.memory_space<vmem>> -> memref<105xi32, #tpu.memory_space<vmem>>
          %dma_start3A_187 = arith.constant 0 : i32
          %dma_start3A_188 = arith.constant 0 : i32
          %dma_start3A_189 = tpu.memref_slice %arg2[%dma_start3A_187, %dma_start3A_188] : memref<10240x128xf32, #tpu.memory_space<hbm>> -> memref<10240x128xf32, #tpu.memory_space<hbm>>
          tpu.enqueue_indirect_dma source(%dma_start3A_189 : memref<10240x128xf32, #tpu.memory_space<hbm>>) target(%dma_start3A_183 : memref<105x128xf32, #tpu.memory_space<vmem>>) offsets(%dma_start3A_186 : memref<105xi32, #tpu.memory_space<vmem>>) semaphore(%arg14 : memref<!tpu.dma_semaphore, #tpu.memory_space<semaphore_mem>>)
        } else {
        }
        %dma_start3A_160 = arith.constant 1 : i32
        %dma_start3A_161 = arith.constant 0 : i32
        %dma_start3A_162 = arith.constant 0 : i32
        %dma_start3A_163 = tpu.memref_slice %arg12[%and3A_140, %dma_start3A_161, %dma_start3A_162] : memref<2x105x128xf32, #tpu.memory_space<vmem>> -> memref<1x105x128xf32, #tpu.memory_space<vmem>>
        %dma_start3A_164 = tpu.memref_squeeze %dma_start3A_163 : memref<1x105x128xf32, #tpu.memory_space<vmem>> -> memref<105x128xf32, #tpu.memory_space<vmem>>
        %dma_start3A_165 = arith.constant 0 : i32
        %dma_start3A_166 = tpu.memref_slice %arg11[%dma_start3A_160, %scan3A_139, %dma_start3A_165] : memref<2x48x105xi32, #tpu.memory_space<vmem>> -> memref<1x1x105xi32, #tpu.memory_space<vmem>>
        %dma_start3A_167 = tpu.memref_squeeze %dma_start3A_166 : memref<1x1x105xi32, #tpu.memory_space<vmem>> -> memref<105xi32, #tpu.memory_space<vmem>>
        %dma_start3A_168 = arith.constant 0 : i32
        %dma_start3A_169 = arith.constant 0 : i32
        %dma_start3A_170 = tpu.memref_slice %arg13[%dma_start3A_168, %dma_start3A_169] : memref<10240x128xf32, #tpu.memory_space<vmem_shared>> -> memref<10240x128xf32, #tpu.memory_space<vmem_shared>>
        tpu.enqueue_indirect_dma source(%dma_start3A_164 : memref<105x128xf32, #tpu.memory_space<vmem>>) target(%dma_start3A_170 : memref<10240x128xf32, #tpu.memory_space<vmem_shared>>) offsets(%dma_start3A_167 : memref<105xi32, #tpu.memory_space<vmem>>) semaphore(%arg15 : memref<!tpu.dma_semaphore, #tpu.memory_space<semaphore_mem>>) {add = true}
        %dma_start3A_171 = arith.constant 1 : i32
        %dma_start3A_172 = arith.constant 0 : i32
        %dma_start3A_173 = tpu.memref_slice %arg11[%dma_start3A_171, %scan3A_139, %dma_start3A_172] : memref<2x48x105xi32, #tpu.memory_space<vmem>> -> memref<1x1x105xi32, #tpu.memory_space<vmem>>
        %dma_start3A_174 = tpu.memref_squeeze %dma_start3A_173 : memref<1x1x105xi32, #tpu.memory_space<vmem>> -> memref<105xi32, #tpu.memory_space<vmem>>
        %dma_start3A_175 = arith.constant 0 : i32
        %dma_start3A_176 = tpu.memref_slice %arg17[%dma_start3A_175] : memref<10240xf32, #tpu.memory_space<vmem_shared>> -> memref<10240xf32, #tpu.memory_space<vmem_shared>>
        tpu.enqueue_indirect_dma source(%arg16 : memref<105xf32, #tpu.memory_space<vmem>>) target(%dma_start3A_176 : memref<10240xf32, #tpu.memory_space<vmem_shared>>) offsets(%dma_start3A_174 : memref<105xi32, #tpu.memory_space<vmem>>) semaphore(%arg18 : memref<!tpu.dma_semaphore, #tpu.memory_space<semaphore_mem>>) {add = true}
      }
      %scan3A_86 = arith.constant 48 : i32
      %dma_wait3A = arith.constant 1 : i32
      %dma_wait3A_87 = arith.constant 1 : i32
      %dma_wait3A_88 = arith.constant 47 : i32
      %dma_wait3A_89 = arith.constant 0 : i32
      %dma_wait3A_90 = arith.constant 0 : i32
      %dma_wait3A_91 = tpu.memref_slice %arg12[%dma_wait3A, %dma_wait3A_89, %dma_wait3A_90] : memref<2x105x128xf32, #tpu.memory_space<vmem>> -> memref<1x105x128xf32, #tpu.memory_space<vmem>>
      %dma_wait3A_92 = tpu.memref_squeeze %dma_wait3A_91 : memref<1x105x128xf32, #tpu.memory_space<vmem>> -> memref<105x128xf32, #tpu.memory_space<vmem>>
      %dma_wait3A_93 = arith.constant 0 : i32
      %dma_wait3A_94 = tpu.memref_slice %arg11[%dma_wait3A_87, %dma_wait3A_88, %dma_wait3A_93] : memref<2x48x105xi32, #tpu.memory_space<vmem>> -> memref<1x1x105xi32, #tpu.memory_space<vmem>>
      %dma_wait3A_95 = tpu.memref_squeeze %dma_wait3A_94 : memref<1x1x105xi32, #tpu.memory_space<vmem>> -> memref<105xi32, #tpu.memory_space<vmem>>
      %dma_wait3A_96 = arith.constant 0 : i32
      %dma_wait3A_97 = arith.constant 0 : i32
      %dma_wait3A_98 = tpu.memref_slice %arg13[%dma_wait3A_96, %dma_wait3A_97] : memref<10240x128xf32, #tpu.memory_space<vmem_shared>> -> memref<10240x128xf32, #tpu.memory_space<vmem_shared>>
      tpu.wait_indirect_dma semaphore(%arg15 : memref<!tpu.dma_semaphore, #tpu.memory_space<semaphore_mem>>) src(%dma_wait3A_92 : memref<105x128xf32, #tpu.memory_space<vmem>>) dst(%dma_wait3A_98 : memref<10240x128xf32, #tpu.memory_space<vmem_shared>>)
      %run_scoped3A_99 = arith.constant 0 : i32
      "tpu.region"() ({
        %run_scoped3A_139 = tpu.sem_alloc : memref<!tpu.dma_semaphore, #tpu.memory_space<semaphore_mem>>
        %dma_start3A_140 = arith.constant 0 : i32
        %dma_start3A_141 = arith.constant 0 : i32
        %dma_start3A_142 = tpu.memref_slice %arg11[%run_scoped3A_99, %dma_start3A_140, %dma_start3A_141] : memref<2x48x105xi32, #tpu.memory_space<vmem>> -> memref<1x48x105xi32, #tpu.memory_space<vmem>>
        %dma_start3A_143 = tpu.memref_squeeze %dma_start3A_142 : memref<1x48x105xi32, #tpu.memory_space<vmem>> -> memref<48x105xi32, #tpu.memory_space<vmem>>
        %dma_start3A_144 = arith.constant 48 : i32
        %dma_start3A_145 = arith.constant 0 : i32
        %dma_start3A_146 = tpu.memref_slice %arg4[%arg1, %dma_start3A_144, %dma_start3A_145] : memref<16x96x105xi32, #tpu.memory_space<hbm>> -> memref<1x48x105xi32, #tpu.memory_space<hbm>>
        %dma_start3A_147 = tpu.memref_squeeze %dma_start3A_146 : memref<1x48x105xi32, #tpu.memory_space<hbm>> -> memref<48x105xi32, #tpu.memory_space<hbm>>
        %dma_start3A_148 = arith.constant 0 : i32
        %dma_start3A_149 = arith.constant 0 : i32
        %dma_start3A_150 = tpu.memref_slice %arg11[%run_scoped3A_99, %dma_start3A_148, %dma_start3A_149] : memref<2x48x105xi32, #tpu.memory_space<vmem>> -> memref<1x48x105xi32, #tpu.memory_space<vmem>>
        %dma_start3A_151 = tpu.memref_squeeze %dma_start3A_150 : memref<1x48x105xi32, #tpu.memory_space<vmem>> -> memref<48x105xi32, #tpu.memory_space<vmem>>
        %dma_start3A_152 = arith.constant 48 : i32
        %dma_start3A_153 = arith.constant 0 : i32
        %dma_start3A_154 = tpu.memref_slice %arg4[%arg1, %dma_start3A_152, %dma_start3A_153] : memref<16x96x105xi32, #tpu.memory_space<hbm>> -> memref<1x48x105xi32, #tpu.memory_space<hbm>>
        %dma_start3A_155 = tpu.memref_squeeze %dma_start3A_154 : memref<1x48x105xi32, #tpu.memory_space<hbm>> -> memref<48x105xi32, #tpu.memory_space<hbm>>
        tpu.enqueue_dma source(%dma_start3A_155 : memref<48x105xi32, #tpu.memory_space<hbm>>) target(%dma_start3A_151 : memref<48x105xi32, #tpu.memory_space<vmem>>) target_semaphore(%run_scoped3A_139 : memref<!tpu.dma_semaphore, #tpu.memory_space<semaphore_mem>>)
        %dma_wait3A_156 = arith.constant 0 : i32
        %dma_wait3A_157 = arith.constant 0 : i32
        %dma_wait3A_158 = tpu.memref_slice %arg11[%run_scoped3A_99, %dma_wait3A_156, %dma_wait3A_157] : memref<2x48x105xi32, #tpu.memory_space<vmem>> -> memref<1x48x105xi32, #tpu.memory_space<vmem>>
        %dma_wait3A_159 = tpu.memref_squeeze %dma_wait3A_158 : memref<1x48x105xi32, #tpu.memory_space<vmem>> -> memref<48x105xi32, #tpu.memory_space<vmem>>
        %dma_wait3A_160 = arith.constant 48 : i32
        %dma_wait3A_161 = arith.constant 0 : i32
        %dma_wait3A_162 = tpu.memref_slice %arg4[%arg1, %dma_wait3A_160, %dma_wait3A_161] : memref<16x96x105xi32, #tpu.memory_space<hbm>> -> memref<1x48x105xi32, #tpu.memory_space<hbm>>
        %dma_wait3A_163 = tpu.memref_squeeze %dma_wait3A_162 : memref<1x48x105xi32, #tpu.memory_space<hbm>> -> memref<48x105xi32, #tpu.memory_space<hbm>>
        %dma_wait3A_164 = arith.constant 0 : i32
        %dma_wait3A_165 = arith.constant 0 : i32
        %dma_wait3A_166 = tpu.memref_slice %arg11[%run_scoped3A_99, %dma_wait3A_164, %dma_wait3A_165] : memref<2x48x105xi32, #tpu.memory_space<vmem>> -> memref<1x48x105xi32, #tpu.memory_space<vmem>>
        %dma_wait3A_167 = tpu.memref_squeeze %dma_wait3A_166 : memref<1x48x105xi32, #tpu.memory_space<vmem>> -> memref<48x105xi32, #tpu.memory_space<vmem>>
        %dma_wait3A_168 = arith.constant 48 : i32
        %dma_wait3A_169 = arith.constant 0 : i32
        %dma_wait3A_170 = tpu.memref_slice %arg4[%arg1, %dma_wait3A_168, %dma_wait3A_169] : memref<16x96x105xi32, #tpu.memory_space<hbm>> -> memref<1x48x105xi32, #tpu.memory_space<hbm>>
        %dma_wait3A_171 = tpu.memref_squeeze %dma_wait3A_170 : memref<1x48x105xi32, #tpu.memory_space<hbm>> -> memref<48x105xi32, #tpu.memory_space<hbm>>
        tpu.wait_dma2 semaphore(%run_scoped3A_139 : memref<!tpu.dma_semaphore, #tpu.memory_space<semaphore_mem>>) src(%dma_wait3A_171 : memref<48x105xi32, #tpu.memory_space<hbm>>) dst(%dma_wait3A_167 : memref<48x105xi32, #tpu.memory_space<vmem>>)
        tpu.yield
      }) : () -> ()
      %run_scoped3A_100 = arith.constant 1 : i32
      "tpu.region"() ({
        %run_scoped3A_139 = tpu.sem_alloc : memref<!tpu.dma_semaphore, #tpu.memory_space<semaphore_mem>>
        %dma_start3A_140 = arith.constant 0 : i32
        %dma_start3A_141 = arith.constant 0 : i32
        %dma_start3A_142 = tpu.memref_slice %arg11[%run_scoped3A_100, %dma_start3A_140, %dma_start3A_141] : memref<2x48x105xi32, #tpu.memory_space<vmem>> -> memref<1x48x105xi32, #tpu.memory_space<vmem>>
        %dma_start3A_143 = tpu.memref_squeeze %dma_start3A_142 : memref<1x48x105xi32, #tpu.memory_space<vmem>> -> memref<48x105xi32, #tpu.memory_space<vmem>>
        %dma_start3A_144 = arith.constant 48 : i32
        %dma_start3A_145 = arith.constant 0 : i32
        %dma_start3A_146 = tpu.memref_slice %arg5[%arg1, %dma_start3A_144, %dma_start3A_145] : memref<16x96x105xi32, #tpu.memory_space<hbm>> -> memref<1x48x105xi32, #tpu.memory_space<hbm>>
        %dma_start3A_147 = tpu.memref_squeeze %dma_start3A_146 : memref<1x48x105xi32, #tpu.memory_space<hbm>> -> memref<48x105xi32, #tpu.memory_space<hbm>>
        %dma_start3A_148 = arith.constant 0 : i32
        %dma_start3A_149 = arith.constant 0 : i32
        %dma_start3A_150 = tpu.memref_slice %arg11[%run_scoped3A_100, %dma_start3A_148, %dma_start3A_149] : memref<2x48x105xi32, #tpu.memory_space<vmem>> -> memref<1x48x105xi32, #tpu.memory_space<vmem>>
        %dma_start3A_151 = tpu.memref_squeeze %dma_start3A_150 : memref<1x48x105xi32, #tpu.memory_space<vmem>> -> memref<48x105xi32, #tpu.memory_space<vmem>>
        %dma_start3A_152 = arith.constant 48 : i32
        %dma_start3A_153 = arith.constant 0 : i32
        %dma_start3A_154 = tpu.memref_slice %arg5[%arg1, %dma_start3A_152, %dma_start3A_153] : memref<16x96x105xi32, #tpu.memory_space<hbm>> -> memref<1x48x105xi32, #tpu.memory_space<hbm>>
        %dma_start3A_155 = tpu.memref_squeeze %dma_start3A_154 : memref<1x48x105xi32, #tpu.memory_space<hbm>> -> memref<48x105xi32, #tpu.memory_space<hbm>>
        tpu.enqueue_dma source(%dma_start3A_155 : memref<48x105xi32, #tpu.memory_space<hbm>>) target(%dma_start3A_151 : memref<48x105xi32, #tpu.memory_space<vmem>>) target_semaphore(%run_scoped3A_139 : memref<!tpu.dma_semaphore, #tpu.memory_space<semaphore_mem>>)
        %dma_wait3A_156 = arith.constant 0 : i32
        %dma_wait3A_157 = arith.constant 0 : i32
        %dma_wait3A_158 = tpu.memref_slice %arg11[%run_scoped3A_100, %dma_wait3A_156, %dma_wait3A_157] : memref<2x48x105xi32, #tpu.memory_space<vmem>> -> memref<1x48x105xi32, #tpu.memory_space<vmem>>
        %dma_wait3A_159 = tpu.memref_squeeze %dma_wait3A_158 : memref<1x48x105xi32, #tpu.memory_space<vmem>> -> memref<48x105xi32, #tpu.memory_space<vmem>>
        %dma_wait3A_160 = arith.constant 48 : i32
        %dma_wait3A_161 = arith.constant 0 : i32
        %dma_wait3A_162 = tpu.memref_slice %arg5[%arg1, %dma_wait3A_160, %dma_wait3A_161] : memref<16x96x105xi32, #tpu.memory_space<hbm>> -> memref<1x48x105xi32, #tpu.memory_space<hbm>>
        %dma_wait3A_163 = tpu.memref_squeeze %dma_wait3A_162 : memref<1x48x105xi32, #tpu.memory_space<hbm>> -> memref<48x105xi32, #tpu.memory_space<hbm>>
        %dma_wait3A_164 = arith.constant 0 : i32
        %dma_wait3A_165 = arith.constant 0 : i32
        %dma_wait3A_166 = tpu.memref_slice %arg11[%run_scoped3A_100, %dma_wait3A_164, %dma_wait3A_165] : memref<2x48x105xi32, #tpu.memory_space<vmem>> -> memref<1x48x105xi32, #tpu.memory_space<vmem>>
        %dma_wait3A_167 = tpu.memref_squeeze %dma_wait3A_166 : memref<1x48x105xi32, #tpu.memory_space<vmem>> -> memref<48x105xi32, #tpu.memory_space<vmem>>
        %dma_wait3A_168 = arith.constant 48 : i32
        %dma_wait3A_169 = arith.constant 0 : i32
        %dma_wait3A_170 = tpu.memref_slice %arg5[%arg1, %dma_wait3A_168, %dma_wait3A_169] : memref<16x96x105xi32, #tpu.memory_space<hbm>> -> memref<1x48x105xi32, #tpu.memory_space<hbm>>
        %dma_wait3A_171 = tpu.memref_squeeze %dma_wait3A_170 : memref<1x48x105xi32, #tpu.memory_space<hbm>> -> memref<48x105xi32, #tpu.memory_space<hbm>>
        tpu.wait_dma2 semaphore(%run_scoped3A_139 : memref<!tpu.dma_semaphore, #tpu.memory_space<semaphore_mem>>) src(%dma_wait3A_171 : memref<48x105xi32, #tpu.memory_space<hbm>>) dst(%dma_wait3A_167 : memref<48x105xi32, #tpu.memory_space<vmem>>)
        tpu.yield
      }) : () -> ()
      %dma_start3A_101 = arith.constant 0 : i32
      %dma_start3A_102 = arith.constant 0 : i32
      %dma_start3A_103 = arith.constant 0 : i32
      %dma_start3A_104 = arith.constant 0 : i32
      %dma_start3A_105 = arith.constant 0 : i32
      %dma_start3A_106 = tpu.memref_slice %arg12[%dma_start3A_103, %dma_start3A_104, %dma_start3A_105] : memref<2x105x128xf32, #tpu.memory_space<vmem>> -> memref<1x105x128xf32, #tpu.memory_space<vmem>>
      %dma_start3A_107 = tpu.memref_squeeze %dma_start3A_106 : memref<1x105x128xf32, #tpu.memory_space<vmem>> -> memref<105x128xf32, #tpu.memory_space<vmem>>
      %dma_start3A_108 = arith.constant 0 : i32
      %dma_start3A_109 = tpu.memref_slice %arg11[%dma_start3A_101, %dma_start3A_102, %dma_start3A_108] : memref<2x48x105xi32, #tpu.memory_space<vmem>> -> memref<1x1x105xi32, #tpu.memory_space<vmem>>
      %dma_start3A_110 = tpu.memref_squeeze %dma_start3A_109 : memref<1x1x105xi32, #tpu.memory_space<vmem>> -> memref<105xi32, #tpu.memory_space<vmem>>
      %dma_start3A_111 = arith.constant 0 : i32
      %dma_start3A_112 = arith.constant 0 : i32
      %dma_start3A_113 = tpu.memref_slice %arg2[%dma_start3A_111, %dma_start3A_112] : memref<10240x128xf32, #tpu.memory_space<hbm>> -> memref<10240x128xf32, #tpu.memory_space<hbm>>
      tpu.enqueue_indirect_dma source(%dma_start3A_113 : memref<10240x128xf32, #tpu.memory_space<hbm>>) target(%dma_start3A_107 : memref<105x128xf32, #tpu.memory_space<vmem>>) offsets(%dma_start3A_110 : memref<105xi32, #tpu.memory_space<vmem>>) semaphore(%arg14 : memref<!tpu.dma_semaphore, #tpu.memory_space<semaphore_mem>>)
      %scan3A_114 = arith.constant 0 : i32
      %scan3A_115 = arith.constant 0 : i32
      %scan3A_116 = arith.constant 48 : i32
      %scan3A_117 = arith.addi %scan3A_115, %scan3A_116 : i32
      %scan3A_118 = arith.constant 1 : i32
      scf.for %scan3A_139 = %scan3A_115 to %scan3A_117 step %scan3A_118  : i32 {
        %and3A = arith.constant 1 : i32
        %and3A_140 = arith.andi %scan3A_139, %and3A : i32
        %dma_wait3A_141 = arith.constant 0 : i32
        %dma_wait3A_142 = arith.constant 0 : i32
        %dma_wait3A_143 = arith.constant 0 : i32
        %dma_wait3A_144 = tpu.memref_slice %arg12[%and3A_140, %dma_wait3A_142, %dma_wait3A_143] : memref<2x105x128xf32, #tpu.memory_space<vmem>> -> memref<1x105x128xf32, #tpu.memory_space<vmem>>
        %dma_wait3A_145 = tpu.memref_squeeze %dma_wait3A_144 : memref<1x105x128xf32, #tpu.memory_space<vmem>> -> memref<105x128xf32, #tpu.memory_space<vmem>>
        %dma_wait3A_146 = arith.constant 0 : i32
        %dma_wait3A_147 = tpu.memref_slice %arg11[%dma_wait3A_141, %scan3A_139, %dma_wait3A_146] : memref<2x48x105xi32, #tpu.memory_space<vmem>> -> memref<1x1x105xi32, #tpu.memory_space<vmem>>
        %dma_wait3A_148 = tpu.memref_squeeze %dma_wait3A_147 : memref<1x1x105xi32, #tpu.memory_space<vmem>> -> memref<105xi32, #tpu.memory_space<vmem>>
        %dma_wait3A_149 = arith.constant 0 : i32
        %dma_wait3A_150 = arith.constant 0 : i32
        %dma_wait3A_151 = tpu.memref_slice %arg2[%dma_wait3A_149, %dma_wait3A_150] : memref<10240x128xf32, #tpu.memory_space<hbm>> -> memref<10240x128xf32, #tpu.memory_space<hbm>>
        tpu.wait_indirect_dma semaphore(%arg14 : memref<!tpu.dma_semaphore, #tpu.memory_space<semaphore_mem>>) src(%dma_wait3A_151 : memref<10240x128xf32, #tpu.memory_space<hbm>>) dst(%dma_wait3A_145 : memref<105x128xf32, #tpu.memory_space<vmem>>)
        %ge3A = arith.constant 1 : i32
        %ge3A_152 = arith.cmpi sge, %scan3A_139, %ge3A : i32
        %convert_element_type3A_153 = arith.extui %ge3A_152 : i1 to i32
        %cond3A_154 = arith.constant 0 : i32
        %cond3A_155 = arith.cmpi ne, %convert_element_type3A_153, %cond3A_154 : i32
        scf.if %cond3A_155 {
          %sub3A = arith.constant 1 : i32
          %sub3A_177 = arith.subi %scan3A_139, %sub3A : i32
          %sub3A_178 = arith.constant 1 : i32
          %sub3A_179 = arith.subi %sub3A_178, %and3A_140 : i32
          %dma_wait3A_180 = arith.constant 1 : i32
          %dma_wait3A_181 = arith.constant 0 : i32
          %dma_wait3A_182 = arith.constant 0 : i32
          %dma_wait3A_183 = tpu.memref_slice %arg12[%sub3A_179, %dma_wait3A_181, %dma_wait3A_182] : memref<2x105x128xf32, #tpu.memory_space<vmem>> -> memref<1x105x128xf32, #tpu.memory_space<vmem>>
          %dma_wait3A_184 = tpu.memref_squeeze %dma_wait3A_183 : memref<1x105x128xf32, #tpu.memory_space<vmem>> -> memref<105x128xf32, #tpu.memory_space<vmem>>
          %dma_wait3A_185 = arith.constant 0 : i32
          %dma_wait3A_186 = tpu.memref_slice %arg11[%dma_wait3A_180, %sub3A_177, %dma_wait3A_185] : memref<2x48x105xi32, #tpu.memory_space<vmem>> -> memref<1x1x105xi32, #tpu.memory_space<vmem>>
          %dma_wait3A_187 = tpu.memref_squeeze %dma_wait3A_186 : memref<1x1x105xi32, #tpu.memory_space<vmem>> -> memref<105xi32, #tpu.memory_space<vmem>>
          %dma_wait3A_188 = arith.constant 0 : i32
          %dma_wait3A_189 = arith.constant 0 : i32
          %dma_wait3A_190 = tpu.memref_slice %arg13[%dma_wait3A_188, %dma_wait3A_189] : memref<10240x128xf32, #tpu.memory_space<vmem_shared>> -> memref<10240x128xf32, #tpu.memory_space<vmem_shared>>
          tpu.wait_indirect_dma semaphore(%arg15 : memref<!tpu.dma_semaphore, #tpu.memory_space<semaphore_mem>>) src(%dma_wait3A_184 : memref<105x128xf32, #tpu.memory_space<vmem>>) dst(%dma_wait3A_190 : memref<10240x128xf32, #tpu.memory_space<vmem_shared>>)
        } else {
        }
        %lt3A = arith.constant 47 : i32
        %lt3A_156 = arith.cmpi slt, %scan3A_139, %lt3A : i32
        %convert_element_type3A_157 = arith.extui %lt3A_156 : i1 to i32
        %cond3A_158 = arith.constant 0 : i32
        %cond3A_159 = arith.cmpi ne, %convert_element_type3A_157, %cond3A_158 : i32
        scf.if %cond3A_159 {
          %add3A = arith.constant 1 : i32
          %add3A_177 = arith.addi %scan3A_139, %add3A : i32
          %sub3A = arith.constant 1 : i32
          %sub3A_178 = arith.subi %sub3A, %and3A_140 : i32
          %dma_start3A_179 = arith.constant 0 : i32
          %dma_start3A_180 = arith.constant 0 : i32
          %dma_start3A_181 = arith.constant 0 : i32
          %dma_start3A_182 = tpu.memref_slice %arg12[%sub3A_178, %dma_start3A_180, %dma_start3A_181] : memref<2x105x128xf32, #tpu.memory_space<vmem>> -> memref<1x105x128xf32, #tpu.memory_space<vmem>>
          %dma_start3A_183 = tpu.memref_squeeze %dma_start3A_182 : memref<1x105x128xf32, #tpu.memory_space<vmem>> -> memref<105x128xf32, #tpu.memory_space<vmem>>
          %dma_start3A_184 = arith.constant 0 : i32
          %dma_start3A_185 = tpu.memref_slice %arg11[%dma_start3A_179, %add3A_177, %dma_start3A_184] : memref<2x48x105xi32, #tpu.memory_space<vmem>> -> memref<1x1x105xi32, #tpu.memory_space<vmem>>
          %dma_start3A_186 = tpu.memref_squeeze %dma_start3A_185 : memref<1x1x105xi32, #tpu.memory_space<vmem>> -> memref<105xi32, #tpu.memory_space<vmem>>
          %dma_start3A_187 = arith.constant 0 : i32
          %dma_start3A_188 = arith.constant 0 : i32
          %dma_start3A_189 = tpu.memref_slice %arg2[%dma_start3A_187, %dma_start3A_188] : memref<10240x128xf32, #tpu.memory_space<hbm>> -> memref<10240x128xf32, #tpu.memory_space<hbm>>
          tpu.enqueue_indirect_dma source(%dma_start3A_189 : memref<10240x128xf32, #tpu.memory_space<hbm>>) target(%dma_start3A_183 : memref<105x128xf32, #tpu.memory_space<vmem>>) offsets(%dma_start3A_186 : memref<105xi32, #tpu.memory_space<vmem>>) semaphore(%arg14 : memref<!tpu.dma_semaphore, #tpu.memory_space<semaphore_mem>>)
        } else {
        }
        %dma_start3A_160 = arith.constant 1 : i32
        %dma_start3A_161 = arith.constant 0 : i32
        %dma_start3A_162 = arith.constant 0 : i32
        %dma_start3A_163 = tpu.memref_slice %arg12[%and3A_140, %dma_start3A_161, %dma_start3A_162] : memref<2x105x128xf32, #tpu.memory_space<vmem>> -> memref<1x105x128xf32, #tpu.memory_space<vmem>>
        %dma_start3A_164 = tpu.memref_squeeze %dma_start3A_163 : memref<1x105x128xf32, #tpu.memory_space<vmem>> -> memref<105x128xf32, #tpu.memory_space<vmem>>
        %dma_start3A_165 = arith.constant 0 : i32
        %dma_start3A_166 = tpu.memref_slice %arg11[%dma_start3A_160, %scan3A_139, %dma_start3A_165] : memref<2x48x105xi32, #tpu.memory_space<vmem>> -> memref<1x1x105xi32, #tpu.memory_space<vmem>>
        %dma_start3A_167 = tpu.memref_squeeze %dma_start3A_166 : memref<1x1x105xi32, #tpu.memory_space<vmem>> -> memref<105xi32, #tpu.memory_space<vmem>>
        %dma_start3A_168 = arith.constant 0 : i32
        %dma_start3A_169 = arith.constant 0 : i32
        %dma_start3A_170 = tpu.memref_slice %arg13[%dma_start3A_168, %dma_start3A_169] : memref<10240x128xf32, #tpu.memory_space<vmem_shared>> -> memref<10240x128xf32, #tpu.memory_space<vmem_shared>>
        tpu.enqueue_indirect_dma source(%dma_start3A_164 : memref<105x128xf32, #tpu.memory_space<vmem>>) target(%dma_start3A_170 : memref<10240x128xf32, #tpu.memory_space<vmem_shared>>) offsets(%dma_start3A_167 : memref<105xi32, #tpu.memory_space<vmem>>) semaphore(%arg15 : memref<!tpu.dma_semaphore, #tpu.memory_space<semaphore_mem>>) {add = true}
        %dma_start3A_171 = arith.constant 1 : i32
        %dma_start3A_172 = arith.constant 0 : i32
        %dma_start3A_173 = tpu.memref_slice %arg11[%dma_start3A_171, %scan3A_139, %dma_start3A_172] : memref<2x48x105xi32, #tpu.memory_space<vmem>> -> memref<1x1x105xi32, #tpu.memory_space<vmem>>
        %dma_start3A_174 = tpu.memref_squeeze %dma_start3A_173 : memref<1x1x105xi32, #tpu.memory_space<vmem>> -> memref<105xi32, #tpu.memory_space<vmem>>
        %dma_start3A_175 = arith.constant 0 : i32
        %dma_start3A_176 = tpu.memref_slice %arg17[%dma_start3A_175] : memref<10240xf32, #tpu.memory_space<vmem_shared>> -> memref<10240xf32, #tpu.memory_space<vmem_shared>>
        tpu.enqueue_indirect_dma source(%arg16 : memref<105xf32, #tpu.memory_space<vmem>>) target(%dma_start3A_176 : memref<10240xf32, #tpu.memory_space<vmem_shared>>) offsets(%dma_start3A_174 : memref<105xi32, #tpu.memory_space<vmem>>) semaphore(%arg18 : memref<!tpu.dma_semaphore, #tpu.memory_space<semaphore_mem>>) {add = true}
      }
      %scan3A_119 = arith.constant 48 : i32
      %dma_wait3A_120 = arith.constant 1 : i32
      %dma_wait3A_121 = arith.constant 1 : i32
      %dma_wait3A_122 = arith.constant 47 : i32
      %dma_wait3A_123 = arith.constant 0 : i32
      %dma_wait3A_124 = arith.constant 0 : i32
      %dma_wait3A_125 = tpu.memref_slice %arg12[%dma_wait3A_120, %dma_wait3A_123, %dma_wait3A_124] : memref<2x105x128xf32, #tpu.memory_space<vmem>> -> memref<1x105x128xf32, #tpu.memory_space<vmem>>
      %dma_wait3A_126 = tpu.memref_squeeze %dma_wait3A_125 : memref<1x105x128xf32, #tpu.memory_space<vmem>> -> memref<105x128xf32, #tpu.memory_space<vmem>>
      %dma_wait3A_127 = arith.constant 0 : i32
      %dma_wait3A_128 = tpu.memref_slice %arg11[%dma_wait3A_121, %dma_wait3A_122, %dma_wait3A_127] : memref<2x48x105xi32, #tpu.memory_space<vmem>> -> memref<1x1x105xi32, #tpu.memory_space<vmem>>
      %dma_wait3A_129 = tpu.memref_squeeze %dma_wait3A_128 : memref<1x1x105xi32, #tpu.memory_space<vmem>> -> memref<105xi32, #tpu.memory_space<vmem>>
      %dma_wait3A_130 = arith.constant 0 : i32
      %dma_wait3A_131 = arith.constant 0 : i32
      %dma_wait3A_132 = tpu.memref_slice %arg13[%dma_wait3A_130, %dma_wait3A_131] : memref<10240x128xf32, #tpu.memory_space<vmem_shared>> -> memref<10240x128xf32, #tpu.memory_space<vmem_shared>>
      tpu.wait_indirect_dma semaphore(%arg15 : memref<!tpu.dma_semaphore, #tpu.memory_space<semaphore_mem>>) src(%dma_wait3A_126 : memref<105x128xf32, #tpu.memory_space<vmem>>) dst(%dma_wait3A_132 : memref<10240x128xf32, #tpu.memory_space<vmem_shared>>)
      %scan3A_133 = arith.constant 0 : i32
      %scan3A_134 = arith.constant 0 : i32
      %scan3A_135 = arith.constant 96 : i32
      %scan3A_136 = arith.addi %scan3A_134, %scan3A_135 : i32
      %scan3A_137 = arith.constant 1 : i32
      scf.for %scan3A_139 = %scan3A_134 to %scan3A_136 step %scan3A_137  : i32 {
        %dma_wait3A_140 = arith.constant 1 : i32
        %dma_wait3A_141 = arith.constant 0 : i32
        %dma_wait3A_142 = arith.constant 0 : i32
        %dma_wait3A_143 = tpu.memref_slice %arg11[%dma_wait3A_140, %dma_wait3A_141, %dma_wait3A_142] : memref<2x48x105xi32, #tpu.memory_space<vmem>> -> memref<1x1x105xi32, #tpu.memory_space<vmem>>
        %dma_wait3A_144 = tpu.memref_squeeze %dma_wait3A_143 : memref<1x1x105xi32, #tpu.memory_space<vmem>> -> memref<105xi32, #tpu.memory_space<vmem>>
        %dma_wait3A_145 = arith.constant 0 : i32
        %dma_wait3A_146 = tpu.memref_slice %arg17[%dma_wait3A_145] : memref<10240xf32, #tpu.memory_space<vmem_shared>> -> memref<10240xf32, #tpu.memory_space<vmem_shared>>
        tpu.wait_indirect_dma semaphore(%arg18 : memref<!tpu.dma_semaphore, #tpu.memory_space<semaphore_mem>>) src(%arg16 : memref<105xf32, #tpu.memory_space<vmem>>) dst(%dma_wait3A_146 : memref<10240xf32, #tpu.memory_space<vmem_shared>>)
      }
      %scan3A_138 = arith.constant 96 : i32
    } else {
    }
    %eq3A_48 = arith.constant 1 : i32
    %eq3A_49 = arith.cmpi eq, %arg0, %eq3A_48 : i32
    %convert_element_type3A_50 = arith.extui %eq3A_49 : i1 to i32
    %cond3A_51 = arith.constant 0 : i32
    %cond3A_52 = arith.cmpi ne, %convert_element_type3A_50, %cond3A_51 : i32
    scf.if %cond3A_52 {
      %run_scoped3A = arith.constant 0 : i32
      "tpu.region"() ({
        %run_scoped3A_133 = tpu.sem_alloc : memref<!tpu.dma_semaphore, #tpu.memory_space<semaphore_mem>>
        %dma_start3A_134 = arith.constant 0 : i32
        %dma_start3A_135 = arith.constant 0 : i32
        %dma_start3A_136 = tpu.memref_slice %arg11[%run_scoped3A, %dma_start3A_134, %dma_start3A_135] : memref<2x48x105xi32, #tpu.memory_space<vmem>> -> memref<1x48x105xi32, #tpu.memory_space<vmem>>
        %dma_start3A_137 = tpu.memref_squeeze %dma_start3A_136 : memref<1x48x105xi32, #tpu.memory_space<vmem>> -> memref<48x105xi32, #tpu.memory_space<vmem>>
        %dma_start3A_138 = arith.constant 0 : i32
        %dma_start3A_139 = arith.constant 0 : i32
        %dma_start3A_140 = tpu.memref_slice %arg4[%arg1, %dma_start3A_138, %dma_start3A_139] : memref<16x96x105xi32, #tpu.memory_space<hbm>> -> memref<1x48x105xi32, #tpu.memory_space<hbm>>
        %dma_start3A_141 = tpu.memref_squeeze %dma_start3A_140 : memref<1x48x105xi32, #tpu.memory_space<hbm>> -> memref<48x105xi32, #tpu.memory_space<hbm>>
        %dma_start3A_142 = arith.constant 0 : i32
        %dma_start3A_143 = arith.constant 0 : i32
        %dma_start3A_144 = tpu.memref_slice %arg11[%run_scoped3A, %dma_start3A_142, %dma_start3A_143] : memref<2x48x105xi32, #tpu.memory_space<vmem>> -> memref<1x48x105xi32, #tpu.memory_space<vmem>>
        %dma_start3A_145 = tpu.memref_squeeze %dma_start3A_144 : memref<1x48x105xi32, #tpu.memory_space<vmem>> -> memref<48x105xi32, #tpu.memory_space<vmem>>
        %dma_start3A_146 = arith.constant 0 : i32
        %dma_start3A_147 = arith.constant 0 : i32
        %dma_start3A_148 = tpu.memref_slice %arg4[%arg1, %dma_start3A_146, %dma_start3A_147] : memref<16x96x105xi32, #tpu.memory_space<hbm>> -> memref<1x48x105xi32, #tpu.memory_space<hbm>>
        %dma_start3A_149 = tpu.memref_squeeze %dma_start3A_148 : memref<1x48x105xi32, #tpu.memory_space<hbm>> -> memref<48x105xi32, #tpu.memory_space<hbm>>
        tpu.enqueue_dma source(%dma_start3A_149 : memref<48x105xi32, #tpu.memory_space<hbm>>) target(%dma_start3A_145 : memref<48x105xi32, #tpu.memory_space<vmem>>) target_semaphore(%run_scoped3A_133 : memref<!tpu.dma_semaphore, #tpu.memory_space<semaphore_mem>>)
        %dma_wait3A_150 = arith.constant 0 : i32
        %dma_wait3A_151 = arith.constant 0 : i32
        %dma_wait3A_152 = tpu.memref_slice %arg11[%run_scoped3A, %dma_wait3A_150, %dma_wait3A_151] : memref<2x48x105xi32, #tpu.memory_space<vmem>> -> memref<1x48x105xi32, #tpu.memory_space<vmem>>
        %dma_wait3A_153 = tpu.memref_squeeze %dma_wait3A_152 : memref<1x48x105xi32, #tpu.memory_space<vmem>> -> memref<48x105xi32, #tpu.memory_space<vmem>>
        %dma_wait3A_154 = arith.constant 0 : i32
        %dma_wait3A_155 = arith.constant 0 : i32
        %dma_wait3A_156 = tpu.memref_slice %arg4[%arg1, %dma_wait3A_154, %dma_wait3A_155] : memref<16x96x105xi32, #tpu.memory_space<hbm>> -> memref<1x48x105xi32, #tpu.memory_space<hbm>>
        %dma_wait3A_157 = tpu.memref_squeeze %dma_wait3A_156 : memref<1x48x105xi32, #tpu.memory_space<hbm>> -> memref<48x105xi32, #tpu.memory_space<hbm>>
        %dma_wait3A_158 = arith.constant 0 : i32
        %dma_wait3A_159 = arith.constant 0 : i32
        %dma_wait3A_160 = tpu.memref_slice %arg11[%run_scoped3A, %dma_wait3A_158, %dma_wait3A_159] : memref<2x48x105xi32, #tpu.memory_space<vmem>> -> memref<1x48x105xi32, #tpu.memory_space<vmem>>
        %dma_wait3A_161 = tpu.memref_squeeze %dma_wait3A_160 : memref<1x48x105xi32, #tpu.memory_space<vmem>> -> memref<48x105xi32, #tpu.memory_space<vmem>>
        %dma_wait3A_162 = arith.constant 0 : i32
        %dma_wait3A_163 = arith.constant 0 : i32
        %dma_wait3A_164 = tpu.memref_slice %arg4[%arg1, %dma_wait3A_162, %dma_wait3A_163] : memref<16x96x105xi32, #tpu.memory_space<hbm>> -> memref<1x48x105xi32, #tpu.memory_space<hbm>>
        %dma_wait3A_165 = tpu.memref_squeeze %dma_wait3A_164 : memref<1x48x105xi32, #tpu.memory_space<hbm>> -> memref<48x105xi32, #tpu.memory_space<hbm>>
        tpu.wait_dma2 semaphore(%run_scoped3A_133 : memref<!tpu.dma_semaphore, #tpu.memory_space<semaphore_mem>>) src(%dma_wait3A_165 : memref<48x105xi32, #tpu.memory_space<hbm>>) dst(%dma_wait3A_161 : memref<48x105xi32, #tpu.memory_space<vmem>>)
        tpu.yield
      }) : () -> ()
      %run_scoped3A_69 = arith.constant 1 : i32
      "tpu.region"() ({
        %run_scoped3A_133 = tpu.sem_alloc : memref<!tpu.dma_semaphore, #tpu.memory_space<semaphore_mem>>
        %dma_start3A_134 = arith.constant 0 : i32
        %dma_start3A_135 = arith.constant 0 : i32
        %dma_start3A_136 = tpu.memref_slice %arg11[%run_scoped3A_69, %dma_start3A_134, %dma_start3A_135] : memref<2x48x105xi32, #tpu.memory_space<vmem>> -> memref<1x48x105xi32, #tpu.memory_space<vmem>>
        %dma_start3A_137 = tpu.memref_squeeze %dma_start3A_136 : memref<1x48x105xi32, #tpu.memory_space<vmem>> -> memref<48x105xi32, #tpu.memory_space<vmem>>
        %dma_start3A_138 = arith.constant 0 : i32
        %dma_start3A_139 = arith.constant 0 : i32
        %dma_start3A_140 = tpu.memref_slice %arg5[%arg1, %dma_start3A_138, %dma_start3A_139] : memref<16x96x105xi32, #tpu.memory_space<hbm>> -> memref<1x48x105xi32, #tpu.memory_space<hbm>>
        %dma_start3A_141 = tpu.memref_squeeze %dma_start3A_140 : memref<1x48x105xi32, #tpu.memory_space<hbm>> -> memref<48x105xi32, #tpu.memory_space<hbm>>
        %dma_start3A_142 = arith.constant 0 : i32
        %dma_start3A_143 = arith.constant 0 : i32
        %dma_start3A_144 = tpu.memref_slice %arg11[%run_scoped3A_69, %dma_start3A_142, %dma_start3A_143] : memref<2x48x105xi32, #tpu.memory_space<vmem>> -> memref<1x48x105xi32, #tpu.memory_space<vmem>>
        %dma_start3A_145 = tpu.memref_squeeze %dma_start3A_144 : memref<1x48x105xi32, #tpu.memory_space<vmem>> -> memref<48x105xi32, #tpu.memory_space<vmem>>
        %dma_start3A_146 = arith.constant 0 : i32
        %dma_start3A_147 = arith.constant 0 : i32
        %dma_start3A_148 = tpu.memref_slice %arg5[%arg1, %dma_start3A_146, %dma_start3A_147] : memref<16x96x105xi32, #tpu.memory_space<hbm>> -> memref<1x48x105xi32, #tpu.memory_space<hbm>>
        %dma_start3A_149 = tpu.memref_squeeze %dma_start3A_148 : memref<1x48x105xi32, #tpu.memory_space<hbm>> -> memref<48x105xi32, #tpu.memory_space<hbm>>
        tpu.enqueue_dma source(%dma_start3A_149 : memref<48x105xi32, #tpu.memory_space<hbm>>) target(%dma_start3A_145 : memref<48x105xi32, #tpu.memory_space<vmem>>) target_semaphore(%run_scoped3A_133 : memref<!tpu.dma_semaphore, #tpu.memory_space<semaphore_mem>>)
        %dma_wait3A_150 = arith.constant 0 : i32
        %dma_wait3A_151 = arith.constant 0 : i32
        %dma_wait3A_152 = tpu.memref_slice %arg11[%run_scoped3A_69, %dma_wait3A_150, %dma_wait3A_151] : memref<2x48x105xi32, #tpu.memory_space<vmem>> -> memref<1x48x105xi32, #tpu.memory_space<vmem>>
        %dma_wait3A_153 = tpu.memref_squeeze %dma_wait3A_152 : memref<1x48x105xi32, #tpu.memory_space<vmem>> -> memref<48x105xi32, #tpu.memory_space<vmem>>
        %dma_wait3A_154 = arith.constant 0 : i32
        %dma_wait3A_155 = arith.constant 0 : i32
        %dma_wait3A_156 = tpu.memref_slice %arg5[%arg1, %dma_wait3A_154, %dma_wait3A_155] : memref<16x96x105xi32, #tpu.memory_space<hbm>> -> memref<1x48x105xi32, #tpu.memory_space<hbm>>
        %dma_wait3A_157 = tpu.memref_squeeze %dma_wait3A_156 : memref<1x48x105xi32, #tpu.memory_space<hbm>> -> memref<48x105xi32, #tpu.memory_space<hbm>>
        %dma_wait3A_158 = arith.constant 0 : i32
        %dma_wait3A_159 = arith.constant 0 : i32
        %dma_wait3A_160 = tpu.memref_slice %arg11[%run_scoped3A_69, %dma_wait3A_158, %dma_wait3A_159] : memref<2x48x105xi32, #tpu.memory_space<vmem>> -> memref<1x48x105xi32, #tpu.memory_space<vmem>>
        %dma_wait3A_161 = tpu.memref_squeeze %dma_wait3A_160 : memref<1x48x105xi32, #tpu.memory_space<vmem>> -> memref<48x105xi32, #tpu.memory_space<vmem>>
        %dma_wait3A_162 = arith.constant 0 : i32
        %dma_wait3A_163 = arith.constant 0 : i32
        %dma_wait3A_164 = tpu.memref_slice %arg5[%arg1, %dma_wait3A_162, %dma_wait3A_163] : memref<16x96x105xi32, #tpu.memory_space<hbm>> -> memref<1x48x105xi32, #tpu.memory_space<hbm>>
        %dma_wait3A_165 = tpu.memref_squeeze %dma_wait3A_164 : memref<1x48x105xi32, #tpu.memory_space<hbm>> -> memref<48x105xi32, #tpu.memory_space<hbm>>
        tpu.wait_dma2 semaphore(%run_scoped3A_133 : memref<!tpu.dma_semaphore, #tpu.memory_space<semaphore_mem>>) src(%dma_wait3A_165 : memref<48x105xi32, #tpu.memory_space<hbm>>) dst(%dma_wait3A_161 : memref<48x105xi32, #tpu.memory_space<vmem>>)
        tpu.yield
      }) : () -> ()
      %dma_start3A = arith.constant 0 : i32
      %dma_start3A_70 = arith.constant 0 : i32
      %dma_start3A_71 = arith.constant 0 : i32
      %dma_start3A_72 = arith.constant 0 : i32
      %dma_start3A_73 = arith.constant 0 : i32
      %dma_start3A_74 = tpu.memref_slice %arg12[%dma_start3A_71, %dma_start3A_72, %dma_start3A_73] : memref<2x105x128xf32, #tpu.memory_space<vmem>> -> memref<1x105x128xf32, #tpu.memory_space<vmem>>
      %dma_start3A_75 = tpu.memref_squeeze %dma_start3A_74 : memref<1x105x128xf32, #tpu.memory_space<vmem>> -> memref<105x128xf32, #tpu.memory_space<vmem>>
      %dma_start3A_76 = arith.constant 0 : i32
      %dma_start3A_77 = tpu.memref_slice %arg11[%dma_start3A, %dma_start3A_70, %dma_start3A_76] : memref<2x48x105xi32, #tpu.memory_space<vmem>> -> memref<1x1x105xi32, #tpu.memory_space<vmem>>
      %dma_start3A_78 = tpu.memref_squeeze %dma_start3A_77 : memref<1x1x105xi32, #tpu.memory_space<vmem>> -> memref<105xi32, #tpu.memory_space<vmem>>
      %dma_start3A_79 = arith.constant 0 : i32
      %dma_start3A_80 = arith.constant 0 : i32
      %dma_start3A_81 = tpu.memref_slice %arg3[%dma_start3A_79, %dma_start3A_80] : memref<10240x128xf32, #tpu.memory_space<hbm>> -> memref<10240x128xf32, #tpu.memory_space<hbm>>
      tpu.enqueue_indirect_dma source(%dma_start3A_81 : memref<10240x128xf32, #tpu.memory_space<hbm>>) target(%dma_start3A_75 : memref<105x128xf32, #tpu.memory_space<vmem>>) offsets(%dma_start3A_78 : memref<105xi32, #tpu.memory_space<vmem>>) semaphore(%arg14 : memref<!tpu.dma_semaphore, #tpu.memory_space<semaphore_mem>>)
      %scan3A = arith.constant 0 : i32
      %scan3A_82 = arith.constant 0 : i32
      %scan3A_83 = arith.constant 48 : i32
      %scan3A_84 = arith.addi %scan3A_82, %scan3A_83 : i32
      %scan3A_85 = arith.constant 1 : i32
      scf.for %scan3A_133 = %scan3A_82 to %scan3A_84 step %scan3A_85  : i32 {
        %and3A = arith.constant 1 : i32
        %and3A_134 = arith.andi %scan3A_133, %and3A : i32
        %dma_wait3A_135 = arith.constant 0 : i32
        %dma_wait3A_136 = arith.constant 0 : i32
        %dma_wait3A_137 = arith.constant 0 : i32
        %dma_wait3A_138 = tpu.memref_slice %arg12[%and3A_134, %dma_wait3A_136, %dma_wait3A_137] : memref<2x105x128xf32, #tpu.memory_space<vmem>> -> memref<1x105x128xf32, #tpu.memory_space<vmem>>
        %dma_wait3A_139 = tpu.memref_squeeze %dma_wait3A_138 : memref<1x105x128xf32, #tpu.memory_space<vmem>> -> memref<105x128xf32, #tpu.memory_space<vmem>>
        %dma_wait3A_140 = arith.constant 0 : i32
        %dma_wait3A_141 = tpu.memref_slice %arg11[%dma_wait3A_135, %scan3A_133, %dma_wait3A_140] : memref<2x48x105xi32, #tpu.memory_space<vmem>> -> memref<1x1x105xi32, #tpu.memory_space<vmem>>
        %dma_wait3A_142 = tpu.memref_squeeze %dma_wait3A_141 : memref<1x1x105xi32, #tpu.memory_space<vmem>> -> memref<105xi32, #tpu.memory_space<vmem>>
        %dma_wait3A_143 = arith.constant 0 : i32
        %dma_wait3A_144 = arith.constant 0 : i32
        %dma_wait3A_145 = tpu.memref_slice %arg3[%dma_wait3A_143, %dma_wait3A_144] : memref<10240x128xf32, #tpu.memory_space<hbm>> -> memref<10240x128xf32, #tpu.memory_space<hbm>>
        tpu.wait_indirect_dma semaphore(%arg14 : memref<!tpu.dma_semaphore, #tpu.memory_space<semaphore_mem>>) src(%dma_wait3A_145 : memref<10240x128xf32, #tpu.memory_space<hbm>>) dst(%dma_wait3A_139 : memref<105x128xf32, #tpu.memory_space<vmem>>)
        %ge3A = arith.constant 1 : i32
        %ge3A_146 = arith.cmpi sge, %scan3A_133, %ge3A : i32
        %convert_element_type3A_147 = arith.extui %ge3A_146 : i1 to i32
        %cond3A_148 = arith.constant 0 : i32
        %cond3A_149 = arith.cmpi ne, %convert_element_type3A_147, %cond3A_148 : i32
        scf.if %cond3A_149 {
          %sub3A = arith.constant 1 : i32
          %sub3A_165 = arith.subi %scan3A_133, %sub3A : i32
          %sub3A_166 = arith.constant 1 : i32
          %sub3A_167 = arith.subi %sub3A_166, %and3A_134 : i32
          %dma_wait3A_168 = arith.constant 1 : i32
          %dma_wait3A_169 = arith.constant 0 : i32
          %dma_wait3A_170 = arith.constant 0 : i32
          %dma_wait3A_171 = tpu.memref_slice %arg12[%sub3A_167, %dma_wait3A_169, %dma_wait3A_170] : memref<2x105x128xf32, #tpu.memory_space<vmem>> -> memref<1x105x128xf32, #tpu.memory_space<vmem>>
          %dma_wait3A_172 = tpu.memref_squeeze %dma_wait3A_171 : memref<1x105x128xf32, #tpu.memory_space<vmem>> -> memref<105x128xf32, #tpu.memory_space<vmem>>
          %dma_wait3A_173 = arith.constant 0 : i32
          %dma_wait3A_174 = tpu.memref_slice %arg11[%dma_wait3A_168, %sub3A_165, %dma_wait3A_173] : memref<2x48x105xi32, #tpu.memory_space<vmem>> -> memref<1x1x105xi32, #tpu.memory_space<vmem>>
          %dma_wait3A_175 = tpu.memref_squeeze %dma_wait3A_174 : memref<1x1x105xi32, #tpu.memory_space<vmem>> -> memref<105xi32, #tpu.memory_space<vmem>>
          %dma_wait3A_176 = arith.constant 0 : i32
          %dma_wait3A_177 = arith.constant 0 : i32
          %dma_wait3A_178 = tpu.memref_slice %arg13[%dma_wait3A_176, %dma_wait3A_177] : memref<10240x128xf32, #tpu.memory_space<vmem_shared>> -> memref<10240x128xf32, #tpu.memory_space<vmem_shared>>
          tpu.wait_indirect_dma semaphore(%arg15 : memref<!tpu.dma_semaphore, #tpu.memory_space<semaphore_mem>>) src(%dma_wait3A_172 : memref<105x128xf32, #tpu.memory_space<vmem>>) dst(%dma_wait3A_178 : memref<10240x128xf32, #tpu.memory_space<vmem_shared>>)
        } else {
        }
        %lt3A = arith.constant 47 : i32
        %lt3A_150 = arith.cmpi slt, %scan3A_133, %lt3A : i32
        %convert_element_type3A_151 = arith.extui %lt3A_150 : i1 to i32
        %cond3A_152 = arith.constant 0 : i32
        %cond3A_153 = arith.cmpi ne, %convert_element_type3A_151, %cond3A_152 : i32
        scf.if %cond3A_153 {
          %add3A = arith.constant 1 : i32
          %add3A_165 = arith.addi %scan3A_133, %add3A : i32
          %sub3A = arith.constant 1 : i32
          %sub3A_166 = arith.subi %sub3A, %and3A_134 : i32
          %dma_start3A_167 = arith.constant 0 : i32
          %dma_start3A_168 = arith.constant 0 : i32
          %dma_start3A_169 = arith.constant 0 : i32
          %dma_start3A_170 = tpu.memref_slice %arg12[%sub3A_166, %dma_start3A_168, %dma_start3A_169] : memref<2x105x128xf32, #tpu.memory_space<vmem>> -> memref<1x105x128xf32, #tpu.memory_space<vmem>>
          %dma_start3A_171 = tpu.memref_squeeze %dma_start3A_170 : memref<1x105x128xf32, #tpu.memory_space<vmem>> -> memref<105x128xf32, #tpu.memory_space<vmem>>
          %dma_start3A_172 = arith.constant 0 : i32
          %dma_start3A_173 = tpu.memref_slice %arg11[%dma_start3A_167, %add3A_165, %dma_start3A_172] : memref<2x48x105xi32, #tpu.memory_space<vmem>> -> memref<1x1x105xi32, #tpu.memory_space<vmem>>
          %dma_start3A_174 = tpu.memref_squeeze %dma_start3A_173 : memref<1x1x105xi32, #tpu.memory_space<vmem>> -> memref<105xi32, #tpu.memory_space<vmem>>
          %dma_start3A_175 = arith.constant 0 : i32
          %dma_start3A_176 = arith.constant 0 : i32
          %dma_start3A_177 = tpu.memref_slice %arg3[%dma_start3A_175, %dma_start3A_176] : memref<10240x128xf32, #tpu.memory_space<hbm>> -> memref<10240x128xf32, #tpu.memory_space<hbm>>
          tpu.enqueue_indirect_dma source(%dma_start3A_177 : memref<10240x128xf32, #tpu.memory_space<hbm>>) target(%dma_start3A_171 : memref<105x128xf32, #tpu.memory_space<vmem>>) offsets(%dma_start3A_174 : memref<105xi32, #tpu.memory_space<vmem>>) semaphore(%arg14 : memref<!tpu.dma_semaphore, #tpu.memory_space<semaphore_mem>>)
        } else {
        }
        %dma_start3A_154 = arith.constant 1 : i32
        %dma_start3A_155 = arith.constant 0 : i32
        %dma_start3A_156 = arith.constant 0 : i32
        %dma_start3A_157 = tpu.memref_slice %arg12[%and3A_134, %dma_start3A_155, %dma_start3A_156] : memref<2x105x128xf32, #tpu.memory_space<vmem>> -> memref<1x105x128xf32, #tpu.memory_space<vmem>>
        %dma_start3A_158 = tpu.memref_squeeze %dma_start3A_157 : memref<1x105x128xf32, #tpu.memory_space<vmem>> -> memref<105x128xf32, #tpu.memory_space<vmem>>
        %dma_start3A_159 = arith.constant 0 : i32
        %dma_start3A_160 = tpu.memref_slice %arg11[%dma_start3A_154, %scan3A_133, %dma_start3A_159] : memref<2x48x105xi32, #tpu.memory_space<vmem>> -> memref<1x1x105xi32, #tpu.memory_space<vmem>>
        %dma_start3A_161 = tpu.memref_squeeze %dma_start3A_160 : memref<1x1x105xi32, #tpu.memory_space<vmem>> -> memref<105xi32, #tpu.memory_space<vmem>>
        %dma_start3A_162 = arith.constant 0 : i32
        %dma_start3A_163 = arith.constant 0 : i32
        %dma_start3A_164 = tpu.memref_slice %arg13[%dma_start3A_162, %dma_start3A_163] : memref<10240x128xf32, #tpu.memory_space<vmem_shared>> -> memref<10240x128xf32, #tpu.memory_space<vmem_shared>>
        tpu.enqueue_indirect_dma source(%dma_start3A_158 : memref<105x128xf32, #tpu.memory_space<vmem>>) target(%dma_start3A_164 : memref<10240x128xf32, #tpu.memory_space<vmem_shared>>) offsets(%dma_start3A_161 : memref<105xi32, #tpu.memory_space<vmem>>) semaphore(%arg15 : memref<!tpu.dma_semaphore, #tpu.memory_space<semaphore_mem>>) {add = true}
      }
      %scan3A_86 = arith.constant 48 : i32
      %dma_wait3A = arith.constant 1 : i32
      %dma_wait3A_87 = arith.constant 1 : i32
      %dma_wait3A_88 = arith.constant 47 : i32
      %dma_wait3A_89 = arith.constant 0 : i32
      %dma_wait3A_90 = arith.constant 0 : i32
      %dma_wait3A_91 = tpu.memref_slice %arg12[%dma_wait3A, %dma_wait3A_89, %dma_wait3A_90] : memref<2x105x128xf32, #tpu.memory_space<vmem>> -> memref<1x105x128xf32, #tpu.memory_space<vmem>>
      %dma_wait3A_92 = tpu.memref_squeeze %dma_wait3A_91 : memref<1x105x128xf32, #tpu.memory_space<vmem>> -> memref<105x128xf32, #tpu.memory_space<vmem>>
      %dma_wait3A_93 = arith.constant 0 : i32
      %dma_wait3A_94 = tpu.memref_slice %arg11[%dma_wait3A_87, %dma_wait3A_88, %dma_wait3A_93] : memref<2x48x105xi32, #tpu.memory_space<vmem>> -> memref<1x1x105xi32, #tpu.memory_space<vmem>>
      %dma_wait3A_95 = tpu.memref_squeeze %dma_wait3A_94 : memref<1x1x105xi32, #tpu.memory_space<vmem>> -> memref<105xi32, #tpu.memory_space<vmem>>
      %dma_wait3A_96 = arith.constant 0 : i32
      %dma_wait3A_97 = arith.constant 0 : i32
      %dma_wait3A_98 = tpu.memref_slice %arg13[%dma_wait3A_96, %dma_wait3A_97] : memref<10240x128xf32, #tpu.memory_space<vmem_shared>> -> memref<10240x128xf32, #tpu.memory_space<vmem_shared>>
      tpu.wait_indirect_dma semaphore(%arg15 : memref<!tpu.dma_semaphore, #tpu.memory_space<semaphore_mem>>) src(%dma_wait3A_92 : memref<105x128xf32, #tpu.memory_space<vmem>>) dst(%dma_wait3A_98 : memref<10240x128xf32, #tpu.memory_space<vmem_shared>>)
      %run_scoped3A_99 = arith.constant 0 : i32
      "tpu.region"() ({
        %run_scoped3A_133 = tpu.sem_alloc : memref<!tpu.dma_semaphore, #tpu.memory_space<semaphore_mem>>
        %dma_start3A_134 = arith.constant 0 : i32
        %dma_start3A_135 = arith.constant 0 : i32
        %dma_start3A_136 = tpu.memref_slice %arg11[%run_scoped3A_99, %dma_start3A_134, %dma_start3A_135] : memref<2x48x105xi32, #tpu.memory_space<vmem>> -> memref<1x48x105xi32, #tpu.memory_space<vmem>>
        %dma_start3A_137 = tpu.memref_squeeze %dma_start3A_136 : memref<1x48x105xi32, #tpu.memory_space<vmem>> -> memref<48x105xi32, #tpu.memory_space<vmem>>
        %dma_start3A_138 = arith.constant 48 : i32
        %dma_start3A_139 = arith.constant 0 : i32
        %dma_start3A_140 = tpu.memref_slice %arg4[%arg1, %dma_start3A_138, %dma_start3A_139] : memref<16x96x105xi32, #tpu.memory_space<hbm>> -> memref<1x48x105xi32, #tpu.memory_space<hbm>>
        %dma_start3A_141 = tpu.memref_squeeze %dma_start3A_140 : memref<1x48x105xi32, #tpu.memory_space<hbm>> -> memref<48x105xi32, #tpu.memory_space<hbm>>
        %dma_start3A_142 = arith.constant 0 : i32
        %dma_start3A_143 = arith.constant 0 : i32
        %dma_start3A_144 = tpu.memref_slice %arg11[%run_scoped3A_99, %dma_start3A_142, %dma_start3A_143] : memref<2x48x105xi32, #tpu.memory_space<vmem>> -> memref<1x48x105xi32, #tpu.memory_space<vmem>>
        %dma_start3A_145 = tpu.memref_squeeze %dma_start3A_144 : memref<1x48x105xi32, #tpu.memory_space<vmem>> -> memref<48x105xi32, #tpu.memory_space<vmem>>
        %dma_start3A_146 = arith.constant 48 : i32
        %dma_start3A_147 = arith.constant 0 : i32
        %dma_start3A_148 = tpu.memref_slice %arg4[%arg1, %dma_start3A_146, %dma_start3A_147] : memref<16x96x105xi32, #tpu.memory_space<hbm>> -> memref<1x48x105xi32, #tpu.memory_space<hbm>>
        %dma_start3A_149 = tpu.memref_squeeze %dma_start3A_148 : memref<1x48x105xi32, #tpu.memory_space<hbm>> -> memref<48x105xi32, #tpu.memory_space<hbm>>
        tpu.enqueue_dma source(%dma_start3A_149 : memref<48x105xi32, #tpu.memory_space<hbm>>) target(%dma_start3A_145 : memref<48x105xi32, #tpu.memory_space<vmem>>) target_semaphore(%run_scoped3A_133 : memref<!tpu.dma_semaphore, #tpu.memory_space<semaphore_mem>>)
        %dma_wait3A_150 = arith.constant 0 : i32
        %dma_wait3A_151 = arith.constant 0 : i32
        %dma_wait3A_152 = tpu.memref_slice %arg11[%run_scoped3A_99, %dma_wait3A_150, %dma_wait3A_151] : memref<2x48x105xi32, #tpu.memory_space<vmem>> -> memref<1x48x105xi32, #tpu.memory_space<vmem>>
        %dma_wait3A_153 = tpu.memref_squeeze %dma_wait3A_152 : memref<1x48x105xi32, #tpu.memory_space<vmem>> -> memref<48x105xi32, #tpu.memory_space<vmem>>
        %dma_wait3A_154 = arith.constant 48 : i32
        %dma_wait3A_155 = arith.constant 0 : i32
        %dma_wait3A_156 = tpu.memref_slice %arg4[%arg1, %dma_wait3A_154, %dma_wait3A_155] : memref<16x96x105xi32, #tpu.memory_space<hbm>> -> memref<1x48x105xi32, #tpu.memory_space<hbm>>
        %dma_wait3A_157 = tpu.memref_squeeze %dma_wait3A_156 : memref<1x48x105xi32, #tpu.memory_space<hbm>> -> memref<48x105xi32, #tpu.memory_space<hbm>>
        %dma_wait3A_158 = arith.constant 0 : i32
        %dma_wait3A_159 = arith.constant 0 : i32
        %dma_wait3A_160 = tpu.memref_slice %arg11[%run_scoped3A_99, %dma_wait3A_158, %dma_wait3A_159] : memref<2x48x105xi32, #tpu.memory_space<vmem>> -> memref<1x48x105xi32, #tpu.memory_space<vmem>>
        %dma_wait3A_161 = tpu.memref_squeeze %dma_wait3A_160 : memref<1x48x105xi32, #tpu.memory_space<vmem>> -> memref<48x105xi32, #tpu.memory_space<vmem>>
        %dma_wait3A_162 = arith.constant 48 : i32
        %dma_wait3A_163 = arith.constant 0 : i32
        %dma_wait3A_164 = tpu.memref_slice %arg4[%arg1, %dma_wait3A_162, %dma_wait3A_163] : memref<16x96x105xi32, #tpu.memory_space<hbm>> -> memref<1x48x105xi32, #tpu.memory_space<hbm>>
        %dma_wait3A_165 = tpu.memref_squeeze %dma_wait3A_164 : memref<1x48x105xi32, #tpu.memory_space<hbm>> -> memref<48x105xi32, #tpu.memory_space<hbm>>
        tpu.wait_dma2 semaphore(%run_scoped3A_133 : memref<!tpu.dma_semaphore, #tpu.memory_space<semaphore_mem>>) src(%dma_wait3A_165 : memref<48x105xi32, #tpu.memory_space<hbm>>) dst(%dma_wait3A_161 : memref<48x105xi32, #tpu.memory_space<vmem>>)
        tpu.yield
      }) : () -> ()
      %run_scoped3A_100 = arith.constant 1 : i32
      "tpu.region"() ({
        %run_scoped3A_133 = tpu.sem_alloc : memref<!tpu.dma_semaphore, #tpu.memory_space<semaphore_mem>>
        %dma_start3A_134 = arith.constant 0 : i32
        %dma_start3A_135 = arith.constant 0 : i32
        %dma_start3A_136 = tpu.memref_slice %arg11[%run_scoped3A_100, %dma_start3A_134, %dma_start3A_135] : memref<2x48x105xi32, #tpu.memory_space<vmem>> -> memref<1x48x105xi32, #tpu.memory_space<vmem>>
        %dma_start3A_137 = tpu.memref_squeeze %dma_start3A_136 : memref<1x48x105xi32, #tpu.memory_space<vmem>> -> memref<48x105xi32, #tpu.memory_space<vmem>>
        %dma_start3A_138 = arith.constant 48 : i32
        %dma_start3A_139 = arith.constant 0 : i32
        %dma_start3A_140 = tpu.memref_slice %arg5[%arg1, %dma_start3A_138, %dma_start3A_139] : memref<16x96x105xi32, #tpu.memory_space<hbm>> -> memref<1x48x105xi32, #tpu.memory_space<hbm>>
        %dma_start3A_141 = tpu.memref_squeeze %dma_start3A_140 : memref<1x48x105xi32, #tpu.memory_space<hbm>> -> memref<48x105xi32, #tpu.memory_space<hbm>>
        %dma_start3A_142 = arith.constant 0 : i32
        %dma_start3A_143 = arith.constant 0 : i32
        %dma_start3A_144 = tpu.memref_slice %arg11[%run_scoped3A_100, %dma_start3A_142, %dma_start3A_143] : memref<2x48x105xi32, #tpu.memory_space<vmem>> -> memref<1x48x105xi32, #tpu.memory_space<vmem>>
        %dma_start3A_145 = tpu.memref_squeeze %dma_start3A_144 : memref<1x48x105xi32, #tpu.memory_space<vmem>> -> memref<48x105xi32, #tpu.memory_space<vmem>>
        %dma_start3A_146 = arith.constant 48 : i32
        %dma_start3A_147 = arith.constant 0 : i32
        %dma_start3A_148 = tpu.memref_slice %arg5[%arg1, %dma_start3A_146, %dma_start3A_147] : memref<16x96x105xi32, #tpu.memory_space<hbm>> -> memref<1x48x105xi32, #tpu.memory_space<hbm>>
        %dma_start3A_149 = tpu.memref_squeeze %dma_start3A_148 : memref<1x48x105xi32, #tpu.memory_space<hbm>> -> memref<48x105xi32, #tpu.memory_space<hbm>>
        tpu.enqueue_dma source(%dma_start3A_149 : memref<48x105xi32, #tpu.memory_space<hbm>>) target(%dma_start3A_145 : memref<48x105xi32, #tpu.memory_space<vmem>>) target_semaphore(%run_scoped3A_133 : memref<!tpu.dma_semaphore, #tpu.memory_space<semaphore_mem>>)
        %dma_wait3A_150 = arith.constant 0 : i32
        %dma_wait3A_151 = arith.constant 0 : i32
        %dma_wait3A_152 = tpu.memref_slice %arg11[%run_scoped3A_100, %dma_wait3A_150, %dma_wait3A_151] : memref<2x48x105xi32, #tpu.memory_space<vmem>> -> memref<1x48x105xi32, #tpu.memory_space<vmem>>
        %dma_wait3A_153 = tpu.memref_squeeze %dma_wait3A_152 : memref<1x48x105xi32, #tpu.memory_space<vmem>> -> memref<48x105xi32, #tpu.memory_space<vmem>>
        %dma_wait3A_154 = arith.constant 48 : i32
        %dma_wait3A_155 = arith.constant 0 : i32
        %dma_wait3A_156 = tpu.memref_slice %arg5[%arg1, %dma_wait3A_154, %dma_wait3A_155] : memref<16x96x105xi32, #tpu.memory_space<hbm>> -> memref<1x48x105xi32, #tpu.memory_space<hbm>>
        %dma_wait3A_157 = tpu.memref_squeeze %dma_wait3A_156 : memref<1x48x105xi32, #tpu.memory_space<hbm>> -> memref<48x105xi32, #tpu.memory_space<hbm>>
        %dma_wait3A_158 = arith.constant 0 : i32
        %dma_wait3A_159 = arith.constant 0 : i32
        %dma_wait3A_160 = tpu.memref_slice %arg11[%run_scoped3A_100, %dma_wait3A_158, %dma_wait3A_159] : memref<2x48x105xi32, #tpu.memory_space<vmem>> -> memref<1x48x105xi32, #tpu.memory_space<vmem>>
        %dma_wait3A_161 = tpu.memref_squeeze %dma_wait3A_160 : memref<1x48x105xi32, #tpu.memory_space<vmem>> -> memref<48x105xi32, #tpu.memory_space<vmem>>
        %dma_wait3A_162 = arith.constant 48 : i32
        %dma_wait3A_163 = arith.constant 0 : i32
        %dma_wait3A_164 = tpu.memref_slice %arg5[%arg1, %dma_wait3A_162, %dma_wait3A_163] : memref<16x96x105xi32, #tpu.memory_space<hbm>> -> memref<1x48x105xi32, #tpu.memory_space<hbm>>
        %dma_wait3A_165 = tpu.memref_squeeze %dma_wait3A_164 : memref<1x48x105xi32, #tpu.memory_space<hbm>> -> memref<48x105xi32, #tpu.memory_space<hbm>>
        tpu.wait_dma2 semaphore(%run_scoped3A_133 : memref<!tpu.dma_semaphore, #tpu.memory_space<semaphore_mem>>) src(%dma_wait3A_165 : memref<48x105xi32, #tpu.memory_space<hbm>>) dst(%dma_wait3A_161 : memref<48x105xi32, #tpu.memory_space<vmem>>)
        tpu.yield
      }) : () -> ()
      %dma_start3A_101 = arith.constant 0 : i32
      %dma_start3A_102 = arith.constant 0 : i32
      %dma_start3A_103 = arith.constant 0 : i32
      %dma_start3A_104 = arith.constant 0 : i32
      %dma_start3A_105 = arith.constant 0 : i32
      %dma_start3A_106 = tpu.memref_slice %arg12[%dma_start3A_103, %dma_start3A_104, %dma_start3A_105] : memref<2x105x128xf32, #tpu.memory_space<vmem>> -> memref<1x105x128xf32, #tpu.memory_space<vmem>>
      %dma_start3A_107 = tpu.memref_squeeze %dma_start3A_106 : memref<1x105x128xf32, #tpu.memory_space<vmem>> -> memref<105x128xf32, #tpu.memory_space<vmem>>
      %dma_start3A_108 = arith.constant 0 : i32
      %dma_start3A_109 = tpu.memref_slice %arg11[%dma_start3A_101, %dma_start3A_102, %dma_start3A_108] : memref<2x48x105xi32, #tpu.memory_space<vmem>> -> memref<1x1x105xi32, #tpu.memory_space<vmem>>
      %dma_start3A_110 = tpu.memref_squeeze %dma_start3A_109 : memref<1x1x105xi32, #tpu.memory_space<vmem>> -> memref<105xi32, #tpu.memory_space<vmem>>
      %dma_start3A_111 = arith.constant 0 : i32
      %dma_start3A_112 = arith.constant 0 : i32
      %dma_start3A_113 = tpu.memref_slice %arg3[%dma_start3A_111, %dma_start3A_112] : memref<10240x128xf32, #tpu.memory_space<hbm>> -> memref<10240x128xf32, #tpu.memory_space<hbm>>
      tpu.enqueue_indirect_dma source(%dma_start3A_113 : memref<10240x128xf32, #tpu.memory_space<hbm>>) target(%dma_start3A_107 : memref<105x128xf32, #tpu.memory_space<vmem>>) offsets(%dma_start3A_110 : memref<105xi32, #tpu.memory_space<vmem>>) semaphore(%arg14 : memref<!tpu.dma_semaphore, #tpu.memory_space<semaphore_mem>>)
      %scan3A_114 = arith.constant 0 : i32
      %scan3A_115 = arith.constant 0 : i32
      %scan3A_116 = arith.constant 48 : i32
      %scan3A_117 = arith.addi %scan3A_115, %scan3A_116 : i32
      %scan3A_118 = arith.constant 1 : i32
      scf.for %scan3A_133 = %scan3A_115 to %scan3A_117 step %scan3A_118  : i32 {
        %and3A = arith.constant 1 : i32
        %and3A_134 = arith.andi %scan3A_133, %and3A : i32
        %dma_wait3A_135 = arith.constant 0 : i32
        %dma_wait3A_136 = arith.constant 0 : i32
        %dma_wait3A_137 = arith.constant 0 : i32
        %dma_wait3A_138 = tpu.memref_slice %arg12[%and3A_134, %dma_wait3A_136, %dma_wait3A_137] : memref<2x105x128xf32, #tpu.memory_space<vmem>> -> memref<1x105x128xf32, #tpu.memory_space<vmem>>
        %dma_wait3A_139 = tpu.memref_squeeze %dma_wait3A_138 : memref<1x105x128xf32, #tpu.memory_space<vmem>> -> memref<105x128xf32, #tpu.memory_space<vmem>>
        %dma_wait3A_140 = arith.constant 0 : i32
        %dma_wait3A_141 = tpu.memref_slice %arg11[%dma_wait3A_135, %scan3A_133, %dma_wait3A_140] : memref<2x48x105xi32, #tpu.memory_space<vmem>> -> memref<1x1x105xi32, #tpu.memory_space<vmem>>
        %dma_wait3A_142 = tpu.memref_squeeze %dma_wait3A_141 : memref<1x1x105xi32, #tpu.memory_space<vmem>> -> memref<105xi32, #tpu.memory_space<vmem>>
        %dma_wait3A_143 = arith.constant 0 : i32
        %dma_wait3A_144 = arith.constant 0 : i32
        %dma_wait3A_145 = tpu.memref_slice %arg3[%dma_wait3A_143, %dma_wait3A_144] : memref<10240x128xf32, #tpu.memory_space<hbm>> -> memref<10240x128xf32, #tpu.memory_space<hbm>>
        tpu.wait_indirect_dma semaphore(%arg14 : memref<!tpu.dma_semaphore, #tpu.memory_space<semaphore_mem>>) src(%dma_wait3A_145 : memref<10240x128xf32, #tpu.memory_space<hbm>>) dst(%dma_wait3A_139 : memref<105x128xf32, #tpu.memory_space<vmem>>)
        %ge3A = arith.constant 1 : i32
        %ge3A_146 = arith.cmpi sge, %scan3A_133, %ge3A : i32
        %convert_element_type3A_147 = arith.extui %ge3A_146 : i1 to i32
        %cond3A_148 = arith.constant 0 : i32
        %cond3A_149 = arith.cmpi ne, %convert_element_type3A_147, %cond3A_148 : i32
        scf.if %cond3A_149 {
          %sub3A = arith.constant 1 : i32
          %sub3A_165 = arith.subi %scan3A_133, %sub3A : i32
          %sub3A_166 = arith.constant 1 : i32
          %sub3A_167 = arith.subi %sub3A_166, %and3A_134 : i32
          %dma_wait3A_168 = arith.constant 1 : i32
          %dma_wait3A_169 = arith.constant 0 : i32
          %dma_wait3A_170 = arith.constant 0 : i32
          %dma_wait3A_171 = tpu.memref_slice %arg12[%sub3A_167, %dma_wait3A_169, %dma_wait3A_170] : memref<2x105x128xf32, #tpu.memory_space<vmem>> -> memref<1x105x128xf32, #tpu.memory_space<vmem>>
          %dma_wait3A_172 = tpu.memref_squeeze %dma_wait3A_171 : memref<1x105x128xf32, #tpu.memory_space<vmem>> -> memref<105x128xf32, #tpu.memory_space<vmem>>
          %dma_wait3A_173 = arith.constant 0 : i32
          %dma_wait3A_174 = tpu.memref_slice %arg11[%dma_wait3A_168, %sub3A_165, %dma_wait3A_173] : memref<2x48x105xi32, #tpu.memory_space<vmem>> -> memref<1x1x105xi32, #tpu.memory_space<vmem>>
          %dma_wait3A_175 = tpu.memref_squeeze %dma_wait3A_174 : memref<1x1x105xi32, #tpu.memory_space<vmem>> -> memref<105xi32, #tpu.memory_space<vmem>>
          %dma_wait3A_176 = arith.constant 0 : i32
          %dma_wait3A_177 = arith.constant 0 : i32
          %dma_wait3A_178 = tpu.memref_slice %arg13[%dma_wait3A_176, %dma_wait3A_177] : memref<10240x128xf32, #tpu.memory_space<vmem_shared>> -> memref<10240x128xf32, #tpu.memory_space<vmem_shared>>
          tpu.wait_indirect_dma semaphore(%arg15 : memref<!tpu.dma_semaphore, #tpu.memory_space<semaphore_mem>>) src(%dma_wait3A_172 : memref<105x128xf32, #tpu.memory_space<vmem>>) dst(%dma_wait3A_178 : memref<10240x128xf32, #tpu.memory_space<vmem_shared>>)
        } else {
        }
        %lt3A = arith.constant 47 : i32
        %lt3A_150 = arith.cmpi slt, %scan3A_133, %lt3A : i32
        %convert_element_type3A_151 = arith.extui %lt3A_150 : i1 to i32
        %cond3A_152 = arith.constant 0 : i32
        %cond3A_153 = arith.cmpi ne, %convert_element_type3A_151, %cond3A_152 : i32
        scf.if %cond3A_153 {
          %add3A = arith.constant 1 : i32
          %add3A_165 = arith.addi %scan3A_133, %add3A : i32
          %sub3A = arith.constant 1 : i32
          %sub3A_166 = arith.subi %sub3A, %and3A_134 : i32
          %dma_start3A_167 = arith.constant 0 : i32
          %dma_start3A_168 = arith.constant 0 : i32
          %dma_start3A_169 = arith.constant 0 : i32
          %dma_start3A_170 = tpu.memref_slice %arg12[%sub3A_166, %dma_start3A_168, %dma_start3A_169] : memref<2x105x128xf32, #tpu.memory_space<vmem>> -> memref<1x105x128xf32, #tpu.memory_space<vmem>>
          %dma_start3A_171 = tpu.memref_squeeze %dma_start3A_170 : memref<1x105x128xf32, #tpu.memory_space<vmem>> -> memref<105x128xf32, #tpu.memory_space<vmem>>
          %dma_start3A_172 = arith.constant 0 : i32
          %dma_start3A_173 = tpu.memref_slice %arg11[%dma_start3A_167, %add3A_165, %dma_start3A_172] : memref<2x48x105xi32, #tpu.memory_space<vmem>> -> memref<1x1x105xi32, #tpu.memory_space<vmem>>
          %dma_start3A_174 = tpu.memref_squeeze %dma_start3A_173 : memref<1x1x105xi32, #tpu.memory_space<vmem>> -> memref<105xi32, #tpu.memory_space<vmem>>
          %dma_start3A_175 = arith.constant 0 : i32
          %dma_start3A_176 = arith.constant 0 : i32
          %dma_start3A_177 = tpu.memref_slice %arg3[%dma_start3A_175, %dma_start3A_176] : memref<10240x128xf32, #tpu.memory_space<hbm>> -> memref<10240x128xf32, #tpu.memory_space<hbm>>
          tpu.enqueue_indirect_dma source(%dma_start3A_177 : memref<10240x128xf32, #tpu.memory_space<hbm>>) target(%dma_start3A_171 : memref<105x128xf32, #tpu.memory_space<vmem>>) offsets(%dma_start3A_174 : memref<105xi32, #tpu.memory_space<vmem>>) semaphore(%arg14 : memref<!tpu.dma_semaphore, #tpu.memory_space<semaphore_mem>>)
        } else {
        }
        %dma_start3A_154 = arith.constant 1 : i32
        %dma_start3A_155 = arith.constant 0 : i32
        %dma_start3A_156 = arith.constant 0 : i32
        %dma_start3A_157 = tpu.memref_slice %arg12[%and3A_134, %dma_start3A_155, %dma_start3A_156] : memref<2x105x128xf32, #tpu.memory_space<vmem>> -> memref<1x105x128xf32, #tpu.memory_space<vmem>>
        %dma_start3A_158 = tpu.memref_squeeze %dma_start3A_157 : memref<1x105x128xf32, #tpu.memory_space<vmem>> -> memref<105x128xf32, #tpu.memory_space<vmem>>
        %dma_start3A_159 = arith.constant 0 : i32
        %dma_start3A_160 = tpu.memref_slice %arg11[%dma_start3A_154, %scan3A_133, %dma_start3A_159] : memref<2x48x105xi32, #tpu.memory_space<vmem>> -> memref<1x1x105xi32, #tpu.memory_space<vmem>>
        %dma_start3A_161 = tpu.memref_squeeze %dma_start3A_160 : memref<1x1x105xi32, #tpu.memory_space<vmem>> -> memref<105xi32, #tpu.memory_space<vmem>>
        %dma_start3A_162 = arith.constant 0 : i32
        %dma_start3A_163 = arith.constant 0 : i32
        %dma_start3A_164 = tpu.memref_slice %arg13[%dma_start3A_162, %dma_start3A_163] : memref<10240x128xf32, #tpu.memory_space<vmem_shared>> -> memref<10240x128xf32, #tpu.memory_space<vmem_shared>>
        tpu.enqueue_indirect_dma source(%dma_start3A_158 : memref<105x128xf32, #tpu.memory_space<vmem>>) target(%dma_start3A_164 : memref<10240x128xf32, #tpu.memory_space<vmem_shared>>) offsets(%dma_start3A_161 : memref<105xi32, #tpu.memory_space<vmem>>) semaphore(%arg15 : memref<!tpu.dma_semaphore, #tpu.memory_space<semaphore_mem>>) {add = true}
      }
      %scan3A_119 = arith.constant 48 : i32
      %dma_wait3A_120 = arith.constant 1 : i32
      %dma_wait3A_121 = arith.constant 1 : i32
      %dma_wait3A_122 = arith.constant 47 : i32
      %dma_wait3A_123 = arith.constant 0 : i32
      %dma_wait3A_124 = arith.constant 0 : i32
      %dma_wait3A_125 = tpu.memref_slice %arg12[%dma_wait3A_120, %dma_wait3A_123, %dma_wait3A_124] : memref<2x105x128xf32, #tpu.memory_space<vmem>> -> memref<1x105x128xf32, #tpu.memory_space<vmem>>
      %dma_wait3A_126 = tpu.memref_squeeze %dma_wait3A_125 : memref<1x105x128xf32, #tpu.memory_space<vmem>> -> memref<105x128xf32, #tpu.memory_space<vmem>>
      %dma_wait3A_127 = arith.constant 0 : i32
      %dma_wait3A_128 = tpu.memref_slice %arg11[%dma_wait3A_121, %dma_wait3A_122, %dma_wait3A_127] : memref<2x48x105xi32, #tpu.memory_space<vmem>> -> memref<1x1x105xi32, #tpu.memory_space<vmem>>
      %dma_wait3A_129 = tpu.memref_squeeze %dma_wait3A_128 : memref<1x1x105xi32, #tpu.memory_space<vmem>> -> memref<105xi32, #tpu.memory_space<vmem>>
      %dma_wait3A_130 = arith.constant 0 : i32
      %dma_wait3A_131 = arith.constant 0 : i32
      %dma_wait3A_132 = tpu.memref_slice %arg13[%dma_wait3A_130, %dma_wait3A_131] : memref<10240x128xf32, #tpu.memory_space<vmem_shared>> -> memref<10240x128xf32, #tpu.memory_space<vmem_shared>>
      tpu.wait_indirect_dma semaphore(%arg15 : memref<!tpu.dma_semaphore, #tpu.memory_space<semaphore_mem>>) src(%dma_wait3A_126 : memref<105x128xf32, #tpu.memory_space<vmem>>) dst(%dma_wait3A_132 : memref<10240x128xf32, #tpu.memory_space<vmem_shared>>)
    } else {
    }
    %barrier3A_53 = arith.constant 0 : index
    tpu.barrier barrier_id(%barrier3A_53)
    %eq3A_54 = arith.constant 0 : i32
    %eq3A_55 = arith.cmpi eq, %arg0, %eq3A_54 : i32
    %convert_element_type3A_56 = arith.extui %eq3A_55 : i1 to i32
    %cond3A_57 = arith.constant 0 : i32
    %cond3A_58 = arith.cmpi ne, %convert_element_type3A_56, %cond3A_57 : i32
    scf.if %cond3A_58 {
      "tpu.region"() ({
        %run_scoped3A = tpu.sem_alloc : memref<!tpu.dma_semaphore, #tpu.memory_space<semaphore_mem>>
        %dma_start3A = arith.constant 0 : i32
        %dma_start3A_69 = tpu.memref_slice %arg8[%mul3A_0, %dma_start3A] : memref<10240x128xf32, #tpu.memory_space<hbm>> -> memref<640x128xf32, #tpu.memory_space<hbm>>
        %dma_start3A_70 = arith.constant 0 : i32
        %dma_start3A_71 = tpu.memref_slice %arg13[%mul3A_0, %dma_start3A_70] : memref<10240x128xf32, #tpu.memory_space<vmem_shared>> -> memref<640x128xf32, #tpu.memory_space<vmem_shared>>
        tpu.enqueue_dma source(%dma_start3A_71 : memref<640x128xf32, #tpu.memory_space<vmem_shared>>) target(%dma_start3A_69 : memref<640x128xf32, #tpu.memory_space<hbm>>) target_semaphore(%run_scoped3A : memref<!tpu.dma_semaphore, #tpu.memory_space<semaphore_mem>>)
        %dma_wait3A = arith.constant 0 : i32
        %dma_wait3A_72 = tpu.memref_slice %arg8[%mul3A_0, %dma_wait3A] : memref<10240x128xf32, #tpu.memory_space<hbm>> -> memref<640x128xf32, #tpu.memory_space<hbm>>
        %dma_wait3A_73 = arith.constant 0 : i32
        %dma_wait3A_74 = tpu.memref_slice %arg13[%mul3A_0, %dma_wait3A_73] : memref<10240x128xf32, #tpu.memory_space<vmem_shared>> -> memref<640x128xf32, #tpu.memory_space<vmem_shared>>
        tpu.wait_dma2 semaphore(%run_scoped3A : memref<!tpu.dma_semaphore, #tpu.memory_space<semaphore_mem>>) src(%dma_wait3A_74 : memref<640x128xf32, #tpu.memory_space<vmem_shared>>) dst(%dma_wait3A_72 : memref<640x128xf32, #tpu.memory_space<hbm>>)
        tpu.yield
      }) : () -> ()
    } else {
    }
    %eq3A_59 = arith.constant 1 : i32
    %eq3A_60 = arith.cmpi eq, %arg0, %eq3A_59 : i32
    %convert_element_type3A_61 = arith.extui %eq3A_60 : i1 to i32
    %cond3A_62 = arith.constant 0 : i32
    %cond3A_63 = arith.cmpi ne, %convert_element_type3A_61, %cond3A_62 : i32
    scf.if %cond3A_63 {
      "tpu.region"() ({
        %run_scoped3A = tpu.sem_alloc : memref<!tpu.dma_semaphore, #tpu.memory_space<semaphore_mem>>
        %dma_start3A = arith.constant 0 : i32
        %dma_start3A_69 = tpu.memref_slice %arg9[%mul3A_0, %dma_start3A] : memref<10240x128xf32, #tpu.memory_space<hbm>> -> memref<640x128xf32, #tpu.memory_space<hbm>>
        %dma_start3A_70 = arith.constant 0 : i32
        %dma_start3A_71 = tpu.memref_slice %arg13[%mul3A_0, %dma_start3A_70] : memref<10240x128xf32, #tpu.memory_space<vmem_shared>> -> memref<640x128xf32, #tpu.memory_space<vmem_shared>>
        tpu.enqueue_dma source(%dma_start3A_71 : memref<640x128xf32, #tpu.memory_space<vmem_shared>>) target(%dma_start3A_69 : memref<640x128xf32, #tpu.memory_space<hbm>>) target_semaphore(%run_scoped3A : memref<!tpu.dma_semaphore, #tpu.memory_space<semaphore_mem>>)
        %dma_wait3A = arith.constant 0 : i32
        %dma_wait3A_72 = tpu.memref_slice %arg9[%mul3A_0, %dma_wait3A] : memref<10240x128xf32, #tpu.memory_space<hbm>> -> memref<640x128xf32, #tpu.memory_space<hbm>>
        %dma_wait3A_73 = arith.constant 0 : i32
        %dma_wait3A_74 = tpu.memref_slice %arg13[%mul3A_0, %dma_wait3A_73] : memref<10240x128xf32, #tpu.memory_space<vmem_shared>> -> memref<640x128xf32, #tpu.memory_space<vmem_shared>>
        tpu.wait_dma2 semaphore(%run_scoped3A : memref<!tpu.dma_semaphore, #tpu.memory_space<semaphore_mem>>) src(%dma_wait3A_74 : memref<640x128xf32, #tpu.memory_space<vmem_shared>>) dst(%dma_wait3A_72 : memref<640x128xf32, #tpu.memory_space<hbm>>)
        tpu.yield
      }) : () -> ()
    } else {
    }
    %eq3A_64 = arith.constant 0 : i32
    %eq3A_65 = arith.cmpi eq, %arg0, %eq3A_64 : i32
    %convert_element_type3A_66 = arith.extui %eq3A_65 : i1 to i32
    %cond3A_67 = arith.constant 0 : i32
    %cond3A_68 = arith.cmpi ne, %convert_element_type3A_66, %cond3A_67 : i32
    scf.if %cond3A_68 {
      "tpu.region"() ({
        %run_scoped3A = tpu.sem_alloc : memref<!tpu.dma_semaphore, #tpu.memory_space<semaphore_mem>>
        %dma_start3A = tpu.memref_slice %arg10[%mul3A_0] : memref<10240xf32, #tpu.memory_space<hbm>> -> memref<640xf32, #tpu.memory_space<hbm>>
        %dma_start3A_69 = tpu.memref_slice %arg17[%mul3A_0] : memref<10240xf32, #tpu.memory_space<vmem_shared>> -> memref<640xf32, #tpu.memory_space<vmem_shared>>
        tpu.enqueue_dma source(%dma_start3A_69 : memref<640xf32, #tpu.memory_space<vmem_shared>>) target(%dma_start3A : memref<640xf32, #tpu.memory_space<hbm>>) target_semaphore(%run_scoped3A : memref<!tpu.dma_semaphore, #tpu.memory_space<semaphore_mem>>)
        %dma_wait3A = tpu.memref_slice %arg10[%mul3A_0] : memref<10240xf32, #tpu.memory_space<hbm>> -> memref<640xf32, #tpu.memory_space<hbm>>
        %dma_wait3A_70 = tpu.memref_slice %arg17[%mul3A_0] : memref<10240xf32, #tpu.memory_space<vmem_shared>> -> memref<640xf32, #tpu.memory_space<vmem_shared>>
        tpu.wait_dma2 semaphore(%run_scoped3A : memref<!tpu.dma_semaphore, #tpu.memory_space<semaphore_mem>>) src(%dma_wait3A_70 : memref<640xf32, #tpu.memory_space<vmem_shared>>) dst(%dma_wait3A : memref<640xf32, #tpu.memory_space<hbm>>)
        tpu.yield
      }) : () -> ()
    } else {
    }
    return
  }
}

#map = affine_map<(d0, d1) -> (0, 0)>
#map1 = affine_map<(d0, d1) -> (0, 0, 0)>
module attributes {stable_mosaic.version = 14 : i64} {
  func.func @body(%arg0: i32, %arg1: i32, %arg2: memref<10240x128xf32, #tpu.memory_space<hbm>>, %arg3: memref<10240x128xf32, #tpu.memory_space<hbm>>, %arg4: memref<32x48x105xi32, #tpu.memory_space<hbm>>, %arg5: memref<32x48x105xi32, #tpu.memory_space<hbm>>, %arg6: memref<10240x128xf32, #tpu.memory_space<hbm>>, %arg7: memref<10240x128xf32, #tpu.memory_space<hbm>>, %arg8: memref<10240x128xf32, #tpu.memory_space<hbm>>, %arg9: memref<2x48x105xi32, #tpu.memory_space<vmem>>, %arg10: memref<2x105x128xf32, #tpu.memory_space<vmem>>, %arg11: memref<10240x128xf32, #tpu.memory_space<vmem_shared>>, %arg12: memref<!tpu.dma_semaphore, #tpu.memory_space<semaphore_mem>>, %arg13: memref<!tpu.dma_semaphore, #tpu.memory_space<semaphore_mem>>) attributes {dimension_semantics = [#tpu.dimension_semantics<core_parallel>, #tpu.dimension_semantics<subcore_parallel>], iteration_bounds = array<i64: 2, 16>, scalar_prefetch = 0 : i64, scratch_operands = 5 : i64, tpu.core_type = #tpu.core_type<sc_vector_subcore>, window_params = [{transform_indices = #map}, {transform_indices = #map}, {transform_indices = #map1}, {transform_indices = #map1}, {transform_indices = #map}, {transform_indices = #map}, {transform_indices = #map}]} {
    %mul3A = arith.constant 16 : i32
    %mul3A_0 = arith.muli %arg0, %mul3A : i32
    %add3A = arith.addi %mul3A_0, %arg1 : i32
    %mul3A_1 = arith.constant 640 : i32
    %mul3A_2 = arith.muli %arg1, %mul3A_1 : i32
    "tpu.region"() ({
      %run_scoped3A = tpu.sem_alloc : memref<!tpu.dma_semaphore, #tpu.memory_space<semaphore_mem>>
      %dma_start3A = arith.constant 0 : i32
      %dma_start3A_21 = tpu.memref_slice %arg11[%mul3A_2, %dma_start3A] : memref<10240x128xf32, #tpu.memory_space<vmem_shared>> -> memref<640x128xf32, #tpu.memory_space<vmem_shared>>
      %dma_start3A_22 = arith.constant 0 : i32
      %dma_start3A_23 = tpu.memref_slice %arg6[%mul3A_2, %dma_start3A_22] : memref<10240x128xf32, #tpu.memory_space<hbm>> -> memref<640x128xf32, #tpu.memory_space<hbm>>
      tpu.enqueue_dma source(%dma_start3A_23 : memref<640x128xf32, #tpu.memory_space<hbm>>) target(%dma_start3A_21 : memref<640x128xf32, #tpu.memory_space<vmem_shared>>) target_semaphore(%run_scoped3A : memref<!tpu.dma_semaphore, #tpu.memory_space<semaphore_mem>>)
      %dma_wait3A = arith.constant 0 : i32
      %dma_wait3A_24 = tpu.memref_slice %arg11[%mul3A_2, %dma_wait3A] : memref<10240x128xf32, #tpu.memory_space<vmem_shared>> -> memref<640x128xf32, #tpu.memory_space<vmem_shared>>
      %dma_wait3A_25 = arith.constant 0 : i32
      %dma_wait3A_26 = tpu.memref_slice %arg6[%mul3A_2, %dma_wait3A_25] : memref<10240x128xf32, #tpu.memory_space<hbm>> -> memref<640x128xf32, #tpu.memory_space<hbm>>
      tpu.wait_dma2 semaphore(%run_scoped3A : memref<!tpu.dma_semaphore, #tpu.memory_space<semaphore_mem>>) src(%dma_wait3A_26 : memref<640x128xf32, #tpu.memory_space<hbm>>) dst(%dma_wait3A_24 : memref<640x128xf32, #tpu.memory_space<vmem_shared>>)
      tpu.yield
    }) : () -> ()
    %barrier3A = arith.constant 0 : index
    tpu.barrier barrier_id(%barrier3A)
    %eq3A = arith.constant 0 : i32
    %eq3A_3 = arith.cmpi eq, %arg0, %eq3A : i32
    %convert_element_type3A = arith.extui %eq3A_3 : i1 to i32
    %cond3A = arith.constant 0 : i32
    %cond3A_4 = arith.cmpi ne, %convert_element_type3A, %cond3A : i32
    scf.if %cond3A_4 {
      %run_scoped3A = arith.constant 0 : i32
      "tpu.region"() ({
        %run_scoped3A_51 = tpu.sem_alloc : memref<!tpu.dma_semaphore, #tpu.memory_space<semaphore_mem>>
        %dma_start3A_52 = arith.constant 0 : i32
        %dma_start3A_53 = arith.constant 0 : i32
        %dma_start3A_54 = tpu.memref_slice %arg9[%run_scoped3A, %dma_start3A_52, %dma_start3A_53] : memref<2x48x105xi32, #tpu.memory_space<vmem>> -> memref<1x48x105xi32, #tpu.memory_space<vmem>>
        %dma_start3A_55 = tpu.memref_squeeze %dma_start3A_54 : memref<1x48x105xi32, #tpu.memory_space<vmem>> -> memref<48x105xi32, #tpu.memory_space<vmem>>
        %dma_start3A_56 = arith.constant 0 : i32
        %dma_start3A_57 = arith.constant 0 : i32
        %dma_start3A_58 = tpu.memref_slice %arg4[%add3A, %dma_start3A_56, %dma_start3A_57] : memref<32x48x105xi32, #tpu.memory_space<hbm>> -> memref<1x48x105xi32, #tpu.memory_space<hbm>>
        %dma_start3A_59 = tpu.memref_squeeze %dma_start3A_58 : memref<1x48x105xi32, #tpu.memory_space<hbm>> -> memref<48x105xi32, #tpu.memory_space<hbm>>
        %dma_start3A_60 = arith.constant 0 : i32
        %dma_start3A_61 = arith.constant 0 : i32
        %dma_start3A_62 = tpu.memref_slice %arg9[%run_scoped3A, %dma_start3A_60, %dma_start3A_61] : memref<2x48x105xi32, #tpu.memory_space<vmem>> -> memref<1x48x105xi32, #tpu.memory_space<vmem>>
        %dma_start3A_63 = tpu.memref_squeeze %dma_start3A_62 : memref<1x48x105xi32, #tpu.memory_space<vmem>> -> memref<48x105xi32, #tpu.memory_space<vmem>>
        %dma_start3A_64 = arith.constant 0 : i32
        %dma_start3A_65 = arith.constant 0 : i32
        %dma_start3A_66 = tpu.memref_slice %arg4[%add3A, %dma_start3A_64, %dma_start3A_65] : memref<32x48x105xi32, #tpu.memory_space<hbm>> -> memref<1x48x105xi32, #tpu.memory_space<hbm>>
        %dma_start3A_67 = tpu.memref_squeeze %dma_start3A_66 : memref<1x48x105xi32, #tpu.memory_space<hbm>> -> memref<48x105xi32, #tpu.memory_space<hbm>>
        tpu.enqueue_dma source(%dma_start3A_67 : memref<48x105xi32, #tpu.memory_space<hbm>>) target(%dma_start3A_63 : memref<48x105xi32, #tpu.memory_space<vmem>>) target_semaphore(%run_scoped3A_51 : memref<!tpu.dma_semaphore, #tpu.memory_space<semaphore_mem>>)
        %dma_wait3A_68 = arith.constant 0 : i32
        %dma_wait3A_69 = arith.constant 0 : i32
        %dma_wait3A_70 = tpu.memref_slice %arg9[%run_scoped3A, %dma_wait3A_68, %dma_wait3A_69] : memref<2x48x105xi32, #tpu.memory_space<vmem>> -> memref<1x48x105xi32, #tpu.memory_space<vmem>>
        %dma_wait3A_71 = tpu.memref_squeeze %dma_wait3A_70 : memref<1x48x105xi32, #tpu.memory_space<vmem>> -> memref<48x105xi32, #tpu.memory_space<vmem>>
        %dma_wait3A_72 = arith.constant 0 : i32
        %dma_wait3A_73 = arith.constant 0 : i32
        %dma_wait3A_74 = tpu.memref_slice %arg4[%add3A, %dma_wait3A_72, %dma_wait3A_73] : memref<32x48x105xi32, #tpu.memory_space<hbm>> -> memref<1x48x105xi32, #tpu.memory_space<hbm>>
        %dma_wait3A_75 = tpu.memref_squeeze %dma_wait3A_74 : memref<1x48x105xi32, #tpu.memory_space<hbm>> -> memref<48x105xi32, #tpu.memory_space<hbm>>
        %dma_wait3A_76 = arith.constant 0 : i32
        %dma_wait3A_77 = arith.constant 0 : i32
        %dma_wait3A_78 = tpu.memref_slice %arg9[%run_scoped3A, %dma_wait3A_76, %dma_wait3A_77] : memref<2x48x105xi32, #tpu.memory_space<vmem>> -> memref<1x48x105xi32, #tpu.memory_space<vmem>>
        %dma_wait3A_79 = tpu.memref_squeeze %dma_wait3A_78 : memref<1x48x105xi32, #tpu.memory_space<vmem>> -> memref<48x105xi32, #tpu.memory_space<vmem>>
        %dma_wait3A_80 = arith.constant 0 : i32
        %dma_wait3A_81 = arith.constant 0 : i32
        %dma_wait3A_82 = tpu.memref_slice %arg4[%add3A, %dma_wait3A_80, %dma_wait3A_81] : memref<32x48x105xi32, #tpu.memory_space<hbm>> -> memref<1x48x105xi32, #tpu.memory_space<hbm>>
        %dma_wait3A_83 = tpu.memref_squeeze %dma_wait3A_82 : memref<1x48x105xi32, #tpu.memory_space<hbm>> -> memref<48x105xi32, #tpu.memory_space<hbm>>
        tpu.wait_dma2 semaphore(%run_scoped3A_51 : memref<!tpu.dma_semaphore, #tpu.memory_space<semaphore_mem>>) src(%dma_wait3A_83 : memref<48x105xi32, #tpu.memory_space<hbm>>) dst(%dma_wait3A_79 : memref<48x105xi32, #tpu.memory_space<vmem>>)
        tpu.yield
      }) : () -> ()
      %run_scoped3A_21 = arith.constant 1 : i32
      "tpu.region"() ({
        %run_scoped3A_51 = tpu.sem_alloc : memref<!tpu.dma_semaphore, #tpu.memory_space<semaphore_mem>>
        %dma_start3A_52 = arith.constant 0 : i32
        %dma_start3A_53 = arith.constant 0 : i32
        %dma_start3A_54 = tpu.memref_slice %arg9[%run_scoped3A_21, %dma_start3A_52, %dma_start3A_53] : memref<2x48x105xi32, #tpu.memory_space<vmem>> -> memref<1x48x105xi32, #tpu.memory_space<vmem>>
        %dma_start3A_55 = tpu.memref_squeeze %dma_start3A_54 : memref<1x48x105xi32, #tpu.memory_space<vmem>> -> memref<48x105xi32, #tpu.memory_space<vmem>>
        %dma_start3A_56 = arith.constant 0 : i32
        %dma_start3A_57 = arith.constant 0 : i32
        %dma_start3A_58 = tpu.memref_slice %arg5[%add3A, %dma_start3A_56, %dma_start3A_57] : memref<32x48x105xi32, #tpu.memory_space<hbm>> -> memref<1x48x105xi32, #tpu.memory_space<hbm>>
        %dma_start3A_59 = tpu.memref_squeeze %dma_start3A_58 : memref<1x48x105xi32, #tpu.memory_space<hbm>> -> memref<48x105xi32, #tpu.memory_space<hbm>>
        %dma_start3A_60 = arith.constant 0 : i32
        %dma_start3A_61 = arith.constant 0 : i32
        %dma_start3A_62 = tpu.memref_slice %arg9[%run_scoped3A_21, %dma_start3A_60, %dma_start3A_61] : memref<2x48x105xi32, #tpu.memory_space<vmem>> -> memref<1x48x105xi32, #tpu.memory_space<vmem>>
        %dma_start3A_63 = tpu.memref_squeeze %dma_start3A_62 : memref<1x48x105xi32, #tpu.memory_space<vmem>> -> memref<48x105xi32, #tpu.memory_space<vmem>>
        %dma_start3A_64 = arith.constant 0 : i32
        %dma_start3A_65 = arith.constant 0 : i32
        %dma_start3A_66 = tpu.memref_slice %arg5[%add3A, %dma_start3A_64, %dma_start3A_65] : memref<32x48x105xi32, #tpu.memory_space<hbm>> -> memref<1x48x105xi32, #tpu.memory_space<hbm>>
        %dma_start3A_67 = tpu.memref_squeeze %dma_start3A_66 : memref<1x48x105xi32, #tpu.memory_space<hbm>> -> memref<48x105xi32, #tpu.memory_space<hbm>>
        tpu.enqueue_dma source(%dma_start3A_67 : memref<48x105xi32, #tpu.memory_space<hbm>>) target(%dma_start3A_63 : memref<48x105xi32, #tpu.memory_space<vmem>>) target_semaphore(%run_scoped3A_51 : memref<!tpu.dma_semaphore, #tpu.memory_space<semaphore_mem>>)
        %dma_wait3A_68 = arith.constant 0 : i32
        %dma_wait3A_69 = arith.constant 0 : i32
        %dma_wait3A_70 = tpu.memref_slice %arg9[%run_scoped3A_21, %dma_wait3A_68, %dma_wait3A_69] : memref<2x48x105xi32, #tpu.memory_space<vmem>> -> memref<1x48x105xi32, #tpu.memory_space<vmem>>
        %dma_wait3A_71 = tpu.memref_squeeze %dma_wait3A_70 : memref<1x48x105xi32, #tpu.memory_space<vmem>> -> memref<48x105xi32, #tpu.memory_space<vmem>>
        %dma_wait3A_72 = arith.constant 0 : i32
        %dma_wait3A_73 = arith.constant 0 : i32
        %dma_wait3A_74 = tpu.memref_slice %arg5[%add3A, %dma_wait3A_72, %dma_wait3A_73] : memref<32x48x105xi32, #tpu.memory_space<hbm>> -> memref<1x48x105xi32, #tpu.memory_space<hbm>>
        %dma_wait3A_75 = tpu.memref_squeeze %dma_wait3A_74 : memref<1x48x105xi32, #tpu.memory_space<hbm>> -> memref<48x105xi32, #tpu.memory_space<hbm>>
        %dma_wait3A_76 = arith.constant 0 : i32
        %dma_wait3A_77 = arith.constant 0 : i32
        %dma_wait3A_78 = tpu.memref_slice %arg9[%run_scoped3A_21, %dma_wait3A_76, %dma_wait3A_77] : memref<2x48x105xi32, #tpu.memory_space<vmem>> -> memref<1x48x105xi32, #tpu.memory_space<vmem>>
        %dma_wait3A_79 = tpu.memref_squeeze %dma_wait3A_78 : memref<1x48x105xi32, #tpu.memory_space<vmem>> -> memref<48x105xi32, #tpu.memory_space<vmem>>
        %dma_wait3A_80 = arith.constant 0 : i32
        %dma_wait3A_81 = arith.constant 0 : i32
        %dma_wait3A_82 = tpu.memref_slice %arg5[%add3A, %dma_wait3A_80, %dma_wait3A_81] : memref<32x48x105xi32, #tpu.memory_space<hbm>> -> memref<1x48x105xi32, #tpu.memory_space<hbm>>
        %dma_wait3A_83 = tpu.memref_squeeze %dma_wait3A_82 : memref<1x48x105xi32, #tpu.memory_space<hbm>> -> memref<48x105xi32, #tpu.memory_space<hbm>>
        tpu.wait_dma2 semaphore(%run_scoped3A_51 : memref<!tpu.dma_semaphore, #tpu.memory_space<semaphore_mem>>) src(%dma_wait3A_83 : memref<48x105xi32, #tpu.memory_space<hbm>>) dst(%dma_wait3A_79 : memref<48x105xi32, #tpu.memory_space<vmem>>)
        tpu.yield
      }) : () -> ()
      %dma_start3A = arith.constant 0 : i32
      %dma_start3A_22 = arith.constant 0 : i32
      %dma_start3A_23 = arith.constant 0 : i32
      %dma_start3A_24 = arith.constant 0 : i32
      %dma_start3A_25 = arith.constant 0 : i32
      %dma_start3A_26 = tpu.memref_slice %arg10[%dma_start3A_23, %dma_start3A_24, %dma_start3A_25] : memref<2x105x128xf32, #tpu.memory_space<vmem>> -> memref<1x105x128xf32, #tpu.memory_space<vmem>>
      %dma_start3A_27 = tpu.memref_squeeze %dma_start3A_26 : memref<1x105x128xf32, #tpu.memory_space<vmem>> -> memref<105x128xf32, #tpu.memory_space<vmem>>
      %dma_start3A_28 = arith.constant 0 : i32
      %dma_start3A_29 = tpu.memref_slice %arg9[%dma_start3A, %dma_start3A_22, %dma_start3A_28] : memref<2x48x105xi32, #tpu.memory_space<vmem>> -> memref<1x1x105xi32, #tpu.memory_space<vmem>>
      %dma_start3A_30 = tpu.memref_squeeze %dma_start3A_29 : memref<1x1x105xi32, #tpu.memory_space<vmem>> -> memref<105xi32, #tpu.memory_space<vmem>>
      %dma_start3A_31 = arith.constant 0 : i32
      %dma_start3A_32 = arith.constant 0 : i32
      %dma_start3A_33 = tpu.memref_slice %arg2[%dma_start3A_31, %dma_start3A_32] : memref<10240x128xf32, #tpu.memory_space<hbm>> -> memref<10240x128xf32, #tpu.memory_space<hbm>>
      tpu.enqueue_indirect_dma source(%dma_start3A_33 : memref<10240x128xf32, #tpu.memory_space<hbm>>) target(%dma_start3A_27 : memref<105x128xf32, #tpu.memory_space<vmem>>) offsets(%dma_start3A_30 : memref<105xi32, #tpu.memory_space<vmem>>) semaphore(%arg12 : memref<!tpu.dma_semaphore, #tpu.memory_space<semaphore_mem>>)
      %scan3A = arith.constant 0 : i32
      %scan3A_34 = arith.constant 0 : i32
      %scan3A_35 = arith.constant 48 : i32
      %scan3A_36 = arith.addi %scan3A_34, %scan3A_35 : i32
      %scan3A_37 = arith.constant 1 : i32
      scf.for %scan3A_51 = %scan3A_34 to %scan3A_36 step %scan3A_37  : i32 {
        %and3A = arith.constant 1 : i32
        %and3A_52 = arith.andi %scan3A_51, %and3A : i32
        %dma_wait3A_53 = arith.constant 0 : i32
        %dma_wait3A_54 = arith.constant 0 : i32
        %dma_wait3A_55 = arith.constant 0 : i32
        %dma_wait3A_56 = tpu.memref_slice %arg10[%and3A_52, %dma_wait3A_54, %dma_wait3A_55] : memref<2x105x128xf32, #tpu.memory_space<vmem>> -> memref<1x105x128xf32, #tpu.memory_space<vmem>>
        %dma_wait3A_57 = tpu.memref_squeeze %dma_wait3A_56 : memref<1x105x128xf32, #tpu.memory_space<vmem>> -> memref<105x128xf32, #tpu.memory_space<vmem>>
        %dma_wait3A_58 = arith.constant 0 : i32
        %dma_wait3A_59 = tpu.memref_slice %arg9[%dma_wait3A_53, %scan3A_51, %dma_wait3A_58] : memref<2x48x105xi32, #tpu.memory_space<vmem>> -> memref<1x1x105xi32, #tpu.memory_space<vmem>>
        %dma_wait3A_60 = tpu.memref_squeeze %dma_wait3A_59 : memref<1x1x105xi32, #tpu.memory_space<vmem>> -> memref<105xi32, #tpu.memory_space<vmem>>
        %dma_wait3A_61 = arith.constant 0 : i32
        %dma_wait3A_62 = arith.constant 0 : i32
        %dma_wait3A_63 = tpu.memref_slice %arg2[%dma_wait3A_61, %dma_wait3A_62] : memref<10240x128xf32, #tpu.memory_space<hbm>> -> memref<10240x128xf32, #tpu.memory_space<hbm>>
        tpu.wait_indirect_dma semaphore(%arg12 : memref<!tpu.dma_semaphore, #tpu.memory_space<semaphore_mem>>) src(%dma_wait3A_63 : memref<10240x128xf32, #tpu.memory_space<hbm>>) dst(%dma_wait3A_57 : memref<105x128xf32, #tpu.memory_space<vmem>>)
        %ge3A = arith.constant 1 : i32
        %ge3A_64 = arith.cmpi sge, %scan3A_51, %ge3A : i32
        %convert_element_type3A_65 = arith.extui %ge3A_64 : i1 to i32
        %cond3A_66 = arith.constant 0 : i32
        %cond3A_67 = arith.cmpi ne, %convert_element_type3A_65, %cond3A_66 : i32
        scf.if %cond3A_67 {
          %sub3A = arith.constant 1 : i32
          %sub3A_83 = arith.subi %scan3A_51, %sub3A : i32
          %sub3A_84 = arith.constant 1 : i32
          %sub3A_85 = arith.subi %sub3A_84, %and3A_52 : i32
          %dma_wait3A_86 = arith.constant 1 : i32
          %dma_wait3A_87 = arith.constant 0 : i32
          %dma_wait3A_88 = arith.constant 0 : i32
          %dma_wait3A_89 = tpu.memref_slice %arg10[%sub3A_85, %dma_wait3A_87, %dma_wait3A_88] : memref<2x105x128xf32, #tpu.memory_space<vmem>> -> memref<1x105x128xf32, #tpu.memory_space<vmem>>
          %dma_wait3A_90 = tpu.memref_squeeze %dma_wait3A_89 : memref<1x105x128xf32, #tpu.memory_space<vmem>> -> memref<105x128xf32, #tpu.memory_space<vmem>>
          %dma_wait3A_91 = arith.constant 0 : i32
          %dma_wait3A_92 = tpu.memref_slice %arg9[%dma_wait3A_86, %sub3A_83, %dma_wait3A_91] : memref<2x48x105xi32, #tpu.memory_space<vmem>> -> memref<1x1x105xi32, #tpu.memory_space<vmem>>
          %dma_wait3A_93 = tpu.memref_squeeze %dma_wait3A_92 : memref<1x1x105xi32, #tpu.memory_space<vmem>> -> memref<105xi32, #tpu.memory_space<vmem>>
          %dma_wait3A_94 = arith.constant 0 : i32
          %dma_wait3A_95 = arith.constant 0 : i32
          %dma_wait3A_96 = tpu.memref_slice %arg11[%dma_wait3A_94, %dma_wait3A_95] : memref<10240x128xf32, #tpu.memory_space<vmem_shared>> -> memref<10240x128xf32, #tpu.memory_space<vmem_shared>>
          tpu.wait_indirect_dma semaphore(%arg13 : memref<!tpu.dma_semaphore, #tpu.memory_space<semaphore_mem>>) src(%dma_wait3A_90 : memref<105x128xf32, #tpu.memory_space<vmem>>) dst(%dma_wait3A_96 : memref<10240x128xf32, #tpu.memory_space<vmem_shared>>)
        } else {
        }
        %lt3A = arith.constant 47 : i32
        %lt3A_68 = arith.cmpi slt, %scan3A_51, %lt3A : i32
        %convert_element_type3A_69 = arith.extui %lt3A_68 : i1 to i32
        %cond3A_70 = arith.constant 0 : i32
        %cond3A_71 = arith.cmpi ne, %convert_element_type3A_69, %cond3A_70 : i32
        scf.if %cond3A_71 {
          %add3A_83 = arith.constant 1 : i32
          %add3A_84 = arith.addi %scan3A_51, %add3A_83 : i32
          %sub3A = arith.constant 1 : i32
          %sub3A_85 = arith.subi %sub3A, %and3A_52 : i32
          %dma_start3A_86 = arith.constant 0 : i32
          %dma_start3A_87 = arith.constant 0 : i32
          %dma_start3A_88 = arith.constant 0 : i32
          %dma_start3A_89 = tpu.memref_slice %arg10[%sub3A_85, %dma_start3A_87, %dma_start3A_88] : memref<2x105x128xf32, #tpu.memory_space<vmem>> -> memref<1x105x128xf32, #tpu.memory_space<vmem>>
          %dma_start3A_90 = tpu.memref_squeeze %dma_start3A_89 : memref<1x105x128xf32, #tpu.memory_space<vmem>> -> memref<105x128xf32, #tpu.memory_space<vmem>>
          %dma_start3A_91 = arith.constant 0 : i32
          %dma_start3A_92 = tpu.memref_slice %arg9[%dma_start3A_86, %add3A_84, %dma_start3A_91] : memref<2x48x105xi32, #tpu.memory_space<vmem>> -> memref<1x1x105xi32, #tpu.memory_space<vmem>>
          %dma_start3A_93 = tpu.memref_squeeze %dma_start3A_92 : memref<1x1x105xi32, #tpu.memory_space<vmem>> -> memref<105xi32, #tpu.memory_space<vmem>>
          %dma_start3A_94 = arith.constant 0 : i32
          %dma_start3A_95 = arith.constant 0 : i32
          %dma_start3A_96 = tpu.memref_slice %arg2[%dma_start3A_94, %dma_start3A_95] : memref<10240x128xf32, #tpu.memory_space<hbm>> -> memref<10240x128xf32, #tpu.memory_space<hbm>>
          tpu.enqueue_indirect_dma source(%dma_start3A_96 : memref<10240x128xf32, #tpu.memory_space<hbm>>) target(%dma_start3A_90 : memref<105x128xf32, #tpu.memory_space<vmem>>) offsets(%dma_start3A_93 : memref<105xi32, #tpu.memory_space<vmem>>) semaphore(%arg12 : memref<!tpu.dma_semaphore, #tpu.memory_space<semaphore_mem>>)
        } else {
        }
        %dma_start3A_72 = arith.constant 1 : i32
        %dma_start3A_73 = arith.constant 0 : i32
        %dma_start3A_74 = arith.constant 0 : i32
        %dma_start3A_75 = tpu.memref_slice %arg10[%and3A_52, %dma_start3A_73, %dma_start3A_74] : memref<2x105x128xf32, #tpu.memory_space<vmem>> -> memref<1x105x128xf32, #tpu.memory_space<vmem>>
        %dma_start3A_76 = tpu.memref_squeeze %dma_start3A_75 : memref<1x105x128xf32, #tpu.memory_space<vmem>> -> memref<105x128xf32, #tpu.memory_space<vmem>>
        %dma_start3A_77 = arith.constant 0 : i32
        %dma_start3A_78 = tpu.memref_slice %arg9[%dma_start3A_72, %scan3A_51, %dma_start3A_77] : memref<2x48x105xi32, #tpu.memory_space<vmem>> -> memref<1x1x105xi32, #tpu.memory_space<vmem>>
        %dma_start3A_79 = tpu.memref_squeeze %dma_start3A_78 : memref<1x1x105xi32, #tpu.memory_space<vmem>> -> memref<105xi32, #tpu.memory_space<vmem>>
        %dma_start3A_80 = arith.constant 0 : i32
        %dma_start3A_81 = arith.constant 0 : i32
        %dma_start3A_82 = tpu.memref_slice %arg11[%dma_start3A_80, %dma_start3A_81] : memref<10240x128xf32, #tpu.memory_space<vmem_shared>> -> memref<10240x128xf32, #tpu.memory_space<vmem_shared>>
        tpu.enqueue_indirect_dma source(%dma_start3A_76 : memref<105x128xf32, #tpu.memory_space<vmem>>) target(%dma_start3A_82 : memref<10240x128xf32, #tpu.memory_space<vmem_shared>>) offsets(%dma_start3A_79 : memref<105xi32, #tpu.memory_space<vmem>>) semaphore(%arg13 : memref<!tpu.dma_semaphore, #tpu.memory_space<semaphore_mem>>) {add = true}
      }
      %scan3A_38 = arith.constant 48 : i32
      %dma_wait3A = arith.constant 1 : i32
      %dma_wait3A_39 = arith.constant 1 : i32
      %dma_wait3A_40 = arith.constant 47 : i32
      %dma_wait3A_41 = arith.constant 0 : i32
      %dma_wait3A_42 = arith.constant 0 : i32
      %dma_wait3A_43 = tpu.memref_slice %arg10[%dma_wait3A, %dma_wait3A_41, %dma_wait3A_42] : memref<2x105x128xf32, #tpu.memory_space<vmem>> -> memref<1x105x128xf32, #tpu.memory_space<vmem>>
      %dma_wait3A_44 = tpu.memref_squeeze %dma_wait3A_43 : memref<1x105x128xf32, #tpu.memory_space<vmem>> -> memref<105x128xf32, #tpu.memory_space<vmem>>
      %dma_wait3A_45 = arith.constant 0 : i32
      %dma_wait3A_46 = tpu.memref_slice %arg9[%dma_wait3A_39, %dma_wait3A_40, %dma_wait3A_45] : memref<2x48x105xi32, #tpu.memory_space<vmem>> -> memref<1x1x105xi32, #tpu.memory_space<vmem>>
      %dma_wait3A_47 = tpu.memref_squeeze %dma_wait3A_46 : memref<1x1x105xi32, #tpu.memory_space<vmem>> -> memref<105xi32, #tpu.memory_space<vmem>>
      %dma_wait3A_48 = arith.constant 0 : i32
      %dma_wait3A_49 = arith.constant 0 : i32
      %dma_wait3A_50 = tpu.memref_slice %arg11[%dma_wait3A_48, %dma_wait3A_49] : memref<10240x128xf32, #tpu.memory_space<vmem_shared>> -> memref<10240x128xf32, #tpu.memory_space<vmem_shared>>
      tpu.wait_indirect_dma semaphore(%arg13 : memref<!tpu.dma_semaphore, #tpu.memory_space<semaphore_mem>>) src(%dma_wait3A_44 : memref<105x128xf32, #tpu.memory_space<vmem>>) dst(%dma_wait3A_50 : memref<10240x128xf32, #tpu.memory_space<vmem_shared>>)
    } else {
    }
    %eq3A_5 = arith.constant 1 : i32
    %eq3A_6 = arith.cmpi eq, %arg0, %eq3A_5 : i32
    %convert_element_type3A_7 = arith.extui %eq3A_6 : i1 to i32
    %cond3A_8 = arith.constant 0 : i32
    %cond3A_9 = arith.cmpi ne, %convert_element_type3A_7, %cond3A_8 : i32
    scf.if %cond3A_9 {
      %run_scoped3A = arith.constant 0 : i32
      "tpu.region"() ({
        %run_scoped3A_51 = tpu.sem_alloc : memref<!tpu.dma_semaphore, #tpu.memory_space<semaphore_mem>>
        %dma_start3A_52 = arith.constant 0 : i32
        %dma_start3A_53 = arith.constant 0 : i32
        %dma_start3A_54 = tpu.memref_slice %arg9[%run_scoped3A, %dma_start3A_52, %dma_start3A_53] : memref<2x48x105xi32, #tpu.memory_space<vmem>> -> memref<1x48x105xi32, #tpu.memory_space<vmem>>
        %dma_start3A_55 = tpu.memref_squeeze %dma_start3A_54 : memref<1x48x105xi32, #tpu.memory_space<vmem>> -> memref<48x105xi32, #tpu.memory_space<vmem>>
        %dma_start3A_56 = arith.constant 0 : i32
        %dma_start3A_57 = arith.constant 0 : i32
        %dma_start3A_58 = tpu.memref_slice %arg4[%add3A, %dma_start3A_56, %dma_start3A_57] : memref<32x48x105xi32, #tpu.memory_space<hbm>> -> memref<1x48x105xi32, #tpu.memory_space<hbm>>
        %dma_start3A_59 = tpu.memref_squeeze %dma_start3A_58 : memref<1x48x105xi32, #tpu.memory_space<hbm>> -> memref<48x105xi32, #tpu.memory_space<hbm>>
        %dma_start3A_60 = arith.constant 0 : i32
        %dma_start3A_61 = arith.constant 0 : i32
        %dma_start3A_62 = tpu.memref_slice %arg9[%run_scoped3A, %dma_start3A_60, %dma_start3A_61] : memref<2x48x105xi32, #tpu.memory_space<vmem>> -> memref<1x48x105xi32, #tpu.memory_space<vmem>>
        %dma_start3A_63 = tpu.memref_squeeze %dma_start3A_62 : memref<1x48x105xi32, #tpu.memory_space<vmem>> -> memref<48x105xi32, #tpu.memory_space<vmem>>
        %dma_start3A_64 = arith.constant 0 : i32
        %dma_start3A_65 = arith.constant 0 : i32
        %dma_start3A_66 = tpu.memref_slice %arg4[%add3A, %dma_start3A_64, %dma_start3A_65] : memref<32x48x105xi32, #tpu.memory_space<hbm>> -> memref<1x48x105xi32, #tpu.memory_space<hbm>>
        %dma_start3A_67 = tpu.memref_squeeze %dma_start3A_66 : memref<1x48x105xi32, #tpu.memory_space<hbm>> -> memref<48x105xi32, #tpu.memory_space<hbm>>
        tpu.enqueue_dma source(%dma_start3A_67 : memref<48x105xi32, #tpu.memory_space<hbm>>) target(%dma_start3A_63 : memref<48x105xi32, #tpu.memory_space<vmem>>) target_semaphore(%run_scoped3A_51 : memref<!tpu.dma_semaphore, #tpu.memory_space<semaphore_mem>>)
        %dma_wait3A_68 = arith.constant 0 : i32
        %dma_wait3A_69 = arith.constant 0 : i32
        %dma_wait3A_70 = tpu.memref_slice %arg9[%run_scoped3A, %dma_wait3A_68, %dma_wait3A_69] : memref<2x48x105xi32, #tpu.memory_space<vmem>> -> memref<1x48x105xi32, #tpu.memory_space<vmem>>
        %dma_wait3A_71 = tpu.memref_squeeze %dma_wait3A_70 : memref<1x48x105xi32, #tpu.memory_space<vmem>> -> memref<48x105xi32, #tpu.memory_space<vmem>>
        %dma_wait3A_72 = arith.constant 0 : i32
        %dma_wait3A_73 = arith.constant 0 : i32
        %dma_wait3A_74 = tpu.memref_slice %arg4[%add3A, %dma_wait3A_72, %dma_wait3A_73] : memref<32x48x105xi32, #tpu.memory_space<hbm>> -> memref<1x48x105xi32, #tpu.memory_space<hbm>>
        %dma_wait3A_75 = tpu.memref_squeeze %dma_wait3A_74 : memref<1x48x105xi32, #tpu.memory_space<hbm>> -> memref<48x105xi32, #tpu.memory_space<hbm>>
        %dma_wait3A_76 = arith.constant 0 : i32
        %dma_wait3A_77 = arith.constant 0 : i32
        %dma_wait3A_78 = tpu.memref_slice %arg9[%run_scoped3A, %dma_wait3A_76, %dma_wait3A_77] : memref<2x48x105xi32, #tpu.memory_space<vmem>> -> memref<1x48x105xi32, #tpu.memory_space<vmem>>
        %dma_wait3A_79 = tpu.memref_squeeze %dma_wait3A_78 : memref<1x48x105xi32, #tpu.memory_space<vmem>> -> memref<48x105xi32, #tpu.memory_space<vmem>>
        %dma_wait3A_80 = arith.constant 0 : i32
        %dma_wait3A_81 = arith.constant 0 : i32
        %dma_wait3A_82 = tpu.memref_slice %arg4[%add3A, %dma_wait3A_80, %dma_wait3A_81] : memref<32x48x105xi32, #tpu.memory_space<hbm>> -> memref<1x48x105xi32, #tpu.memory_space<hbm>>
        %dma_wait3A_83 = tpu.memref_squeeze %dma_wait3A_82 : memref<1x48x105xi32, #tpu.memory_space<hbm>> -> memref<48x105xi32, #tpu.memory_space<hbm>>
        tpu.wait_dma2 semaphore(%run_scoped3A_51 : memref<!tpu.dma_semaphore, #tpu.memory_space<semaphore_mem>>) src(%dma_wait3A_83 : memref<48x105xi32, #tpu.memory_space<hbm>>) dst(%dma_wait3A_79 : memref<48x105xi32, #tpu.memory_space<vmem>>)
        tpu.yield
      }) : () -> ()
      %run_scoped3A_21 = arith.constant 1 : i32
      "tpu.region"() ({
        %run_scoped3A_51 = tpu.sem_alloc : memref<!tpu.dma_semaphore, #tpu.memory_space<semaphore_mem>>
        %dma_start3A_52 = arith.constant 0 : i32
        %dma_start3A_53 = arith.constant 0 : i32
        %dma_start3A_54 = tpu.memref_slice %arg9[%run_scoped3A_21, %dma_start3A_52, %dma_start3A_53] : memref<2x48x105xi32, #tpu.memory_space<vmem>> -> memref<1x48x105xi32, #tpu.memory_space<vmem>>
        %dma_start3A_55 = tpu.memref_squeeze %dma_start3A_54 : memref<1x48x105xi32, #tpu.memory_space<vmem>> -> memref<48x105xi32, #tpu.memory_space<vmem>>
        %dma_start3A_56 = arith.constant 0 : i32
        %dma_start3A_57 = arith.constant 0 : i32
        %dma_start3A_58 = tpu.memref_slice %arg5[%add3A, %dma_start3A_56, %dma_start3A_57] : memref<32x48x105xi32, #tpu.memory_space<hbm>> -> memref<1x48x105xi32, #tpu.memory_space<hbm>>
        %dma_start3A_59 = tpu.memref_squeeze %dma_start3A_58 : memref<1x48x105xi32, #tpu.memory_space<hbm>> -> memref<48x105xi32, #tpu.memory_space<hbm>>
        %dma_start3A_60 = arith.constant 0 : i32
        %dma_start3A_61 = arith.constant 0 : i32
        %dma_start3A_62 = tpu.memref_slice %arg9[%run_scoped3A_21, %dma_start3A_60, %dma_start3A_61] : memref<2x48x105xi32, #tpu.memory_space<vmem>> -> memref<1x48x105xi32, #tpu.memory_space<vmem>>
        %dma_start3A_63 = tpu.memref_squeeze %dma_start3A_62 : memref<1x48x105xi32, #tpu.memory_space<vmem>> -> memref<48x105xi32, #tpu.memory_space<vmem>>
        %dma_start3A_64 = arith.constant 0 : i32
        %dma_start3A_65 = arith.constant 0 : i32
        %dma_start3A_66 = tpu.memref_slice %arg5[%add3A, %dma_start3A_64, %dma_start3A_65] : memref<32x48x105xi32, #tpu.memory_space<hbm>> -> memref<1x48x105xi32, #tpu.memory_space<hbm>>
        %dma_start3A_67 = tpu.memref_squeeze %dma_start3A_66 : memref<1x48x105xi32, #tpu.memory_space<hbm>> -> memref<48x105xi32, #tpu.memory_space<hbm>>
        tpu.enqueue_dma source(%dma_start3A_67 : memref<48x105xi32, #tpu.memory_space<hbm>>) target(%dma_start3A_63 : memref<48x105xi32, #tpu.memory_space<vmem>>) target_semaphore(%run_scoped3A_51 : memref<!tpu.dma_semaphore, #tpu.memory_space<semaphore_mem>>)
        %dma_wait3A_68 = arith.constant 0 : i32
        %dma_wait3A_69 = arith.constant 0 : i32
        %dma_wait3A_70 = tpu.memref_slice %arg9[%run_scoped3A_21, %dma_wait3A_68, %dma_wait3A_69] : memref<2x48x105xi32, #tpu.memory_space<vmem>> -> memref<1x48x105xi32, #tpu.memory_space<vmem>>
        %dma_wait3A_71 = tpu.memref_squeeze %dma_wait3A_70 : memref<1x48x105xi32, #tpu.memory_space<vmem>> -> memref<48x105xi32, #tpu.memory_space<vmem>>
        %dma_wait3A_72 = arith.constant 0 : i32
        %dma_wait3A_73 = arith.constant 0 : i32
        %dma_wait3A_74 = tpu.memref_slice %arg5[%add3A, %dma_wait3A_72, %dma_wait3A_73] : memref<32x48x105xi32, #tpu.memory_space<hbm>> -> memref<1x48x105xi32, #tpu.memory_space<hbm>>
        %dma_wait3A_75 = tpu.memref_squeeze %dma_wait3A_74 : memref<1x48x105xi32, #tpu.memory_space<hbm>> -> memref<48x105xi32, #tpu.memory_space<hbm>>
        %dma_wait3A_76 = arith.constant 0 : i32
        %dma_wait3A_77 = arith.constant 0 : i32
        %dma_wait3A_78 = tpu.memref_slice %arg9[%run_scoped3A_21, %dma_wait3A_76, %dma_wait3A_77] : memref<2x48x105xi32, #tpu.memory_space<vmem>> -> memref<1x48x105xi32, #tpu.memory_space<vmem>>
        %dma_wait3A_79 = tpu.memref_squeeze %dma_wait3A_78 : memref<1x48x105xi32, #tpu.memory_space<vmem>> -> memref<48x105xi32, #tpu.memory_space<vmem>>
        %dma_wait3A_80 = arith.constant 0 : i32
        %dma_wait3A_81 = arith.constant 0 : i32
        %dma_wait3A_82 = tpu.memref_slice %arg5[%add3A, %dma_wait3A_80, %dma_wait3A_81] : memref<32x48x105xi32, #tpu.memory_space<hbm>> -> memref<1x48x105xi32, #tpu.memory_space<hbm>>
        %dma_wait3A_83 = tpu.memref_squeeze %dma_wait3A_82 : memref<1x48x105xi32, #tpu.memory_space<hbm>> -> memref<48x105xi32, #tpu.memory_space<hbm>>
        tpu.wait_dma2 semaphore(%run_scoped3A_51 : memref<!tpu.dma_semaphore, #tpu.memory_space<semaphore_mem>>) src(%dma_wait3A_83 : memref<48x105xi32, #tpu.memory_space<hbm>>) dst(%dma_wait3A_79 : memref<48x105xi32, #tpu.memory_space<vmem>>)
        tpu.yield
      }) : () -> ()
      %dma_start3A = arith.constant 0 : i32
      %dma_start3A_22 = arith.constant 0 : i32
      %dma_start3A_23 = arith.constant 0 : i32
      %dma_start3A_24 = arith.constant 0 : i32
      %dma_start3A_25 = arith.constant 0 : i32
      %dma_start3A_26 = tpu.memref_slice %arg10[%dma_start3A_23, %dma_start3A_24, %dma_start3A_25] : memref<2x105x128xf32, #tpu.memory_space<vmem>> -> memref<1x105x128xf32, #tpu.memory_space<vmem>>
      %dma_start3A_27 = tpu.memref_squeeze %dma_start3A_26 : memref<1x105x128xf32, #tpu.memory_space<vmem>> -> memref<105x128xf32, #tpu.memory_space<vmem>>
      %dma_start3A_28 = arith.constant 0 : i32
      %dma_start3A_29 = tpu.memref_slice %arg9[%dma_start3A, %dma_start3A_22, %dma_start3A_28] : memref<2x48x105xi32, #tpu.memory_space<vmem>> -> memref<1x1x105xi32, #tpu.memory_space<vmem>>
      %dma_start3A_30 = tpu.memref_squeeze %dma_start3A_29 : memref<1x1x105xi32, #tpu.memory_space<vmem>> -> memref<105xi32, #tpu.memory_space<vmem>>
      %dma_start3A_31 = arith.constant 0 : i32
      %dma_start3A_32 = arith.constant 0 : i32
      %dma_start3A_33 = tpu.memref_slice %arg3[%dma_start3A_31, %dma_start3A_32] : memref<10240x128xf32, #tpu.memory_space<hbm>> -> memref<10240x128xf32, #tpu.memory_space<hbm>>
      tpu.enqueue_indirect_dma source(%dma_start3A_33 : memref<10240x128xf32, #tpu.memory_space<hbm>>) target(%dma_start3A_27 : memref<105x128xf32, #tpu.memory_space<vmem>>) offsets(%dma_start3A_30 : memref<105xi32, #tpu.memory_space<vmem>>) semaphore(%arg12 : memref<!tpu.dma_semaphore, #tpu.memory_space<semaphore_mem>>)
      %scan3A = arith.constant 0 : i32
      %scan3A_34 = arith.constant 0 : i32
      %scan3A_35 = arith.constant 48 : i32
      %scan3A_36 = arith.addi %scan3A_34, %scan3A_35 : i32
      %scan3A_37 = arith.constant 1 : i32
      scf.for %scan3A_51 = %scan3A_34 to %scan3A_36 step %scan3A_37  : i32 {
        %and3A = arith.constant 1 : i32
        %and3A_52 = arith.andi %scan3A_51, %and3A : i32
        %dma_wait3A_53 = arith.constant 0 : i32
        %dma_wait3A_54 = arith.constant 0 : i32
        %dma_wait3A_55 = arith.constant 0 : i32
        %dma_wait3A_56 = tpu.memref_slice %arg10[%and3A_52, %dma_wait3A_54, %dma_wait3A_55] : memref<2x105x128xf32, #tpu.memory_space<vmem>> -> memref<1x105x128xf32, #tpu.memory_space<vmem>>
        %dma_wait3A_57 = tpu.memref_squeeze %dma_wait3A_56 : memref<1x105x128xf32, #tpu.memory_space<vmem>> -> memref<105x128xf32, #tpu.memory_space<vmem>>
        %dma_wait3A_58 = arith.constant 0 : i32
        %dma_wait3A_59 = tpu.memref_slice %arg9[%dma_wait3A_53, %scan3A_51, %dma_wait3A_58] : memref<2x48x105xi32, #tpu.memory_space<vmem>> -> memref<1x1x105xi32, #tpu.memory_space<vmem>>
        %dma_wait3A_60 = tpu.memref_squeeze %dma_wait3A_59 : memref<1x1x105xi32, #tpu.memory_space<vmem>> -> memref<105xi32, #tpu.memory_space<vmem>>
        %dma_wait3A_61 = arith.constant 0 : i32
        %dma_wait3A_62 = arith.constant 0 : i32
        %dma_wait3A_63 = tpu.memref_slice %arg3[%dma_wait3A_61, %dma_wait3A_62] : memref<10240x128xf32, #tpu.memory_space<hbm>> -> memref<10240x128xf32, #tpu.memory_space<hbm>>
        tpu.wait_indirect_dma semaphore(%arg12 : memref<!tpu.dma_semaphore, #tpu.memory_space<semaphore_mem>>) src(%dma_wait3A_63 : memref<10240x128xf32, #tpu.memory_space<hbm>>) dst(%dma_wait3A_57 : memref<105x128xf32, #tpu.memory_space<vmem>>)
        %ge3A = arith.constant 1 : i32
        %ge3A_64 = arith.cmpi sge, %scan3A_51, %ge3A : i32
        %convert_element_type3A_65 = arith.extui %ge3A_64 : i1 to i32
        %cond3A_66 = arith.constant 0 : i32
        %cond3A_67 = arith.cmpi ne, %convert_element_type3A_65, %cond3A_66 : i32
        scf.if %cond3A_67 {
          %sub3A = arith.constant 1 : i32
          %sub3A_83 = arith.subi %scan3A_51, %sub3A : i32
          %sub3A_84 = arith.constant 1 : i32
          %sub3A_85 = arith.subi %sub3A_84, %and3A_52 : i32
          %dma_wait3A_86 = arith.constant 1 : i32
          %dma_wait3A_87 = arith.constant 0 : i32
          %dma_wait3A_88 = arith.constant 0 : i32
          %dma_wait3A_89 = tpu.memref_slice %arg10[%sub3A_85, %dma_wait3A_87, %dma_wait3A_88] : memref<2x105x128xf32, #tpu.memory_space<vmem>> -> memref<1x105x128xf32, #tpu.memory_space<vmem>>
          %dma_wait3A_90 = tpu.memref_squeeze %dma_wait3A_89 : memref<1x105x128xf32, #tpu.memory_space<vmem>> -> memref<105x128xf32, #tpu.memory_space<vmem>>
          %dma_wait3A_91 = arith.constant 0 : i32
          %dma_wait3A_92 = tpu.memref_slice %arg9[%dma_wait3A_86, %sub3A_83, %dma_wait3A_91] : memref<2x48x105xi32, #tpu.memory_space<vmem>> -> memref<1x1x105xi32, #tpu.memory_space<vmem>>
          %dma_wait3A_93 = tpu.memref_squeeze %dma_wait3A_92 : memref<1x1x105xi32, #tpu.memory_space<vmem>> -> memref<105xi32, #tpu.memory_space<vmem>>
          %dma_wait3A_94 = arith.constant 0 : i32
          %dma_wait3A_95 = arith.constant 0 : i32
          %dma_wait3A_96 = tpu.memref_slice %arg11[%dma_wait3A_94, %dma_wait3A_95] : memref<10240x128xf32, #tpu.memory_space<vmem_shared>> -> memref<10240x128xf32, #tpu.memory_space<vmem_shared>>
          tpu.wait_indirect_dma semaphore(%arg13 : memref<!tpu.dma_semaphore, #tpu.memory_space<semaphore_mem>>) src(%dma_wait3A_90 : memref<105x128xf32, #tpu.memory_space<vmem>>) dst(%dma_wait3A_96 : memref<10240x128xf32, #tpu.memory_space<vmem_shared>>)
        } else {
        }
        %lt3A = arith.constant 47 : i32
        %lt3A_68 = arith.cmpi slt, %scan3A_51, %lt3A : i32
        %convert_element_type3A_69 = arith.extui %lt3A_68 : i1 to i32
        %cond3A_70 = arith.constant 0 : i32
        %cond3A_71 = arith.cmpi ne, %convert_element_type3A_69, %cond3A_70 : i32
        scf.if %cond3A_71 {
          %add3A_83 = arith.constant 1 : i32
          %add3A_84 = arith.addi %scan3A_51, %add3A_83 : i32
          %sub3A = arith.constant 1 : i32
          %sub3A_85 = arith.subi %sub3A, %and3A_52 : i32
          %dma_start3A_86 = arith.constant 0 : i32
          %dma_start3A_87 = arith.constant 0 : i32
          %dma_start3A_88 = arith.constant 0 : i32
          %dma_start3A_89 = tpu.memref_slice %arg10[%sub3A_85, %dma_start3A_87, %dma_start3A_88] : memref<2x105x128xf32, #tpu.memory_space<vmem>> -> memref<1x105x128xf32, #tpu.memory_space<vmem>>
          %dma_start3A_90 = tpu.memref_squeeze %dma_start3A_89 : memref<1x105x128xf32, #tpu.memory_space<vmem>> -> memref<105x128xf32, #tpu.memory_space<vmem>>
          %dma_start3A_91 = arith.constant 0 : i32
          %dma_start3A_92 = tpu.memref_slice %arg9[%dma_start3A_86, %add3A_84, %dma_start3A_91] : memref<2x48x105xi32, #tpu.memory_space<vmem>> -> memref<1x1x105xi32, #tpu.memory_space<vmem>>
          %dma_start3A_93 = tpu.memref_squeeze %dma_start3A_92 : memref<1x1x105xi32, #tpu.memory_space<vmem>> -> memref<105xi32, #tpu.memory_space<vmem>>
          %dma_start3A_94 = arith.constant 0 : i32
          %dma_start3A_95 = arith.constant 0 : i32
          %dma_start3A_96 = tpu.memref_slice %arg3[%dma_start3A_94, %dma_start3A_95] : memref<10240x128xf32, #tpu.memory_space<hbm>> -> memref<10240x128xf32, #tpu.memory_space<hbm>>
          tpu.enqueue_indirect_dma source(%dma_start3A_96 : memref<10240x128xf32, #tpu.memory_space<hbm>>) target(%dma_start3A_90 : memref<105x128xf32, #tpu.memory_space<vmem>>) offsets(%dma_start3A_93 : memref<105xi32, #tpu.memory_space<vmem>>) semaphore(%arg12 : memref<!tpu.dma_semaphore, #tpu.memory_space<semaphore_mem>>)
        } else {
        }
        %dma_start3A_72 = arith.constant 1 : i32
        %dma_start3A_73 = arith.constant 0 : i32
        %dma_start3A_74 = arith.constant 0 : i32
        %dma_start3A_75 = tpu.memref_slice %arg10[%and3A_52, %dma_start3A_73, %dma_start3A_74] : memref<2x105x128xf32, #tpu.memory_space<vmem>> -> memref<1x105x128xf32, #tpu.memory_space<vmem>>
        %dma_start3A_76 = tpu.memref_squeeze %dma_start3A_75 : memref<1x105x128xf32, #tpu.memory_space<vmem>> -> memref<105x128xf32, #tpu.memory_space<vmem>>
        %dma_start3A_77 = arith.constant 0 : i32
        %dma_start3A_78 = tpu.memref_slice %arg9[%dma_start3A_72, %scan3A_51, %dma_start3A_77] : memref<2x48x105xi32, #tpu.memory_space<vmem>> -> memref<1x1x105xi32, #tpu.memory_space<vmem>>
        %dma_start3A_79 = tpu.memref_squeeze %dma_start3A_78 : memref<1x1x105xi32, #tpu.memory_space<vmem>> -> memref<105xi32, #tpu.memory_space<vmem>>
        %dma_start3A_80 = arith.constant 0 : i32
        %dma_start3A_81 = arith.constant 0 : i32
        %dma_start3A_82 = tpu.memref_slice %arg11[%dma_start3A_80, %dma_start3A_81] : memref<10240x128xf32, #tpu.memory_space<vmem_shared>> -> memref<10240x128xf32, #tpu.memory_space<vmem_shared>>
        tpu.enqueue_indirect_dma source(%dma_start3A_76 : memref<105x128xf32, #tpu.memory_space<vmem>>) target(%dma_start3A_82 : memref<10240x128xf32, #tpu.memory_space<vmem_shared>>) offsets(%dma_start3A_79 : memref<105xi32, #tpu.memory_space<vmem>>) semaphore(%arg13 : memref<!tpu.dma_semaphore, #tpu.memory_space<semaphore_mem>>) {add = true}
      }
      %scan3A_38 = arith.constant 48 : i32
      %dma_wait3A = arith.constant 1 : i32
      %dma_wait3A_39 = arith.constant 1 : i32
      %dma_wait3A_40 = arith.constant 47 : i32
      %dma_wait3A_41 = arith.constant 0 : i32
      %dma_wait3A_42 = arith.constant 0 : i32
      %dma_wait3A_43 = tpu.memref_slice %arg10[%dma_wait3A, %dma_wait3A_41, %dma_wait3A_42] : memref<2x105x128xf32, #tpu.memory_space<vmem>> -> memref<1x105x128xf32, #tpu.memory_space<vmem>>
      %dma_wait3A_44 = tpu.memref_squeeze %dma_wait3A_43 : memref<1x105x128xf32, #tpu.memory_space<vmem>> -> memref<105x128xf32, #tpu.memory_space<vmem>>
      %dma_wait3A_45 = arith.constant 0 : i32
      %dma_wait3A_46 = tpu.memref_slice %arg9[%dma_wait3A_39, %dma_wait3A_40, %dma_wait3A_45] : memref<2x48x105xi32, #tpu.memory_space<vmem>> -> memref<1x1x105xi32, #tpu.memory_space<vmem>>
      %dma_wait3A_47 = tpu.memref_squeeze %dma_wait3A_46 : memref<1x1x105xi32, #tpu.memory_space<vmem>> -> memref<105xi32, #tpu.memory_space<vmem>>
      %dma_wait3A_48 = arith.constant 0 : i32
      %dma_wait3A_49 = arith.constant 0 : i32
      %dma_wait3A_50 = tpu.memref_slice %arg11[%dma_wait3A_48, %dma_wait3A_49] : memref<10240x128xf32, #tpu.memory_space<vmem_shared>> -> memref<10240x128xf32, #tpu.memory_space<vmem_shared>>
      tpu.wait_indirect_dma semaphore(%arg13 : memref<!tpu.dma_semaphore, #tpu.memory_space<semaphore_mem>>) src(%dma_wait3A_44 : memref<105x128xf32, #tpu.memory_space<vmem>>) dst(%dma_wait3A_50 : memref<10240x128xf32, #tpu.memory_space<vmem_shared>>)
    } else {
    }
    %barrier3A_10 = arith.constant 0 : index
    tpu.barrier barrier_id(%barrier3A_10)
    %eq3A_11 = arith.constant 0 : i32
    %eq3A_12 = arith.cmpi eq, %arg0, %eq3A_11 : i32
    %convert_element_type3A_13 = arith.extui %eq3A_12 : i1 to i32
    %cond3A_14 = arith.constant 0 : i32
    %cond3A_15 = arith.cmpi ne, %convert_element_type3A_13, %cond3A_14 : i32
    scf.if %cond3A_15 {
      "tpu.region"() ({
        %run_scoped3A = tpu.sem_alloc : memref<!tpu.dma_semaphore, #tpu.memory_space<semaphore_mem>>
        %dma_start3A = arith.constant 0 : i32
        %dma_start3A_21 = tpu.memref_slice %arg7[%mul3A_2, %dma_start3A] : memref<10240x128xf32, #tpu.memory_space<hbm>> -> memref<640x128xf32, #tpu.memory_space<hbm>>
        %dma_start3A_22 = arith.constant 0 : i32
        %dma_start3A_23 = tpu.memref_slice %arg11[%mul3A_2, %dma_start3A_22] : memref<10240x128xf32, #tpu.memory_space<vmem_shared>> -> memref<640x128xf32, #tpu.memory_space<vmem_shared>>
        tpu.enqueue_dma source(%dma_start3A_23 : memref<640x128xf32, #tpu.memory_space<vmem_shared>>) target(%dma_start3A_21 : memref<640x128xf32, #tpu.memory_space<hbm>>) target_semaphore(%run_scoped3A : memref<!tpu.dma_semaphore, #tpu.memory_space<semaphore_mem>>)
        %dma_wait3A = arith.constant 0 : i32
        %dma_wait3A_24 = tpu.memref_slice %arg7[%mul3A_2, %dma_wait3A] : memref<10240x128xf32, #tpu.memory_space<hbm>> -> memref<640x128xf32, #tpu.memory_space<hbm>>
        %dma_wait3A_25 = arith.constant 0 : i32
        %dma_wait3A_26 = tpu.memref_slice %arg11[%mul3A_2, %dma_wait3A_25] : memref<10240x128xf32, #tpu.memory_space<vmem_shared>> -> memref<640x128xf32, #tpu.memory_space<vmem_shared>>
        tpu.wait_dma2 semaphore(%run_scoped3A : memref<!tpu.dma_semaphore, #tpu.memory_space<semaphore_mem>>) src(%dma_wait3A_26 : memref<640x128xf32, #tpu.memory_space<vmem_shared>>) dst(%dma_wait3A_24 : memref<640x128xf32, #tpu.memory_space<hbm>>)
        tpu.yield
      }) : () -> ()
    } else {
    }
    %eq3A_16 = arith.constant 1 : i32
    %eq3A_17 = arith.cmpi eq, %arg0, %eq3A_16 : i32
    %convert_element_type3A_18 = arith.extui %eq3A_17 : i1 to i32
    %cond3A_19 = arith.constant 0 : i32
    %cond3A_20 = arith.cmpi ne, %convert_element_type3A_18, %cond3A_19 : i32
    scf.if %cond3A_20 {
      "tpu.region"() ({
        %run_scoped3A = tpu.sem_alloc : memref<!tpu.dma_semaphore, #tpu.memory_space<semaphore_mem>>
        %dma_start3A = arith.constant 0 : i32
        %dma_start3A_21 = tpu.memref_slice %arg8[%mul3A_2, %dma_start3A] : memref<10240x128xf32, #tpu.memory_space<hbm>> -> memref<640x128xf32, #tpu.memory_space<hbm>>
        %dma_start3A_22 = arith.constant 0 : i32
        %dma_start3A_23 = tpu.memref_slice %arg11[%mul3A_2, %dma_start3A_22] : memref<10240x128xf32, #tpu.memory_space<vmem_shared>> -> memref<640x128xf32, #tpu.memory_space<vmem_shared>>
        tpu.enqueue_dma source(%dma_start3A_23 : memref<640x128xf32, #tpu.memory_space<vmem_shared>>) target(%dma_start3A_21 : memref<640x128xf32, #tpu.memory_space<hbm>>) target_semaphore(%run_scoped3A : memref<!tpu.dma_semaphore, #tpu.memory_space<semaphore_mem>>)
        %dma_wait3A = arith.constant 0 : i32
        %dma_wait3A_24 = tpu.memref_slice %arg8[%mul3A_2, %dma_wait3A] : memref<10240x128xf32, #tpu.memory_space<hbm>> -> memref<640x128xf32, #tpu.memory_space<hbm>>
        %dma_wait3A_25 = arith.constant 0 : i32
        %dma_wait3A_26 = tpu.memref_slice %arg11[%mul3A_2, %dma_wait3A_25] : memref<10240x128xf32, #tpu.memory_space<vmem_shared>> -> memref<640x128xf32, #tpu.memory_space<vmem_shared>>
        tpu.wait_dma2 semaphore(%run_scoped3A : memref<!tpu.dma_semaphore, #tpu.memory_space<semaphore_mem>>) src(%dma_wait3A_26 : memref<640x128xf32, #tpu.memory_space<vmem_shared>>) dst(%dma_wait3A_24 : memref<640x128xf32, #tpu.memory_space<hbm>>)
        tpu.yield
      }) : () -> ()
    } else {
    }
    return
  }
}

#map = affine_map<(d0, d1) -> (0, 0)>
#map1 = affine_map<(d0, d1) -> (0, 0, 0)>
#map2 = affine_map<(d0, d1) -> (0)>
module attributes {stable_mosaic.version = 14 : i64} {
  func.func @body(%arg0: i32, %arg1: i32, %arg2: memref<10240x128xf32, #tpu.memory_space<hbm>>, %arg3: memref<10240x128xf32, #tpu.memory_space<hbm>>, %arg4: memref<16x96x105xi32, #tpu.memory_space<hbm>>, %arg5: memref<16x96x105xi32, #tpu.memory_space<hbm>>, %arg6: memref<10240x128xf32, #tpu.memory_space<hbm>>, %arg7: memref<10240xf32, #tpu.memory_space<hbm>>, %arg8: memref<10240x128xf32, #tpu.memory_space<hbm>>, %arg9: memref<10240x128xf32, #tpu.memory_space<hbm>>, %arg10: memref<2x48x105xi32, #tpu.memory_space<vmem>>, %arg11: memref<2x105x128xf32, #tpu.memory_space<vmem>>, %arg12: memref<10240x128xf32, #tpu.memory_space<vmem_shared>>, %arg13: memref<!tpu.dma_semaphore, #tpu.memory_space<semaphore_mem>>, %arg14: memref<!tpu.dma_semaphore, #tpu.memory_space<semaphore_mem>>) attributes {dimension_semantics = [#tpu.dimension_semantics<core_parallel>, #tpu.dimension_semantics<subcore_parallel>], iteration_bounds = array<i64: 2, 16>, scalar_prefetch = 0 : i64, scratch_operands = 5 : i64, tpu.core_type = #tpu.core_type<sc_vector_subcore>, window_params = [{transform_indices = #map}, {transform_indices = #map}, {transform_indices = #map1}, {transform_indices = #map1}, {transform_indices = #map}, {transform_indices = #map2}, {transform_indices = #map}, {transform_indices = #map}]} {
    %mul3A = arith.constant 640 : i32
    %mul3A_0 = arith.muli %arg1, %mul3A : i32
    "tpu.region"() ({
      %run_scoped3A = tpu.sem_alloc : memref<!tpu.dma_semaphore, #tpu.memory_space<semaphore_mem>>
      %dma_start3A = arith.constant 0 : i32
      %dma_start3A_19 = tpu.memref_slice %arg12[%mul3A_0, %dma_start3A] : memref<10240x128xf32, #tpu.memory_space<vmem_shared>> -> memref<640x128xf32, #tpu.memory_space<vmem_shared>>
      %dma_start3A_20 = arith.constant 0 : i32
      %dma_start3A_21 = tpu.memref_slice %arg6[%mul3A_0, %dma_start3A_20] : memref<10240x128xf32, #tpu.memory_space<hbm>> -> memref<640x128xf32, #tpu.memory_space<hbm>>
      tpu.enqueue_dma source(%dma_start3A_21 : memref<640x128xf32, #tpu.memory_space<hbm>>) target(%dma_start3A_19 : memref<640x128xf32, #tpu.memory_space<vmem_shared>>) target_semaphore(%run_scoped3A : memref<!tpu.dma_semaphore, #tpu.memory_space<semaphore_mem>>)
      %dma_wait3A = arith.constant 0 : i32
      %dma_wait3A_22 = tpu.memref_slice %arg12[%mul3A_0, %dma_wait3A] : memref<10240x128xf32, #tpu.memory_space<vmem_shared>> -> memref<640x128xf32, #tpu.memory_space<vmem_shared>>
      %dma_wait3A_23 = arith.constant 0 : i32
      %dma_wait3A_24 = tpu.memref_slice %arg6[%mul3A_0, %dma_wait3A_23] : memref<10240x128xf32, #tpu.memory_space<hbm>> -> memref<640x128xf32, #tpu.memory_space<hbm>>
      tpu.wait_dma2 semaphore(%run_scoped3A : memref<!tpu.dma_semaphore, #tpu.memory_space<semaphore_mem>>) src(%dma_wait3A_24 : memref<640x128xf32, #tpu.memory_space<hbm>>) dst(%dma_wait3A_22 : memref<640x128xf32, #tpu.memory_space<vmem_shared>>)
      tpu.yield
    }) : () -> ()
    %barrier3A = arith.constant 0 : index
    tpu.barrier barrier_id(%barrier3A)
    %eq3A = arith.constant 0 : i32
    %eq3A_1 = arith.cmpi eq, %arg0, %eq3A : i32
    %convert_element_type3A = arith.extui %eq3A_1 : i1 to i32
    %cond3A = arith.constant 0 : i32
    %cond3A_2 = arith.cmpi ne, %convert_element_type3A, %cond3A : i32
    scf.if %cond3A_2 {
      %run_scoped3A = arith.constant 0 : i32
      "tpu.region"() ({
        %run_scoped3A_83 = tpu.sem_alloc : memref<!tpu.dma_semaphore, #tpu.memory_space<semaphore_mem>>
        %dma_start3A_84 = arith.constant 0 : i32
        %dma_start3A_85 = arith.constant 0 : i32
        %dma_start3A_86 = tpu.memref_slice %arg10[%run_scoped3A, %dma_start3A_84, %dma_start3A_85] : memref<2x48x105xi32, #tpu.memory_space<vmem>> -> memref<1x48x105xi32, #tpu.memory_space<vmem>>
        %dma_start3A_87 = tpu.memref_squeeze %dma_start3A_86 : memref<1x48x105xi32, #tpu.memory_space<vmem>> -> memref<48x105xi32, #tpu.memory_space<vmem>>
        %dma_start3A_88 = arith.constant 0 : i32
        %dma_start3A_89 = arith.constant 0 : i32
        %dma_start3A_90 = tpu.memref_slice %arg4[%arg1, %dma_start3A_88, %dma_start3A_89] : memref<16x96x105xi32, #tpu.memory_space<hbm>> -> memref<1x48x105xi32, #tpu.memory_space<hbm>>
        %dma_start3A_91 = tpu.memref_squeeze %dma_start3A_90 : memref<1x48x105xi32, #tpu.memory_space<hbm>> -> memref<48x105xi32, #tpu.memory_space<hbm>>
        %dma_start3A_92 = arith.constant 0 : i32
        %dma_start3A_93 = arith.constant 0 : i32
        %dma_start3A_94 = tpu.memref_slice %arg10[%run_scoped3A, %dma_start3A_92, %dma_start3A_93] : memref<2x48x105xi32, #tpu.memory_space<vmem>> -> memref<1x48x105xi32, #tpu.memory_space<vmem>>
        %dma_start3A_95 = tpu.memref_squeeze %dma_start3A_94 : memref<1x48x105xi32, #tpu.memory_space<vmem>> -> memref<48x105xi32, #tpu.memory_space<vmem>>
        %dma_start3A_96 = arith.constant 0 : i32
        %dma_start3A_97 = arith.constant 0 : i32
        %dma_start3A_98 = tpu.memref_slice %arg4[%arg1, %dma_start3A_96, %dma_start3A_97] : memref<16x96x105xi32, #tpu.memory_space<hbm>> -> memref<1x48x105xi32, #tpu.memory_space<hbm>>
        %dma_start3A_99 = tpu.memref_squeeze %dma_start3A_98 : memref<1x48x105xi32, #tpu.memory_space<hbm>> -> memref<48x105xi32, #tpu.memory_space<hbm>>
        tpu.enqueue_dma source(%dma_start3A_99 : memref<48x105xi32, #tpu.memory_space<hbm>>) target(%dma_start3A_95 : memref<48x105xi32, #tpu.memory_space<vmem>>) target_semaphore(%run_scoped3A_83 : memref<!tpu.dma_semaphore, #tpu.memory_space<semaphore_mem>>)
        %dma_wait3A_100 = arith.constant 0 : i32
        %dma_wait3A_101 = arith.constant 0 : i32
        %dma_wait3A_102 = tpu.memref_slice %arg10[%run_scoped3A, %dma_wait3A_100, %dma_wait3A_101] : memref<2x48x105xi32, #tpu.memory_space<vmem>> -> memref<1x48x105xi32, #tpu.memory_space<vmem>>
        %dma_wait3A_103 = tpu.memref_squeeze %dma_wait3A_102 : memref<1x48x105xi32, #tpu.memory_space<vmem>> -> memref<48x105xi32, #tpu.memory_space<vmem>>
        %dma_wait3A_104 = arith.constant 0 : i32
        %dma_wait3A_105 = arith.constant 0 : i32
        %dma_wait3A_106 = tpu.memref_slice %arg4[%arg1, %dma_wait3A_104, %dma_wait3A_105] : memref<16x96x105xi32, #tpu.memory_space<hbm>> -> memref<1x48x105xi32, #tpu.memory_space<hbm>>
        %dma_wait3A_107 = tpu.memref_squeeze %dma_wait3A_106 : memref<1x48x105xi32, #tpu.memory_space<hbm>> -> memref<48x105xi32, #tpu.memory_space<hbm>>
        %dma_wait3A_108 = arith.constant 0 : i32
        %dma_wait3A_109 = arith.constant 0 : i32
        %dma_wait3A_110 = tpu.memref_slice %arg10[%run_scoped3A, %dma_wait3A_108, %dma_wait3A_109] : memref<2x48x105xi32, #tpu.memory_space<vmem>> -> memref<1x48x105xi32, #tpu.memory_space<vmem>>
        %dma_wait3A_111 = tpu.memref_squeeze %dma_wait3A_110 : memref<1x48x105xi32, #tpu.memory_space<vmem>> -> memref<48x105xi32, #tpu.memory_space<vmem>>
        %dma_wait3A_112 = arith.constant 0 : i32
        %dma_wait3A_113 = arith.constant 0 : i32
        %dma_wait3A_114 = tpu.memref_slice %arg4[%arg1, %dma_wait3A_112, %dma_wait3A_113] : memref<16x96x105xi32, #tpu.memory_space<hbm>> -> memref<1x48x105xi32, #tpu.memory_space<hbm>>
        %dma_wait3A_115 = tpu.memref_squeeze %dma_wait3A_114 : memref<1x48x105xi32, #tpu.memory_space<hbm>> -> memref<48x105xi32, #tpu.memory_space<hbm>>
        tpu.wait_dma2 semaphore(%run_scoped3A_83 : memref<!tpu.dma_semaphore, #tpu.memory_space<semaphore_mem>>) src(%dma_wait3A_115 : memref<48x105xi32, #tpu.memory_space<hbm>>) dst(%dma_wait3A_111 : memref<48x105xi32, #tpu.memory_space<vmem>>)
        tpu.yield
      }) : () -> ()
      %run_scoped3A_19 = arith.constant 1 : i32
      "tpu.region"() ({
        %run_scoped3A_83 = tpu.sem_alloc : memref<!tpu.dma_semaphore, #tpu.memory_space<semaphore_mem>>
        %dma_start3A_84 = arith.constant 0 : i32
        %dma_start3A_85 = arith.constant 0 : i32
        %dma_start3A_86 = tpu.memref_slice %arg10[%run_scoped3A_19, %dma_start3A_84, %dma_start3A_85] : memref<2x48x105xi32, #tpu.memory_space<vmem>> -> memref<1x48x105xi32, #tpu.memory_space<vmem>>
        %dma_start3A_87 = tpu.memref_squeeze %dma_start3A_86 : memref<1x48x105xi32, #tpu.memory_space<vmem>> -> memref<48x105xi32, #tpu.memory_space<vmem>>
        %dma_start3A_88 = arith.constant 0 : i32
        %dma_start3A_89 = arith.constant 0 : i32
        %dma_start3A_90 = tpu.memref_slice %arg5[%arg1, %dma_start3A_88, %dma_start3A_89] : memref<16x96x105xi32, #tpu.memory_space<hbm>> -> memref<1x48x105xi32, #tpu.memory_space<hbm>>
        %dma_start3A_91 = tpu.memref_squeeze %dma_start3A_90 : memref<1x48x105xi32, #tpu.memory_space<hbm>> -> memref<48x105xi32, #tpu.memory_space<hbm>>
        %dma_start3A_92 = arith.constant 0 : i32
        %dma_start3A_93 = arith.constant 0 : i32
        %dma_start3A_94 = tpu.memref_slice %arg10[%run_scoped3A_19, %dma_start3A_92, %dma_start3A_93] : memref<2x48x105xi32, #tpu.memory_space<vmem>> -> memref<1x48x105xi32, #tpu.memory_space<vmem>>
        %dma_start3A_95 = tpu.memref_squeeze %dma_start3A_94 : memref<1x48x105xi32, #tpu.memory_space<vmem>> -> memref<48x105xi32, #tpu.memory_space<vmem>>
        %dma_start3A_96 = arith.constant 0 : i32
        %dma_start3A_97 = arith.constant 0 : i32
        %dma_start3A_98 = tpu.memref_slice %arg5[%arg1, %dma_start3A_96, %dma_start3A_97] : memref<16x96x105xi32, #tpu.memory_space<hbm>> -> memref<1x48x105xi32, #tpu.memory_space<hbm>>
        %dma_start3A_99 = tpu.memref_squeeze %dma_start3A_98 : memref<1x48x105xi32, #tpu.memory_space<hbm>> -> memref<48x105xi32, #tpu.memory_space<hbm>>
        tpu.enqueue_dma source(%dma_start3A_99 : memref<48x105xi32, #tpu.memory_space<hbm>>) target(%dma_start3A_95 : memref<48x105xi32, #tpu.memory_space<vmem>>) target_semaphore(%run_scoped3A_83 : memref<!tpu.dma_semaphore, #tpu.memory_space<semaphore_mem>>)
        %dma_wait3A_100 = arith.constant 0 : i32
        %dma_wait3A_101 = arith.constant 0 : i32
        %dma_wait3A_102 = tpu.memref_slice %arg10[%run_scoped3A_19, %dma_wait3A_100, %dma_wait3A_101] : memref<2x48x105xi32, #tpu.memory_space<vmem>> -> memref<1x48x105xi32, #tpu.memory_space<vmem>>
        %dma_wait3A_103 = tpu.memref_squeeze %dma_wait3A_102 : memref<1x48x105xi32, #tpu.memory_space<vmem>> -> memref<48x105xi32, #tpu.memory_space<vmem>>
        %dma_wait3A_104 = arith.constant 0 : i32
        %dma_wait3A_105 = arith.constant 0 : i32
        %dma_wait3A_106 = tpu.memref_slice %arg5[%arg1, %dma_wait3A_104, %dma_wait3A_105] : memref<16x96x105xi32, #tpu.memory_space<hbm>> -> memref<1x48x105xi32, #tpu.memory_space<hbm>>
        %dma_wait3A_107 = tpu.memref_squeeze %dma_wait3A_106 : memref<1x48x105xi32, #tpu.memory_space<hbm>> -> memref<48x105xi32, #tpu.memory_space<hbm>>
        %dma_wait3A_108 = arith.constant 0 : i32
        %dma_wait3A_109 = arith.constant 0 : i32
        %dma_wait3A_110 = tpu.memref_slice %arg10[%run_scoped3A_19, %dma_wait3A_108, %dma_wait3A_109] : memref<2x48x105xi32, #tpu.memory_space<vmem>> -> memref<1x48x105xi32, #tpu.memory_space<vmem>>
        %dma_wait3A_111 = tpu.memref_squeeze %dma_wait3A_110 : memref<1x48x105xi32, #tpu.memory_space<vmem>> -> memref<48x105xi32, #tpu.memory_space<vmem>>
        %dma_wait3A_112 = arith.constant 0 : i32
        %dma_wait3A_113 = arith.constant 0 : i32
        %dma_wait3A_114 = tpu.memref_slice %arg5[%arg1, %dma_wait3A_112, %dma_wait3A_113] : memref<16x96x105xi32, #tpu.memory_space<hbm>> -> memref<1x48x105xi32, #tpu.memory_space<hbm>>
        %dma_wait3A_115 = tpu.memref_squeeze %dma_wait3A_114 : memref<1x48x105xi32, #tpu.memory_space<hbm>> -> memref<48x105xi32, #tpu.memory_space<hbm>>
        tpu.wait_dma2 semaphore(%run_scoped3A_83 : memref<!tpu.dma_semaphore, #tpu.memory_space<semaphore_mem>>) src(%dma_wait3A_115 : memref<48x105xi32, #tpu.memory_space<hbm>>) dst(%dma_wait3A_111 : memref<48x105xi32, #tpu.memory_space<vmem>>)
        tpu.yield
      }) : () -> ()
      %dma_start3A = arith.constant 0 : i32
      %dma_start3A_20 = arith.constant 0 : i32
      %dma_start3A_21 = arith.constant 0 : i32
      %dma_start3A_22 = arith.constant 0 : i32
      %dma_start3A_23 = arith.constant 0 : i32
      %dma_start3A_24 = tpu.memref_slice %arg11[%dma_start3A_21, %dma_start3A_22, %dma_start3A_23] : memref<2x105x128xf32, #tpu.memory_space<vmem>> -> memref<1x105x128xf32, #tpu.memory_space<vmem>>
      %dma_start3A_25 = tpu.memref_squeeze %dma_start3A_24 : memref<1x105x128xf32, #tpu.memory_space<vmem>> -> memref<105x128xf32, #tpu.memory_space<vmem>>
      %dma_start3A_26 = arith.constant 0 : i32
      %dma_start3A_27 = tpu.memref_slice %arg10[%dma_start3A, %dma_start3A_20, %dma_start3A_26] : memref<2x48x105xi32, #tpu.memory_space<vmem>> -> memref<1x1x105xi32, #tpu.memory_space<vmem>>
      %dma_start3A_28 = tpu.memref_squeeze %dma_start3A_27 : memref<1x1x105xi32, #tpu.memory_space<vmem>> -> memref<105xi32, #tpu.memory_space<vmem>>
      %dma_start3A_29 = arith.constant 0 : i32
      %dma_start3A_30 = arith.constant 0 : i32
      %dma_start3A_31 = tpu.memref_slice %arg2[%dma_start3A_29, %dma_start3A_30] : memref<10240x128xf32, #tpu.memory_space<hbm>> -> memref<10240x128xf32, #tpu.memory_space<hbm>>
      tpu.enqueue_indirect_dma source(%dma_start3A_31 : memref<10240x128xf32, #tpu.memory_space<hbm>>) target(%dma_start3A_25 : memref<105x128xf32, #tpu.memory_space<vmem>>) offsets(%dma_start3A_28 : memref<105xi32, #tpu.memory_space<vmem>>) semaphore(%arg13 : memref<!tpu.dma_semaphore, #tpu.memory_space<semaphore_mem>>)
      %scan3A = arith.constant 0 : i32
      %scan3A_32 = arith.constant 0 : i32
      %scan3A_33 = arith.constant 48 : i32
      %scan3A_34 = arith.addi %scan3A_32, %scan3A_33 : i32
      %scan3A_35 = arith.constant 1 : i32
      scf.for %scan3A_83 = %scan3A_32 to %scan3A_34 step %scan3A_35  : i32 {
        %and3A = arith.constant 1 : i32
        %and3A_84 = arith.andi %scan3A_83, %and3A : i32
        %dma_wait3A_85 = arith.constant 0 : i32
        %dma_wait3A_86 = arith.constant 0 : i32
        %dma_wait3A_87 = arith.constant 0 : i32
        %dma_wait3A_88 = tpu.memref_slice %arg11[%and3A_84, %dma_wait3A_86, %dma_wait3A_87] : memref<2x105x128xf32, #tpu.memory_space<vmem>> -> memref<1x105x128xf32, #tpu.memory_space<vmem>>
        %dma_wait3A_89 = tpu.memref_squeeze %dma_wait3A_88 : memref<1x105x128xf32, #tpu.memory_space<vmem>> -> memref<105x128xf32, #tpu.memory_space<vmem>>
        %dma_wait3A_90 = arith.constant 0 : i32
        %dma_wait3A_91 = tpu.memref_slice %arg10[%dma_wait3A_85, %scan3A_83, %dma_wait3A_90] : memref<2x48x105xi32, #tpu.memory_space<vmem>> -> memref<1x1x105xi32, #tpu.memory_space<vmem>>
        %dma_wait3A_92 = tpu.memref_squeeze %dma_wait3A_91 : memref<1x1x105xi32, #tpu.memory_space<vmem>> -> memref<105xi32, #tpu.memory_space<vmem>>
        %dma_wait3A_93 = arith.constant 0 : i32
        %dma_wait3A_94 = arith.constant 0 : i32
        %dma_wait3A_95 = tpu.memref_slice %arg2[%dma_wait3A_93, %dma_wait3A_94] : memref<10240x128xf32, #tpu.memory_space<hbm>> -> memref<10240x128xf32, #tpu.memory_space<hbm>>
        tpu.wait_indirect_dma semaphore(%arg13 : memref<!tpu.dma_semaphore, #tpu.memory_space<semaphore_mem>>) src(%dma_wait3A_95 : memref<10240x128xf32, #tpu.memory_space<hbm>>) dst(%dma_wait3A_89 : memref<105x128xf32, #tpu.memory_space<vmem>>)
        %ge3A = arith.constant 1 : i32
        %ge3A_96 = arith.cmpi sge, %scan3A_83, %ge3A : i32
        %convert_element_type3A_97 = arith.extui %ge3A_96 : i1 to i32
        %cond3A_98 = arith.constant 0 : i32
        %cond3A_99 = arith.cmpi ne, %convert_element_type3A_97, %cond3A_98 : i32
        scf.if %cond3A_99 {
          %sub3A = arith.constant 1 : i32
          %sub3A_115 = arith.subi %scan3A_83, %sub3A : i32
          %sub3A_116 = arith.constant 1 : i32
          %sub3A_117 = arith.subi %sub3A_116, %and3A_84 : i32
          %dma_wait3A_118 = arith.constant 1 : i32
          %dma_wait3A_119 = arith.constant 0 : i32
          %dma_wait3A_120 = arith.constant 0 : i32
          %dma_wait3A_121 = tpu.memref_slice %arg11[%sub3A_117, %dma_wait3A_119, %dma_wait3A_120] : memref<2x105x128xf32, #tpu.memory_space<vmem>> -> memref<1x105x128xf32, #tpu.memory_space<vmem>>
          %dma_wait3A_122 = tpu.memref_squeeze %dma_wait3A_121 : memref<1x105x128xf32, #tpu.memory_space<vmem>> -> memref<105x128xf32, #tpu.memory_space<vmem>>
          %dma_wait3A_123 = arith.constant 0 : i32
          %dma_wait3A_124 = tpu.memref_slice %arg10[%dma_wait3A_118, %sub3A_115, %dma_wait3A_123] : memref<2x48x105xi32, #tpu.memory_space<vmem>> -> memref<1x1x105xi32, #tpu.memory_space<vmem>>
          %dma_wait3A_125 = tpu.memref_squeeze %dma_wait3A_124 : memref<1x1x105xi32, #tpu.memory_space<vmem>> -> memref<105xi32, #tpu.memory_space<vmem>>
          %dma_wait3A_126 = arith.constant 0 : i32
          %dma_wait3A_127 = arith.constant 0 : i32
          %dma_wait3A_128 = tpu.memref_slice %arg12[%dma_wait3A_126, %dma_wait3A_127] : memref<10240x128xf32, #tpu.memory_space<vmem_shared>> -> memref<10240x128xf32, #tpu.memory_space<vmem_shared>>
          tpu.wait_indirect_dma semaphore(%arg14 : memref<!tpu.dma_semaphore, #tpu.memory_space<semaphore_mem>>) src(%dma_wait3A_122 : memref<105x128xf32, #tpu.memory_space<vmem>>) dst(%dma_wait3A_128 : memref<10240x128xf32, #tpu.memory_space<vmem_shared>>)
        } else {
        }
        %lt3A = arith.constant 47 : i32
        %lt3A_100 = arith.cmpi slt, %scan3A_83, %lt3A : i32
        %convert_element_type3A_101 = arith.extui %lt3A_100 : i1 to i32
        %cond3A_102 = arith.constant 0 : i32
        %cond3A_103 = arith.cmpi ne, %convert_element_type3A_101, %cond3A_102 : i32
        scf.if %cond3A_103 {
          %add3A = arith.constant 1 : i32
          %add3A_115 = arith.addi %scan3A_83, %add3A : i32
          %sub3A = arith.constant 1 : i32
          %sub3A_116 = arith.subi %sub3A, %and3A_84 : i32
          %dma_start3A_117 = arith.constant 0 : i32
          %dma_start3A_118 = arith.constant 0 : i32
          %dma_start3A_119 = arith.constant 0 : i32
          %dma_start3A_120 = tpu.memref_slice %arg11[%sub3A_116, %dma_start3A_118, %dma_start3A_119] : memref<2x105x128xf32, #tpu.memory_space<vmem>> -> memref<1x105x128xf32, #tpu.memory_space<vmem>>
          %dma_start3A_121 = tpu.memref_squeeze %dma_start3A_120 : memref<1x105x128xf32, #tpu.memory_space<vmem>> -> memref<105x128xf32, #tpu.memory_space<vmem>>
          %dma_start3A_122 = arith.constant 0 : i32
          %dma_start3A_123 = tpu.memref_slice %arg10[%dma_start3A_117, %add3A_115, %dma_start3A_122] : memref<2x48x105xi32, #tpu.memory_space<vmem>> -> memref<1x1x105xi32, #tpu.memory_space<vmem>>
          %dma_start3A_124 = tpu.memref_squeeze %dma_start3A_123 : memref<1x1x105xi32, #tpu.memory_space<vmem>> -> memref<105xi32, #tpu.memory_space<vmem>>
          %dma_start3A_125 = arith.constant 0 : i32
          %dma_start3A_126 = arith.constant 0 : i32
          %dma_start3A_127 = tpu.memref_slice %arg2[%dma_start3A_125, %dma_start3A_126] : memref<10240x128xf32, #tpu.memory_space<hbm>> -> memref<10240x128xf32, #tpu.memory_space<hbm>>
          tpu.enqueue_indirect_dma source(%dma_start3A_127 : memref<10240x128xf32, #tpu.memory_space<hbm>>) target(%dma_start3A_121 : memref<105x128xf32, #tpu.memory_space<vmem>>) offsets(%dma_start3A_124 : memref<105xi32, #tpu.memory_space<vmem>>) semaphore(%arg13 : memref<!tpu.dma_semaphore, #tpu.memory_space<semaphore_mem>>)
        } else {
        }
        %dma_start3A_104 = arith.constant 1 : i32
        %dma_start3A_105 = arith.constant 0 : i32
        %dma_start3A_106 = arith.constant 0 : i32
        %dma_start3A_107 = tpu.memref_slice %arg11[%and3A_84, %dma_start3A_105, %dma_start3A_106] : memref<2x105x128xf32, #tpu.memory_space<vmem>> -> memref<1x105x128xf32, #tpu.memory_space<vmem>>
        %dma_start3A_108 = tpu.memref_squeeze %dma_start3A_107 : memref<1x105x128xf32, #tpu.memory_space<vmem>> -> memref<105x128xf32, #tpu.memory_space<vmem>>
        %dma_start3A_109 = arith.constant 0 : i32
        %dma_start3A_110 = tpu.memref_slice %arg10[%dma_start3A_104, %scan3A_83, %dma_start3A_109] : memref<2x48x105xi32, #tpu.memory_space<vmem>> -> memref<1x1x105xi32, #tpu.memory_space<vmem>>
        %dma_start3A_111 = tpu.memref_squeeze %dma_start3A_110 : memref<1x1x105xi32, #tpu.memory_space<vmem>> -> memref<105xi32, #tpu.memory_space<vmem>>
        %dma_start3A_112 = arith.constant 0 : i32
        %dma_start3A_113 = arith.constant 0 : i32
        %dma_start3A_114 = tpu.memref_slice %arg12[%dma_start3A_112, %dma_start3A_113] : memref<10240x128xf32, #tpu.memory_space<vmem_shared>> -> memref<10240x128xf32, #tpu.memory_space<vmem_shared>>
        tpu.enqueue_indirect_dma source(%dma_start3A_108 : memref<105x128xf32, #tpu.memory_space<vmem>>) target(%dma_start3A_114 : memref<10240x128xf32, #tpu.memory_space<vmem_shared>>) offsets(%dma_start3A_111 : memref<105xi32, #tpu.memory_space<vmem>>) semaphore(%arg14 : memref<!tpu.dma_semaphore, #tpu.memory_space<semaphore_mem>>) {add = true}
      }
      %scan3A_36 = arith.constant 48 : i32
      %dma_wait3A = arith.constant 1 : i32
      %dma_wait3A_37 = arith.constant 1 : i32
      %dma_wait3A_38 = arith.constant 47 : i32
      %dma_wait3A_39 = arith.constant 0 : i32
      %dma_wait3A_40 = arith.constant 0 : i32
      %dma_wait3A_41 = tpu.memref_slice %arg11[%dma_wait3A, %dma_wait3A_39, %dma_wait3A_40] : memref<2x105x128xf32, #tpu.memory_space<vmem>> -> memref<1x105x128xf32, #tpu.memory_space<vmem>>
      %dma_wait3A_42 = tpu.memref_squeeze %dma_wait3A_41 : memref<1x105x128xf32, #tpu.memory_space<vmem>> -> memref<105x128xf32, #tpu.memory_space<vmem>>
      %dma_wait3A_43 = arith.constant 0 : i32
      %dma_wait3A_44 = tpu.memref_slice %arg10[%dma_wait3A_37, %dma_wait3A_38, %dma_wait3A_43] : memref<2x48x105xi32, #tpu.memory_space<vmem>> -> memref<1x1x105xi32, #tpu.memory_space<vmem>>
      %dma_wait3A_45 = tpu.memref_squeeze %dma_wait3A_44 : memref<1x1x105xi32, #tpu.memory_space<vmem>> -> memref<105xi32, #tpu.memory_space<vmem>>
      %dma_wait3A_46 = arith.constant 0 : i32
      %dma_wait3A_47 = arith.constant 0 : i32
      %dma_wait3A_48 = tpu.memref_slice %arg12[%dma_wait3A_46, %dma_wait3A_47] : memref<10240x128xf32, #tpu.memory_space<vmem_shared>> -> memref<10240x128xf32, #tpu.memory_space<vmem_shared>>
      tpu.wait_indirect_dma semaphore(%arg14 : memref<!tpu.dma_semaphore, #tpu.memory_space<semaphore_mem>>) src(%dma_wait3A_42 : memref<105x128xf32, #tpu.memory_space<vmem>>) dst(%dma_wait3A_48 : memref<10240x128xf32, #tpu.memory_space<vmem_shared>>)
      %run_scoped3A_49 = arith.constant 0 : i32
      "tpu.region"() ({
        %run_scoped3A_83 = tpu.sem_alloc : memref<!tpu.dma_semaphore, #tpu.memory_space<semaphore_mem>>
        %dma_start3A_84 = arith.constant 0 : i32
        %dma_start3A_85 = arith.constant 0 : i32
        %dma_start3A_86 = tpu.memref_slice %arg10[%run_scoped3A_49, %dma_start3A_84, %dma_start3A_85] : memref<2x48x105xi32, #tpu.memory_space<vmem>> -> memref<1x48x105xi32, #tpu.memory_space<vmem>>
        %dma_start3A_87 = tpu.memref_squeeze %dma_start3A_86 : memref<1x48x105xi32, #tpu.memory_space<vmem>> -> memref<48x105xi32, #tpu.memory_space<vmem>>
        %dma_start3A_88 = arith.constant 48 : i32
        %dma_start3A_89 = arith.constant 0 : i32
        %dma_start3A_90 = tpu.memref_slice %arg4[%arg1, %dma_start3A_88, %dma_start3A_89] : memref<16x96x105xi32, #tpu.memory_space<hbm>> -> memref<1x48x105xi32, #tpu.memory_space<hbm>>
        %dma_start3A_91 = tpu.memref_squeeze %dma_start3A_90 : memref<1x48x105xi32, #tpu.memory_space<hbm>> -> memref<48x105xi32, #tpu.memory_space<hbm>>
        %dma_start3A_92 = arith.constant 0 : i32
        %dma_start3A_93 = arith.constant 0 : i32
        %dma_start3A_94 = tpu.memref_slice %arg10[%run_scoped3A_49, %dma_start3A_92, %dma_start3A_93] : memref<2x48x105xi32, #tpu.memory_space<vmem>> -> memref<1x48x105xi32, #tpu.memory_space<vmem>>
        %dma_start3A_95 = tpu.memref_squeeze %dma_start3A_94 : memref<1x48x105xi32, #tpu.memory_space<vmem>> -> memref<48x105xi32, #tpu.memory_space<vmem>>
        %dma_start3A_96 = arith.constant 48 : i32
        %dma_start3A_97 = arith.constant 0 : i32
        %dma_start3A_98 = tpu.memref_slice %arg4[%arg1, %dma_start3A_96, %dma_start3A_97] : memref<16x96x105xi32, #tpu.memory_space<hbm>> -> memref<1x48x105xi32, #tpu.memory_space<hbm>>
        %dma_start3A_99 = tpu.memref_squeeze %dma_start3A_98 : memref<1x48x105xi32, #tpu.memory_space<hbm>> -> memref<48x105xi32, #tpu.memory_space<hbm>>
        tpu.enqueue_dma source(%dma_start3A_99 : memref<48x105xi32, #tpu.memory_space<hbm>>) target(%dma_start3A_95 : memref<48x105xi32, #tpu.memory_space<vmem>>) target_semaphore(%run_scoped3A_83 : memref<!tpu.dma_semaphore, #tpu.memory_space<semaphore_mem>>)
        %dma_wait3A_100 = arith.constant 0 : i32
        %dma_wait3A_101 = arith.constant 0 : i32
        %dma_wait3A_102 = tpu.memref_slice %arg10[%run_scoped3A_49, %dma_wait3A_100, %dma_wait3A_101] : memref<2x48x105xi32, #tpu.memory_space<vmem>> -> memref<1x48x105xi32, #tpu.memory_space<vmem>>
        %dma_wait3A_103 = tpu.memref_squeeze %dma_wait3A_102 : memref<1x48x105xi32, #tpu.memory_space<vmem>> -> memref<48x105xi32, #tpu.memory_space<vmem>>
        %dma_wait3A_104 = arith.constant 48 : i32
        %dma_wait3A_105 = arith.constant 0 : i32
        %dma_wait3A_106 = tpu.memref_slice %arg4[%arg1, %dma_wait3A_104, %dma_wait3A_105] : memref<16x96x105xi32, #tpu.memory_space<hbm>> -> memref<1x48x105xi32, #tpu.memory_space<hbm>>
        %dma_wait3A_107 = tpu.memref_squeeze %dma_wait3A_106 : memref<1x48x105xi32, #tpu.memory_space<hbm>> -> memref<48x105xi32, #tpu.memory_space<hbm>>
        %dma_wait3A_108 = arith.constant 0 : i32
        %dma_wait3A_109 = arith.constant 0 : i32
        %dma_wait3A_110 = tpu.memref_slice %arg10[%run_scoped3A_49, %dma_wait3A_108, %dma_wait3A_109] : memref<2x48x105xi32, #tpu.memory_space<vmem>> -> memref<1x48x105xi32, #tpu.memory_space<vmem>>
        %dma_wait3A_111 = tpu.memref_squeeze %dma_wait3A_110 : memref<1x48x105xi32, #tpu.memory_space<vmem>> -> memref<48x105xi32, #tpu.memory_space<vmem>>
        %dma_wait3A_112 = arith.constant 48 : i32
        %dma_wait3A_113 = arith.constant 0 : i32
        %dma_wait3A_114 = tpu.memref_slice %arg4[%arg1, %dma_wait3A_112, %dma_wait3A_113] : memref<16x96x105xi32, #tpu.memory_space<hbm>> -> memref<1x48x105xi32, #tpu.memory_space<hbm>>
        %dma_wait3A_115 = tpu.memref_squeeze %dma_wait3A_114 : memref<1x48x105xi32, #tpu.memory_space<hbm>> -> memref<48x105xi32, #tpu.memory_space<hbm>>
        tpu.wait_dma2 semaphore(%run_scoped3A_83 : memref<!tpu.dma_semaphore, #tpu.memory_space<semaphore_mem>>) src(%dma_wait3A_115 : memref<48x105xi32, #tpu.memory_space<hbm>>) dst(%dma_wait3A_111 : memref<48x105xi32, #tpu.memory_space<vmem>>)
        tpu.yield
      }) : () -> ()
      %run_scoped3A_50 = arith.constant 1 : i32
      "tpu.region"() ({
        %run_scoped3A_83 = tpu.sem_alloc : memref<!tpu.dma_semaphore, #tpu.memory_space<semaphore_mem>>
        %dma_start3A_84 = arith.constant 0 : i32
        %dma_start3A_85 = arith.constant 0 : i32
        %dma_start3A_86 = tpu.memref_slice %arg10[%run_scoped3A_50, %dma_start3A_84, %dma_start3A_85] : memref<2x48x105xi32, #tpu.memory_space<vmem>> -> memref<1x48x105xi32, #tpu.memory_space<vmem>>
        %dma_start3A_87 = tpu.memref_squeeze %dma_start3A_86 : memref<1x48x105xi32, #tpu.memory_space<vmem>> -> memref<48x105xi32, #tpu.memory_space<vmem>>
        %dma_start3A_88 = arith.constant 48 : i32
        %dma_start3A_89 = arith.constant 0 : i32
        %dma_start3A_90 = tpu.memref_slice %arg5[%arg1, %dma_start3A_88, %dma_start3A_89] : memref<16x96x105xi32, #tpu.memory_space<hbm>> -> memref<1x48x105xi32, #tpu.memory_space<hbm>>
        %dma_start3A_91 = tpu.memref_squeeze %dma_start3A_90 : memref<1x48x105xi32, #tpu.memory_space<hbm>> -> memref<48x105xi32, #tpu.memory_space<hbm>>
        %dma_start3A_92 = arith.constant 0 : i32
        %dma_start3A_93 = arith.constant 0 : i32
        %dma_start3A_94 = tpu.memref_slice %arg10[%run_scoped3A_50, %dma_start3A_92, %dma_start3A_93] : memref<2x48x105xi32, #tpu.memory_space<vmem>> -> memref<1x48x105xi32, #tpu.memory_space<vmem>>
        %dma_start3A_95 = tpu.memref_squeeze %dma_start3A_94 : memref<1x48x105xi32, #tpu.memory_space<vmem>> -> memref<48x105xi32, #tpu.memory_space<vmem>>
        %dma_start3A_96 = arith.constant 48 : i32
        %dma_start3A_97 = arith.constant 0 : i32
        %dma_start3A_98 = tpu.memref_slice %arg5[%arg1, %dma_start3A_96, %dma_start3A_97] : memref<16x96x105xi32, #tpu.memory_space<hbm>> -> memref<1x48x105xi32, #tpu.memory_space<hbm>>
        %dma_start3A_99 = tpu.memref_squeeze %dma_start3A_98 : memref<1x48x105xi32, #tpu.memory_space<hbm>> -> memref<48x105xi32, #tpu.memory_space<hbm>>
        tpu.enqueue_dma source(%dma_start3A_99 : memref<48x105xi32, #tpu.memory_space<hbm>>) target(%dma_start3A_95 : memref<48x105xi32, #tpu.memory_space<vmem>>) target_semaphore(%run_scoped3A_83 : memref<!tpu.dma_semaphore, #tpu.memory_space<semaphore_mem>>)
        %dma_wait3A_100 = arith.constant 0 : i32
        %dma_wait3A_101 = arith.constant 0 : i32
        %dma_wait3A_102 = tpu.memref_slice %arg10[%run_scoped3A_50, %dma_wait3A_100, %dma_wait3A_101] : memref<2x48x105xi32, #tpu.memory_space<vmem>> -> memref<1x48x105xi32, #tpu.memory_space<vmem>>
        %dma_wait3A_103 = tpu.memref_squeeze %dma_wait3A_102 : memref<1x48x105xi32, #tpu.memory_space<vmem>> -> memref<48x105xi32, #tpu.memory_space<vmem>>
        %dma_wait3A_104 = arith.constant 48 : i32
        %dma_wait3A_105 = arith.constant 0 : i32
        %dma_wait3A_106 = tpu.memref_slice %arg5[%arg1, %dma_wait3A_104, %dma_wait3A_105] : memref<16x96x105xi32, #tpu.memory_space<hbm>> -> memref<1x48x105xi32, #tpu.memory_space<hbm>>
        %dma_wait3A_107 = tpu.memref_squeeze %dma_wait3A_106 : memref<1x48x105xi32, #tpu.memory_space<hbm>> -> memref<48x105xi32, #tpu.memory_space<hbm>>
        %dma_wait3A_108 = arith.constant 0 : i32
        %dma_wait3A_109 = arith.constant 0 : i32
        %dma_wait3A_110 = tpu.memref_slice %arg10[%run_scoped3A_50, %dma_wait3A_108, %dma_wait3A_109] : memref<2x48x105xi32, #tpu.memory_space<vmem>> -> memref<1x48x105xi32, #tpu.memory_space<vmem>>
        %dma_wait3A_111 = tpu.memref_squeeze %dma_wait3A_110 : memref<1x48x105xi32, #tpu.memory_space<vmem>> -> memref<48x105xi32, #tpu.memory_space<vmem>>
        %dma_wait3A_112 = arith.constant 48 : i32
        %dma_wait3A_113 = arith.constant 0 : i32
        %dma_wait3A_114 = tpu.memref_slice %arg5[%arg1, %dma_wait3A_112, %dma_wait3A_113] : memref<16x96x105xi32, #tpu.memory_space<hbm>> -> memref<1x48x105xi32, #tpu.memory_space<hbm>>
        %dma_wait3A_115 = tpu.memref_squeeze %dma_wait3A_114 : memref<1x48x105xi32, #tpu.memory_space<hbm>> -> memref<48x105xi32, #tpu.memory_space<hbm>>
        tpu.wait_dma2 semaphore(%run_scoped3A_83 : memref<!tpu.dma_semaphore, #tpu.memory_space<semaphore_mem>>) src(%dma_wait3A_115 : memref<48x105xi32, #tpu.memory_space<hbm>>) dst(%dma_wait3A_111 : memref<48x105xi32, #tpu.memory_space<vmem>>)
        tpu.yield
      }) : () -> ()
      %dma_start3A_51 = arith.constant 0 : i32
      %dma_start3A_52 = arith.constant 0 : i32
      %dma_start3A_53 = arith.constant 0 : i32
      %dma_start3A_54 = arith.constant 0 : i32
      %dma_start3A_55 = arith.constant 0 : i32
      %dma_start3A_56 = tpu.memref_slice %arg11[%dma_start3A_53, %dma_start3A_54, %dma_start3A_55] : memref<2x105x128xf32, #tpu.memory_space<vmem>> -> memref<1x105x128xf32, #tpu.memory_space<vmem>>
      %dma_start3A_57 = tpu.memref_squeeze %dma_start3A_56 : memref<1x105x128xf32, #tpu.memory_space<vmem>> -> memref<105x128xf32, #tpu.memory_space<vmem>>
      %dma_start3A_58 = arith.constant 0 : i32
      %dma_start3A_59 = tpu.memref_slice %arg10[%dma_start3A_51, %dma_start3A_52, %dma_start3A_58] : memref<2x48x105xi32, #tpu.memory_space<vmem>> -> memref<1x1x105xi32, #tpu.memory_space<vmem>>
      %dma_start3A_60 = tpu.memref_squeeze %dma_start3A_59 : memref<1x1x105xi32, #tpu.memory_space<vmem>> -> memref<105xi32, #tpu.memory_space<vmem>>
      %dma_start3A_61 = arith.constant 0 : i32
      %dma_start3A_62 = arith.constant 0 : i32
      %dma_start3A_63 = tpu.memref_slice %arg2[%dma_start3A_61, %dma_start3A_62] : memref<10240x128xf32, #tpu.memory_space<hbm>> -> memref<10240x128xf32, #tpu.memory_space<hbm>>
      tpu.enqueue_indirect_dma source(%dma_start3A_63 : memref<10240x128xf32, #tpu.memory_space<hbm>>) target(%dma_start3A_57 : memref<105x128xf32, #tpu.memory_space<vmem>>) offsets(%dma_start3A_60 : memref<105xi32, #tpu.memory_space<vmem>>) semaphore(%arg13 : memref<!tpu.dma_semaphore, #tpu.memory_space<semaphore_mem>>)
      %scan3A_64 = arith.constant 0 : i32
      %scan3A_65 = arith.constant 0 : i32
      %scan3A_66 = arith.constant 48 : i32
      %scan3A_67 = arith.addi %scan3A_65, %scan3A_66 : i32
      %scan3A_68 = arith.constant 1 : i32
      scf.for %scan3A_83 = %scan3A_65 to %scan3A_67 step %scan3A_68  : i32 {
        %and3A = arith.constant 1 : i32
        %and3A_84 = arith.andi %scan3A_83, %and3A : i32
        %dma_wait3A_85 = arith.constant 0 : i32
        %dma_wait3A_86 = arith.constant 0 : i32
        %dma_wait3A_87 = arith.constant 0 : i32
        %dma_wait3A_88 = tpu.memref_slice %arg11[%and3A_84, %dma_wait3A_86, %dma_wait3A_87] : memref<2x105x128xf32, #tpu.memory_space<vmem>> -> memref<1x105x128xf32, #tpu.memory_space<vmem>>
        %dma_wait3A_89 = tpu.memref_squeeze %dma_wait3A_88 : memref<1x105x128xf32, #tpu.memory_space<vmem>> -> memref<105x128xf32, #tpu.memory_space<vmem>>
        %dma_wait3A_90 = arith.constant 0 : i32
        %dma_wait3A_91 = tpu.memref_slice %arg10[%dma_wait3A_85, %scan3A_83, %dma_wait3A_90] : memref<2x48x105xi32, #tpu.memory_space<vmem>> -> memref<1x1x105xi32, #tpu.memory_space<vmem>>
        %dma_wait3A_92 = tpu.memref_squeeze %dma_wait3A_91 : memref<1x1x105xi32, #tpu.memory_space<vmem>> -> memref<105xi32, #tpu.memory_space<vmem>>
        %dma_wait3A_93 = arith.constant 0 : i32
        %dma_wait3A_94 = arith.constant 0 : i32
        %dma_wait3A_95 = tpu.memref_slice %arg2[%dma_wait3A_93, %dma_wait3A_94] : memref<10240x128xf32, #tpu.memory_space<hbm>> -> memref<10240x128xf32, #tpu.memory_space<hbm>>
        tpu.wait_indirect_dma semaphore(%arg13 : memref<!tpu.dma_semaphore, #tpu.memory_space<semaphore_mem>>) src(%dma_wait3A_95 : memref<10240x128xf32, #tpu.memory_space<hbm>>) dst(%dma_wait3A_89 : memref<105x128xf32, #tpu.memory_space<vmem>>)
        %ge3A = arith.constant 1 : i32
        %ge3A_96 = arith.cmpi sge, %scan3A_83, %ge3A : i32
        %convert_element_type3A_97 = arith.extui %ge3A_96 : i1 to i32
        %cond3A_98 = arith.constant 0 : i32
        %cond3A_99 = arith.cmpi ne, %convert_element_type3A_97, %cond3A_98 : i32
        scf.if %cond3A_99 {
          %sub3A = arith.constant 1 : i32
          %sub3A_115 = arith.subi %scan3A_83, %sub3A : i32
          %sub3A_116 = arith.constant 1 : i32
          %sub3A_117 = arith.subi %sub3A_116, %and3A_84 : i32
          %dma_wait3A_118 = arith.constant 1 : i32
          %dma_wait3A_119 = arith.constant 0 : i32
          %dma_wait3A_120 = arith.constant 0 : i32
          %dma_wait3A_121 = tpu.memref_slice %arg11[%sub3A_117, %dma_wait3A_119, %dma_wait3A_120] : memref<2x105x128xf32, #tpu.memory_space<vmem>> -> memref<1x105x128xf32, #tpu.memory_space<vmem>>
          %dma_wait3A_122 = tpu.memref_squeeze %dma_wait3A_121 : memref<1x105x128xf32, #tpu.memory_space<vmem>> -> memref<105x128xf32, #tpu.memory_space<vmem>>
          %dma_wait3A_123 = arith.constant 0 : i32
          %dma_wait3A_124 = tpu.memref_slice %arg10[%dma_wait3A_118, %sub3A_115, %dma_wait3A_123] : memref<2x48x105xi32, #tpu.memory_space<vmem>> -> memref<1x1x105xi32, #tpu.memory_space<vmem>>
          %dma_wait3A_125 = tpu.memref_squeeze %dma_wait3A_124 : memref<1x1x105xi32, #tpu.memory_space<vmem>> -> memref<105xi32, #tpu.memory_space<vmem>>
          %dma_wait3A_126 = arith.constant 0 : i32
          %dma_wait3A_127 = arith.constant 0 : i32
          %dma_wait3A_128 = tpu.memref_slice %arg12[%dma_wait3A_126, %dma_wait3A_127] : memref<10240x128xf32, #tpu.memory_space<vmem_shared>> -> memref<10240x128xf32, #tpu.memory_space<vmem_shared>>
          tpu.wait_indirect_dma semaphore(%arg14 : memref<!tpu.dma_semaphore, #tpu.memory_space<semaphore_mem>>) src(%dma_wait3A_122 : memref<105x128xf32, #tpu.memory_space<vmem>>) dst(%dma_wait3A_128 : memref<10240x128xf32, #tpu.memory_space<vmem_shared>>)
        } else {
        }
        %lt3A = arith.constant 47 : i32
        %lt3A_100 = arith.cmpi slt, %scan3A_83, %lt3A : i32
        %convert_element_type3A_101 = arith.extui %lt3A_100 : i1 to i32
        %cond3A_102 = arith.constant 0 : i32
        %cond3A_103 = arith.cmpi ne, %convert_element_type3A_101, %cond3A_102 : i32
        scf.if %cond3A_103 {
          %add3A = arith.constant 1 : i32
          %add3A_115 = arith.addi %scan3A_83, %add3A : i32
          %sub3A = arith.constant 1 : i32
          %sub3A_116 = arith.subi %sub3A, %and3A_84 : i32
          %dma_start3A_117 = arith.constant 0 : i32
          %dma_start3A_118 = arith.constant 0 : i32
          %dma_start3A_119 = arith.constant 0 : i32
          %dma_start3A_120 = tpu.memref_slice %arg11[%sub3A_116, %dma_start3A_118, %dma_start3A_119] : memref<2x105x128xf32, #tpu.memory_space<vmem>> -> memref<1x105x128xf32, #tpu.memory_space<vmem>>
          %dma_start3A_121 = tpu.memref_squeeze %dma_start3A_120 : memref<1x105x128xf32, #tpu.memory_space<vmem>> -> memref<105x128xf32, #tpu.memory_space<vmem>>
          %dma_start3A_122 = arith.constant 0 : i32
          %dma_start3A_123 = tpu.memref_slice %arg10[%dma_start3A_117, %add3A_115, %dma_start3A_122] : memref<2x48x105xi32, #tpu.memory_space<vmem>> -> memref<1x1x105xi32, #tpu.memory_space<vmem>>
          %dma_start3A_124 = tpu.memref_squeeze %dma_start3A_123 : memref<1x1x105xi32, #tpu.memory_space<vmem>> -> memref<105xi32, #tpu.memory_space<vmem>>
          %dma_start3A_125 = arith.constant 0 : i32
          %dma_start3A_126 = arith.constant 0 : i32
          %dma_start3A_127 = tpu.memref_slice %arg2[%dma_start3A_125, %dma_start3A_126] : memref<10240x128xf32, #tpu.memory_space<hbm>> -> memref<10240x128xf32, #tpu.memory_space<hbm>>
          tpu.enqueue_indirect_dma source(%dma_start3A_127 : memref<10240x128xf32, #tpu.memory_space<hbm>>) target(%dma_start3A_121 : memref<105x128xf32, #tpu.memory_space<vmem>>) offsets(%dma_start3A_124 : memref<105xi32, #tpu.memory_space<vmem>>) semaphore(%arg13 : memref<!tpu.dma_semaphore, #tpu.memory_space<semaphore_mem>>)
        } else {
        }
        %dma_start3A_104 = arith.constant 1 : i32
        %dma_start3A_105 = arith.constant 0 : i32
        %dma_start3A_106 = arith.constant 0 : i32
        %dma_start3A_107 = tpu.memref_slice %arg11[%and3A_84, %dma_start3A_105, %dma_start3A_106] : memref<2x105x128xf32, #tpu.memory_space<vmem>> -> memref<1x105x128xf32, #tpu.memory_space<vmem>>
        %dma_start3A_108 = tpu.memref_squeeze %dma_start3A_107 : memref<1x105x128xf32, #tpu.memory_space<vmem>> -> memref<105x128xf32, #tpu.memory_space<vmem>>
        %dma_start3A_109 = arith.constant 0 : i32
        %dma_start3A_110 = tpu.memref_slice %arg10[%dma_start3A_104, %scan3A_83, %dma_start3A_109] : memref<2x48x105xi32, #tpu.memory_space<vmem>> -> memref<1x1x105xi32, #tpu.memory_space<vmem>>
        %dma_start3A_111 = tpu.memref_squeeze %dma_start3A_110 : memref<1x1x105xi32, #tpu.memory_space<vmem>> -> memref<105xi32, #tpu.memory_space<vmem>>
        %dma_start3A_112 = arith.constant 0 : i32
        %dma_start3A_113 = arith.constant 0 : i32
        %dma_start3A_114 = tpu.memref_slice %arg12[%dma_start3A_112, %dma_start3A_113] : memref<10240x128xf32, #tpu.memory_space<vmem_shared>> -> memref<10240x128xf32, #tpu.memory_space<vmem_shared>>
        tpu.enqueue_indirect_dma source(%dma_start3A_108 : memref<105x128xf32, #tpu.memory_space<vmem>>) target(%dma_start3A_114 : memref<10240x128xf32, #tpu.memory_space<vmem_shared>>) offsets(%dma_start3A_111 : memref<105xi32, #tpu.memory_space<vmem>>) semaphore(%arg14 : memref<!tpu.dma_semaphore, #tpu.memory_space<semaphore_mem>>) {add = true}
      }
      %scan3A_69 = arith.constant 48 : i32
      %dma_wait3A_70 = arith.constant 1 : i32
      %dma_wait3A_71 = arith.constant 1 : i32
      %dma_wait3A_72 = arith.constant 47 : i32
      %dma_wait3A_73 = arith.constant 0 : i32
      %dma_wait3A_74 = arith.constant 0 : i32
      %dma_wait3A_75 = tpu.memref_slice %arg11[%dma_wait3A_70, %dma_wait3A_73, %dma_wait3A_74] : memref<2x105x128xf32, #tpu.memory_space<vmem>> -> memref<1x105x128xf32, #tpu.memory_space<vmem>>
      %dma_wait3A_76 = tpu.memref_squeeze %dma_wait3A_75 : memref<1x105x128xf32, #tpu.memory_space<vmem>> -> memref<105x128xf32, #tpu.memory_space<vmem>>
      %dma_wait3A_77 = arith.constant 0 : i32
      %dma_wait3A_78 = tpu.memref_slice %arg10[%dma_wait3A_71, %dma_wait3A_72, %dma_wait3A_77] : memref<2x48x105xi32, #tpu.memory_space<vmem>> -> memref<1x1x105xi32, #tpu.memory_space<vmem>>
      %dma_wait3A_79 = tpu.memref_squeeze %dma_wait3A_78 : memref<1x1x105xi32, #tpu.memory_space<vmem>> -> memref<105xi32, #tpu.memory_space<vmem>>
      %dma_wait3A_80 = arith.constant 0 : i32
      %dma_wait3A_81 = arith.constant 0 : i32
      %dma_wait3A_82 = tpu.memref_slice %arg12[%dma_wait3A_80, %dma_wait3A_81] : memref<10240x128xf32, #tpu.memory_space<vmem_shared>> -> memref<10240x128xf32, #tpu.memory_space<vmem_shared>>
      tpu.wait_indirect_dma semaphore(%arg14 : memref<!tpu.dma_semaphore, #tpu.memory_space<semaphore_mem>>) src(%dma_wait3A_76 : memref<105x128xf32, #tpu.memory_space<vmem>>) dst(%dma_wait3A_82 : memref<10240x128xf32, #tpu.memory_space<vmem_shared>>)
    } else {
    }
    %eq3A_3 = arith.constant 1 : i32
    %eq3A_4 = arith.cmpi eq, %arg0, %eq3A_3 : i32
    %convert_element_type3A_5 = arith.extui %eq3A_4 : i1 to i32
    %cond3A_6 = arith.constant 0 : i32
    %cond3A_7 = arith.cmpi ne, %convert_element_type3A_5, %cond3A_6 : i32
    scf.if %cond3A_7 {
      %run_scoped3A = arith.constant 0 : i32
      "tpu.region"() ({
        %run_scoped3A_83 = tpu.sem_alloc : memref<!tpu.dma_semaphore, #tpu.memory_space<semaphore_mem>>
        %dma_start3A_84 = arith.constant 0 : i32
        %dma_start3A_85 = arith.constant 0 : i32
        %dma_start3A_86 = tpu.memref_slice %arg10[%run_scoped3A, %dma_start3A_84, %dma_start3A_85] : memref<2x48x105xi32, #tpu.memory_space<vmem>> -> memref<1x48x105xi32, #tpu.memory_space<vmem>>
        %dma_start3A_87 = tpu.memref_squeeze %dma_start3A_86 : memref<1x48x105xi32, #tpu.memory_space<vmem>> -> memref<48x105xi32, #tpu.memory_space<vmem>>
        %dma_start3A_88 = arith.constant 0 : i32
        %dma_start3A_89 = arith.constant 0 : i32
        %dma_start3A_90 = tpu.memref_slice %arg4[%arg1, %dma_start3A_88, %dma_start3A_89] : memref<16x96x105xi32, #tpu.memory_space<hbm>> -> memref<1x48x105xi32, #tpu.memory_space<hbm>>
        %dma_start3A_91 = tpu.memref_squeeze %dma_start3A_90 : memref<1x48x105xi32, #tpu.memory_space<hbm>> -> memref<48x105xi32, #tpu.memory_space<hbm>>
        %dma_start3A_92 = arith.constant 0 : i32
        %dma_start3A_93 = arith.constant 0 : i32
        %dma_start3A_94 = tpu.memref_slice %arg10[%run_scoped3A, %dma_start3A_92, %dma_start3A_93] : memref<2x48x105xi32, #tpu.memory_space<vmem>> -> memref<1x48x105xi32, #tpu.memory_space<vmem>>
        %dma_start3A_95 = tpu.memref_squeeze %dma_start3A_94 : memref<1x48x105xi32, #tpu.memory_space<vmem>> -> memref<48x105xi32, #tpu.memory_space<vmem>>
        %dma_start3A_96 = arith.constant 0 : i32
        %dma_start3A_97 = arith.constant 0 : i32
        %dma_start3A_98 = tpu.memref_slice %arg4[%arg1, %dma_start3A_96, %dma_start3A_97] : memref<16x96x105xi32, #tpu.memory_space<hbm>> -> memref<1x48x105xi32, #tpu.memory_space<hbm>>
        %dma_start3A_99 = tpu.memref_squeeze %dma_start3A_98 : memref<1x48x105xi32, #tpu.memory_space<hbm>> -> memref<48x105xi32, #tpu.memory_space<hbm>>
        tpu.enqueue_dma source(%dma_start3A_99 : memref<48x105xi32, #tpu.memory_space<hbm>>) target(%dma_start3A_95 : memref<48x105xi32, #tpu.memory_space<vmem>>) target_semaphore(%run_scoped3A_83 : memref<!tpu.dma_semaphore, #tpu.memory_space<semaphore_mem>>)
        %dma_wait3A_100 = arith.constant 0 : i32
        %dma_wait3A_101 = arith.constant 0 : i32
        %dma_wait3A_102 = tpu.memref_slice %arg10[%run_scoped3A, %dma_wait3A_100, %dma_wait3A_101] : memref<2x48x105xi32, #tpu.memory_space<vmem>> -> memref<1x48x105xi32, #tpu.memory_space<vmem>>
        %dma_wait3A_103 = tpu.memref_squeeze %dma_wait3A_102 : memref<1x48x105xi32, #tpu.memory_space<vmem>> -> memref<48x105xi32, #tpu.memory_space<vmem>>
        %dma_wait3A_104 = arith.constant 0 : i32
        %dma_wait3A_105 = arith.constant 0 : i32
        %dma_wait3A_106 = tpu.memref_slice %arg4[%arg1, %dma_wait3A_104, %dma_wait3A_105] : memref<16x96x105xi32, #tpu.memory_space<hbm>> -> memref<1x48x105xi32, #tpu.memory_space<hbm>>
        %dma_wait3A_107 = tpu.memref_squeeze %dma_wait3A_106 : memref<1x48x105xi32, #tpu.memory_space<hbm>> -> memref<48x105xi32, #tpu.memory_space<hbm>>
        %dma_wait3A_108 = arith.constant 0 : i32
        %dma_wait3A_109 = arith.constant 0 : i32
        %dma_wait3A_110 = tpu.memref_slice %arg10[%run_scoped3A, %dma_wait3A_108, %dma_wait3A_109] : memref<2x48x105xi32, #tpu.memory_space<vmem>> -> memref<1x48x105xi32, #tpu.memory_space<vmem>>
        %dma_wait3A_111 = tpu.memref_squeeze %dma_wait3A_110 : memref<1x48x105xi32, #tpu.memory_space<vmem>> -> memref<48x105xi32, #tpu.memory_space<vmem>>
        %dma_wait3A_112 = arith.constant 0 : i32
        %dma_wait3A_113 = arith.constant 0 : i32
        %dma_wait3A_114 = tpu.memref_slice %arg4[%arg1, %dma_wait3A_112, %dma_wait3A_113] : memref<16x96x105xi32, #tpu.memory_space<hbm>> -> memref<1x48x105xi32, #tpu.memory_space<hbm>>
        %dma_wait3A_115 = tpu.memref_squeeze %dma_wait3A_114 : memref<1x48x105xi32, #tpu.memory_space<hbm>> -> memref<48x105xi32, #tpu.memory_space<hbm>>
        tpu.wait_dma2 semaphore(%run_scoped3A_83 : memref<!tpu.dma_semaphore, #tpu.memory_space<semaphore_mem>>) src(%dma_wait3A_115 : memref<48x105xi32, #tpu.memory_space<hbm>>) dst(%dma_wait3A_111 : memref<48x105xi32, #tpu.memory_space<vmem>>)
        tpu.yield
      }) : () -> ()
      %run_scoped3A_19 = arith.constant 1 : i32
      "tpu.region"() ({
        %run_scoped3A_83 = tpu.sem_alloc : memref<!tpu.dma_semaphore, #tpu.memory_space<semaphore_mem>>
        %dma_start3A_84 = arith.constant 0 : i32
        %dma_start3A_85 = arith.constant 0 : i32
        %dma_start3A_86 = tpu.memref_slice %arg10[%run_scoped3A_19, %dma_start3A_84, %dma_start3A_85] : memref<2x48x105xi32, #tpu.memory_space<vmem>> -> memref<1x48x105xi32, #tpu.memory_space<vmem>>
        %dma_start3A_87 = tpu.memref_squeeze %dma_start3A_86 : memref<1x48x105xi32, #tpu.memory_space<vmem>> -> memref<48x105xi32, #tpu.memory_space<vmem>>
        %dma_start3A_88 = arith.constant 0 : i32
        %dma_start3A_89 = arith.constant 0 : i32
        %dma_start3A_90 = tpu.memref_slice %arg5[%arg1, %dma_start3A_88, %dma_start3A_89] : memref<16x96x105xi32, #tpu.memory_space<hbm>> -> memref<1x48x105xi32, #tpu.memory_space<hbm>>
        %dma_start3A_91 = tpu.memref_squeeze %dma_start3A_90 : memref<1x48x105xi32, #tpu.memory_space<hbm>> -> memref<48x105xi32, #tpu.memory_space<hbm>>
        %dma_start3A_92 = arith.constant 0 : i32
        %dma_start3A_93 = arith.constant 0 : i32
        %dma_start3A_94 = tpu.memref_slice %arg10[%run_scoped3A_19, %dma_start3A_92, %dma_start3A_93] : memref<2x48x105xi32, #tpu.memory_space<vmem>> -> memref<1x48x105xi32, #tpu.memory_space<vmem>>
        %dma_start3A_95 = tpu.memref_squeeze %dma_start3A_94 : memref<1x48x105xi32, #tpu.memory_space<vmem>> -> memref<48x105xi32, #tpu.memory_space<vmem>>
        %dma_start3A_96 = arith.constant 0 : i32
        %dma_start3A_97 = arith.constant 0 : i32
        %dma_start3A_98 = tpu.memref_slice %arg5[%arg1, %dma_start3A_96, %dma_start3A_97] : memref<16x96x105xi32, #tpu.memory_space<hbm>> -> memref<1x48x105xi32, #tpu.memory_space<hbm>>
        %dma_start3A_99 = tpu.memref_squeeze %dma_start3A_98 : memref<1x48x105xi32, #tpu.memory_space<hbm>> -> memref<48x105xi32, #tpu.memory_space<hbm>>
        tpu.enqueue_dma source(%dma_start3A_99 : memref<48x105xi32, #tpu.memory_space<hbm>>) target(%dma_start3A_95 : memref<48x105xi32, #tpu.memory_space<vmem>>) target_semaphore(%run_scoped3A_83 : memref<!tpu.dma_semaphore, #tpu.memory_space<semaphore_mem>>)
        %dma_wait3A_100 = arith.constant 0 : i32
        %dma_wait3A_101 = arith.constant 0 : i32
        %dma_wait3A_102 = tpu.memref_slice %arg10[%run_scoped3A_19, %dma_wait3A_100, %dma_wait3A_101] : memref<2x48x105xi32, #tpu.memory_space<vmem>> -> memref<1x48x105xi32, #tpu.memory_space<vmem>>
        %dma_wait3A_103 = tpu.memref_squeeze %dma_wait3A_102 : memref<1x48x105xi32, #tpu.memory_space<vmem>> -> memref<48x105xi32, #tpu.memory_space<vmem>>
        %dma_wait3A_104 = arith.constant 0 : i32
        %dma_wait3A_105 = arith.constant 0 : i32
        %dma_wait3A_106 = tpu.memref_slice %arg5[%arg1, %dma_wait3A_104, %dma_wait3A_105] : memref<16x96x105xi32, #tpu.memory_space<hbm>> -> memref<1x48x105xi32, #tpu.memory_space<hbm>>
        %dma_wait3A_107 = tpu.memref_squeeze %dma_wait3A_106 : memref<1x48x105xi32, #tpu.memory_space<hbm>> -> memref<48x105xi32, #tpu.memory_space<hbm>>
        %dma_wait3A_108 = arith.constant 0 : i32
        %dma_wait3A_109 = arith.constant 0 : i32
        %dma_wait3A_110 = tpu.memref_slice %arg10[%run_scoped3A_19, %dma_wait3A_108, %dma_wait3A_109] : memref<2x48x105xi32, #tpu.memory_space<vmem>> -> memref<1x48x105xi32, #tpu.memory_space<vmem>>
        %dma_wait3A_111 = tpu.memref_squeeze %dma_wait3A_110 : memref<1x48x105xi32, #tpu.memory_space<vmem>> -> memref<48x105xi32, #tpu.memory_space<vmem>>
        %dma_wait3A_112 = arith.constant 0 : i32
        %dma_wait3A_113 = arith.constant 0 : i32
        %dma_wait3A_114 = tpu.memref_slice %arg5[%arg1, %dma_wait3A_112, %dma_wait3A_113] : memref<16x96x105xi32, #tpu.memory_space<hbm>> -> memref<1x48x105xi32, #tpu.memory_space<hbm>>
        %dma_wait3A_115 = tpu.memref_squeeze %dma_wait3A_114 : memref<1x48x105xi32, #tpu.memory_space<hbm>> -> memref<48x105xi32, #tpu.memory_space<hbm>>
        tpu.wait_dma2 semaphore(%run_scoped3A_83 : memref<!tpu.dma_semaphore, #tpu.memory_space<semaphore_mem>>) src(%dma_wait3A_115 : memref<48x105xi32, #tpu.memory_space<hbm>>) dst(%dma_wait3A_111 : memref<48x105xi32, #tpu.memory_space<vmem>>)
        tpu.yield
      }) : () -> ()
      %dma_start3A = arith.constant 0 : i32
      %dma_start3A_20 = arith.constant 0 : i32
      %dma_start3A_21 = arith.constant 0 : i32
      %dma_start3A_22 = arith.constant 0 : i32
      %dma_start3A_23 = arith.constant 0 : i32
      %dma_start3A_24 = tpu.memref_slice %arg11[%dma_start3A_21, %dma_start3A_22, %dma_start3A_23] : memref<2x105x128xf32, #tpu.memory_space<vmem>> -> memref<1x105x128xf32, #tpu.memory_space<vmem>>
      %dma_start3A_25 = tpu.memref_squeeze %dma_start3A_24 : memref<1x105x128xf32, #tpu.memory_space<vmem>> -> memref<105x128xf32, #tpu.memory_space<vmem>>
      %dma_start3A_26 = arith.constant 0 : i32
      %dma_start3A_27 = tpu.memref_slice %arg10[%dma_start3A, %dma_start3A_20, %dma_start3A_26] : memref<2x48x105xi32, #tpu.memory_space<vmem>> -> memref<1x1x105xi32, #tpu.memory_space<vmem>>
      %dma_start3A_28 = tpu.memref_squeeze %dma_start3A_27 : memref<1x1x105xi32, #tpu.memory_space<vmem>> -> memref<105xi32, #tpu.memory_space<vmem>>
      %dma_start3A_29 = arith.constant 0 : i32
      %dma_start3A_30 = arith.constant 0 : i32
      %dma_start3A_31 = tpu.memref_slice %arg3[%dma_start3A_29, %dma_start3A_30] : memref<10240x128xf32, #tpu.memory_space<hbm>> -> memref<10240x128xf32, #tpu.memory_space<hbm>>
      tpu.enqueue_indirect_dma source(%dma_start3A_31 : memref<10240x128xf32, #tpu.memory_space<hbm>>) target(%dma_start3A_25 : memref<105x128xf32, #tpu.memory_space<vmem>>) offsets(%dma_start3A_28 : memref<105xi32, #tpu.memory_space<vmem>>) semaphore(%arg13 : memref<!tpu.dma_semaphore, #tpu.memory_space<semaphore_mem>>)
      %scan3A = arith.constant 0 : i32
      %scan3A_32 = arith.constant 0 : i32
      %scan3A_33 = arith.constant 48 : i32
      %scan3A_34 = arith.addi %scan3A_32, %scan3A_33 : i32
      %scan3A_35 = arith.constant 1 : i32
      scf.for %scan3A_83 = %scan3A_32 to %scan3A_34 step %scan3A_35  : i32 {
        %and3A = arith.constant 1 : i32
        %and3A_84 = arith.andi %scan3A_83, %and3A : i32
        %dma_wait3A_85 = arith.constant 0 : i32
        %dma_wait3A_86 = arith.constant 0 : i32
        %dma_wait3A_87 = arith.constant 0 : i32
        %dma_wait3A_88 = tpu.memref_slice %arg11[%and3A_84, %dma_wait3A_86, %dma_wait3A_87] : memref<2x105x128xf32, #tpu.memory_space<vmem>> -> memref<1x105x128xf32, #tpu.memory_space<vmem>>
        %dma_wait3A_89 = tpu.memref_squeeze %dma_wait3A_88 : memref<1x105x128xf32, #tpu.memory_space<vmem>> -> memref<105x128xf32, #tpu.memory_space<vmem>>
        %dma_wait3A_90 = arith.constant 0 : i32
        %dma_wait3A_91 = tpu.memref_slice %arg10[%dma_wait3A_85, %scan3A_83, %dma_wait3A_90] : memref<2x48x105xi32, #tpu.memory_space<vmem>> -> memref<1x1x105xi32, #tpu.memory_space<vmem>>
        %dma_wait3A_92 = tpu.memref_squeeze %dma_wait3A_91 : memref<1x1x105xi32, #tpu.memory_space<vmem>> -> memref<105xi32, #tpu.memory_space<vmem>>
        %dma_wait3A_93 = arith.constant 0 : i32
        %dma_wait3A_94 = arith.constant 0 : i32
        %dma_wait3A_95 = tpu.memref_slice %arg3[%dma_wait3A_93, %dma_wait3A_94] : memref<10240x128xf32, #tpu.memory_space<hbm>> -> memref<10240x128xf32, #tpu.memory_space<hbm>>
        tpu.wait_indirect_dma semaphore(%arg13 : memref<!tpu.dma_semaphore, #tpu.memory_space<semaphore_mem>>) src(%dma_wait3A_95 : memref<10240x128xf32, #tpu.memory_space<hbm>>) dst(%dma_wait3A_89 : memref<105x128xf32, #tpu.memory_space<vmem>>)
        %ge3A = arith.constant 1 : i32
        %ge3A_96 = arith.cmpi sge, %scan3A_83, %ge3A : i32
        %convert_element_type3A_97 = arith.extui %ge3A_96 : i1 to i32
        %cond3A_98 = arith.constant 0 : i32
        %cond3A_99 = arith.cmpi ne, %convert_element_type3A_97, %cond3A_98 : i32
        scf.if %cond3A_99 {
          %sub3A = arith.constant 1 : i32
          %sub3A_115 = arith.subi %scan3A_83, %sub3A : i32
          %sub3A_116 = arith.constant 1 : i32
          %sub3A_117 = arith.subi %sub3A_116, %and3A_84 : i32
          %dma_wait3A_118 = arith.constant 1 : i32
          %dma_wait3A_119 = arith.constant 0 : i32
          %dma_wait3A_120 = arith.constant 0 : i32
          %dma_wait3A_121 = tpu.memref_slice %arg11[%sub3A_117, %dma_wait3A_119, %dma_wait3A_120] : memref<2x105x128xf32, #tpu.memory_space<vmem>> -> memref<1x105x128xf32, #tpu.memory_space<vmem>>
          %dma_wait3A_122 = tpu.memref_squeeze %dma_wait3A_121 : memref<1x105x128xf32, #tpu.memory_space<vmem>> -> memref<105x128xf32, #tpu.memory_space<vmem>>
          %dma_wait3A_123 = arith.constant 0 : i32
          %dma_wait3A_124 = tpu.memref_slice %arg10[%dma_wait3A_118, %sub3A_115, %dma_wait3A_123] : memref<2x48x105xi32, #tpu.memory_space<vmem>> -> memref<1x1x105xi32, #tpu.memory_space<vmem>>
          %dma_wait3A_125 = tpu.memref_squeeze %dma_wait3A_124 : memref<1x1x105xi32, #tpu.memory_space<vmem>> -> memref<105xi32, #tpu.memory_space<vmem>>
          %dma_wait3A_126 = arith.constant 0 : i32
          %dma_wait3A_127 = arith.constant 0 : i32
          %dma_wait3A_128 = tpu.memref_slice %arg12[%dma_wait3A_126, %dma_wait3A_127] : memref<10240x128xf32, #tpu.memory_space<vmem_shared>> -> memref<10240x128xf32, #tpu.memory_space<vmem_shared>>
          tpu.wait_indirect_dma semaphore(%arg14 : memref<!tpu.dma_semaphore, #tpu.memory_space<semaphore_mem>>) src(%dma_wait3A_122 : memref<105x128xf32, #tpu.memory_space<vmem>>) dst(%dma_wait3A_128 : memref<10240x128xf32, #tpu.memory_space<vmem_shared>>)
        } else {
        }
        %lt3A = arith.constant 47 : i32
        %lt3A_100 = arith.cmpi slt, %scan3A_83, %lt3A : i32
        %convert_element_type3A_101 = arith.extui %lt3A_100 : i1 to i32
        %cond3A_102 = arith.constant 0 : i32
        %cond3A_103 = arith.cmpi ne, %convert_element_type3A_101, %cond3A_102 : i32
        scf.if %cond3A_103 {
          %add3A = arith.constant 1 : i32
          %add3A_115 = arith.addi %scan3A_83, %add3A : i32
          %sub3A = arith.constant 1 : i32
          %sub3A_116 = arith.subi %sub3A, %and3A_84 : i32
          %dma_start3A_117 = arith.constant 0 : i32
          %dma_start3A_118 = arith.constant 0 : i32
          %dma_start3A_119 = arith.constant 0 : i32
          %dma_start3A_120 = tpu.memref_slice %arg11[%sub3A_116, %dma_start3A_118, %dma_start3A_119] : memref<2x105x128xf32, #tpu.memory_space<vmem>> -> memref<1x105x128xf32, #tpu.memory_space<vmem>>
          %dma_start3A_121 = tpu.memref_squeeze %dma_start3A_120 : memref<1x105x128xf32, #tpu.memory_space<vmem>> -> memref<105x128xf32, #tpu.memory_space<vmem>>
          %dma_start3A_122 = arith.constant 0 : i32
          %dma_start3A_123 = tpu.memref_slice %arg10[%dma_start3A_117, %add3A_115, %dma_start3A_122] : memref<2x48x105xi32, #tpu.memory_space<vmem>> -> memref<1x1x105xi32, #tpu.memory_space<vmem>>
          %dma_start3A_124 = tpu.memref_squeeze %dma_start3A_123 : memref<1x1x105xi32, #tpu.memory_space<vmem>> -> memref<105xi32, #tpu.memory_space<vmem>>
          %dma_start3A_125 = arith.constant 0 : i32
          %dma_start3A_126 = arith.constant 0 : i32
          %dma_start3A_127 = tpu.memref_slice %arg3[%dma_start3A_125, %dma_start3A_126] : memref<10240x128xf32, #tpu.memory_space<hbm>> -> memref<10240x128xf32, #tpu.memory_space<hbm>>
          tpu.enqueue_indirect_dma source(%dma_start3A_127 : memref<10240x128xf32, #tpu.memory_space<hbm>>) target(%dma_start3A_121 : memref<105x128xf32, #tpu.memory_space<vmem>>) offsets(%dma_start3A_124 : memref<105xi32, #tpu.memory_space<vmem>>) semaphore(%arg13 : memref<!tpu.dma_semaphore, #tpu.memory_space<semaphore_mem>>)
        } else {
        }
        %dma_start3A_104 = arith.constant 1 : i32
        %dma_start3A_105 = arith.constant 0 : i32
        %dma_start3A_106 = arith.constant 0 : i32
        %dma_start3A_107 = tpu.memref_slice %arg11[%and3A_84, %dma_start3A_105, %dma_start3A_106] : memref<2x105x128xf32, #tpu.memory_space<vmem>> -> memref<1x105x128xf32, #tpu.memory_space<vmem>>
        %dma_start3A_108 = tpu.memref_squeeze %dma_start3A_107 : memref<1x105x128xf32, #tpu.memory_space<vmem>> -> memref<105x128xf32, #tpu.memory_space<vmem>>
        %dma_start3A_109 = arith.constant 0 : i32
        %dma_start3A_110 = tpu.memref_slice %arg10[%dma_start3A_104, %scan3A_83, %dma_start3A_109] : memref<2x48x105xi32, #tpu.memory_space<vmem>> -> memref<1x1x105xi32, #tpu.memory_space<vmem>>
        %dma_start3A_111 = tpu.memref_squeeze %dma_start3A_110 : memref<1x1x105xi32, #tpu.memory_space<vmem>> -> memref<105xi32, #tpu.memory_space<vmem>>
        %dma_start3A_112 = arith.constant 0 : i32
        %dma_start3A_113 = arith.constant 0 : i32
        %dma_start3A_114 = tpu.memref_slice %arg12[%dma_start3A_112, %dma_start3A_113] : memref<10240x128xf32, #tpu.memory_space<vmem_shared>> -> memref<10240x128xf32, #tpu.memory_space<vmem_shared>>
        tpu.enqueue_indirect_dma source(%dma_start3A_108 : memref<105x128xf32, #tpu.memory_space<vmem>>) target(%dma_start3A_114 : memref<10240x128xf32, #tpu.memory_space<vmem_shared>>) offsets(%dma_start3A_111 : memref<105xi32, #tpu.memory_space<vmem>>) semaphore(%arg14 : memref<!tpu.dma_semaphore, #tpu.memory_space<semaphore_mem>>) {add = true}
      }
      %scan3A_36 = arith.constant 48 : i32
      %dma_wait3A = arith.constant 1 : i32
      %dma_wait3A_37 = arith.constant 1 : i32
      %dma_wait3A_38 = arith.constant 47 : i32
      %dma_wait3A_39 = arith.constant 0 : i32
      %dma_wait3A_40 = arith.constant 0 : i32
      %dma_wait3A_41 = tpu.memref_slice %arg11[%dma_wait3A, %dma_wait3A_39, %dma_wait3A_40] : memref<2x105x128xf32, #tpu.memory_space<vmem>> -> memref<1x105x128xf32, #tpu.memory_space<vmem>>
      %dma_wait3A_42 = tpu.memref_squeeze %dma_wait3A_41 : memref<1x105x128xf32, #tpu.memory_space<vmem>> -> memref<105x128xf32, #tpu.memory_space<vmem>>
      %dma_wait3A_43 = arith.constant 0 : i32
      %dma_wait3A_44 = tpu.memref_slice %arg10[%dma_wait3A_37, %dma_wait3A_38, %dma_wait3A_43] : memref<2x48x105xi32, #tpu.memory_space<vmem>> -> memref<1x1x105xi32, #tpu.memory_space<vmem>>
      %dma_wait3A_45 = tpu.memref_squeeze %dma_wait3A_44 : memref<1x1x105xi32, #tpu.memory_space<vmem>> -> memref<105xi32, #tpu.memory_space<vmem>>
      %dma_wait3A_46 = arith.constant 0 : i32
      %dma_wait3A_47 = arith.constant 0 : i32
      %dma_wait3A_48 = tpu.memref_slice %arg12[%dma_wait3A_46, %dma_wait3A_47] : memref<10240x128xf32, #tpu.memory_space<vmem_shared>> -> memref<10240x128xf32, #tpu.memory_space<vmem_shared>>
      tpu.wait_indirect_dma semaphore(%arg14 : memref<!tpu.dma_semaphore, #tpu.memory_space<semaphore_mem>>) src(%dma_wait3A_42 : memref<105x128xf32, #tpu.memory_space<vmem>>) dst(%dma_wait3A_48 : memref<10240x128xf32, #tpu.memory_space<vmem_shared>>)
      %run_scoped3A_49 = arith.constant 0 : i32
      "tpu.region"() ({
        %run_scoped3A_83 = tpu.sem_alloc : memref<!tpu.dma_semaphore, #tpu.memory_space<semaphore_mem>>
        %dma_start3A_84 = arith.constant 0 : i32
        %dma_start3A_85 = arith.constant 0 : i32
        %dma_start3A_86 = tpu.memref_slice %arg10[%run_scoped3A_49, %dma_start3A_84, %dma_start3A_85] : memref<2x48x105xi32, #tpu.memory_space<vmem>> -> memref<1x48x105xi32, #tpu.memory_space<vmem>>
        %dma_start3A_87 = tpu.memref_squeeze %dma_start3A_86 : memref<1x48x105xi32, #tpu.memory_space<vmem>> -> memref<48x105xi32, #tpu.memory_space<vmem>>
        %dma_start3A_88 = arith.constant 48 : i32
        %dma_start3A_89 = arith.constant 0 : i32
        %dma_start3A_90 = tpu.memref_slice %arg4[%arg1, %dma_start3A_88, %dma_start3A_89] : memref<16x96x105xi32, #tpu.memory_space<hbm>> -> memref<1x48x105xi32, #tpu.memory_space<hbm>>
        %dma_start3A_91 = tpu.memref_squeeze %dma_start3A_90 : memref<1x48x105xi32, #tpu.memory_space<hbm>> -> memref<48x105xi32, #tpu.memory_space<hbm>>
        %dma_start3A_92 = arith.constant 0 : i32
        %dma_start3A_93 = arith.constant 0 : i32
        %dma_start3A_94 = tpu.memref_slice %arg10[%run_scoped3A_49, %dma_start3A_92, %dma_start3A_93] : memref<2x48x105xi32, #tpu.memory_space<vmem>> -> memref<1x48x105xi32, #tpu.memory_space<vmem>>
        %dma_start3A_95 = tpu.memref_squeeze %dma_start3A_94 : memref<1x48x105xi32, #tpu.memory_space<vmem>> -> memref<48x105xi32, #tpu.memory_space<vmem>>
        %dma_start3A_96 = arith.constant 48 : i32
        %dma_start3A_97 = arith.constant 0 : i32
        %dma_start3A_98 = tpu.memref_slice %arg4[%arg1, %dma_start3A_96, %dma_start3A_97] : memref<16x96x105xi32, #tpu.memory_space<hbm>> -> memref<1x48x105xi32, #tpu.memory_space<hbm>>
        %dma_start3A_99 = tpu.memref_squeeze %dma_start3A_98 : memref<1x48x105xi32, #tpu.memory_space<hbm>> -> memref<48x105xi32, #tpu.memory_space<hbm>>
        tpu.enqueue_dma source(%dma_start3A_99 : memref<48x105xi32, #tpu.memory_space<hbm>>) target(%dma_start3A_95 : memref<48x105xi32, #tpu.memory_space<vmem>>) target_semaphore(%run_scoped3A_83 : memref<!tpu.dma_semaphore, #tpu.memory_space<semaphore_mem>>)
        %dma_wait3A_100 = arith.constant 0 : i32
        %dma_wait3A_101 = arith.constant 0 : i32
        %dma_wait3A_102 = tpu.memref_slice %arg10[%run_scoped3A_49, %dma_wait3A_100, %dma_wait3A_101] : memref<2x48x105xi32, #tpu.memory_space<vmem>> -> memref<1x48x105xi32, #tpu.memory_space<vmem>>
        %dma_wait3A_103 = tpu.memref_squeeze %dma_wait3A_102 : memref<1x48x105xi32, #tpu.memory_space<vmem>> -> memref<48x105xi32, #tpu.memory_space<vmem>>
        %dma_wait3A_104 = arith.constant 48 : i32
        %dma_wait3A_105 = arith.constant 0 : i32
        %dma_wait3A_106 = tpu.memref_slice %arg4[%arg1, %dma_wait3A_104, %dma_wait3A_105] : memref<16x96x105xi32, #tpu.memory_space<hbm>> -> memref<1x48x105xi32, #tpu.memory_space<hbm>>
        %dma_wait3A_107 = tpu.memref_squeeze %dma_wait3A_106 : memref<1x48x105xi32, #tpu.memory_space<hbm>> -> memref<48x105xi32, #tpu.memory_space<hbm>>
        %dma_wait3A_108 = arith.constant 0 : i32
        %dma_wait3A_109 = arith.constant 0 : i32
        %dma_wait3A_110 = tpu.memref_slice %arg10[%run_scoped3A_49, %dma_wait3A_108, %dma_wait3A_109] : memref<2x48x105xi32, #tpu.memory_space<vmem>> -> memref<1x48x105xi32, #tpu.memory_space<vmem>>
        %dma_wait3A_111 = tpu.memref_squeeze %dma_wait3A_110 : memref<1x48x105xi32, #tpu.memory_space<vmem>> -> memref<48x105xi32, #tpu.memory_space<vmem>>
        %dma_wait3A_112 = arith.constant 48 : i32
        %dma_wait3A_113 = arith.constant 0 : i32
        %dma_wait3A_114 = tpu.memref_slice %arg4[%arg1, %dma_wait3A_112, %dma_wait3A_113] : memref<16x96x105xi32, #tpu.memory_space<hbm>> -> memref<1x48x105xi32, #tpu.memory_space<hbm>>
        %dma_wait3A_115 = tpu.memref_squeeze %dma_wait3A_114 : memref<1x48x105xi32, #tpu.memory_space<hbm>> -> memref<48x105xi32, #tpu.memory_space<hbm>>
        tpu.wait_dma2 semaphore(%run_scoped3A_83 : memref<!tpu.dma_semaphore, #tpu.memory_space<semaphore_mem>>) src(%dma_wait3A_115 : memref<48x105xi32, #tpu.memory_space<hbm>>) dst(%dma_wait3A_111 : memref<48x105xi32, #tpu.memory_space<vmem>>)
        tpu.yield
      }) : () -> ()
      %run_scoped3A_50 = arith.constant 1 : i32
      "tpu.region"() ({
        %run_scoped3A_83 = tpu.sem_alloc : memref<!tpu.dma_semaphore, #tpu.memory_space<semaphore_mem>>
        %dma_start3A_84 = arith.constant 0 : i32
        %dma_start3A_85 = arith.constant 0 : i32
        %dma_start3A_86 = tpu.memref_slice %arg10[%run_scoped3A_50, %dma_start3A_84, %dma_start3A_85] : memref<2x48x105xi32, #tpu.memory_space<vmem>> -> memref<1x48x105xi32, #tpu.memory_space<vmem>>
        %dma_start3A_87 = tpu.memref_squeeze %dma_start3A_86 : memref<1x48x105xi32, #tpu.memory_space<vmem>> -> memref<48x105xi32, #tpu.memory_space<vmem>>
        %dma_start3A_88 = arith.constant 48 : i32
        %dma_start3A_89 = arith.constant 0 : i32
        %dma_start3A_90 = tpu.memref_slice %arg5[%arg1, %dma_start3A_88, %dma_start3A_89] : memref<16x96x105xi32, #tpu.memory_space<hbm>> -> memref<1x48x105xi32, #tpu.memory_space<hbm>>
        %dma_start3A_91 = tpu.memref_squeeze %dma_start3A_90 : memref<1x48x105xi32, #tpu.memory_space<hbm>> -> memref<48x105xi32, #tpu.memory_space<hbm>>
        %dma_start3A_92 = arith.constant 0 : i32
        %dma_start3A_93 = arith.constant 0 : i32
        %dma_start3A_94 = tpu.memref_slice %arg10[%run_scoped3A_50, %dma_start3A_92, %dma_start3A_93] : memref<2x48x105xi32, #tpu.memory_space<vmem>> -> memref<1x48x105xi32, #tpu.memory_space<vmem>>
        %dma_start3A_95 = tpu.memref_squeeze %dma_start3A_94 : memref<1x48x105xi32, #tpu.memory_space<vmem>> -> memref<48x105xi32, #tpu.memory_space<vmem>>
        %dma_start3A_96 = arith.constant 48 : i32
        %dma_start3A_97 = arith.constant 0 : i32
        %dma_start3A_98 = tpu.memref_slice %arg5[%arg1, %dma_start3A_96, %dma_start3A_97] : memref<16x96x105xi32, #tpu.memory_space<hbm>> -> memref<1x48x105xi32, #tpu.memory_space<hbm>>
        %dma_start3A_99 = tpu.memref_squeeze %dma_start3A_98 : memref<1x48x105xi32, #tpu.memory_space<hbm>> -> memref<48x105xi32, #tpu.memory_space<hbm>>
        tpu.enqueue_dma source(%dma_start3A_99 : memref<48x105xi32, #tpu.memory_space<hbm>>) target(%dma_start3A_95 : memref<48x105xi32, #tpu.memory_space<vmem>>) target_semaphore(%run_scoped3A_83 : memref<!tpu.dma_semaphore, #tpu.memory_space<semaphore_mem>>)
        %dma_wait3A_100 = arith.constant 0 : i32
        %dma_wait3A_101 = arith.constant 0 : i32
        %dma_wait3A_102 = tpu.memref_slice %arg10[%run_scoped3A_50, %dma_wait3A_100, %dma_wait3A_101] : memref<2x48x105xi32, #tpu.memory_space<vmem>> -> memref<1x48x105xi32, #tpu.memory_space<vmem>>
        %dma_wait3A_103 = tpu.memref_squeeze %dma_wait3A_102 : memref<1x48x105xi32, #tpu.memory_space<vmem>> -> memref<48x105xi32, #tpu.memory_space<vmem>>
        %dma_wait3A_104 = arith.constant 48 : i32
        %dma_wait3A_105 = arith.constant 0 : i32
        %dma_wait3A_106 = tpu.memref_slice %arg5[%arg1, %dma_wait3A_104, %dma_wait3A_105] : memref<16x96x105xi32, #tpu.memory_space<hbm>> -> memref<1x48x105xi32, #tpu.memory_space<hbm>>
        %dma_wait3A_107 = tpu.memref_squeeze %dma_wait3A_106 : memref<1x48x105xi32, #tpu.memory_space<hbm>> -> memref<48x105xi32, #tpu.memory_space<hbm>>
        %dma_wait3A_108 = arith.constant 0 : i32
        %dma_wait3A_109 = arith.constant 0 : i32
        %dma_wait3A_110 = tpu.memref_slice %arg10[%run_scoped3A_50, %dma_wait3A_108, %dma_wait3A_109] : memref<2x48x105xi32, #tpu.memory_space<vmem>> -> memref<1x48x105xi32, #tpu.memory_space<vmem>>
        %dma_wait3A_111 = tpu.memref_squeeze %dma_wait3A_110 : memref<1x48x105xi32, #tpu.memory_space<vmem>> -> memref<48x105xi32, #tpu.memory_space<vmem>>
        %dma_wait3A_112 = arith.constant 48 : i32
        %dma_wait3A_113 = arith.constant 0 : i32
        %dma_wait3A_114 = tpu.memref_slice %arg5[%arg1, %dma_wait3A_112, %dma_wait3A_113] : memref<16x96x105xi32, #tpu.memory_space<hbm>> -> memref<1x48x105xi32, #tpu.memory_space<hbm>>
        %dma_wait3A_115 = tpu.memref_squeeze %dma_wait3A_114 : memref<1x48x105xi32, #tpu.memory_space<hbm>> -> memref<48x105xi32, #tpu.memory_space<hbm>>
        tpu.wait_dma2 semaphore(%run_scoped3A_83 : memref<!tpu.dma_semaphore, #tpu.memory_space<semaphore_mem>>) src(%dma_wait3A_115 : memref<48x105xi32, #tpu.memory_space<hbm>>) dst(%dma_wait3A_111 : memref<48x105xi32, #tpu.memory_space<vmem>>)
        tpu.yield
      }) : () -> ()
      %dma_start3A_51 = arith.constant 0 : i32
      %dma_start3A_52 = arith.constant 0 : i32
      %dma_start3A_53 = arith.constant 0 : i32
      %dma_start3A_54 = arith.constant 0 : i32
      %dma_start3A_55 = arith.constant 0 : i32
      %dma_start3A_56 = tpu.memref_slice %arg11[%dma_start3A_53, %dma_start3A_54, %dma_start3A_55] : memref<2x105x128xf32, #tpu.memory_space<vmem>> -> memref<1x105x128xf32, #tpu.memory_space<vmem>>
      %dma_start3A_57 = tpu.memref_squeeze %dma_start3A_56 : memref<1x105x128xf32, #tpu.memory_space<vmem>> -> memref<105x128xf32, #tpu.memory_space<vmem>>
      %dma_start3A_58 = arith.constant 0 : i32
      %dma_start3A_59 = tpu.memref_slice %arg10[%dma_start3A_51, %dma_start3A_52, %dma_start3A_58] : memref<2x48x105xi32, #tpu.memory_space<vmem>> -> memref<1x1x105xi32, #tpu.memory_space<vmem>>
      %dma_start3A_60 = tpu.memref_squeeze %dma_start3A_59 : memref<1x1x105xi32, #tpu.memory_space<vmem>> -> memref<105xi32, #tpu.memory_space<vmem>>
      %dma_start3A_61 = arith.constant 0 : i32
      %dma_start3A_62 = arith.constant 0 : i32
      %dma_start3A_63 = tpu.memref_slice %arg3[%dma_start3A_61, %dma_start3A_62] : memref<10240x128xf32, #tpu.memory_space<hbm>> -> memref<10240x128xf32, #tpu.memory_space<hbm>>
      tpu.enqueue_indirect_dma source(%dma_start3A_63 : memref<10240x128xf32, #tpu.memory_space<hbm>>) target(%dma_start3A_57 : memref<105x128xf32, #tpu.memory_space<vmem>>) offsets(%dma_start3A_60 : memref<105xi32, #tpu.memory_space<vmem>>) semaphore(%arg13 : memref<!tpu.dma_semaphore, #tpu.memory_space<semaphore_mem>>)
      %scan3A_64 = arith.constant 0 : i32
      %scan3A_65 = arith.constant 0 : i32
      %scan3A_66 = arith.constant 48 : i32
      %scan3A_67 = arith.addi %scan3A_65, %scan3A_66 : i32
      %scan3A_68 = arith.constant 1 : i32
      scf.for %scan3A_83 = %scan3A_65 to %scan3A_67 step %scan3A_68  : i32 {
        %and3A = arith.constant 1 : i32
        %and3A_84 = arith.andi %scan3A_83, %and3A : i32
        %dma_wait3A_85 = arith.constant 0 : i32
        %dma_wait3A_86 = arith.constant 0 : i32
        %dma_wait3A_87 = arith.constant 0 : i32
        %dma_wait3A_88 = tpu.memref_slice %arg11[%and3A_84, %dma_wait3A_86, %dma_wait3A_87] : memref<2x105x128xf32, #tpu.memory_space<vmem>> -> memref<1x105x128xf32, #tpu.memory_space<vmem>>
        %dma_wait3A_89 = tpu.memref_squeeze %dma_wait3A_88 : memref<1x105x128xf32, #tpu.memory_space<vmem>> -> memref<105x128xf32, #tpu.memory_space<vmem>>
        %dma_wait3A_90 = arith.constant 0 : i32
        %dma_wait3A_91 = tpu.memref_slice %arg10[%dma_wait3A_85, %scan3A_83, %dma_wait3A_90] : memref<2x48x105xi32, #tpu.memory_space<vmem>> -> memref<1x1x105xi32, #tpu.memory_space<vmem>>
        %dma_wait3A_92 = tpu.memref_squeeze %dma_wait3A_91 : memref<1x1x105xi32, #tpu.memory_space<vmem>> -> memref<105xi32, #tpu.memory_space<vmem>>
        %dma_wait3A_93 = arith.constant 0 : i32
        %dma_wait3A_94 = arith.constant 0 : i32
        %dma_wait3A_95 = tpu.memref_slice %arg3[%dma_wait3A_93, %dma_wait3A_94] : memref<10240x128xf32, #tpu.memory_space<hbm>> -> memref<10240x128xf32, #tpu.memory_space<hbm>>
        tpu.wait_indirect_dma semaphore(%arg13 : memref<!tpu.dma_semaphore, #tpu.memory_space<semaphore_mem>>) src(%dma_wait3A_95 : memref<10240x128xf32, #tpu.memory_space<hbm>>) dst(%dma_wait3A_89 : memref<105x128xf32, #tpu.memory_space<vmem>>)
        %ge3A = arith.constant 1 : i32
        %ge3A_96 = arith.cmpi sge, %scan3A_83, %ge3A : i32
        %convert_element_type3A_97 = arith.extui %ge3A_96 : i1 to i32
        %cond3A_98 = arith.constant 0 : i32
        %cond3A_99 = arith.cmpi ne, %convert_element_type3A_97, %cond3A_98 : i32
        scf.if %cond3A_99 {
          %sub3A = arith.constant 1 : i32
          %sub3A_115 = arith.subi %scan3A_83, %sub3A : i32
          %sub3A_116 = arith.constant 1 : i32
          %sub3A_117 = arith.subi %sub3A_116, %and3A_84 : i32
          %dma_wait3A_118 = arith.constant 1 : i32
          %dma_wait3A_119 = arith.constant 0 : i32
          %dma_wait3A_120 = arith.constant 0 : i32
          %dma_wait3A_121 = tpu.memref_slice %arg11[%sub3A_117, %dma_wait3A_119, %dma_wait3A_120] : memref<2x105x128xf32, #tpu.memory_space<vmem>> -> memref<1x105x128xf32, #tpu.memory_space<vmem>>
          %dma_wait3A_122 = tpu.memref_squeeze %dma_wait3A_121 : memref<1x105x128xf32, #tpu.memory_space<vmem>> -> memref<105x128xf32, #tpu.memory_space<vmem>>
          %dma_wait3A_123 = arith.constant 0 : i32
          %dma_wait3A_124 = tpu.memref_slice %arg10[%dma_wait3A_118, %sub3A_115, %dma_wait3A_123] : memref<2x48x105xi32, #tpu.memory_space<vmem>> -> memref<1x1x105xi32, #tpu.memory_space<vmem>>
          %dma_wait3A_125 = tpu.memref_squeeze %dma_wait3A_124 : memref<1x1x105xi32, #tpu.memory_space<vmem>> -> memref<105xi32, #tpu.memory_space<vmem>>
          %dma_wait3A_126 = arith.constant 0 : i32
          %dma_wait3A_127 = arith.constant 0 : i32
          %dma_wait3A_128 = tpu.memref_slice %arg12[%dma_wait3A_126, %dma_wait3A_127] : memref<10240x128xf32, #tpu.memory_space<vmem_shared>> -> memref<10240x128xf32, #tpu.memory_space<vmem_shared>>
          tpu.wait_indirect_dma semaphore(%arg14 : memref<!tpu.dma_semaphore, #tpu.memory_space<semaphore_mem>>) src(%dma_wait3A_122 : memref<105x128xf32, #tpu.memory_space<vmem>>) dst(%dma_wait3A_128 : memref<10240x128xf32, #tpu.memory_space<vmem_shared>>)
        } else {
        }
        %lt3A = arith.constant 47 : i32
        %lt3A_100 = arith.cmpi slt, %scan3A_83, %lt3A : i32
        %convert_element_type3A_101 = arith.extui %lt3A_100 : i1 to i32
        %cond3A_102 = arith.constant 0 : i32
        %cond3A_103 = arith.cmpi ne, %convert_element_type3A_101, %cond3A_102 : i32
        scf.if %cond3A_103 {
          %add3A = arith.constant 1 : i32
          %add3A_115 = arith.addi %scan3A_83, %add3A : i32
          %sub3A = arith.constant 1 : i32
          %sub3A_116 = arith.subi %sub3A, %and3A_84 : i32
          %dma_start3A_117 = arith.constant 0 : i32
          %dma_start3A_118 = arith.constant 0 : i32
          %dma_start3A_119 = arith.constant 0 : i32
          %dma_start3A_120 = tpu.memref_slice %arg11[%sub3A_116, %dma_start3A_118, %dma_start3A_119] : memref<2x105x128xf32, #tpu.memory_space<vmem>> -> memref<1x105x128xf32, #tpu.memory_space<vmem>>
          %dma_start3A_121 = tpu.memref_squeeze %dma_start3A_120 : memref<1x105x128xf32, #tpu.memory_space<vmem>> -> memref<105x128xf32, #tpu.memory_space<vmem>>
          %dma_start3A_122 = arith.constant 0 : i32
          %dma_start3A_123 = tpu.memref_slice %arg10[%dma_start3A_117, %add3A_115, %dma_start3A_122] : memref<2x48x105xi32, #tpu.memory_space<vmem>> -> memref<1x1x105xi32, #tpu.memory_space<vmem>>
          %dma_start3A_124 = tpu.memref_squeeze %dma_start3A_123 : memref<1x1x105xi32, #tpu.memory_space<vmem>> -> memref<105xi32, #tpu.memory_space<vmem>>
          %dma_start3A_125 = arith.constant 0 : i32
          %dma_start3A_126 = arith.constant 0 : i32
          %dma_start3A_127 = tpu.memref_slice %arg3[%dma_start3A_125, %dma_start3A_126] : memref<10240x128xf32, #tpu.memory_space<hbm>> -> memref<10240x128xf32, #tpu.memory_space<hbm>>
          tpu.enqueue_indirect_dma source(%dma_start3A_127 : memref<10240x128xf32, #tpu.memory_space<hbm>>) target(%dma_start3A_121 : memref<105x128xf32, #tpu.memory_space<vmem>>) offsets(%dma_start3A_124 : memref<105xi32, #tpu.memory_space<vmem>>) semaphore(%arg13 : memref<!tpu.dma_semaphore, #tpu.memory_space<semaphore_mem>>)
        } else {
        }
        %dma_start3A_104 = arith.constant 1 : i32
        %dma_start3A_105 = arith.constant 0 : i32
        %dma_start3A_106 = arith.constant 0 : i32
        %dma_start3A_107 = tpu.memref_slice %arg11[%and3A_84, %dma_start3A_105, %dma_start3A_106] : memref<2x105x128xf32, #tpu.memory_space<vmem>> -> memref<1x105x128xf32, #tpu.memory_space<vmem>>
        %dma_start3A_108 = tpu.memref_squeeze %dma_start3A_107 : memref<1x105x128xf32, #tpu.memory_space<vmem>> -> memref<105x128xf32, #tpu.memory_space<vmem>>
        %dma_start3A_109 = arith.constant 0 : i32
        %dma_start3A_110 = tpu.memref_slice %arg10[%dma_start3A_104, %scan3A_83, %dma_start3A_109] : memref<2x48x105xi32, #tpu.memory_space<vmem>> -> memref<1x1x105xi32, #tpu.memory_space<vmem>>
        %dma_start3A_111 = tpu.memref_squeeze %dma_start3A_110 : memref<1x1x105xi32, #tpu.memory_space<vmem>> -> memref<105xi32, #tpu.memory_space<vmem>>
        %dma_start3A_112 = arith.constant 0 : i32
        %dma_start3A_113 = arith.constant 0 : i32
        %dma_start3A_114 = tpu.memref_slice %arg12[%dma_start3A_112, %dma_start3A_113] : memref<10240x128xf32, #tpu.memory_space<vmem_shared>> -> memref<10240x128xf32, #tpu.memory_space<vmem_shared>>
        tpu.enqueue_indirect_dma source(%dma_start3A_108 : memref<105x128xf32, #tpu.memory_space<vmem>>) target(%dma_start3A_114 : memref<10240x128xf32, #tpu.memory_space<vmem_shared>>) offsets(%dma_start3A_111 : memref<105xi32, #tpu.memory_space<vmem>>) semaphore(%arg14 : memref<!tpu.dma_semaphore, #tpu.memory_space<semaphore_mem>>) {add = true}
      }
      %scan3A_69 = arith.constant 48 : i32
      %dma_wait3A_70 = arith.constant 1 : i32
      %dma_wait3A_71 = arith.constant 1 : i32
      %dma_wait3A_72 = arith.constant 47 : i32
      %dma_wait3A_73 = arith.constant 0 : i32
      %dma_wait3A_74 = arith.constant 0 : i32
      %dma_wait3A_75 = tpu.memref_slice %arg11[%dma_wait3A_70, %dma_wait3A_73, %dma_wait3A_74] : memref<2x105x128xf32, #tpu.memory_space<vmem>> -> memref<1x105x128xf32, #tpu.memory_space<vmem>>
      %dma_wait3A_76 = tpu.memref_squeeze %dma_wait3A_75 : memref<1x105x128xf32, #tpu.memory_space<vmem>> -> memref<105x128xf32, #tpu.memory_space<vmem>>
      %dma_wait3A_77 = arith.constant 0 : i32
      %dma_wait3A_78 = tpu.memref_slice %arg10[%dma_wait3A_71, %dma_wait3A_72, %dma_wait3A_77] : memref<2x48x105xi32, #tpu.memory_space<vmem>> -> memref<1x1x105xi32, #tpu.memory_space<vmem>>
      %dma_wait3A_79 = tpu.memref_squeeze %dma_wait3A_78 : memref<1x1x105xi32, #tpu.memory_space<vmem>> -> memref<105xi32, #tpu.memory_space<vmem>>
      %dma_wait3A_80 = arith.constant 0 : i32
      %dma_wait3A_81 = arith.constant 0 : i32
      %dma_wait3A_82 = tpu.memref_slice %arg12[%dma_wait3A_80, %dma_wait3A_81] : memref<10240x128xf32, #tpu.memory_space<vmem_shared>> -> memref<10240x128xf32, #tpu.memory_space<vmem_shared>>
      tpu.wait_indirect_dma semaphore(%arg14 : memref<!tpu.dma_semaphore, #tpu.memory_space<semaphore_mem>>) src(%dma_wait3A_76 : memref<105x128xf32, #tpu.memory_space<vmem>>) dst(%dma_wait3A_82 : memref<10240x128xf32, #tpu.memory_space<vmem_shared>>)
    } else {
    }
    %barrier3A_8 = arith.constant 0 : index
    tpu.barrier barrier_id(%barrier3A_8)
    %eq3A_9 = arith.constant 0 : i32
    %eq3A_10 = arith.cmpi eq, %arg0, %eq3A_9 : i32
    %convert_element_type3A_11 = arith.extui %eq3A_10 : i1 to i32
    %cond3A_12 = arith.constant 0 : i32
    %cond3A_13 = arith.cmpi ne, %convert_element_type3A_11, %cond3A_12 : i32
    scf.if %cond3A_13 {
      "tpu.region"() ({
        %run_scoped3A = tpu.sem_alloc : memref<!tpu.dma_semaphore, #tpu.memory_space<semaphore_mem>>
        %dma_start3A = arith.constant 0 : i32
        %dma_start3A_19 = tpu.memref_slice %arg8[%mul3A_0, %dma_start3A] : memref<10240x128xf32, #tpu.memory_space<hbm>> -> memref<640x128xf32, #tpu.memory_space<hbm>>
        %dma_start3A_20 = arith.constant 0 : i32
        %dma_start3A_21 = tpu.memref_slice %arg12[%mul3A_0, %dma_start3A_20] : memref<10240x128xf32, #tpu.memory_space<vmem_shared>> -> memref<640x128xf32, #tpu.memory_space<vmem_shared>>
        tpu.enqueue_dma source(%dma_start3A_21 : memref<640x128xf32, #tpu.memory_space<vmem_shared>>) target(%dma_start3A_19 : memref<640x128xf32, #tpu.memory_space<hbm>>) target_semaphore(%run_scoped3A : memref<!tpu.dma_semaphore, #tpu.memory_space<semaphore_mem>>)
        %dma_wait3A = arith.constant 0 : i32
        %dma_wait3A_22 = tpu.memref_slice %arg8[%mul3A_0, %dma_wait3A] : memref<10240x128xf32, #tpu.memory_space<hbm>> -> memref<640x128xf32, #tpu.memory_space<hbm>>
        %dma_wait3A_23 = arith.constant 0 : i32
        %dma_wait3A_24 = tpu.memref_slice %arg12[%mul3A_0, %dma_wait3A_23] : memref<10240x128xf32, #tpu.memory_space<vmem_shared>> -> memref<640x128xf32, #tpu.memory_space<vmem_shared>>
        tpu.wait_dma2 semaphore(%run_scoped3A : memref<!tpu.dma_semaphore, #tpu.memory_space<semaphore_mem>>) src(%dma_wait3A_24 : memref<640x128xf32, #tpu.memory_space<vmem_shared>>) dst(%dma_wait3A_22 : memref<640x128xf32, #tpu.memory_space<hbm>>)
        tpu.yield
      }) : () -> ()
    } else {
    }
    %eq3A_14 = arith.constant 1 : i32
    %eq3A_15 = arith.cmpi eq, %arg0, %eq3A_14 : i32
    %convert_element_type3A_16 = arith.extui %eq3A_15 : i1 to i32
    %cond3A_17 = arith.constant 0 : i32
    %cond3A_18 = arith.cmpi ne, %convert_element_type3A_16, %cond3A_17 : i32
    scf.if %cond3A_18 {
      "tpu.region"() ({
        %run_scoped3A = tpu.sem_alloc : memref<!tpu.dma_semaphore, #tpu.memory_space<semaphore_mem>>
        %dma_start3A = arith.constant 0 : i32
        %dma_start3A_19 = tpu.memref_slice %arg9[%mul3A_0, %dma_start3A] : memref<10240x128xf32, #tpu.memory_space<hbm>> -> memref<640x128xf32, #tpu.memory_space<hbm>>
        %dma_start3A_20 = arith.constant 0 : i32
        %dma_start3A_21 = tpu.memref_slice %arg12[%mul3A_0, %dma_start3A_20] : memref<10240x128xf32, #tpu.memory_space<vmem_shared>> -> memref<640x128xf32, #tpu.memory_space<vmem_shared>>
        tpu.enqueue_dma source(%dma_start3A_21 : memref<640x128xf32, #tpu.memory_space<vmem_shared>>) target(%dma_start3A_19 : memref<640x128xf32, #tpu.memory_space<hbm>>) target_semaphore(%run_scoped3A : memref<!tpu.dma_semaphore, #tpu.memory_space<semaphore_mem>>)
        %dma_wait3A = arith.constant 0 : i32
        %dma_wait3A_22 = tpu.memref_slice %arg9[%mul3A_0, %dma_wait3A] : memref<10240x128xf32, #tpu.memory_space<hbm>> -> memref<640x128xf32, #tpu.memory_space<hbm>>
        %dma_wait3A_23 = arith.constant 0 : i32
        %dma_wait3A_24 = tpu.memref_slice %arg12[%mul3A_0, %dma_wait3A_23] : memref<10240x128xf32, #tpu.memory_space<vmem_shared>> -> memref<640x128xf32, #tpu.memory_space<vmem_shared>>
        tpu.wait_dma2 semaphore(%run_scoped3A : memref<!tpu.dma_semaphore, #tpu.memory_space<semaphore_mem>>) src(%dma_wait3A_24 : memref<640x128xf32, #tpu.memory_space<vmem_shared>>) dst(%dma_wait3A_22 : memref<640x128xf32, #tpu.memory_space<hbm>>)
        tpu.yield
      }) : () -> ()
    } else {
    }
    return
  }
}

module attributes {stable_mosaic.version = 14 : i64} {
  func.func @_tc_layer_body(%arg0: i32, %arg1: memref<1024x128xf32, #tpu.memory_space<vmem>>, %arg2: memref<1024x128xf32, #tpu.memory_space<vmem>>, %arg3: memref<1024x128xf32, #tpu.memory_space<vmem>>, %arg4: memref<1024x128xf32, #tpu.memory_space<vmem>>, %arg5: memref<1024x1xf32, #tpu.memory_space<vmem>>, %arg6: memref<256x128xf32, #tpu.memory_space<vmem>>, %arg7: memref<256x128xf32, #tpu.memory_space<vmem>>, %arg8: memref<256x128xf32, #tpu.memory_space<vmem>>, %arg9: memref<256x128xf32, #tpu.memory_space<vmem>>, %arg10: memref<1x256xf32, #tpu.memory_space<vmem>>, %arg11: memref<1024x128xf32, #tpu.memory_space<vmem>>, %arg12: memref<1024x128xf32, #tpu.memory_space<vmem>>) attributes {dimension_semantics = [#tpu.dimension_semantics<arbitrary>], iteration_bounds = array<i64: 10>, scalar_prefetch = 0 : i64, scratch_operands = 0 : i64, tpu.core_type = #tpu.core_type<tc>, window_params = [{transform_indices = @transform_0, window_bounds = array<i64: 1024, 128>}, {transform_indices = @transform_1, window_bounds = array<i64: 1024, 128>}, {transform_indices = @transform_2, window_bounds = array<i64: 1024, 128>}, {transform_indices = @transform_3, window_bounds = array<i64: 1024, 128>}, {transform_indices = @transform_4, window_bounds = array<i64: 1024, 1>}, {pipeline_mode = #tpu.pipeline_mode<synchronous>, transform_indices = @transform_5, window_bounds = array<i64: 256, 128>}, {pipeline_mode = #tpu.pipeline_mode<synchronous>, transform_indices = @transform_6, window_bounds = array<i64: 256, 128>}, {pipeline_mode = #tpu.pipeline_mode<synchronous>, transform_indices = @transform_7, window_bounds = array<i64: 256, 128>}, {pipeline_mode = #tpu.pipeline_mode<synchronous>, transform_indices = @transform_8, window_bounds = array<i64: 256, 128>}, {pipeline_mode = #tpu.pipeline_mode<synchronous>, transform_indices = @transform_9, window_bounds = array<i64: 1, 256>}, {transform_indices = @transform_10, window_bounds = array<i64: 1024, 128>}, {transform_indices = @transform_11, window_bounds = array<i64: 1024, 128>}]} {
    %get3A = arith.constant 0 : index
    %get3A_0 = arith.constant 0 : index
    %get3A_1 = vector.load %arg5[%get3A, %get3A_0] : memref<1024x1xf32, #tpu.memory_space<vmem>>, vector<1024x1xf32>
    %max3A = arith.constant 1.000000e+00 : f32
    %max3A_2 = vector.broadcast %max3A : f32 to vector<1024x1xf32>
    %max3A_3 = arith.maximumf %get3A_1, %max3A_2 : vector<1024x1xf32>
    %div3A = arith.constant 1.000000e+00 : f32
    %div3A_4 = vector.broadcast %div3A : f32 to vector<1024x1xf32>
    %div3A_5 = arith.divf %div3A_4, %max3A_3 : vector<1024x1xf32>
    %get3A_6 = arith.constant 0 : index
    %get3A_7 = arith.constant 0 : index
    %get3A_8 = vector.load %arg1[%get3A_6, %get3A_7] : memref<1024x128xf32, #tpu.memory_space<vmem>>, vector<1024x128xf32>
    %mul3A = vector.broadcast %div3A_5 : vector<1024x1xf32> to vector<1024x128xf32>
    %mul3A_9 = arith.mulf %get3A_8, %mul3A : vector<1024x128xf32>
    %get3A_10 = arith.constant 0 : index
    %get3A_11 = arith.constant 0 : index
    %get3A_12 = vector.load %arg6[%get3A_10, %get3A_11] : memref<256x128xf32, #tpu.memory_space<vmem>>, vector<256x128xf32>
    %dot_general3A = arith.constant dense<0.000000e+00> : vector<1024x256xf32>
    %dot_general3A_13 = tpu.matmul %mul3A_9, %get3A_12, %dot_general3A {dimension_numbers = #tpu.dot_dimension_numbers<[1], [1], [0], [0], [0, 0, 1, 0], [], []>, transpose_lhs_hint = false} : vector<1024x128xf32>, vector<256x128xf32>, vector<1024x256xf32> -> vector<1024x256xf32>
    %get3A_14 = arith.constant 0 : index
    %get3A_15 = arith.constant 0 : index
    %get3A_16 = vector.load %arg2[%get3A_14, %get3A_15] : memref<1024x128xf32, #tpu.memory_space<vmem>>, vector<1024x128xf32>
    %mul3A_17 = vector.broadcast %div3A_5 : vector<1024x1xf32> to vector<1024x128xf32>
    %mul3A_18 = arith.mulf %get3A_16, %mul3A_17 : vector<1024x128xf32>
    %get3A_19 = arith.constant 0 : index
    %get3A_20 = arith.constant 0 : index
    %get3A_21 = vector.load %arg7[%get3A_19, %get3A_20] : memref<256x128xf32, #tpu.memory_space<vmem>>, vector<256x128xf32>
    %dot_general3A_22 = arith.constant dense<0.000000e+00> : vector<1024x256xf32>
    %dot_general3A_23 = tpu.matmul %mul3A_18, %get3A_21, %dot_general3A_22 {dimension_numbers = #tpu.dot_dimension_numbers<[1], [1], [0], [0], [0, 0, 1, 0], [], []>, transpose_lhs_hint = false} : vector<1024x128xf32>, vector<256x128xf32>, vector<1024x256xf32> -> vector<1024x256xf32>
    %add3A = arith.addf %dot_general3A_13, %dot_general3A_23 : vector<1024x256xf32>
    %get3A_24 = arith.constant 0 : index
    %get3A_25 = arith.constant 0 : index
    %get3A_26 = vector.load %arg3[%get3A_24, %get3A_25] : memref<1024x128xf32, #tpu.memory_space<vmem>>, vector<1024x128xf32>
    %get3A_27 = arith.constant 0 : index
    %get3A_28 = arith.constant 0 : index
    %get3A_29 = vector.load %arg8[%get3A_27, %get3A_28] : memref<256x128xf32, #tpu.memory_space<vmem>>, vector<256x128xf32>
    %dot_general3A_30 = arith.constant dense<0.000000e+00> : vector<1024x256xf32>
    %dot_general3A_31 = tpu.matmul %get3A_26, %get3A_29, %dot_general3A_30 {dimension_numbers = #tpu.dot_dimension_numbers<[1], [1], [0], [0], [0, 0, 1, 0], [], []>, transpose_lhs_hint = false} : vector<1024x128xf32>, vector<256x128xf32>, vector<1024x256xf32> -> vector<1024x256xf32>
    %add3A_32 = arith.addf %add3A, %dot_general3A_31 : vector<1024x256xf32>
    %get3A_33 = arith.constant 0 : index
    %get3A_34 = arith.constant 0 : index
    %get3A_35 = vector.load %arg4[%get3A_33, %get3A_34] : memref<1024x128xf32, #tpu.memory_space<vmem>>, vector<1024x128xf32>
    %get3A_36 = arith.constant 0 : index
    %get3A_37 = arith.constant 0 : index
    %get3A_38 = vector.load %arg9[%get3A_36, %get3A_37] : memref<256x128xf32, #tpu.memory_space<vmem>>, vector<256x128xf32>
    %dot_general3A_39 = arith.constant dense<0.000000e+00> : vector<1024x256xf32>
    %dot_general3A_40 = tpu.matmul %get3A_35, %get3A_38, %dot_general3A_39 {dimension_numbers = #tpu.dot_dimension_numbers<[1], [1], [0], [0], [0, 0, 1, 0], [], []>, transpose_lhs_hint = false} : vector<1024x128xf32>, vector<256x128xf32>, vector<1024x256xf32> -> vector<1024x256xf32>
    %add3A_41 = arith.addf %add3A_32, %dot_general3A_40 : vector<1024x256xf32>
    %get3A_42 = arith.constant 0 : index
    %get3A_43 = arith.constant 0 : index
    %get3A_44 = vector.load %arg10[%get3A_42, %get3A_43] : memref<1x256xf32, #tpu.memory_space<vmem>>, vector<1x256xf32>
    %add3A_45 = vector.broadcast %get3A_44 : vector<1x256xf32> to vector<1024x256xf32>
    %add3A_46 = arith.addf %add3A_41, %add3A_45 : vector<1024x256xf32>
    %max3A_47 = arith.constant 0.000000e+00 : f32
    %max3A_48 = vector.broadcast %max3A_47 : f32 to vector<1024x256xf32>
    %max3A_49 = arith.maximumf %add3A_46, %max3A_48 : vector<1024x256xf32>
    %slice3A = vector.extract_strided_slice %max3A_49 {offsets = [0, 0], sizes = [1024, 128], strides = [1, 1]} : vector<1024x256xf32> to vector<1024x128xf32>
    %swap3A = arith.constant 0 : index
    %swap3A_50 = arith.constant 0 : index
    %swap3A_51 = vector.load %arg11[%swap3A, %swap3A_50] : memref<1024x128xf32, #tpu.memory_space<vmem>>, vector<1024x128xf32>
    tpu.vector_store %arg11[%swap3A, %swap3A_50], %slice3A {strides = array<i32>} : memref<1024x128xf32, #tpu.memory_space<vmem>>, vector<1024x128xf32>,
    %slice3A_52 = vector.extract_strided_slice %max3A_49 {offsets = [0, 128], sizes = [1024, 128], strides = [1, 1]} : vector<1024x256xf32> to vector<1024x128xf32>
    %swap3A_53 = arith.constant 0 : index
    %swap3A_54 = arith.constant 0 : index
    %swap3A_55 = vector.load %arg12[%swap3A_53, %swap3A_54] : memref<1024x128xf32, #tpu.memory_space<vmem>>, vector<1024x128xf32>
    tpu.vector_store %arg12[%swap3A_53, %swap3A_54], %slice3A_52 {strides = array<i32>} : memref<1024x128xf32, #tpu.memory_space<vmem>>, vector<1024x128xf32>,
    return
  }
  func.func @transform_0(%arg0: i32) -> (i32, i32) {
    %c0_i32 = arith.constant 0 : i32
    %c0_i32_0 = arith.constant 0 : i32
    return %arg0, %c0_i32 : i32, i32
  }
  func.func @transform_1(%arg0: i32) -> (i32, i32) {
    %c0_i32 = arith.constant 0 : i32
    %c0_i32_0 = arith.constant 0 : i32
    return %arg0, %c0_i32 : i32, i32
  }
  func.func @transform_2(%arg0: i32) -> (i32, i32) {
    %c0_i32 = arith.constant 0 : i32
    %c0_i32_0 = arith.constant 0 : i32
    return %arg0, %c0_i32 : i32, i32
  }
  func.func @transform_3(%arg0: i32) -> (i32, i32) {
    %c0_i32 = arith.constant 0 : i32
    %c0_i32_0 = arith.constant 0 : i32
    return %arg0, %c0_i32 : i32, i32
  }
  func.func @transform_4(%arg0: i32) -> (i32, i32) {
    %c0_i32 = arith.constant 0 : i32
    %c0_i32_0 = arith.constant 0 : i32
    return %arg0, %c0_i32 : i32, i32
  }
  func.func @transform_5(%arg0: i32) -> (i32, i32) {
    %c0_i32 = arith.constant 0 : i32
    %c0_i32_0 = arith.constant 0 : i32
    %c0_i32_1 = arith.constant 0 : i32
    return %c0_i32, %c0_i32_0 : i32, i32
  }
  func.func @transform_6(%arg0: i32) -> (i32, i32) {
    %c0_i32 = arith.constant 0 : i32
    %c0_i32_0 = arith.constant 0 : i32
    %c0_i32_1 = arith.constant 0 : i32
    return %c0_i32, %c0_i32_0 : i32, i32
  }
  func.func @transform_7(%arg0: i32) -> (i32, i32) {
    %c0_i32 = arith.constant 0 : i32
    %c0_i32_0 = arith.constant 0 : i32
    %c0_i32_1 = arith.constant 0 : i32
    return %c0_i32, %c0_i32_0 : i32, i32
  }
  func.func @transform_8(%arg0: i32) -> (i32, i32) {
    %c0_i32 = arith.constant 0 : i32
    %c0_i32_0 = arith.constant 0 : i32
    %c0_i32_1 = arith.constant 0 : i32
    return %c0_i32, %c0_i32_0 : i32, i32
  }
  func.func @transform_9(%arg0: i32) -> (i32, i32) {
    %c0_i32 = arith.constant 0 : i32
    %c0_i32_0 = arith.constant 0 : i32
    %c0_i32_1 = arith.constant 0 : i32
    return %c0_i32, %c0_i32_0 : i32, i32
  }
  func.func @transform_10(%arg0: i32) -> (i32, i32) {
    %c0_i32 = arith.constant 0 : i32
    %c0_i32_0 = arith.constant 0 : i32
    return %arg0, %c0_i32 : i32, i32
  }
  func.func @transform_11(%arg0: i32) -> (i32, i32) {
    %c0_i32 = arith.constant 0 : i32
    %c0_i32_0 = arith.constant 0 : i32
    return %arg0, %c0_i32 : i32, i32
  }
}

module attributes {stable_mosaic.version = 14 : i64} {
  func.func @_tc_layer_body(%arg0: i32, %arg1: memref<1024x128xf32, #tpu.memory_space<vmem>>, %arg2: memref<1024x128xf32, #tpu.memory_space<vmem>>, %arg3: memref<1024x128xf32, #tpu.memory_space<vmem>>, %arg4: memref<1024x128xf32, #tpu.memory_space<vmem>>, %arg5: memref<1024x1xf32, #tpu.memory_space<vmem>>, %arg6: memref<256x128xf32, #tpu.memory_space<vmem>>, %arg7: memref<256x128xf32, #tpu.memory_space<vmem>>, %arg8: memref<256x128xf32, #tpu.memory_space<vmem>>, %arg9: memref<256x128xf32, #tpu.memory_space<vmem>>, %arg10: memref<1x256xf32, #tpu.memory_space<vmem>>, %arg11: memref<128x256xf32, #tpu.memory_space<vmem>>, %arg12: memref<1024x128xf32, #tpu.memory_space<vmem>>, %arg13: memref<1024x128xf32, #tpu.memory_space<vmem>>, %arg14: memref<1024x128xf32, #tpu.memory_space<vmem>>, %arg15: memref<1024x128xf32, #tpu.memory_space<vmem>>) attributes {dimension_semantics = [#tpu.dimension_semantics<arbitrary>], iteration_bounds = array<i64: 10>, scalar_prefetch = 0 : i64, scratch_operands = 0 : i64, tpu.core_type = #tpu.core_type<tc>, window_params = [{transform_indices = @transform_0, window_bounds = array<i64: 1024, 128>}, {transform_indices = @transform_1, window_bounds = array<i64: 1024, 128>}, {transform_indices = @transform_2, window_bounds = array<i64: 1024, 128>}, {transform_indices = @transform_3, window_bounds = array<i64: 1024, 128>}, {transform_indices = @transform_4, window_bounds = array<i64: 1024, 1>}, {pipeline_mode = #tpu.pipeline_mode<synchronous>, transform_indices = @transform_5, window_bounds = array<i64: 256, 128>}, {pipeline_mode = #tpu.pipeline_mode<synchronous>, transform_indices = @transform_6, window_bounds = array<i64: 256, 128>}, {pipeline_mode = #tpu.pipeline_mode<synchronous>, transform_indices = @transform_7, window_bounds = array<i64: 256, 128>}, {pipeline_mode = #tpu.pipeline_mode<synchronous>, transform_indices = @transform_8, window_bounds = array<i64: 256, 128>}, {pipeline_mode = #tpu.pipeline_mode<synchronous>, transform_indices = @transform_9, window_bounds = array<i64: 1, 256>}, {pipeline_mode = #tpu.pipeline_mode<synchronous>, transform_indices = @transform_10, window_bounds = array<i64: 128, 256>}, {transform_indices = @transform_11, window_bounds = array<i64: 1024, 128>}, {transform_indices = @transform_12, window_bounds = array<i64: 1024, 128>}, {transform_indices = @transform_13, window_bounds = array<i64: 1024, 128>}, {transform_indices = @transform_14, window_bounds = array<i64: 1024, 128>}]} {
    %get3A = arith.constant 0 : index
    %get3A_0 = arith.constant 0 : index
    %get3A_1 = vector.load %arg5[%get3A, %get3A_0] : memref<1024x1xf32, #tpu.memory_space<vmem>>, vector<1024x1xf32>
    %max3A = arith.constant 1.000000e+00 : f32
    %max3A_2 = vector.broadcast %max3A : f32 to vector<1024x1xf32>
    %max3A_3 = arith.maximumf %get3A_1, %max3A_2 : vector<1024x1xf32>
    %div3A = arith.constant 1.000000e+00 : f32
    %div3A_4 = vector.broadcast %div3A : f32 to vector<1024x1xf32>
    %div3A_5 = arith.divf %div3A_4, %max3A_3 : vector<1024x1xf32>
    %get3A_6 = arith.constant 0 : index
    %get3A_7 = arith.constant 0 : index
    %get3A_8 = vector.load %arg1[%get3A_6, %get3A_7] : memref<1024x128xf32, #tpu.memory_space<vmem>>, vector<1024x128xf32>
    %mul3A = vector.broadcast %div3A_5 : vector<1024x1xf32> to vector<1024x128xf32>
    %mul3A_9 = arith.mulf %get3A_8, %mul3A : vector<1024x128xf32>
    %get3A_10 = arith.constant 0 : index
    %get3A_11 = arith.constant 0 : index
    %get3A_12 = vector.load %arg6[%get3A_10, %get3A_11] : memref<256x128xf32, #tpu.memory_space<vmem>>, vector<256x128xf32>
    %dot_general3A = arith.constant dense<0.000000e+00> : vector<1024x256xf32>
    %dot_general3A_13 = tpu.matmul %mul3A_9, %get3A_12, %dot_general3A {dimension_numbers = #tpu.dot_dimension_numbers<[1], [1], [0], [0], [0, 0, 1, 0], [], []>, transpose_lhs_hint = false} : vector<1024x128xf32>, vector<256x128xf32>, vector<1024x256xf32> -> vector<1024x256xf32>
    %get3A_14 = arith.constant 0 : index
    %get3A_15 = arith.constant 0 : index
    %get3A_16 = vector.load %arg2[%get3A_14, %get3A_15] : memref<1024x128xf32, #tpu.memory_space<vmem>>, vector<1024x128xf32>
    %mul3A_17 = vector.broadcast %div3A_5 : vector<1024x1xf32> to vector<1024x128xf32>
    %mul3A_18 = arith.mulf %get3A_16, %mul3A_17 : vector<1024x128xf32>
    %get3A_19 = arith.constant 0 : index
    %get3A_20 = arith.constant 0 : index
    %get3A_21 = vector.load %arg7[%get3A_19, %get3A_20] : memref<256x128xf32, #tpu.memory_space<vmem>>, vector<256x128xf32>
    %dot_general3A_22 = arith.constant dense<0.000000e+00> : vector<1024x256xf32>
    %dot_general3A_23 = tpu.matmul %mul3A_18, %get3A_21, %dot_general3A_22 {dimension_numbers = #tpu.dot_dimension_numbers<[1], [1], [0], [0], [0, 0, 1, 0], [], []>, transpose_lhs_hint = false} : vector<1024x128xf32>, vector<256x128xf32>, vector<1024x256xf32> -> vector<1024x256xf32>
    %add3A = arith.addf %dot_general3A_13, %dot_general3A_23 : vector<1024x256xf32>
    %get3A_24 = arith.constant 0 : index
    %get3A_25 = arith.constant 0 : index
    %get3A_26 = vector.load %arg3[%get3A_24, %get3A_25] : memref<1024x128xf32, #tpu.memory_space<vmem>>, vector<1024x128xf32>
    %get3A_27 = arith.constant 0 : index
    %get3A_28 = arith.constant 0 : index
    %get3A_29 = vector.load %arg8[%get3A_27, %get3A_28] : memref<256x128xf32, #tpu.memory_space<vmem>>, vector<256x128xf32>
    %dot_general3A_30 = arith.constant dense<0.000000e+00> : vector<1024x256xf32>
    %dot_general3A_31 = tpu.matmul %get3A_26, %get3A_29, %dot_general3A_30 {dimension_numbers = #tpu.dot_dimension_numbers<[1], [1], [0], [0], [0, 0, 1, 0], [], []>, transpose_lhs_hint = false} : vector<1024x128xf32>, vector<256x128xf32>, vector<1024x256xf32> -> vector<1024x256xf32>
    %add3A_32 = arith.addf %add3A, %dot_general3A_31 : vector<1024x256xf32>
    %get3A_33 = arith.constant 0 : index
    %get3A_34 = arith.constant 0 : index
    %get3A_35 = vector.load %arg4[%get3A_33, %get3A_34] : memref<1024x128xf32, #tpu.memory_space<vmem>>, vector<1024x128xf32>
    %get3A_36 = arith.constant 0 : index
    %get3A_37 = arith.constant 0 : index
    %get3A_38 = vector.load %arg9[%get3A_36, %get3A_37] : memref<256x128xf32, #tpu.memory_space<vmem>>, vector<256x128xf32>
    %dot_general3A_39 = arith.constant dense<0.000000e+00> : vector<1024x256xf32>
    %dot_general3A_40 = tpu.matmul %get3A_35, %get3A_38, %dot_general3A_39 {dimension_numbers = #tpu.dot_dimension_numbers<[1], [1], [0], [0], [0, 0, 1, 0], [], []>, transpose_lhs_hint = false} : vector<1024x128xf32>, vector<256x128xf32>, vector<1024x256xf32> -> vector<1024x256xf32>
    %add3A_41 = arith.addf %add3A_32, %dot_general3A_40 : vector<1024x256xf32>
    %get3A_42 = arith.constant 0 : index
    %get3A_43 = arith.constant 0 : index
    %get3A_44 = vector.load %arg10[%get3A_42, %get3A_43] : memref<1x256xf32, #tpu.memory_space<vmem>>, vector<1x256xf32>
    %add3A_45 = vector.broadcast %get3A_44 : vector<1x256xf32> to vector<1024x256xf32>
    %add3A_46 = arith.addf %add3A_41, %add3A_45 : vector<1024x256xf32>
    %max3A_47 = arith.constant 0.000000e+00 : f32
    %max3A_48 = vector.broadcast %max3A_47 : f32 to vector<1024x256xf32>
    %max3A_49 = arith.maximumf %add3A_46, %max3A_48 : vector<1024x256xf32>
    %slice3A = vector.extract_strided_slice %max3A_49 {offsets = [0, 0], sizes = [1024, 128], strides = [1, 1]} : vector<1024x256xf32> to vector<1024x128xf32>
    %swap3A = arith.constant 0 : index
    %swap3A_50 = arith.constant 0 : index
    %swap3A_51 = vector.load %arg12[%swap3A, %swap3A_50] : memref<1024x128xf32, #tpu.memory_space<vmem>>, vector<1024x128xf32>
    tpu.vector_store %arg12[%swap3A, %swap3A_50], %slice3A {strides = array<i32>} : memref<1024x128xf32, #tpu.memory_space<vmem>>, vector<1024x128xf32>,
    %slice3A_52 = vector.extract_strided_slice %max3A_49 {offsets = [0, 128], sizes = [1024, 128], strides = [1, 1]} : vector<1024x256xf32> to vector<1024x128xf32>
    %swap3A_53 = arith.constant 0 : index
    %swap3A_54 = arith.constant 0 : index
    %swap3A_55 = vector.load %arg13[%swap3A_53, %swap3A_54] : memref<1024x128xf32, #tpu.memory_space<vmem>>, vector<1024x128xf32>
    tpu.vector_store %arg13[%swap3A_53, %swap3A_54], %slice3A_52 {strides = array<i32>} : memref<1024x128xf32, #tpu.memory_space<vmem>>, vector<1024x128xf32>,
    %get3A_56 = arith.constant 0 : index
    %get3A_57 = arith.constant 0 : index
    %get3A_58 = vector.load %arg11[%get3A_56, %get3A_57] : memref<128x256xf32, #tpu.memory_space<vmem>>, vector<128x256xf32>
    %dot_general3A_59 = arith.constant dense<0.000000e+00> : vector<1024x128xf32>
    %dot_general3A_60 = tpu.matmul %max3A_49, %get3A_58, %dot_general3A_59 {dimension_numbers = #tpu.dot_dimension_numbers<[1], [1], [0], [0], [0, 0, 1, 0], [], []>, transpose_lhs_hint = false} : vector<1024x256xf32>, vector<128x256xf32>, vector<1024x128xf32> -> vector<1024x128xf32>
    %swap3A_61 = arith.constant 0 : index
    %swap3A_62 = arith.constant 0 : index
    %swap3A_63 = vector.load %arg14[%swap3A_61, %swap3A_62] : memref<1024x128xf32, #tpu.memory_space<vmem>>, vector<1024x128xf32>
    tpu.vector_store %arg14[%swap3A_61, %swap3A_62], %dot_general3A_60 {strides = array<i32>} : memref<1024x128xf32, #tpu.memory_space<vmem>>, vector<1024x128xf32>,
    %swap3A_64 = arith.constant 0 : index
    %swap3A_65 = arith.constant 0 : index
    %swap3A_66 = vector.load %arg15[%swap3A_64, %swap3A_65] : memref<1024x128xf32, #tpu.memory_space<vmem>>, vector<1024x128xf32>
    tpu.vector_store %arg15[%swap3A_64, %swap3A_65], %dot_general3A_60 {strides = array<i32>} : memref<1024x128xf32, #tpu.memory_space<vmem>>, vector<1024x128xf32>,
    return
  }
  func.func @transform_0(%arg0: i32) -> (i32, i32) {
    %c0_i32 = arith.constant 0 : i32
    %c0_i32_0 = arith.constant 0 : i32
    return %arg0, %c0_i32 : i32, i32
  }
  func.func @transform_1(%arg0: i32) -> (i32, i32) {
    %c0_i32 = arith.constant 0 : i32
    %c0_i32_0 = arith.constant 0 : i32
    return %arg0, %c0_i32 : i32, i32
  }
  func.func @transform_2(%arg0: i32) -> (i32, i32) {
    %c0_i32 = arith.constant 0 : i32
    %c0_i32_0 = arith.constant 0 : i32
    return %arg0, %c0_i32 : i32, i32
  }
  func.func @transform_3(%arg0: i32) -> (i32, i32) {
    %c0_i32 = arith.constant 0 : i32
    %c0_i32_0 = arith.constant 0 : i32
    return %arg0, %c0_i32 : i32, i32
  }
  func.func @transform_4(%arg0: i32) -> (i32, i32) {
    %c0_i32 = arith.constant 0 : i32
    %c0_i32_0 = arith.constant 0 : i32
    return %arg0, %c0_i32 : i32, i32
  }
  func.func @transform_5(%arg0: i32) -> (i32, i32) {
    %c0_i32 = arith.constant 0 : i32
    %c0_i32_0 = arith.constant 0 : i32
    %c0_i32_1 = arith.constant 0 : i32
    return %c0_i32, %c0_i32_0 : i32, i32
  }
  func.func @transform_6(%arg0: i32) -> (i32, i32) {
    %c0_i32 = arith.constant 0 : i32
    %c0_i32_0 = arith.constant 0 : i32
    %c0_i32_1 = arith.constant 0 : i32
    return %c0_i32, %c0_i32_0 : i32, i32
  }
  func.func @transform_7(%arg0: i32) -> (i32, i32) {
    %c0_i32 = arith.constant 0 : i32
    %c0_i32_0 = arith.constant 0 : i32
    %c0_i32_1 = arith.constant 0 : i32
    return %c0_i32, %c0_i32_0 : i32, i32
  }
  func.func @transform_8(%arg0: i32) -> (i32, i32) {
    %c0_i32 = arith.constant 0 : i32
    %c0_i32_0 = arith.constant 0 : i32
    %c0_i32_1 = arith.constant 0 : i32
    return %c0_i32, %c0_i32_0 : i32, i32
  }
  func.func @transform_9(%arg0: i32) -> (i32, i32) {
    %c0_i32 = arith.constant 0 : i32
    %c0_i32_0 = arith.constant 0 : i32
    %c0_i32_1 = arith.constant 0 : i32
    return %c0_i32, %c0_i32_0 : i32, i32
  }
  func.func @transform_10(%arg0: i32) -> (i32, i32) {
    %c0_i32 = arith.constant 0 : i32
    %c0_i32_0 = arith.constant 0 : i32
    %c0_i32_1 = arith.constant 0 : i32
    return %c0_i32, %c0_i32_0 : i32, i32
  }
  func.func @transform_11(%arg0: i32) -> (i32, i32) {
    %c0_i32 = arith.constant 0 : i32
    %c0_i32_0 = arith.constant 0 : i32
    return %arg0, %c0_i32 : i32, i32
  }
  func.func @transform_12(%arg0: i32) -> (i32, i32) {
    %c0_i32 = arith.constant 0 : i32
    %c0_i32_0 = arith.constant 0 : i32
    return %arg0, %c0_i32 : i32, i32
  }
  func.func @transform_13(%arg0: i32) -> (i32, i32) {
    %c0_i32 = arith.constant 0 : i32
    %c0_i32_0 = arith.constant 0 : i32
    return %arg0, %c0_i32 : i32, i32
  }
  func.func @transform_14(%arg0: i32) -> (i32, i32) {
    %c0_i32 = arith.constant 0 : i32
    %c0_i32_0 = arith.constant 0 : i32
    return %arg0, %c0_i32 : i32, i32
  }
}

module attributes {stable_mosaic.version = 14 : i64} {
  func.func @_tc_final_body(%arg0: i32, %arg1: memref<1024x128xf32, #tpu.memory_space<vmem>>, %arg2: memref<1024x128xf32, #tpu.memory_space<vmem>>, %arg3: memref<1024x128xf32, #tpu.memory_space<vmem>>, %arg4: memref<1024x128xf32, #tpu.memory_space<vmem>>, %arg5: memref<1024x1xf32, #tpu.memory_space<vmem>>, %arg6: memref<1x128xf32, #tpu.memory_space<vmem>>, %arg7: memref<128x128xf32, #tpu.memory_space<vmem>>, %arg8: memref<128x128xf32, #tpu.memory_space<vmem>>, %arg9: memref<128x128xf32, #tpu.memory_space<vmem>>, %arg10: memref<1x128xf32, #tpu.memory_space<vmem>>, %arg11: memref<256x128xf32, #tpu.memory_space<vmem>>, %arg12: memref<1x256xf32, #tpu.memory_space<vmem>>, %arg13: memref<256x256xf32, #tpu.memory_space<vmem>>, %arg14: memref<1x256xf32, #tpu.memory_space<vmem>>, %arg15: memref<1024x256xf32, #tpu.memory_space<vmem>>) attributes {dimension_semantics = [#tpu.dimension_semantics<arbitrary>], iteration_bounds = array<i64: 10>, scalar_prefetch = 0 : i64, scratch_operands = 0 : i64, tpu.core_type = #tpu.core_type<tc>, window_params = [{transform_indices = @transform_0, window_bounds = array<i64: 1024, 128>}, {transform_indices = @transform_1, window_bounds = array<i64: 1024, 128>}, {transform_indices = @transform_2, window_bounds = array<i64: 1024, 128>}, {transform_indices = @transform_3, window_bounds = array<i64: 1024, 128>}, {transform_indices = @transform_4, window_bounds = array<i64: 1024, 1>}, {pipeline_mode = #tpu.pipeline_mode<synchronous>, transform_indices = @transform_5, window_bounds = array<i64: 1, 128>}, {pipeline_mode = #tpu.pipeline_mode<synchronous>, transform_indices = @transform_6, window_bounds = array<i64: 128, 128>}, {pipeline_mode = #tpu.pipeline_mode<synchronous>, transform_indices = @transform_7, window_bounds = array<i64: 128, 128>}, {pipeline_mode = #tpu.pipeline_mode<synchronous>, transform_indices = @transform_8, window_bounds = array<i64: 128, 128>}, {pipeline_mode = #tpu.pipeline_mode<synchronous>, transform_indices = @transform_9, window_bounds = array<i64: 1, 128>}, {pipeline_mode = #tpu.pipeline_mode<synchronous>, transform_indices = @transform_10, window_bounds = array<i64: 256, 128>}, {pipeline_mode = #tpu.pipeline_mode<synchronous>, transform_indices = @transform_11, window_bounds = array<i64: 1, 256>}, {pipeline_mode = #tpu.pipeline_mode<synchronous>, transform_indices = @transform_12, window_bounds = array<i64: 256, 256>}, {pipeline_mode = #tpu.pipeline_mode<synchronous>, transform_indices = @transform_13, window_bounds = array<i64: 1, 256>}, {transform_indices = @transform_14, window_bounds = array<i64: 1024, 256>}]} {
    %get3A = arith.constant 0 : index
    %get3A_0 = arith.constant 0 : index
    %get3A_1 = vector.load %arg5[%get3A, %get3A_0] : memref<1024x1xf32, #tpu.memory_space<vmem>>, vector<1024x1xf32>
    %max3A = arith.constant 1.000000e+00 : f32
    %max3A_2 = vector.broadcast %max3A : f32 to vector<1024x1xf32>
    %max3A_3 = arith.maximumf %get3A_1, %max3A_2 : vector<1024x1xf32>
    %div3A = arith.constant 1.000000e+00 : f32
    %div3A_4 = vector.broadcast %div3A : f32 to vector<1024x1xf32>
    %div3A_5 = arith.divf %div3A_4, %max3A_3 : vector<1024x1xf32>
    %get3A_6 = arith.constant 0 : index
    %get3A_7 = arith.constant 0 : index
    %get3A_8 = vector.load %arg1[%get3A_6, %get3A_7] : memref<1024x128xf32, #tpu.memory_space<vmem>>, vector<1024x128xf32>
    %get3A_9 = arith.constant 0 : index
    %get3A_10 = arith.constant 0 : index
    %get3A_11 = vector.load %arg2[%get3A_9, %get3A_10] : memref<1024x128xf32, #tpu.memory_space<vmem>>, vector<1024x128xf32>
    %add3A = arith.addf %get3A_8, %get3A_11 : vector<1024x128xf32>
    %mul3A = vector.broadcast %div3A_5 : vector<1024x1xf32> to vector<1024x128xf32>
    %mul3A_12 = arith.mulf %add3A, %mul3A : vector<1024x128xf32>
    %get3A_13 = arith.constant 0 : index
    %get3A_14 = arith.constant 0 : index
    %get3A_15 = vector.load %arg6[%get3A_13, %get3A_14] : memref<1x128xf32, #tpu.memory_space<vmem>>, vector<1x128xf32>
    %add3A_16 = vector.broadcast %get3A_15 : vector<1x128xf32> to vector<1024x128xf32>
    %add3A_17 = arith.addf %mul3A_12, %add3A_16 : vector<1024x128xf32>
    %get3A_18 = arith.constant 0 : index
    %get3A_19 = arith.constant 0 : index
    %get3A_20 = vector.load %arg3[%get3A_18, %get3A_19] : memref<1024x128xf32, #tpu.memory_space<vmem>>, vector<1024x128xf32>
    %get3A_21 = arith.constant 0 : index
    %get3A_22 = arith.constant 0 : index
    %get3A_23 = vector.load %arg7[%get3A_21, %get3A_22] : memref<128x128xf32, #tpu.memory_space<vmem>>, vector<128x128xf32>
    %dot_general3A = arith.constant dense<0.000000e+00> : vector<1024x128xf32>
    %dot_general3A_24 = tpu.matmul %get3A_20, %get3A_23, %dot_general3A {dimension_numbers = #tpu.dot_dimension_numbers<[1], [1], [0], [0], [0, 0, 1, 0], [], []>, transpose_lhs_hint = false} : vector<1024x128xf32>, vector<128x128xf32>, vector<1024x128xf32> -> vector<1024x128xf32>
    %add3A_25 = arith.addf %add3A_17, %dot_general3A_24 : vector<1024x128xf32>
    %get3A_26 = arith.constant 0 : index
    %get3A_27 = arith.constant 0 : index
    %get3A_28 = vector.load %arg4[%get3A_26, %get3A_27] : memref<1024x128xf32, #tpu.memory_space<vmem>>, vector<1024x128xf32>
    %get3A_29 = arith.constant 0 : index
    %get3A_30 = arith.constant 0 : index
    %get3A_31 = vector.load %arg8[%get3A_29, %get3A_30] : memref<128x128xf32, #tpu.memory_space<vmem>>, vector<128x128xf32>
    %dot_general3A_32 = arith.constant dense<0.000000e+00> : vector<1024x128xf32>
    %dot_general3A_33 = tpu.matmul %get3A_28, %get3A_31, %dot_general3A_32 {dimension_numbers = #tpu.dot_dimension_numbers<[1], [1], [0], [0], [0, 0, 1, 0], [], []>, transpose_lhs_hint = false} : vector<1024x128xf32>, vector<128x128xf32>, vector<1024x128xf32> -> vector<1024x128xf32>
    %add3A_34 = arith.addf %add3A_25, %dot_general3A_33 : vector<1024x128xf32>
    %get3A_35 = arith.constant 0 : index
    %get3A_36 = arith.constant 0 : index
    %get3A_37 = vector.load %arg9[%get3A_35, %get3A_36] : memref<128x128xf32, #tpu.memory_space<vmem>>, vector<128x128xf32>
    %dot_general3A_38 = arith.constant dense<0.000000e+00> : vector<1024x128xf32>
    %dot_general3A_39 = tpu.matmul %add3A_34, %get3A_37, %dot_general3A_38 {dimension_numbers = #tpu.dot_dimension_numbers<[1], [1], [0], [0], [0, 0, 1, 0], [], []>, transpose_lhs_hint = false} : vector<1024x128xf32>, vector<128x128xf32>, vector<1024x128xf32> -> vector<1024x128xf32>
    %get3A_40 = arith.constant 0 : index
    %get3A_41 = arith.constant 0 : index
    %get3A_42 = vector.load %arg10[%get3A_40, %get3A_41] : memref<1x128xf32, #tpu.memory_space<vmem>>, vector<1x128xf32>
    %add3A_43 = vector.broadcast %get3A_42 : vector<1x128xf32> to vector<1024x128xf32>
    %add3A_44 = arith.addf %dot_general3A_39, %add3A_43 : vector<1024x128xf32>
    %get3A_45 = arith.constant 0 : index
    %get3A_46 = arith.constant 0 : index
    %get3A_47 = vector.load %arg11[%get3A_45, %get3A_46] : memref<256x128xf32, #tpu.memory_space<vmem>>, vector<256x128xf32>
    %dot_general3A_48 = arith.constant dense<0.000000e+00> : vector<1024x256xf32>
    %dot_general3A_49 = tpu.matmul %add3A_44, %get3A_47, %dot_general3A_48 {dimension_numbers = #tpu.dot_dimension_numbers<[1], [1], [0], [0], [0, 0, 1, 0], [], []>, transpose_lhs_hint = false} : vector<1024x128xf32>, vector<256x128xf32>, vector<1024x256xf32> -> vector<1024x256xf32>
    %get3A_50 = arith.constant 0 : index
    %get3A_51 = arith.constant 0 : index
    %get3A_52 = vector.load %arg12[%get3A_50, %get3A_51] : memref<1x256xf32, #tpu.memory_space<vmem>>, vector<1x256xf32>
    %add3A_53 = vector.broadcast %get3A_52 : vector<1x256xf32> to vector<1024x256xf32>
    %add3A_54 = arith.addf %dot_general3A_49, %add3A_53 : vector<1024x256xf32>
    %max3A_55 = arith.constant 0.000000e+00 : f32
    %max3A_56 = vector.broadcast %max3A_55 : f32 to vector<1024x256xf32>
    %max3A_57 = arith.maximumf %add3A_54, %max3A_56 : vector<1024x256xf32>
    %get3A_58 = arith.constant 0 : index
    %get3A_59 = arith.constant 0 : index
    %get3A_60 = vector.load %arg13[%get3A_58, %get3A_59] : memref<256x256xf32, #tpu.memory_space<vmem>>, vector<256x256xf32>
    %dot_general3A_61 = arith.constant dense<0.000000e+00> : vector<1024x256xf32>
    %dot_general3A_62 = tpu.matmul %max3A_57, %get3A_60, %dot_general3A_61 {dimension_numbers = #tpu.dot_dimension_numbers<[1], [1], [0], [0], [0, 0, 1, 0], [], []>, transpose_lhs_hint = false} : vector<1024x256xf32>, vector<256x256xf32>, vector<1024x256xf32> -> vector<1024x256xf32>
    %get3A_63 = arith.constant 0 : index
    %get3A_64 = arith.constant 0 : index
    %get3A_65 = vector.load %arg14[%get3A_63, %get3A_64] : memref<1x256xf32, #tpu.memory_space<vmem>>, vector<1x256xf32>
    %add3A_66 = vector.broadcast %get3A_65 : vector<1x256xf32> to vector<1024x256xf32>
    %add3A_67 = arith.addf %dot_general3A_62, %add3A_66 : vector<1024x256xf32>
    %swap3A = arith.constant 0 : index
    %swap3A_68 = arith.constant 0 : index
    %swap3A_69 = vector.load %arg15[%swap3A, %swap3A_68] : memref<1024x256xf32, #tpu.memory_space<vmem>>, vector<1024x256xf32>
    tpu.vector_store %arg15[%swap3A, %swap3A_68], %add3A_67 {strides = array<i32>} : memref<1024x256xf32, #tpu.memory_space<vmem>>, vector<1024x256xf32>,
    return
  }
  func.func @transform_0(%arg0: i32) -> (i32, i32) {
    %c0_i32 = arith.constant 0 : i32
    %c0_i32_0 = arith.constant 0 : i32
    return %arg0, %c0_i32 : i32, i32
  }
  func.func @transform_1(%arg0: i32) -> (i32, i32) {
    %c0_i32 = arith.constant 0 : i32
    %c0_i32_0 = arith.constant 0 : i32
    return %arg0, %c0_i32 : i32, i32
  }
  func.func @transform_2(%arg0: i32) -> (i32, i32) {
    %c0_i32 = arith.constant 0 : i32
    %c0_i32_0 = arith.constant 0 : i32
    return %arg0, %c0_i32 : i32, i32
  }
  func.func @transform_3(%arg0: i32) -> (i32, i32) {
    %c0_i32 = arith.constant 0 : i32
    %c0_i32_0 = arith.constant 0 : i32
    return %arg0, %c0_i32 : i32, i32
  }
  func.func @transform_4(%arg0: i32) -> (i32, i32) {
    %c0_i32 = arith.constant 0 : i32
    %c0_i32_0 = arith.constant 0 : i32
    return %arg0, %c0_i32 : i32, i32
  }
  func.func @transform_5(%arg0: i32) -> (i32, i32) {
    %c0_i32 = arith.constant 0 : i32
    %c0_i32_0 = arith.constant 0 : i32
    %c0_i32_1 = arith.constant 0 : i32
    return %c0_i32, %c0_i32_0 : i32, i32
  }
  func.func @transform_6(%arg0: i32) -> (i32, i32) {
    %c0_i32 = arith.constant 0 : i32
    %c0_i32_0 = arith.constant 0 : i32
    %c0_i32_1 = arith.constant 0 : i32
    return %c0_i32, %c0_i32_0 : i32, i32
  }
  func.func @transform_7(%arg0: i32) -> (i32, i32) {
    %c0_i32 = arith.constant 0 : i32
    %c0_i32_0 = arith.constant 0 : i32
    %c0_i32_1 = arith.constant 0 : i32
    return %c0_i32, %c0_i32_0 : i32, i32
  }
  func.func @transform_8(%arg0: i32) -> (i32, i32) {
    %c0_i32 = arith.constant 0 : i32
    %c0_i32_0 = arith.constant 0 : i32
    %c0_i32_1 = arith.constant 0 : i32
    return %c0_i32, %c0_i32_0 : i32, i32
  }
  func.func @transform_9(%arg0: i32) -> (i32, i32) {
    %c0_i32 = arith.constant 0 : i32
    %c0_i32_0 = arith.constant 0 : i32
    %c0_i32_1 = arith.constant 0 : i32
    return %c0_i32, %c0_i32_0 : i32, i32
  }
  func.func @transform_10(%arg0: i32) -> (i32, i32) {
    %c0_i32 = arith.constant 0 : i32
    %c0_i32_0 = arith.constant 0 : i32
    %c0_i32_1 = arith.constant 0 : i32
    return %c0_i32, %c0_i32_0 : i32, i32
  }
  func.func @transform_11(%arg0: i32) -> (i32, i32) {
    %c0_i32 = arith.constant 0 : i32
    %c0_i32_0 = arith.constant 0 : i32
    %c0_i32_1 = arith.constant 0 : i32
    return %c0_i32, %c0_i32_0 : i32, i32
  }
  func.func @transform_12(%arg0: i32) -> (i32, i32) {
    %c0_i32 = arith.constant 0 : i32
    %c0_i32_0 = arith.constant 0 : i32
    %c0_i32_1 = arith.constant 0 : i32
    return %c0_i32, %c0_i32_0 : i32, i32
  }
  func.func @transform_13(%arg0: i32) -> (i32, i32) {
    %c0_i32 = arith.constant 0 : i32
    %c0_i32_0 = arith.constant 0 : i32
    %c0_i32_1 = arith.constant 0 : i32
    return %c0_i32, %c0_i32_0 : i32, i32
  }
  func.func @transform_14(%arg0: i32) -> (i32, i32) {
    %c0_i32 = arith.constant 0 : i32
    %c0_i32_0 = arith.constant 0 : i32
    return %arg0, %c0_i32 : i32, i32
  }
}

</mosaic_0001>

<sc_bundles>
// kernel: kernel.11.cloned.1.call-start
scs
__scs_entry_jumppad:
0x0: {  	(pc) =	sbr.rel $0x88, $3  }
0x1: {  	(tag) =	ssettag $0x0;
	lr =	simm.s32 $0x1  }
0x2: {  	[smem:$0x3F90] =	sst lr;
	_ =	strace $0xD0000000  }
0x3: {  	_ = 	snop  }
0x4: {  	_ = 	snop  }
0x5: {  	_ = 	snop  }
0x6: {  	_ = 	snop  }
0x7: {  	_ = 	snop  }
__scs_overlays_trampoline_lowered:
0x8: {  	[smem:$0x3F9F] =	sst s0  }
0x9: {  	[smem:$0x3FA0] =	sst s1  }
0xa: {  	[smem:$0x3FA1] =	sst s2  }
0xb: {  	[smem:$0x3FA2] =	sst s3  }
0xc: {  	[smem:$0x3FA3] =	sst s4  }
0xd: {  	[smem:$0x3FA4] =	sst s5  }
0xe: {  	[smem:$0x3FA5] =	sst s6  }
0xf: {  	[smem:$0x3FA6] =	sst s7  }
0x10: {  	[smem:$0x3FA7] =	sst s8  }
0x11: {  	[smem:$0x3FA8] =	sst s9;
	s0 =	simm.s32 @!p0 $0x0  }
0x12: {  	s1 =	sld [smem:$0x3F8E];
	s0 =	simm.s32 @p0 $0x1  }
0x13: {  	[smem:$0x3FA9] =	sst s0;
	s0 =	simm.s32 @!p1 $0x0  }
0x14: {  	s2 =	sld [smem:$0x3F8D];
	s0 =	simm.s32 @p1 $0x1  }
0x15: {  	[smem:$0x3FAA] =	sst s0;
	s0 =	simm.s32 @!p2 $0x0  }
0x16: {  	s3 =	sld [smem:$0x3FDB];
	s0 =	simm.s32 @p2 $0x1  }
0x17: {  	s4 =	simm.s32 $0x1BF5;
	[smem:$0x3FAC] =	sst s0  }
0x18: {  	s0 =	sld [smem:$0x3F8F];
	_ =	swait.ge [sflag:s4], $0x0  }
0x19: {  	s7 =	sld [smem:$0x3F90]  }
0x1a: {  	s8 =	sadd.s32 $0xFFFFE003, lr  }
0x1b: {  	s9 =	sadd.s32 $0xFFFFFEF7, lr;
	s5 =	simm.s32 $0xFFFFFFFF;
	p2 =	slt.u32 s8, $0xFFFFF086  }
0x1c: {  	p1 =	slt.u32 s9, $0xF7A;
	s5 =	simm.s32 @!p2 $0x0  }
0x1d: {  	s5 =	simm.s32 @p1 $0x1;
	p0 =	seq.s32 s7, s2  }
0x1e: {  	s7 =	smul.u32 @!p0 $0xF7A, s2;
	p2 =	seq.s32 @!p0 s5, $0x0  }
0x1f: {  	s9 =	smul.u32 $0xF7A, s1;
	s8 =	simm.s32 @!p0 $0x1BF5;
	p2 =	por !p2, p0  }
0x20: {  	[sflag:s8] =	ssyncset.s32 @!p0 $0xFFFFF086;
	s6 =	sadd.s32 @!p0 s3, s7;
	s7 =	simm.s32 @!p0 $0x108  }
0x21: {  	s3 =	sadd.s32 s3, s9;
	s6 =	sadd.s32 @!p0 $0x88, s6;
	s7 =	simm.s32 @p2 $0x1082  }
0x22: {  	[simem:s7], [sflag:s8] =	dma.local @!p0 [hbm:s6], $0xF7A  }
0x23: {  	s9 =	sor.u32 $0xD0000000, s2;
	s6 =	simm.s32 $0x108;
	_ =	swait.ge @!p0 [sflag:s8], $0x0  }
0x24: {  	s3 =	sadd.s32 $0x88, s3;
	s6 =	simm.s32 @!p1 $0x1082;
	[sflag:s4] =	ssyncset.s32 $0xFFFFF086  }
0x25: {  	[simem:s6], [sflag:s4] =	dma.local [hbm:s3], $0xF7A  }
0x26: {  	[smem:$0x3F90] =	sst s1;
	(tag) =	ssettag s2;
	_ =	strace s9  }
0x27: {  	s1 =	sld [smem:$0x3FA0]  }
0x28: {  	s2 =	sld [smem:$0x3FA1]  }
0x29: {  	s4 =	sld [smem:$0x3FA3]  }
0x2a: {  	p0 =	seq.s32 s5, $0x0;
	s5 =	sld [smem:$0x3FA4]  }
0x2b: {  	s6 =	sld [smem:$0x3FA5]  }
0x2c: {  	s7 =	sld [smem:$0x3FA6]  }
0x2d: {  	s3 =	simm.s32 $0x108;
	s8 =	sld [smem:$0x3FA7]  }
0x2e: {  	s3 =	simm.s32 @!p0 $0x1082;
	s9 =	sld [smem:$0x3FA8]  }
0x2f: {  	lr =	sadd.s32 s0, s3;
	s0 =	sld [smem:$0x3F9F]  }
0x30: {  	s3 =	sld [smem:$0x3FA2]  }
0x31: {  	[smem:$0x3FAB] =	sst s10  }
0x32: {  	s10 =	sld [smem:$0x3FA9];
	_ =	sdelay $0x3  }
0x33: {  	p0 =	seq.s32 s10, $0x1;
	s10 =	sld [smem:$0x3FAB];
	_ =	sdelay $0x3  }
0x34: {  	[smem:$0x3FAB] =	sst s10  }
0x35: {  	s10 =	sld [smem:$0x3FAA];
	_ =	sdelay $0x3  }
0x36: {  	p1 =	seq.s32 s10, $0x1;
	s10 =	sld [smem:$0x3FAB];
	_ =	sdelay $0x3  }
0x37: {  	[smem:$0x3FAB] =	sst s10  }
0x38: {  	s10 =	sld [smem:$0x3FAC]  }
0x39: {  	_ = 	snop;
	(pc) =	sbr.ind lr, $3  }
0x3a: {  	_ = 	snop  }
0x3b: {  	_ = 	snop  }
0x3c: {  	p2 =	seq.s32 s10, $0x1;
	s10 =	sld [smem:$0x3FAB]  }
0x3d: {  	_ =	shalt  }
0x3e: {  	_ =	shalt  }
0x3f: {  	_ =	shalt  }
0x40: {  	_ =	shalt  }
0x41: {  	_ =	shalt  }
0x42: {  	_ =	shalt  }
0x43: {  	_ =	shalt  }
0x44: {  	_ =	shalt  }
0x45: {  	_ =	shalt  }
0x46: {  	_ =	shalt  }
0x47: {  	_ =	shalt  }
0x48: {  	_ =	shalt  }
0x49: {  	_ =	shalt  }
0x4a: {  	_ =	shalt  }
0x4b: {  	_ =	shalt  }
0x4c: {  	_ =	shalt  }
0x4d: {  	_ =	shalt  }
0x4e: {  	_ =	shalt  }
0x4f: {  	_ =	shalt  }
0x50: {  	_ =	shalt  }
0x51: {  	_ =	shalt  }
0x52: {  	_ =	shalt  }
0x53: {  	_ =	shalt  }
0x54: {  	_ =	shalt  }
0x55: {  	_ =	shalt  }
0x56: {  	_ =	shalt  }
0x57: {  	_ =	shalt  }
0x58: {  	_ =	shalt  }
0x59: {  	_ =	shalt  }
0x5a: {  	_ =	shalt  }
0x5b: {  	_ =	shalt  }
0x5c: {  	_ =	shalt  }
0x5d: {  	_ =	shalt  }
0x5e: {  	_ =	shalt  }
0x5f: {  	_ =	shalt  }
0x60: {  	_ =	shalt  }
0x61: {  	_ =	shalt  }
0x62: {  	_ =	shalt  }
0x63: {  	_ =	shalt  }
0x64: {  	_ =	shalt  }
0x65: {  	_ =	shalt  }
0x66: {  	_ =	shalt  }
0x67: {  	_ =	shalt  }
0x68: {  	_ =	shalt  }
0x69: {  	_ =	shalt  }
0x6a: {  	_ =	shalt  }
0x6b: {  	_ =	shalt  }
0x6c: {  	_ =	shalt  }
0x6d: {  	_ =	shalt  }
0x6e: {  	_ =	shalt  }
0x6f: {  	_ =	shalt  }
0x70: {  	_ =	shalt  }
0x71: {  	_ =	shalt  }
0x72: {  	_ =	shalt  }
0x73: {  	_ =	shalt  }
0x74: {  	_ =	shalt  }
0x75: {  	_ =	shalt  }
0x76: {  	_ =	shalt  }
0x77: {  	_ =	shalt  }
0x78: {  	_ =	shalt  }
0x79: {  	_ =	shalt  }
0x7a: {  	_ =	shalt  }
0x7b: {  	_ =	shalt  }
0x7c: {  	_ =	shalt  }
0x7d: {  	_ =	shalt  }
0x7e: {  	_ =	shalt  }
0x7f: {  	_ =	shalt  }
0x80: {  	_ =	shalt  }
0x81: {  	_ =	shalt  }
0x82: {  	_ =	shalt  }
0x83: {  	_ =	shalt  }
0x84: {  	_ =	shalt  }
0x85: {  	_ =	shalt  }
0x86: {  	_ =	shalt  }
0x87: {  	_ =	shalt  }
.Lfunc_end0:
.L_simem_size_0:
called_computation.1_lowered:
.L_overlay_start_0:
0x88: {  	s2 =	sld [smem:$0x3FD9]  }
0x89: {  	s3 =	sld [smem:$0x3FFE];
	_ =	sdelay $0x1  }
0x8a: {  	s1 =	srdreg.scid  }
0x8b: {  	s0 =	sand.u32 $0x1, s1  }
0x8c: {  	s17 =	sshll.u32 s0, $0xA;
	s2 =	sadd.s32 s3, s2  }
0x8d: {  	s2 =	sadd.s32 s2, s17  }
0x8e: {  	[smem:$0x3FB7] =	sst s2  }
0x8f: {  	_ = 	snop  }
0x90: {  	s2 =	sld [smem:$0x3FD0];
	(tm) =	ssettm $0x1  }
0x91: {  	s18 =	sld [smem:$0x3FFB];
	_ =	sdelay $0x3  }
0x92: {  	_ =	strace s18  }
0x93: {  	s3 =	sld [smem:$0x3FFC];
	_ =	sdelay $0x3  }
0x94: {  	_ =	strace s3  }
0x95: {  	s3 =	sld [smem:$0x3FFD];
	_ =	sdelay $0x3  }
0x96: {  	_ =	strace s3  }
0x97: {  	_ =	strace $0x8FFFFFFF  }
0x98: {  	s19 =	sld [smem:$0x3FDB];
	_ =	sdelay $0x1  }
0x99: {  	s4 =	simm.s32 $_scs_section_size  }
0x9a: {  	s5 =	simm.s32 $_size__tile_overlayer_lowered;
	s6 =	simm.s32 $_tile_overlayer_lowered  }
0x9b: {  	s22 =	simm.s32 $0x1BFF;
	s21 =	sshll.u32 s6, $0x1;
	s3 =	sadd.s32 s4, s19  }
0x9c: {  	s7 =	simm.s32 $0x0;
	s20 =	sshll.u32 s5, $0x1;
	s5 =	sadd.s32 s21, s3  }
0x9d: {  	[timem:s7], [sflag:s22] =	dma.local [hbm:s5], s20  }
0x9e: {  	_ =	swait.ge [sflag:s22], s20  }
0x9f: {  	s4 =	ssub.s32 $0x0, s20;
	[sflag:s22] =	ssyncset.done $0x0  }
0xa0: {  	[sflag:s22] =	ssyncadd.s32 s4;
	_ =	sdelay $0x1  }
0xa1: {  	s23 =	simm.s32 $0x1B8B  }
0xa2: {  	_ =	swait.ge [sflag:s23], $0x1  }
0xa3: {  	[sflag:s23] =	ssyncset.done $0x0  }
0xa4: {  	s25 =	simm.s32 $0x1B8E;
	s24 =	sld [smem:$0x3FFE];
	[sflag:s23] =	ssyncadd.s32 $0xFFFFFFFF  }
0xa5: {  	s26 =	simm.s32 $execute0_lowered;
	[smem:$0x3FD2] =	sst s25  }
0xa6: {  	s5 =	sshll.u32 s26, $0x1;
	_ =	strace $0x80000049;
	[dreg:$0x1] =	wrdreg $0xFFFFFFFF  }
0xa7: {  	s28 =	simm.s32 $_size_execute0_lowered;
	s3 =	sadd.s32 s3, s5;
	[dreg:$0x0] =	wrdreg $0x0  }
0xa8: {  	s5 =	sshll.u32 s28, $0x1;
	[dreg:$0x2] =	wrdreg s3  }
0xa9: {  	[dreg:$0x3] =	wrdreg s5  }
0xaa: {  	[dreg:$0x4] =	wrdreg $0xC0  }
0xab: {  	_ =	task [dreg:s7], $0x5FFFF  }
0xac: {  	[dreg:$0x1] =	wrdreg $0xFFFFFFFF  }
0xad: {  	[dreg:$0x0] =	wrdreg $0x60  }
0xae: {  	[dreg:$0x2] =	wrdreg s2  }
0xaf: {  	[dreg:$0x3] =	wrdreg s24  }
0xb0: {  	[dreg:$0x4] =	wrdreg $0xA0000  }
0xb1: {  	[dreg:$0x5] =	wrdreg $0x9  }
0xb2: {  	_ =	task.clear_ibuf [dreg:s7], $0x6FFFF;
	_ =	strace $0x90000049  }
0xb3: {  	s29 =	simm.s32 $0x9;
	_ =	strace $0x8000004B  }
0xb4: {  	_ =	swait.ge [sflag:s29], $0x1  }
0xb5: {  	[sflag:s29] =	ssyncadd.s32 $0xFFFFFFFF  }
0xb6: {  	_ =	strace $0x9000004B  }
0xb7: {  	_ =	sfence  }
0xb8: {  	s30 =	sld [smem:$0x0];
	_ =	sdelay $0x2  }
0xb9: {  	s31 =	sshll.u32 s1, $0xD;
	s1 =	sshrl.u32 s1, $0x2  }
0xba: {  	s3 =	sand.u32 $0x4000, s31;
	s1 =	sadd.s32 s1, s30  }
0xbb: {  	s0 =	sor.u32 s3, s0;
	s1 =	sshll.u32 s1, $0x11  }
0xbc: {  	s0 =	sor.u32 s1, s0  }
0xbd: {  	s0 =	sadd.s32 $0x8F2B, s0  }
0xbe: {  	[sflag:s0] =	ssyncadd.remote.s32 $0x1  }
0xbf: {  	_ =	sfence.sel $0xFFFF  }
0xc0: {  	[dreg:$0x0] =	wrdreg $0xFFFFFFFF;
	(pc) =	sbr.abs _section_cstart, $3  }
0xc1: {  	[dreg:$0x1] =	wrdreg $0xFFFFFFFF  }
0xc2: {  	_ =	task.clear_ibuf [dreg:s7], $0x2FFFF;
	_ =	strace $0x9FFFFFFF  }
0xc3: {  	(tm) =	ssettm $0x7FFFFFFF  }
tec
execute0_lowered:
.L_overlay_start_1:
0x0: {  	(tag) =	ssettag $0x1  }
0x1: {  	s1 =	rddreg [dreg:$0x0]  }
0x2: {  	s0 =	rddreg [dreg:$0x1]  }
0x3: {  	s2 =	rddreg [dreg:$0x2]  }
0x4: {  	s4 =	simm.s32 $0x0;
	s15 =	stileid.u32;
	s7 =	srdreg.scid  }
0x5: {  	s18 =	simm.s32 $0x1800;
	s19 =	simm.s32 $0x69;
	s20 =	simm.s32 $0x3000  }
0x6: {  	s21 =	simm.s32 $0x80;
	s22 =	simm.s32 $0x1;
	s23 =	simm.s32 $0x2  }
0x7: {  	s24 =	simm.s32 $0x2F80;
	[smem:$0x7FF] =	sst s4;
	s5 =	sadd.s32 $0x10A00, s0  }
0x8: {  	s3 =	sadd.s32 $0xAA00, s0;
	s6 =	smul.u32 $0x2800, s15;
	s14 =	sadd.s32 $0x4A00, s0  }
0x9: {  	s16 =	sand.u32 $0x1, s7;
	s8 =	smul.u32 $0x50000, s15;
	s25 =	sadd.s32 $0x61000, s0  }
0xa: {  	s13 =	smul.u32 $0x3000, s15;
	s29 =	sshll.u32 s15, $0x6;
	_ =	strace $0x8000004A  }
0xb: {  	[dreg:$0x4] =	wrdreg s25;
	s10 =	ssub.s32 $0x2, s16;
	p0 =	sne.s32 s16, $0x0  }
0xc: {  	s25 =	simm.s32 $0x0;
	s9 =	sadd.s32 s6, s0;
	s11 =	sshrl.u32 s10, $0x1  }
0xd: {  	s12 =	sshrl.u32 s8, $0x2;
	s0 =	sadd.s32 $0x89000, s0;
	s30 =	sshrl.u32 s13, $0x3  }
.Ltmp0:
0xe: {  	[dreg:$0x5] =	wrdreg s0;
	s26 =	ssub.s32 s10, s11;
	(pc) =	sbr.rel .LBB2_1-.Ltmp0, $4  }
0xf: {  	s17 =	sadd.s32 s12, s2;
	s28 =	sadd.s32 $0x38A00, s9;
	s10 =	sor.u32 $0x1C03, s29  }
0x10: {  	s11 =	sadd.s32 s3, s30;
	s31 =	sadd.s32 $0x300, s30;
	s12 =	sadd.s32 s14, s30  }
0x11: {  	[dreg:$0x6] =	wrdreg s28;
	s13 =	sadd.s32 s3, s31;
	s14 =	sadd.s32 s14, s31  }
0x12: {  	s15 =	smax.u32 s26, $0x1;
	s16 =	sshrl.u32 s17, $0x3;
	s17 =	simm.s32 $0x3  }
.LBB2_11:
0x13: {  	s3 =	sadd.s32 $0x3000, s3;
	[sflag:s23] =	ssyncadd.s32 $0xFFFFCB80  }
0x14: {  	[tilespmem:s3], [sflag:$0x1] =	stream.indirect.gather [hbm4b:s5+s19], $0x80, s31, s19, $0xb8;
	[tilespmem:$0x1E000] =	vst v63  }
0x15: {  	s0 =	sadd.s32 $0x3000, s0  }
0x16: {  	[spmem:s2] =	stream.indirect.scatter.add.f32 [tilespmem:s0], [sflag:$0x2], $0x80, s26, s19, $0xb8;
	[tilespmem:$0x1E000] =	vst v63  }
0x17: {  	_ =	swait.ge [sflag:s22], $0x3480  }
0x18: {  	s31 =	sand.u32 $0x1, s28;
	[sflag:s22] =	ssyncset.done $0x0  }
0x19: {  	s0 =	smul.u32 $0xE000, s31;
	[sflag:s22] =	ssyncadd.s32 $0xFFFFCB80  }
0x1a: {  	_ =	swait.ge [sflag:s23], $0x3480  }
0x1b: {  	s0 =	sshrl.u32 s0, $0x2;
	[sflag:s23] =	ssyncset.done $0x0  }
0x1c: {  	s0 =	sadd.s32 $0x3000, s0;
	[sflag:s23] =	ssyncadd.s32 $0xFFFFCB80  }
0x1d: {  	[spmem:s2] =	stream.indirect.scatter.add.f32 [tilespmem:s0], [sflag:$0x2], $0x80, s24, s19, $0xb8;
	[tilespmem:$0x1E000] =	vst v63  }
0x1e: {  	s0 =	rddreg [dreg:$0x5]  }
.LBB2_12:
0x1f: {  	_ =	swait.ge [sflag:s23], $0x3480  }
0x20: {  	s25 =	sadd.s32 $0x1, s25;
	[sflag:s23] =	ssyncset.done $0x0  }
0x21: {  	p1 =	sne.s32 s25, s15;
	[sflag:s23] =	ssyncadd.s32 $0xFFFFCB80  }
.Ltmp1:
0x22: {  	s0 =	sadd.s32 s0, s6;
	[bflag:$0x0] =	sbarrier.arrive $0xFFFF;
	(pc) =	sbr.rel @!p1 .LBB2_13-.Ltmp1, $4  }
0x23: {  	[hbm:s0], [sflag:s10] =	dma.local [spmem:s16], $0x2800  }
0x24: {  	_ =	swait.ge [sflag:s17], $0x2800  }
0x25: {  	[sflag:s17] =	ssyncset.done $0x0  }
0x26: {  	[sflag:s17] =	ssyncadd.s32 $0xFFFFD800  }
.LBB2_1:
0x27: {  	s0 =	rddreg [dreg:$0x6]  }
0x28: {  	[spmem:s16], [sflag:s10] =	dma.local [hbm:s0], $0x2800  }
0x29: {  	_ =	swait.ge [sflag:s17], $0x2800  }
0x2a: {  	[sflag:s17] =	ssyncset.done $0x0  }
0x2b: {  	[sflag:s17] =	ssyncadd.s32 $0xFFFFD800  }
0x2c: {  	[bflag:$0x0] =	sbarrier.arrive $0xFFFF  }
0x2d: {  	[tilespmem:s4], [sflag:$0x3] =	stream.linear.gather [hbm4b:s11+s4], $0x1800, $0x38;
	[tilespmem:$0x1E000] =	vst v63  }
0x2e: {  	_ =	swait.ge [sflag:s17], $0x1800  }
0x2f: {  	[sflag:s17] =	ssyncset.done $0x0  }
.Ltmp2:
0x30: {  	[sflag:s17] =	ssyncadd.s32 $0xFFFFE800;
	(pc) =	sbr.rel @p0 .LBB2_7-.Ltmp2, $4  }
0x31: {  	[tilespmem:s18], [sflag:$0x3] =	stream.linear.gather [hbm4b:s12+s4], $0x1800, $0x38;
	[tilespmem:$0x1E000] =	vst v63  }
0x32: {  	_ =	swait.ge [sflag:s17], $0x1800  }
0x33: {  	[sflag:s17] =	ssyncset.done $0x0  }
0x34: {  	[sflag:s17] =	ssyncadd.s32 $0xFFFFE800  }
0x35: {  	[tilespmem:s20], [sflag:$0x1] =	stream.indirect.gather [hbm4b:s1+s19], $0x80, s4, s19, $0xb8;
	[tilespmem:$0x1E000] =	vst v63  }
0x36: {  	s0 =	simm.s32 $0x1  }
0x37: {  	_ =	swait.ge [sflag:s0], $0x3480  }
0x38: {  	[sflag:s0] =	ssyncset.done $0x0  }
0x39: {  	s3 =	simm.s32 $0x6800;
	[sflag:s0] =	ssyncadd.s32 $0xFFFFCB80  }
0x3a: {  	[tilespmem:s3], [sflag:$0x1] =	stream.indirect.gather [hbm4b:s1+s19], $0x80, s21, s19, $0xb8;
	[tilespmem:$0x1E000] =	vst v63  }
0x3b: {  	_ = 	snop  }
0x3c: {  	[spmem:s2] =	stream.indirect.scatter.add.f32 [tilespmem:s20], [sflag:$0x2], $0x80, s18, s19, $0xb8;
	[tilespmem:$0x1E000] =	vst v63  }
0x3d: {  	_ =	swait.ge [sflag:s0], $0x3480  }
0x3e: {  	s26 =	sxor.u32 $0x1, s0;
	[sflag:s0] =	ssyncset.done $0x0  }
0x3f: {  	s7 =	simm.s32 $0x2;
	s26 =	smul.u32 $0xE000, s26;
	[sflag:s0] =	ssyncadd.s32 $0xFFFFCB80  }
0x40: {  	_ =	swait.ge [sflag:s7], $0x3480  }
0x41: {  	s26 =	sshra.s32 s26, $0x2;
	[sflag:s7] =	ssyncset.done $0x0  }
0x42: {  	s28 =	simm.s32 $0x100;
	s26 =	sadd.s32 $0x3000, s26;
	[sflag:s7] =	ssyncadd.s32 $0xFFFFCB80  }
0x43: {  	[tilespmem:s26], [sflag:$0x1] =	stream.indirect.gather [hbm4b:s1+s19], $0x80, s28, s19, $0xb8;
	[tilespmem:$0x1E000] =	vst v63  }
0x44: {  	s8 =	simm.s32 $0x1880;
	s31 =	simm.s32 $0x180  }
0x45: {  	[spmem:s2] =	stream.indirect.scatter.add.f32 [tilespmem:s3], [sflag:$0x2], $0x80, s8, s19, $0xb8;
	[tilespmem:$0x1E000] =	vst v63  }
0x46: {  	s29 =	simm.s32 $0x4;
	s0 =	sand.u32 $0x1, s7;
	_ =	swait.ge [sflag:s22], $0x3480  }
0x47: {  	s9 =	sxor.u32 $0x1, s0;
	s0 =	smul.u32 $0xE000, s0;
	[sflag:s22] =	ssyncset.done $0x0  }
0x48: {  	s30 =	simm.s32 $0x1980;
	s3 =	smul.u32 $0xE000, s9;
	[sflag:s22] =	ssyncadd.s32 $0xFFFFCB80  }
0x49: {  	s0 =	sshrl.u32 s0, $0x2;
	s28 =	simm.s32 $0x3;
	_ =	swait.ge [sflag:s23], $0x3480  }
0x4a: {  	s26 =	simm.s32 $0x1900;
	s3 =	sshra.s32 s3, $0x2;
	[sflag:s23] =	ssyncset.done $0x0  }
.LBB2_3:
0x4b: {  	s7 =	sadd.s32 $0xFFFFE880, s30;
	s3 =	sadd.s32 $0x3000, s3;
	[sflag:s23] =	ssyncadd.s32 $0xFFFFCB80  }
0x4c: {  	s8 =	smov.u32 s29;
	s9 =	smov.u32 s26;
	s26 =	smov.u32 s30  }
0x4d: {  	[tilespmem:s3], [sflag:$0x1] =	stream.indirect.gather [hbm4b:s1+s19], $0x80, s31, s19, $0xb8;
	[tilespmem:$0x1E000] =	vst v63  }
0x4e: {  	p1 =	sne.s32 s29, $0x2F;
	s29 =	sadd.s32 $0x1, s29;
	s0 =	sadd.s32 $0x3000, s0  }
0x4f: {  	[spmem:s2] =	stream.indirect.scatter.add.f32 [tilespmem:s0], [sflag:$0x2], $0x80, s9, s19, $0xb8;
	[tilespmem:$0x1E000] =	vst v63  }
.Ltmp3:
0x50: {  	s0 =	sand.u32 $0x1, s28;
	_ =	swait.ge [sflag:s22], $0x3480;
	(pc) =	sbr.rel @p1 .LBB2_3-.Ltmp3, $4  }
0x51: {  	s3 =	sxor.u32 $0x1, s0;
	s0 =	smul.u32 $0xE000, s0;
	[sflag:s22] =	ssyncset.done $0x0  }
0x52: {  	s31 =	smov.u32 s7;
	s3 =	smul.u32 $0xE000, s3;
	[sflag:s22] =	ssyncadd.s32 $0xFFFFCB80  }
0x53: {  	s28 =	smov.u32 s8;
	s0 =	sshrl.u32 s0, $0x2;
	_ =	swait.ge [sflag:s23], $0x3480  }
0x54: {  	s30 =	sadd.s32 $0x80, s30;
	s3 =	sshra.s32 s3, $0x2;
	[sflag:s23] =	ssyncset.done $0x0  }
0x55: {  	s3 =	sadd.s32 $0x3000, s3;
	[sflag:s23] =	ssyncadd.s32 $0xFFFFCB80  }
0x56: {  	[tilespmem:s3], [sflag:$0x1] =	stream.indirect.gather [hbm4b:s1+s19], $0x80, s31, s19, $0xb8;
	[tilespmem:$0x1E000] =	vst v63  }
0x57: {  	s0 =	sadd.s32 $0x3000, s0  }
0x58: {  	[spmem:s2] =	stream.indirect.scatter.add.f32 [tilespmem:s0], [sflag:$0x2], $0x80, s26, s19, $0xb8;
	[tilespmem:$0x1E000] =	vst v63  }
0x59: {  	_ =	swait.ge [sflag:s22], $0x3480  }
0x5a: {  	s9 =	sand.u32 $0x1, s28;
	[sflag:s22] =	ssyncset.done $0x0  }
0x5b: {  	s0 =	smul.u32 $0xE000, s9;
	[sflag:s22] =	ssyncadd.s32 $0xFFFFCB80  }
0x5c: {  	_ =	swait.ge [sflag:s23], $0x3480  }
0x5d: {  	s0 =	sshrl.u32 s0, $0x2;
	[sflag:s23] =	ssyncset.done $0x0  }
0x5e: {  	s0 =	sadd.s32 $0x3000, s0;
	[sflag:s23] =	ssyncadd.s32 $0xFFFFCB80  }
0x5f: {  	[spmem:s2] =	stream.indirect.scatter.add.f32 [tilespmem:s0], [sflag:$0x2], $0x80, s24, s19, $0xb8;
	[tilespmem:$0x1E000] =	vst v63  }
0x60: {  	s0 =	simm.s32 $0x2  }
0x61: {  	_ =	swait.ge [sflag:s0], $0x3480  }
0x62: {  	[sflag:s0] =	ssyncset.done $0x0  }
0x63: {  	[sflag:s0] =	ssyncadd.s32 $0xFFFFCB80  }
0x64: {  	[tilespmem:s4], [sflag:$0x3] =	stream.linear.gather [hbm4b:s13+s4], $0x1800, $0x38;
	[tilespmem:$0x1E000] =	vst v63  }
0x65: {  	_ =	swait.ge [sflag:s17], $0x1800  }
0x66: {  	[sflag:s17] =	ssyncset.done $0x0  }
0x67: {  	[sflag:s17] =	ssyncadd.s32 $0xFFFFE800  }
0x68: {  	[tilespmem:s18], [sflag:$0x3] =	stream.linear.gather [hbm4b:s14+s4], $0x1800, $0x38;
	[tilespmem:$0x1E000] =	vst v63  }
0x69: {  	_ =	swait.ge [sflag:s17], $0x1800  }
0x6a: {  	[sflag:s17] =	ssyncset.done $0x0  }
0x6b: {  	s26 =	simm.s32 $0x1;
	[sflag:s17] =	ssyncadd.s32 $0xFFFFE800  }
0x6c: {  	[tilespmem:s20], [sflag:$0x1] =	stream.indirect.gather [hbm4b:s1+s19], $0x80, s4, s19, $0xb8;
	[tilespmem:$0x1E000] =	vst v63  }
0x6d: {  	_ =	swait.ge [sflag:s26], $0x3480  }
0x6e: {  	[sflag:s26] =	ssyncset.done $0x0  }
0x6f: {  	s7 =	simm.s32 $0x6800;
	[sflag:s26] =	ssyncadd.s32 $0xFFFFCB80  }
0x70: {  	[tilespmem:s7], [sflag:$0x1] =	stream.indirect.gather [hbm4b:s1+s19], $0x80, s21, s19, $0xb8;
	[tilespmem:$0x1E000] =	vst v63  }
0x71: {  	_ = 	snop  }
0x72: {  	[spmem:s2] =	stream.indirect.scatter.add.f32 [tilespmem:s20], [sflag:$0x2], $0x80, s18, s19, $0xb8;
	[tilespmem:$0x1E000] =	vst v63  }
0x73: {  	_ =	swait.ge [sflag:s26], $0x3480  }
0x74: {  	s8 =	sxor.u32 $0x1, s26;
	[sflag:s26] =	ssyncset.done $0x0  }
0x75: {  	s9 =	smul.u32 $0xE000, s8;
	[sflag:s26] =	ssyncadd.s32 $0xFFFFCB80  }
0x76: {  	_ =	swait.ge [sflag:s0], $0x3480  }
0x77: {  	s3 =	sshra.s32 s9, $0x2;
	[sflag:s0] =	ssyncset.done $0x0  }
0x78: {  	s3 =	sadd.s32 $0x3000, s3;
	s26 =	simm.s32 $0x100;
	[sflag:s0] =	ssyncadd.s32 $0xFFFFCB80  }
0x79: {  	[tilespmem:s3], [sflag:$0x1] =	stream.indirect.gather [hbm4b:s1+s19], $0x80, s26, s19, $0xb8;
	[tilespmem:$0x1E000] =	vst v63  }
0x7a: {  	s28 =	simm.s32 $0x3;
	s8 =	simm.s32 $0x1880  }
0x7b: {  	[spmem:s2] =	stream.indirect.scatter.add.f32 [tilespmem:s7], [sflag:$0x2], $0x80, s8, s19, $0xb8;
	[tilespmem:$0x1E000] =	vst v63  }
0x7c: {  	s29 =	simm.s32 $0x4;
	s0 =	sand.u32 $0x1, s0;
	_ =	swait.ge [sflag:s22], $0x3480  }
0x7d: {  	s9 =	sxor.u32 $0x1, s0;
	s0 =	smul.u32 $0xE000, s0;
	[sflag:s22] =	ssyncset.done $0x0  }
0x7e: {  	s30 =	simm.s32 $0x1980;
	s3 =	smul.u32 $0xE000, s9;
	[sflag:s22] =	ssyncadd.s32 $0xFFFFCB80  }
0x7f: {  	s31 =	simm.s32 $0x180;
	s26 =	simm.s32 $0x1900;
	_ =	swait.ge [sflag:s23], $0x3480  }
0x80: {  	s0 =	sshrl.u32 s0, $0x2;
	s3 =	sshra.s32 s3, $0x2;
	[sflag:s23] =	ssyncset.done $0x0  }
.LBB2_5:
0x81: {  	s7 =	sadd.s32 $0xFFFFE880, s30;
	s3 =	sadd.s32 $0x3000, s3;
	[sflag:s23] =	ssyncadd.s32 $0xFFFFCB80  }
0x82: {  	s8 =	smov.u32 s29;
	s9 =	smov.u32 s26;
	s26 =	smov.u32 s30  }
0x83: {  	[tilespmem:s3], [sflag:$0x1] =	stream.indirect.gather [hbm4b:s1+s19], $0x80, s31, s19, $0xb8;
	[tilespmem:$0x1E000] =	vst v63  }
0x84: {  	p1 =	sne.s32 s29, $0x2F;
	s29 =	sadd.s32 $0x1, s29;
	s0 =	sadd.s32 $0x3000, s0  }
0x85: {  	[spmem:s2] =	stream.indirect.scatter.add.f32 [tilespmem:s0], [sflag:$0x2], $0x80, s9, s19, $0xb8;
	[tilespmem:$0x1E000] =	vst v63  }
.Ltmp4:
0x86: {  	s0 =	sand.u32 $0x1, s28;
	_ =	swait.ge [sflag:s22], $0x3480;
	(pc) =	sbr.rel @p1 .LBB2_5-.Ltmp4, $4  }
0x87: {  	s3 =	sxor.u32 $0x1, s0;
	s0 =	smul.u32 $0xE000, s0;
	[sflag:s22] =	ssyncset.done $0x0  }
0x88: {  	s31 =	smov.u32 s7;
	s3 =	smul.u32 $0xE000, s3;
	[sflag:s22] =	ssyncadd.s32 $0xFFFFCB80  }
0x89: {  	s28 =	smov.u32 s8;
	s0 =	sshrl.u32 s0, $0x2;
	_ =	swait.ge [sflag:s23], $0x3480  }
0x8a: {  	s30 =	sadd.s32 $0x80, s30;
	s3 =	sshra.s32 s3, $0x2;
	[sflag:s23] =	ssyncset.done $0x0  }
0x8b: {  	s3 =	sadd.s32 $0x3000, s3;
	[sflag:s23] =	ssyncadd.s32 $0xFFFFCB80  }
0x8c: {  	[tilespmem:s3], [sflag:$0x1] =	stream.indirect.gather [hbm4b:s1+s19], $0x80, s31, s19, $0xb8;
	[tilespmem:$0x1E000] =	vst v63  }
0x8d: {  	s0 =	sadd.s32 $0x3000, s0  }
0x8e: {  	[spmem:s2] =	stream.indirect.scatter.add.f32 [tilespmem:s0], [sflag:$0x2], $0x80, s26, s19, $0xb8;
	[tilespmem:$0x1E000] =	vst v63  }
0x8f: {  	_ =	swait.ge [sflag:s22], $0x3480  }
0x90: {  	s31 =	sand.u32 $0x1, s28;
	[sflag:s22] =	ssyncset.done $0x0  }
0x91: {  	s0 =	smul.u32 $0xE000, s31;
	[sflag:s22] =	ssyncadd.s32 $0xFFFFCB80  }
.Ltmp5:
0x92: {  	_ =	swait.ge [sflag:s23], $0x3480;
	(pc) =	sbr.rel .LBB2_12-.Ltmp5, $4  }
0x93: {  	s0 =	sshrl.u32 s0, $0x2;
	[sflag:s23] =	ssyncset.done $0x0  }
0x94: {  	s0 =	sadd.s32 $0x3000, s0;
	[sflag:s23] =	ssyncadd.s32 $0xFFFFCB80  }
0x95: {  	[spmem:s2] =	stream.indirect.scatter.add.f32 [tilespmem:s0], [sflag:$0x2], $0x80, s24, s19, $0xb8;
	[tilespmem:$0x1E000] =	vst v63  }
0x96: {  	s0 =	rddreg [dreg:$0x4]  }
.LBB2_7:
0x97: {  	[tilespmem:s20], [sflag:$0x1] =	stream.indirect.gather [hbm4b:s5+s19], $0x80, s4, s19, $0xb8;
	[tilespmem:$0x1E000] =	vst v63  }
0x98: {  	s0 =	simm.s32 $0x1  }
0x99: {  	_ =	swait.ge [sflag:s0], $0x3480  }
0x9a: {  	[sflag:s0] =	ssyncset.done $0x0  }
0x9b: {  	s3 =	simm.s32 $0x6800;
	[sflag:s0] =	ssyncadd.s32 $0xFFFFCB80  }
0x9c: {  	[tilespmem:s3], [sflag:$0x1] =	stream.indirect.gather [hbm4b:s5+s19], $0x80, s21, s19, $0xb8;
	[tilespmem:$0x1E000] =	vst v63  }
0x9d: {  	_ = 	snop  }
0x9e: {  	[spmem:s2] =	stream.indirect.scatter.add.f32 [tilespmem:s20], [sflag:$0x2], $0x80, s18, s19, $0xb8;
	[tilespmem:$0x1E000] =	vst v63  }
0x9f: {  	_ =	swait.ge [sflag:s0], $0x3480  }
0xa0: {  	s7 =	sxor.u32 $0x1, s0;
	[sflag:s0] =	ssyncset.done $0x0  }
0xa1: {  	s9 =	simm.s32 $0x2;
	s7 =	smul.u32 $0xE000, s7;
	[sflag:s0] =	ssyncadd.s32 $0xFFFFCB80  }
0xa2: {  	_ =	swait.ge [sflag:s9], $0x3480  }
0xa3: {  	s7 =	sshra.s32 s7, $0x2;
	[sflag:s9] =	ssyncset.done $0x0  }
0xa4: {  	s8 =	simm.s32 $0x100;
	s7 =	sadd.s32 $0x3000, s7;
	[sflag:s9] =	ssyncadd.s32 $0xFFFFCB80  }
0xa5: {  	[tilespmem:s7], [sflag:$0x1] =	stream.indirect.gather [hbm4b:s5+s19], $0x80, s8, s19, $0xb8;
	[tilespmem:$0x1E000] =	vst v63  }
0xa6: {  	s28 =	simm.s32 $0x3;
	s8 =	simm.s32 $0x1880  }
0xa7: {  	[spmem:s2] =	stream.indirect.scatter.add.f32 [tilespmem:s3], [sflag:$0x2], $0x80, s8, s19, $0xb8;
	[tilespmem:$0x1E000] =	vst v63  }
0xa8: {  	s26 =	simm.s32 $0x1900;
	s0 =	sand.u32 $0x1, s9;
	_ =	swait.ge [sflag:s22], $0x3480  }
0xa9: {  	s9 =	sxor.u32 $0x1, s0;
	s0 =	smul.u32 $0xE000, s0;
	[sflag:s22] =	ssyncset.done $0x0  }
0xaa: {  	s31 =	simm.s32 $0x180;
	s3 =	smul.u32 $0xE000, s9;
	[sflag:s22] =	ssyncadd.s32 $0xFFFFCB80  }
0xab: {  	s29 =	simm.s32 $0x4;
	s30 =	simm.s32 $0x1980;
	_ =	swait.ge [sflag:s23], $0x3480  }
0xac: {  	s0 =	sshrl.u32 s0, $0x2;
	s3 =	sshra.s32 s3, $0x2;
	[sflag:s23] =	ssyncset.done $0x0  }
.LBB2_8:
0xad: {  	s7 =	sadd.s32 $0xFFFFE880, s30;
	s3 =	sadd.s32 $0x3000, s3;
	[sflag:s23] =	ssyncadd.s32 $0xFFFFCB80  }
0xae: {  	s8 =	smov.u32 s29;
	s9 =	smov.u32 s26;
	s26 =	smov.u32 s30  }
0xaf: {  	[tilespmem:s3], [sflag:$0x1] =	stream.indirect.gather [hbm4b:s5+s19], $0x80, s31, s19, $0xb8;
	[tilespmem:$0x1E000] =	vst v63  }
0xb0: {  	p1 =	sne.s32 s29, $0x2F;
	s29 =	sadd.s32 $0x1, s29;
	s0 =	sadd.s32 $0x3000, s0  }
0xb1: {  	[spmem:s2] =	stream.indirect.scatter.add.f32 [tilespmem:s0], [sflag:$0x2], $0x80, s9, s19, $0xb8;
	[tilespmem:$0x1E000] =	vst v63  }
.Ltmp6:
0xb2: {  	s0 =	sand.u32 $0x1, s28;
	_ =	swait.ge [sflag:s22], $0x3480;
	(pc) =	sbr.rel @p1 .LBB2_8-.Ltmp6, $4  }
0xb3: {  	s3 =	sxor.u32 $0x1, s0;
	s0 =	smul.u32 $0xE000, s0;
	[sflag:s22] =	ssyncset.done $0x0  }
0xb4: {  	s31 =	smov.u32 s7;
	s3 =	smul.u32 $0xE000, s3;
	[sflag:s22] =	ssyncadd.s32 $0xFFFFCB80  }
0xb5: {  	s28 =	smov.u32 s8;
	s0 =	sshrl.u32 s0, $0x2;
	_ =	swait.ge [sflag:s23], $0x3480  }
0xb6: {  	s30 =	sadd.s32 $0x80, s30;
	s3 =	sshra.s32 s3, $0x2;
	[sflag:s23] =	ssyncset.done $0x0  }
0xb7: {  	s3 =	sadd.s32 $0x3000, s3;
	[sflag:s23] =	ssyncadd.s32 $0xFFFFCB80  }
0xb8: {  	[tilespmem:s3], [sflag:$0x1] =	stream.indirect.gather [hbm4b:s5+s19], $0x80, s31, s19, $0xb8;
	[tilespmem:$0x1E000] =	vst v63  }
0xb9: {  	s0 =	sadd.s32 $0x3000, s0  }
0xba: {  	[spmem:s2] =	stream.indirect.scatter.add.f32 [tilespmem:s0], [sflag:$0x2], $0x80, s26, s19, $0xb8;
	[tilespmem:$0x1E000] =	vst v63  }
0xbb: {  	_ =	swait.ge [sflag:s22], $0x3480  }
0xbc: {  	s9 =	sand.u32 $0x1, s28;
	[sflag:s22] =	ssyncset.done $0x0  }
0xbd: {  	s0 =	smul.u32 $0xE000, s9;
	[sflag:s22] =	ssyncadd.s32 $0xFFFFCB80  }
0xbe: {  	_ =	swait.ge [sflag:s23], $0x3480  }
0xbf: {  	s0 =	sshrl.u32 s0, $0x2;
	[sflag:s23] =	ssyncset.done $0x0  }
0xc0: {  	s0 =	sadd.s32 $0x3000, s0;
	[sflag:s23] =	ssyncadd.s32 $0xFFFFCB80  }
0xc1: {  	[spmem:s2] =	stream.indirect.scatter.add.f32 [tilespmem:s0], [sflag:$0x2], $0x80, s24, s19, $0xb8;
	[tilespmem:$0x1E000] =	vst v63  }
0xc2: {  	s0 =	simm.s32 $0x2  }
0xc3: {  	_ =	swait.ge [sflag:s0], $0x3480  }
0xc4: {  	[sflag:s0] =	ssyncset.done $0x0  }
0xc5: {  	[sflag:s0] =	ssyncadd.s32 $0xFFFFCB80  }
0xc6: {  	[tilespmem:s4], [sflag:$0x3] =	stream.linear.gather [hbm4b:s13+s4], $0x1800, $0x38;
	[tilespmem:$0x1E000] =	vst v63  }
0xc7: {  	_ =	swait.ge [sflag:s17], $0x1800  }
0xc8: {  	[sflag:s17] =	ssyncset.done $0x0  }
0xc9: {  	[sflag:s17] =	ssyncadd.s32 $0xFFFFE800  }
0xca: {  	[tilespmem:s18], [sflag:$0x3] =	stream.linear.gather [hbm4b:s14+s4], $0x1800, $0x38;
	[tilespmem:$0x1E000] =	vst v63  }
0xcb: {  	_ =	swait.ge [sflag:s17], $0x1800  }
0xcc: {  	[sflag:s17] =	ssyncset.done $0x0  }
0xcd: {  	s26 =	simm.s32 $0x1;
	[sflag:s17] =	ssyncadd.s32 $0xFFFFE800  }
0xce: {  	[tilespmem:s20], [sflag:$0x1] =	stream.indirect.gather [hbm4b:s5+s19], $0x80, s4, s19, $0xb8;
	[tilespmem:$0x1E000] =	vst v63  }
0xcf: {  	_ =	swait.ge [sflag:s26], $0x3480  }
0xd0: {  	[sflag:s26] =	ssyncset.done $0x0  }
0xd1: {  	s7 =	simm.s32 $0x6800;
	[sflag:s26] =	ssyncadd.s32 $0xFFFFCB80  }
0xd2: {  	[tilespmem:s7], [sflag:$0x1] =	stream.indirect.gather [hbm4b:s5+s19], $0x80, s21, s19, $0xb8;
	[tilespmem:$0x1E000] =	vst v63  }
0xd3: {  	_ = 	snop  }
0xd4: {  	[spmem:s2] =	stream.indirect.scatter.add.f32 [tilespmem:s20], [sflag:$0x2], $0x80, s18, s19, $0xb8;
	[tilespmem:$0x1E000] =	vst v63  }
0xd5: {  	_ =	swait.ge [sflag:s26], $0x3480  }
0xd6: {  	s8 =	sxor.u32 $0x1, s26;
	[sflag:s26] =	ssyncset.done $0x0  }
0xd7: {  	s9 =	smul.u32 $0xE000, s8;
	[sflag:s26] =	ssyncadd.s32 $0xFFFFCB80  }
0xd8: {  	_ =	swait.ge [sflag:s0], $0x3480  }
0xd9: {  	s3 =	sshra.s32 s9, $0x2;
	[sflag:s0] =	ssyncset.done $0x0  }
0xda: {  	s3 =	sadd.s32 $0x3000, s3;
	s26 =	simm.s32 $0x100;
	[sflag:s0] =	ssyncadd.s32 $0xFFFFCB80  }
0xdb: {  	[tilespmem:s3], [sflag:$0x1] =	stream.indirect.gather [hbm4b:s5+s19], $0x80, s26, s19, $0xb8;
	[tilespmem:$0x1E000] =	vst v63  }
0xdc: {  	s28 =	simm.s32 $0x3;
	s8 =	simm.s32 $0x1880  }
0xdd: {  	[spmem:s2] =	stream.indirect.scatter.add.f32 [tilespmem:s7], [sflag:$0x2], $0x80, s8, s19, $0xb8;
	[tilespmem:$0x1E000] =	vst v63  }
0xde: {  	s29 =	simm.s32 $0x4;
	s0 =	sand.u32 $0x1, s0;
	_ =	swait.ge [sflag:s22], $0x3480  }
0xdf: {  	s9 =	sxor.u32 $0x1, s0;
	s0 =	smul.u32 $0xE000, s0;
	[sflag:s22] =	ssyncset.done $0x0  }
0xe0: {  	s30 =	simm.s32 $0x1980;
	s3 =	smul.u32 $0xE000, s9;
	[sflag:s22] =	ssyncadd.s32 $0xFFFFCB80  }
0xe1: {  	s31 =	simm.s32 $0x180;
	s26 =	simm.s32 $0x1900;
	_ =	swait.ge [sflag:s23], $0x3480  }
0xe2: {  	s0 =	sshrl.u32 s0, $0x2;
	s3 =	sshra.s32 s3, $0x2;
	[sflag:s23] =	ssyncset.done $0x0  }
.LBB2_10:
0xe3: {  	s7 =	sadd.s32 $0xFFFFE880, s30;
	s3 =	sadd.s32 $0x3000, s3;
	[sflag:s23] =	ssyncadd.s32 $0xFFFFCB80  }
0xe4: {  	s8 =	smov.u32 s29;
	s9 =	smov.u32 s26;
	s26 =	smov.u32 s30  }
0xe5: {  	[tilespmem:s3], [sflag:$0x1] =	stream.indirect.gather [hbm4b:s5+s19], $0x80, s31, s19, $0xb8;
	[tilespmem:$0x1E000] =	vst v63  }
0xe6: {  	p1 =	sne.s32 s29, $0x2F;
	s29 =	sadd.s32 $0x1, s29;
	s0 =	sadd.s32 $0x3000, s0  }
0xe7: {  	[spmem:s2] =	stream.indirect.scatter.add.f32 [tilespmem:s0], [sflag:$0x2], $0x80, s9, s19, $0xb8;
	[tilespmem:$0x1E000] =	vst v63  }
.Ltmp7:
0xe8: {  	s0 =	sand.u32 $0x1, s28;
	_ =	swait.ge [sflag:s22], $0x3480;
	(pc) =	sbr.rel @p1 .LBB2_10-.Ltmp7, $4  }
0xe9: {  	s3 =	sxor.u32 $0x1, s0;
	s0 =	smul.u32 $0xE000, s0;
	[sflag:s22] =	ssyncset.done $0x0  }
0xea: {  	s31 =	smov.u32 s7;
	s3 =	smul.u32 $0xE000, s3;
	[sflag:s22] =	ssyncadd.s32 $0xFFFFCB80  }
0xeb: {  	s28 =	smov.u32 s8;
	s0 =	sshrl.u32 s0, $0x2;
	_ =	swait.ge [sflag:s23], $0x3480  }
0xec: {  	s30 =	sadd.s32 $0x80, s30;
	s3 =	sshra.s32 s3, $0x2;
	[sflag:s23] =	ssyncset.done $0x0  }
.Ltmp8:
0xed: {  	_ = 	snop;
	(pc) =	sbr.rel .LBB2_11-.Ltmp8, $1  }
0xee: {  	_ =	sdelay $0x3  }
.LBB2_13:
0xef: {  	_ =	sfence.sel $0x180000  }
0xf0: {  	[bflag:$0x0] =	sbarrier.arrive $0xFFFF  }
0xf1: {  	_ =	strace $0x9000004A  }
0xf2: {  	s0 =	stileid.u32;
	[bflag:$0x2] =	sbarrier.arrive $0xFFFF  }
0xf3: {  	p0 =	sne.s32 s0, $0x0;
	s0 =	rddreg [dreg:$0x3]  }
0xf4: {  	s0 =	sadd.s32 @!p0 $0x100000, s0  }
0xf5: {  	[sflag:s0] =	ssyncadd.tile.s32 @!p0 $0x1;
	_ =	shalt  }
.Lfunc_end2:
_tile_overlayer_lowered:
.L_overlay_start_2:
0xf6: {  	(tag) =	ssettag $0x2  }
0xf7: {  	s0 =	rddreg [dreg:$0x0];
	s2 =	stileid.u32  }
0xf8: {  	s1 =	rddreg [dreg:$0x1];
	p0 =	sne.s32 s2, $0x0  }
0xf9: {  	s3 =	rddreg [dreg:$0x2];
	[bflag:$0x3] =	sbarrier.arrive $0xFFFF;
	s2 =	simm.s32 @!p0 $0x1C03  }
0xfa: {  	[timem:s3], [sflag:s2] =	dma.local @!p0 [hbm:s0], s1  }
0xfb: {  	s0 =	simm.s32 @!p0 $0x3  }
0xfc: {  	_ =	swait.ge @!p0 [sflag:s0], s1  }
0xfd: {  	s1 =	ssub.s32 @!p0 $0x0, s1;
	[sflag:s0] =	ssyncset.done @!p0 $0x0  }
0xfe: {  	[sflag:s0] =	ssyncadd.s32 @!p0 s1  }
0xff: {  	[bflag:$0x3] =	sbarrier.arrive $0xFFFF  }
0x100: {  	_ =	shalt  }

// kernel: kernel.14.cloned.1.call-start
scs
__scs_entry_jumppad:
0x0: {  	(pc) =	sbr.rel $0x88, $3  }
0x1: {  	(tag) =	ssettag $0x0;
	lr =	simm.s32 $0x1  }
0x2: {  	[smem:$0x3F90] =	sst lr;
	_ =	strace $0xD0000000  }
0x3: {  	_ = 	snop  }
0x4: {  	_ = 	snop  }
0x5: {  	_ = 	snop  }
0x6: {  	_ = 	snop  }
0x7: {  	_ = 	snop  }
__scs_overlays_trampoline_lowered:
0x8: {  	[smem:$0x3F9F] =	sst s0  }
0x9: {  	[smem:$0x3FA0] =	sst s1  }
0xa: {  	[smem:$0x3FA1] =	sst s2  }
0xb: {  	[smem:$0x3FA2] =	sst s3  }
0xc: {  	[smem:$0x3FA3] =	sst s4  }
0xd: {  	[smem:$0x3FA4] =	sst s5  }
0xe: {  	[smem:$0x3FA5] =	sst s6  }
0xf: {  	[smem:$0x3FA6] =	sst s7  }
0x10: {  	[smem:$0x3FA7] =	sst s8  }
0x11: {  	[smem:$0x3FA8] =	sst s9;
	s0 =	simm.s32 @!p0 $0x0  }
0x12: {  	s1 =	sld [smem:$0x3F8E];
	s0 =	simm.s32 @p0 $0x1  }
0x13: {  	[smem:$0x3FA9] =	sst s0;
	s0 =	simm.s32 @!p1 $0x0  }
0x14: {  	s2 =	sld [smem:$0x3F8D];
	s0 =	simm.s32 @p1 $0x1  }
0x15: {  	[smem:$0x3FAA] =	sst s0;
	s0 =	simm.s32 @!p2 $0x0  }
0x16: {  	s3 =	sld [smem:$0x3FDB];
	s0 =	simm.s32 @p2 $0x1  }
0x17: {  	s4 =	simm.s32 $0x1BF5;
	[smem:$0x3FAC] =	sst s0  }
0x18: {  	s0 =	sld [smem:$0x3F8F];
	_ =	swait.ge [sflag:s4], $0x0  }
0x19: {  	s7 =	sld [smem:$0x3F90]  }
0x1a: {  	s8 =	sadd.s32 $0xFFFFE003, lr  }
0x1b: {  	s9 =	sadd.s32 $0xFFFFFEF7, lr;
	s5 =	simm.s32 $0xFFFFFFFF;
	p2 =	slt.u32 s8, $0xFFFFF086  }
0x1c: {  	p1 =	slt.u32 s9, $0xF7A;
	s5 =	simm.s32 @!p2 $0x0  }
0x1d: {  	s5 =	simm.s32 @p1 $0x1;
	p0 =	seq.s32 s7, s2  }
0x1e: {  	s7 =	smul.u32 @!p0 $0xF7A, s2;
	p2 =	seq.s32 @!p0 s5, $0x0  }
0x1f: {  	s9 =	smul.u32 $0xF7A, s1;
	s8 =	simm.s32 @!p0 $0x1BF5;
	p2 =	por !p2, p0  }
0x20: {  	[sflag:s8] =	ssyncset.s32 @!p0 $0xFFFFF086;
	s6 =	sadd.s32 @!p0 s3, s7;
	s7 =	simm.s32 @!p0 $0x108  }
0x21: {  	s3 =	sadd.s32 s3, s9;
	s6 =	sadd.s32 @!p0 $0x88, s6;
	s7 =	simm.s32 @p2 $0x1082  }
0x22: {  	[simem:s7], [sflag:s8] =	dma.local @!p0 [hbm:s6], $0xF7A  }
0x23: {  	s9 =	sor.u32 $0xD0000000, s2;
	s6 =	simm.s32 $0x108;
	_ =	swait.ge @!p0 [sflag:s8], $0x0  }
0x24: {  	s3 =	sadd.s32 $0x88, s3;
	s6 =	simm.s32 @!p1 $0x1082;
	[sflag:s4] =	ssyncset.s32 $0xFFFFF086  }
0x25: {  	[simem:s6], [sflag:s4] =	dma.local [hbm:s3], $0xF7A  }
0x26: {  	[smem:$0x3F90] =	sst s1;
	(tag) =	ssettag s2;
	_ =	strace s9  }
0x27: {  	s1 =	sld [smem:$0x3FA0]  }
0x28: {  	s2 =	sld [smem:$0x3FA1]  }
0x29: {  	s4 =	sld [smem:$0x3FA3]  }
0x2a: {  	p0 =	seq.s32 s5, $0x0;
	s5 =	sld [smem:$0x3FA4]  }
0x2b: {  	s6 =	sld [smem:$0x3FA5]  }
0x2c: {  	s7 =	sld [smem:$0x3FA6]  }
0x2d: {  	s3 =	simm.s32 $0x108;
	s8 =	sld [smem:$0x3FA7]  }
0x2e: {  	s3 =	simm.s32 @!p0 $0x1082;
	s9 =	sld [smem:$0x3FA8]  }
0x2f: {  	lr =	sadd.s32 s0, s3;
	s0 =	sld [smem:$0x3F9F]  }
0x30: {  	s3 =	sld [smem:$0x3FA2]  }
0x31: {  	[smem:$0x3FAB] =	sst s10  }
0x32: {  	s10 =	sld [smem:$0x3FA9];
	_ =	sdelay $0x3  }
0x33: {  	p0 =	seq.s32 s10, $0x1;
	s10 =	sld [smem:$0x3FAB];
	_ =	sdelay $0x3  }
0x34: {  	[smem:$0x3FAB] =	sst s10  }
0x35: {  	s10 =	sld [smem:$0x3FAA];
	_ =	sdelay $0x3  }
0x36: {  	p1 =	seq.s32 s10, $0x1;
	s10 =	sld [smem:$0x3FAB];
	_ =	sdelay $0x3  }
0x37: {  	[smem:$0x3FAB] =	sst s10  }
0x38: {  	s10 =	sld [smem:$0x3FAC]  }
0x39: {  	_ = 	snop;
	(pc) =	sbr.ind lr, $3  }
0x3a: {  	_ = 	snop  }
0x3b: {  	_ = 	snop  }
0x3c: {  	p2 =	seq.s32 s10, $0x1;
	s10 =	sld [smem:$0x3FAB]  }
0x3d: {  	_ =	shalt  }
0x3e: {  	_ =	shalt  }
0x3f: {  	_ =	shalt  }
0x40: {  	_ =	shalt  }
0x41: {  	_ =	shalt  }
0x42: {  	_ =	shalt  }
0x43: {  	_ =	shalt  }
0x44: {  	_ =	shalt  }
0x45: {  	_ =	shalt  }
0x46: {  	_ =	shalt  }
0x47: {  	_ =	shalt  }
0x48: {  	_ =	shalt  }
0x49: {  	_ =	shalt  }
0x4a: {  	_ =	shalt  }
0x4b: {  	_ =	shalt  }
0x4c: {  	_ =	shalt  }
0x4d: {  	_ =	shalt  }
0x4e: {  	_ =	shalt  }
0x4f: {  	_ =	shalt  }
0x50: {  	_ =	shalt  }
0x51: {  	_ =	shalt  }
0x52: {  	_ =	shalt  }
0x53: {  	_ =	shalt  }
0x54: {  	_ =	shalt  }
0x55: {  	_ =	shalt  }
0x56: {  	_ =	shalt  }
0x57: {  	_ =	shalt  }
0x58: {  	_ =	shalt  }
0x59: {  	_ =	shalt  }
0x5a: {  	_ =	shalt  }
0x5b: {  	_ =	shalt  }
0x5c: {  	_ =	shalt  }
0x5d: {  	_ =	shalt  }
0x5e: {  	_ =	shalt  }
0x5f: {  	_ =	shalt  }
0x60: {  	_ =	shalt  }
0x61: {  	_ =	shalt  }
0x62: {  	_ =	shalt  }
0x63: {  	_ =	shalt  }
0x64: {  	_ =	shalt  }
0x65: {  	_ =	shalt  }
0x66: {  	_ =	shalt  }
0x67: {  	_ =	shalt  }
0x68: {  	_ =	shalt  }
0x69: {  	_ =	shalt  }
0x6a: {  	_ =	shalt  }
0x6b: {  	_ =	shalt  }
0x6c: {  	_ =	shalt  }
0x6d: {  	_ =	shalt  }
0x6e: {  	_ =	shalt  }
0x6f: {  	_ =	shalt  }
0x70: {  	_ =	shalt  }
0x71: {  	_ =	shalt  }
0x72: {  	_ =	shalt  }
0x73: {  	_ =	shalt  }
0x74: {  	_ =	shalt  }
0x75: {  	_ =	shalt  }
0x76: {  	_ =	shalt  }
0x77: {  	_ =	shalt  }
0x78: {  	_ =	shalt  }
0x79: {  	_ =	shalt  }
0x7a: {  	_ =	shalt  }
0x7b: {  	_ =	shalt  }
0x7c: {  	_ =	shalt  }
0x7d: {  	_ =	shalt  }
0x7e: {  	_ =	shalt  }
0x7f: {  	_ =	shalt  }
0x80: {  	_ =	shalt  }
0x81: {  	_ =	shalt  }
0x82: {  	_ =	shalt  }
0x83: {  	_ =	shalt  }
0x84: {  	_ =	shalt  }
0x85: {  	_ =	shalt  }
0x86: {  	_ =	shalt  }
0x87: {  	_ =	shalt  }
.Lfunc_end0:
.L_simem_size_0:
called_computation.2_lowered:
.L_overlay_start_0:
0x88: {  	s2 =	sld [smem:$0x3FD9]  }
0x89: {  	s3 =	sld [smem:$0x3FFE];
	_ =	sdelay $0x1  }
0x8a: {  	s1 =	srdreg.scid  }
0x8b: {  	s0 =	sand.u32 $0x1, s1  }
0x8c: {  	s17 =	sshll.u32 s0, $0xA;
	s2 =	sadd.s32 s3, s2  }
0x8d: {  	s2 =	sadd.s32 s2, s17  }
0x8e: {  	[smem:$0x3FB7] =	sst s2  }
0x8f: {  	_ = 	snop  }
0x90: {  	s2 =	sld [smem:$0x3FD0];
	(tm) =	ssettm $0x1  }
0x91: {  	s18 =	sld [smem:$0x3FFB];
	_ =	sdelay $0x3  }
0x92: {  	_ =	strace s18  }
0x93: {  	s3 =	sld [smem:$0x3FFC];
	_ =	sdelay $0x3  }
0x94: {  	_ =	strace s3  }
0x95: {  	s3 =	sld [smem:$0x3FFD];
	_ =	sdelay $0x3  }
0x96: {  	_ =	strace s3  }
0x97: {  	_ =	strace $0x8FFFFFFF  }
0x98: {  	s19 =	sld [smem:$0x3FDB];
	_ =	sdelay $0x1  }
0x99: {  	s4 =	simm.s32 $_scs_section_size  }
0x9a: {  	s5 =	simm.s32 $_size__tile_overlayer_lowered;
	s6 =	simm.s32 $_tile_overlayer_lowered  }
0x9b: {  	s22 =	simm.s32 $0x1BFF;
	s21 =	sshll.u32 s6, $0x1;
	s3 =	sadd.s32 s4, s19  }
0x9c: {  	s7 =	simm.s32 $0x0;
	s20 =	sshll.u32 s5, $0x1;
	s5 =	sadd.s32 s21, s3  }
0x9d: {  	[timem:s7], [sflag:s22] =	dma.local [hbm:s5], s20  }
0x9e: {  	_ =	swait.ge [sflag:s22], s20  }
0x9f: {  	s4 =	ssub.s32 $0x0, s20;
	[sflag:s22] =	ssyncset.done $0x0  }
0xa0: {  	[sflag:s22] =	ssyncadd.s32 s4;
	_ =	sdelay $0x1  }
0xa1: {  	s23 =	simm.s32 $0x1B8B  }
0xa2: {  	_ =	swait.ge [sflag:s23], $0x1  }
0xa3: {  	[sflag:s23] =	ssyncset.done $0x0  }
0xa4: {  	s25 =	simm.s32 $0x1B8E;
	s24 =	sld [smem:$0x3FFE];
	[sflag:s23] =	ssyncadd.s32 $0xFFFFFFFF  }
0xa5: {  	s26 =	simm.s32 $execute0_lowered;
	[smem:$0x3FD2] =	sst s25  }
0xa6: {  	s5 =	sshll.u32 s26, $0x1;
	_ =	strace $0x8000004C;
	[dreg:$0x1] =	wrdreg $0xFFFFFFFF  }
0xa7: {  	s28 =	simm.s32 $_size_execute0_lowered;
	s3 =	sadd.s32 s3, s5;
	[dreg:$0x0] =	wrdreg $0x0  }
0xa8: {  	s5 =	sshll.u32 s28, $0x1;
	[dreg:$0x2] =	wrdreg s3  }
0xa9: {  	[dreg:$0x3] =	wrdreg s5  }
0xaa: {  	[dreg:$0x4] =	wrdreg $0xC0  }
0xab: {  	_ =	task [dreg:s7], $0x5FFFF  }
0xac: {  	[dreg:$0x1] =	wrdreg $0xFFFFFFFF  }
0xad: {  	[dreg:$0x0] =	wrdreg $0x60  }
0xae: {  	[dreg:$0x2] =	wrdreg s2  }
0xaf: {  	[dreg:$0x3] =	wrdreg s24  }
0xb0: {  	[dreg:$0x4] =	wrdreg $0xA0000  }
0xb1: {  	[dreg:$0x5] =	wrdreg $0x9  }
0xb2: {  	_ =	task.clear_ibuf [dreg:s7], $0x6FFFF;
	_ =	strace $0x9000004C  }
0xb3: {  	s29 =	simm.s32 $0x9;
	_ =	strace $0x8000004E  }
0xb4: {  	_ =	swait.ge [sflag:s29], $0x1  }
0xb5: {  	[sflag:s29] =	ssyncadd.s32 $0xFFFFFFFF  }
0xb6: {  	_ =	strace $0x9000004E  }
0xb7: {  	_ =	sfence  }
0xb8: {  	s30 =	sld [smem:$0x0];
	_ =	sdelay $0x2  }
0xb9: {  	s31 =	sshll.u32 s1, $0xD;
	s1 =	sshrl.u32 s1, $0x2  }
0xba: {  	s3 =	sand.u32 $0x4000, s31;
	s1 =	sadd.s32 s1, s30  }
0xbb: {  	s0 =	sor.u32 s3, s0;
	s1 =	sshll.u32 s1, $0x11  }
0xbc: {  	s0 =	sor.u32 s1, s0  }
0xbd: {  	s0 =	sadd.s32 $0x8F2B, s0  }
0xbe: {  	[sflag:s0] =	ssyncadd.remote.s32 $0x1  }
0xbf: {  	_ =	sfence.sel $0xFFFF  }
0xc0: {  	[dreg:$0x0] =	wrdreg $0xFFFFFFFF;
	(pc) =	sbr.abs _section_cstart, $3  }
0xc1: {  	[dreg:$0x1] =	wrdreg $0xFFFFFFFF  }
0xc2: {  	_ =	task.clear_ibuf [dreg:s7], $0x2FFFF;
	_ =	strace $0x9FFFFFFF  }
0xc3: {  	(tm) =	ssettm $0x7FFFFFFF  }
tec
execute0_lowered:
.L_overlay_start_1:
0x0: {  	(tag) =	ssettag $0x1  }
0x1: {  	s1 =	rddreg [dreg:$0x0]  }
0x2: {  	s0 =	rddreg [dreg:$0x1]  }
0x3: {  	s3 =	rddreg [dreg:$0x2];
	s4 =	simm.s32 $0x0  }
0x4: {  	s8 =	stileid.u32;
	s7 =	srdreg.scid;
	s18 =	simm.s32 $0x1800  }
0x5: {  	s19 =	simm.s32 $0x69;
	s20 =	simm.s32 $0x3000;
	s21 =	simm.s32 $0x80  }
0x6: {  	s22 =	simm.s32 $0x1;
	s23 =	simm.s32 $0x2;
	s24 =	simm.s32 $0x2F80  }
0x7: {  	s25 =	simm.s32 $0x0;
	[smem:$0x7FF] =	sst s4;
	s6 =	smul.u32 $0x2800, s8  }
0x8: {  	s5 =	sadd.s32 $0x4A00, s0;
	s2 =	sadd.s32 $0xDF600, s0;
	s10 =	smul.u32 $0x50000, s8  }
0x9: {  	s14 =	sadd.s32 $0xD9600, s0;
	s16 =	sand.u32 $0x1, s7;
	s12 =	smul.u32 $0x1800, s8  }
0xa: {  	s26 =	sadd.s32 $0x60A00, s0;
	s30 =	sshll.u32 s8, $0x6;
	s15 =	smul.u32 $0x300, s8  }
0xb: {  	_ =	strace $0x8000004D;
	[dreg:$0x4] =	wrdreg s26;
	s11 =	ssub.s32 $0x2, s16  }
0xc: {  	p0 =	sne.s32 s16, $0x0;
	s9 =	sadd.s32 s6, s0;
	s0 =	sadd.s32 $0x88A00, s0  }
0xd: {  	s28 =	sshrl.u32 s11, $0x1;
	s10 =	sshrl.u32 s10, $0x2;
	s29 =	sshrl.u32 s12, $0x3  }
.Ltmp0:
0xe: {  	s13 =	sadd.s32 s2, s15;
	[dreg:$0x5] =	wrdreg s0;
	(pc) =	sbr.rel .LBB2_1-.Ltmp0, $4  }
0xf: {  	s0 =	ssub.s32 s11, s28;
	s17 =	sadd.s32 s10, s3;
	s12 =	sadd.s32 $0x3000, s29  }
0x10: {  	s9 =	sadd.s32 $0x38A00, s9;
	s10 =	sor.u32 $0x1C03, s30;
	s31 =	sadd.s32 s2, s12  }
0x11: {  	s12 =	sadd.s32 s14, s12;
	s14 =	sadd.s32 s14, s15;
	s15 =	smax.u32 s0, $0x1  }
0x12: {  	s16 =	sshrl.u32 s17, $0x3;
	s17 =	simm.s32 $0x3;
	[dreg:$0x6] =	wrdreg s31  }
.LBB2_7:
0x13: {  	s2 =	sadd.s32 $0x3000, s2;
	[sflag:s23] =	ssyncadd.s32 $0xFFFFCB80  }
0x14: {  	[tilespmem:s2], [sflag:$0x1] =	stream.indirect.gather [hbm4b:s5+s19], $0x80, s31, s19, $0xb8;
	[tilespmem:$0x1E000] =	vst v63  }
0x15: {  	s0 =	sadd.s32 $0x3000, s0  }
0x16: {  	[spmem:s3] =	stream.indirect.scatter.add.f32 [tilespmem:s0], [sflag:$0x2], $0x80, s26, s19, $0xb8;
	[tilespmem:$0x1E000] =	vst v63  }
0x17: {  	_ =	swait.ge [sflag:s22], $0x3480  }
0x18: {  	s31 =	sand.u32 $0x1, s28;
	[sflag:s22] =	ssyncset.done $0x0  }
0x19: {  	s0 =	smul.u32 $0xE000, s31;
	[sflag:s22] =	ssyncadd.s32 $0xFFFFCB80  }
0x1a: {  	_ =	swait.ge [sflag:s23], $0x3480  }
0x1b: {  	s0 =	sshrl.u32 s0, $0x2;
	[sflag:s23] =	ssyncset.done $0x0  }
0x1c: {  	s0 =	sadd.s32 $0x3000, s0;
	[sflag:s23] =	ssyncadd.s32 $0xFFFFCB80  }
0x1d: {  	[spmem:s3] =	stream.indirect.scatter.add.f32 [tilespmem:s0], [sflag:$0x2], $0x80, s24, s19, $0xb8;
	[tilespmem:$0x1E000] =	vst v63  }
0x1e: {  	s0 =	rddreg [dreg:$0x5]  }
.LBB2_8:
0x1f: {  	_ =	swait.ge [sflag:s23], $0x3480  }
0x20: {  	s25 =	sadd.s32 $0x1, s25;
	[sflag:s23] =	ssyncset.done $0x0  }
0x21: {  	p1 =	sne.s32 s25, s15;
	[sflag:s23] =	ssyncadd.s32 $0xFFFFCB80  }
.Ltmp1:
0x22: {  	s0 =	sadd.s32 s0, s6;
	[bflag:$0x0] =	sbarrier.arrive $0xFFFF;
	(pc) =	sbr.rel @!p1 .LBB2_9-.Ltmp1, $4  }
0x23: {  	[hbm:s0], [sflag:s10] =	dma.local [spmem:s16], $0x2800  }
0x24: {  	_ =	swait.ge [sflag:s17], $0x2800  }
0x25: {  	[sflag:s17] =	ssyncset.done $0x0  }
0x26: {  	[sflag:s17] =	ssyncadd.s32 $0xFFFFD800  }
.LBB2_1:
0x27: {  	[spmem:s16], [sflag:s10] =	dma.local [hbm:s9], $0x2800  }
.Ltmp2:
0x28: {  	_ =	swait.ge [sflag:s17], $0x2800;
	(pc) =	sbr.rel @p0 .LBB2_5-.Ltmp2, $3  }
0x29: {  	[sflag:s17] =	ssyncset.done $0x0  }
0x2a: {  	[sflag:s17] =	ssyncadd.s32 $0xFFFFD800  }
0x2b: {  	[bflag:$0x0] =	sbarrier.arrive $0xFFFF;
	_ =	sdelay $0x1  }
0x2c: {  	[tilespmem:s4], [sflag:$0x3] =	stream.linear.gather [hbm4b:s13+s4], $0x1800, $0x38;
	[tilespmem:$0x1E000] =	vst v63  }
0x2d: {  	_ =	swait.ge [sflag:s17], $0x1800  }
0x2e: {  	[sflag:s17] =	ssyncset.done $0x0  }
0x2f: {  	[sflag:s17] =	ssyncadd.s32 $0xFFFFE800  }
0x30: {  	[tilespmem:s18], [sflag:$0x3] =	stream.linear.gather [hbm4b:s14+s4], $0x1800, $0x38;
	[tilespmem:$0x1E000] =	vst v63  }
0x31: {  	_ =	swait.ge [sflag:s17], $0x1800  }
0x32: {  	[sflag:s17] =	ssyncset.done $0x0  }
0x33: {  	s0 =	simm.s32 $0x1;
	[sflag:s17] =	ssyncadd.s32 $0xFFFFE800  }
0x34: {  	[tilespmem:s20], [sflag:$0x1] =	stream.indirect.gather [hbm4b:s1+s19], $0x80, s4, s19, $0xb8;
	[tilespmem:$0x1E000] =	vst v63  }
0x35: {  	_ =	swait.ge [sflag:s0], $0x3480  }
0x36: {  	[sflag:s0] =	ssyncset.done $0x0  }
0x37: {  	s2 =	simm.s32 $0x6800;
	[sflag:s0] =	ssyncadd.s32 $0xFFFFCB80  }
0x38: {  	[tilespmem:s2], [sflag:$0x1] =	stream.indirect.gather [hbm4b:s1+s19], $0x80, s21, s19, $0xb8;
	[tilespmem:$0x1E000] =	vst v63  }
0x39: {  	_ = 	snop  }
0x3a: {  	[spmem:s3] =	stream.indirect.scatter.add.f32 [tilespmem:s20], [sflag:$0x2], $0x80, s18, s19, $0xb8;
	[tilespmem:$0x1E000] =	vst v63  }
0x3b: {  	_ =	swait.ge [sflag:s0], $0x3480  }
0x3c: {  	s26 =	sxor.u32 $0x1, s0;
	[sflag:s0] =	ssyncset.done $0x0  }
0x3d: {  	s7 =	simm.s32 $0x2;
	s26 =	smul.u32 $0xE000, s26;
	[sflag:s0] =	ssyncadd.s32 $0xFFFFCB80  }
0x3e: {  	_ =	swait.ge [sflag:s7], $0x3480  }
0x3f: {  	s26 =	sshra.s32 s26, $0x2;
	[sflag:s7] =	ssyncset.done $0x0  }
0x40: {  	s28 =	simm.s32 $0x100;
	s26 =	sadd.s32 $0x3000, s26;
	[sflag:s7] =	ssyncadd.s32 $0xFFFFCB80  }
0x41: {  	[tilespmem:s26], [sflag:$0x1] =	stream.indirect.gather [hbm4b:s1+s19], $0x80, s28, s19, $0xb8;
	[tilespmem:$0x1E000] =	vst v63  }
0x42: {  	s8 =	simm.s32 $0x1880;
	s31 =	simm.s32 $0x180  }
0x43: {  	[spmem:s3] =	stream.indirect.scatter.add.f32 [tilespmem:s2], [sflag:$0x2], $0x80, s8, s19, $0xb8;
	[tilespmem:$0x1E000] =	vst v63  }
0x44: {  	s29 =	simm.s32 $0x4;
	s0 =	sand.u32 $0x1, s7;
	_ =	swait.ge [sflag:s22], $0x3480  }
0x45: {  	s11 =	sxor.u32 $0x1, s0;
	s0 =	smul.u32 $0xE000, s0;
	[sflag:s22] =	ssyncset.done $0x0  }
0x46: {  	s30 =	simm.s32 $0x1980;
	s2 =	smul.u32 $0xE000, s11;
	[sflag:s22] =	ssyncadd.s32 $0xFFFFCB80  }
0x47: {  	s0 =	sshrl.u32 s0, $0x2;
	s28 =	simm.s32 $0x3;
	_ =	swait.ge [sflag:s23], $0x3480  }
0x48: {  	s26 =	simm.s32 $0x1900;
	s2 =	sshra.s32 s2, $0x2;
	[sflag:s23] =	ssyncset.done $0x0  }
.LBB2_3:
0x49: {  	s7 =	sadd.s32 $0xFFFFE880, s30;
	s2 =	sadd.s32 $0x3000, s2;
	[sflag:s23] =	ssyncadd.s32 $0xFFFFCB80  }
0x4a: {  	s8 =	smov.u32 s29;
	s11 =	smov.u32 s26;
	s26 =	smov.u32 s30  }
0x4b: {  	[tilespmem:s2], [sflag:$0x1] =	stream.indirect.gather [hbm4b:s1+s19], $0x80, s31, s19, $0xb8;
	[tilespmem:$0x1E000] =	vst v63  }
0x4c: {  	p1 =	sne.s32 s29, $0x2F;
	s29 =	sadd.s32 $0x1, s29;
	s0 =	sadd.s32 $0x3000, s0  }
0x4d: {  	[spmem:s3] =	stream.indirect.scatter.add.f32 [tilespmem:s0], [sflag:$0x2], $0x80, s11, s19, $0xb8;
	[tilespmem:$0x1E000] =	vst v63  }
.Ltmp3:
0x4e: {  	s0 =	sand.u32 $0x1, s28;
	_ =	swait.ge [sflag:s22], $0x3480;
	(pc) =	sbr.rel @p1 .LBB2_3-.Ltmp3, $4  }
0x4f: {  	s2 =	sxor.u32 $0x1, s0;
	s0 =	smul.u32 $0xE000, s0;
	[sflag:s22] =	ssyncset.done $0x0  }
0x50: {  	s31 =	smov.u32 s7;
	s2 =	smul.u32 $0xE000, s2;
	[sflag:s22] =	ssyncadd.s32 $0xFFFFCB80  }
0x51: {  	s28 =	smov.u32 s8;
	s0 =	sshrl.u32 s0, $0x2;
	_ =	swait.ge [sflag:s23], $0x3480  }
0x52: {  	s30 =	sadd.s32 $0x80, s30;
	s2 =	sshra.s32 s2, $0x2;
	[sflag:s23] =	ssyncset.done $0x0  }
0x53: {  	s2 =	sadd.s32 $0x3000, s2;
	[sflag:s23] =	ssyncadd.s32 $0xFFFFCB80  }
0x54: {  	[tilespmem:s2], [sflag:$0x1] =	stream.indirect.gather [hbm4b:s1+s19], $0x80, s31, s19, $0xb8;
	[tilespmem:$0x1E000] =	vst v63  }
0x55: {  	s0 =	sadd.s32 $0x3000, s0  }
0x56: {  	[spmem:s3] =	stream.indirect.scatter.add.f32 [tilespmem:s0], [sflag:$0x2], $0x80, s26, s19, $0xb8;
	[tilespmem:$0x1E000] =	vst v63  }
0x57: {  	_ =	swait.ge [sflag:s22], $0x3480  }
0x58: {  	s31 =	sand.u32 $0x1, s28;
	[sflag:s22] =	ssyncset.done $0x0  }
0x59: {  	s0 =	smul.u32 $0xE000, s31;
	[sflag:s22] =	ssyncadd.s32 $0xFFFFCB80  }
.Ltmp4:
0x5a: {  	_ =	swait.ge [sflag:s23], $0x3480;
	(pc) =	sbr.rel .LBB2_8-.Ltmp4, $4  }
0x5b: {  	s0 =	sshrl.u32 s0, $0x2;
	[sflag:s23] =	ssyncset.done $0x0  }
0x5c: {  	s0 =	sadd.s32 $0x3000, s0;
	[sflag:s23] =	ssyncadd.s32 $0xFFFFCB80  }
0x5d: {  	[spmem:s3] =	stream.indirect.scatter.add.f32 [tilespmem:s0], [sflag:$0x2], $0x80, s24, s19, $0xb8;
	[tilespmem:$0x1E000] =	vst v63  }
0x5e: {  	s0 =	rddreg [dreg:$0x4]  }
.LBB2_5:
0x5f: {  	s0 =	rddreg [dreg:$0x6]  }
0x60: {  	[tilespmem:s4], [sflag:$0x3] =	stream.linear.gather [hbm4b:s0+s4], $0x1800, $0x38;
	[tilespmem:$0x1E000] =	vst v63  }
0x61: {  	_ =	swait.ge [sflag:s17], $0x1800  }
0x62: {  	[sflag:s17] =	ssyncset.done $0x0  }
0x63: {  	[sflag:s17] =	ssyncadd.s32 $0xFFFFE800  }
0x64: {  	[tilespmem:s18], [sflag:$0x3] =	stream.linear.gather [hbm4b:s12+s4], $0x1800, $0x38;
	[tilespmem:$0x1E000] =	vst v63  }
0x65: {  	_ =	swait.ge [sflag:s17], $0x1800  }
0x66: {  	[sflag:s17] =	ssyncset.done $0x0  }
0x67: {  	s8 =	simm.s32 $0x1;
	[sflag:s17] =	ssyncadd.s32 $0xFFFFE800  }
0x68: {  	[tilespmem:s20], [sflag:$0x1] =	stream.indirect.gather [hbm4b:s5+s19], $0x80, s4, s19, $0xb8;
	[tilespmem:$0x1E000] =	vst v63  }
0x69: {  	_ =	swait.ge [sflag:s8], $0x3480  }
0x6a: {  	[sflag:s8] =	ssyncset.done $0x0  }
0x6b: {  	s2 =	simm.s32 $0x6800;
	[sflag:s8] =	ssyncadd.s32 $0xFFFFCB80  }
0x6c: {  	[tilespmem:s2], [sflag:$0x1] =	stream.indirect.gather [hbm4b:s5+s19], $0x80, s21, s19, $0xb8;
	[tilespmem:$0x1E000] =	vst v63  }
0x6d: {  	_ = 	snop  }
0x6e: {  	[spmem:s3] =	stream.indirect.scatter.add.f32 [tilespmem:s20], [sflag:$0x2], $0x80, s18, s19, $0xb8;
	[tilespmem:$0x1E000] =	vst v63  }
0x6f: {  	_ =	swait.ge [sflag:s8], $0x3480  }
0x70: {  	s7 =	sxor.u32 $0x1, s8;
	[sflag:s8] =	ssyncset.done $0x0  }
0x71: {  	s11 =	simm.s32 $0x2;
	s7 =	smul.u32 $0xE000, s7;
	[sflag:s8] =	ssyncadd.s32 $0xFFFFCB80  }
0x72: {  	_ =	swait.ge [sflag:s11], $0x3480  }
0x73: {  	s7 =	sshra.s32 s7, $0x2;
	[sflag:s11] =	ssyncset.done $0x0  }
0x74: {  	s7 =	sadd.s32 $0x3000, s7;
	s8 =	simm.s32 $0x100;
	[sflag:s11] =	ssyncadd.s32 $0xFFFFCB80  }
0x75: {  	[tilespmem:s7], [sflag:$0x1] =	stream.indirect.gather [hbm4b:s5+s19], $0x80, s8, s19, $0xb8;
	[tilespmem:$0x1E000] =	vst v63  }
0x76: {  	s28 =	simm.s32 $0x3;
	s8 =	simm.s32 $0x1880  }
0x77: {  	[spmem:s3] =	stream.indirect.scatter.add.f32 [tilespmem:s2], [sflag:$0x2], $0x80, s8, s19, $0xb8;
	[tilespmem:$0x1E000] =	vst v63  }
0x78: {  	s26 =	simm.s32 $0x1900;
	s0 =	sand.u32 $0x1, s11;
	_ =	swait.ge [sflag:s22], $0x3480  }
0x79: {  	s11 =	sxor.u32 $0x1, s0;
	s0 =	smul.u32 $0xE000, s0;
	[sflag:s22] =	ssyncset.done $0x0  }
0x7a: {  	s31 =	simm.s32 $0x180;
	s2 =	smul.u32 $0xE000, s11;
	[sflag:s22] =	ssyncadd.s32 $0xFFFFCB80  }
0x7b: {  	s29 =	simm.s32 $0x4;
	s30 =	simm.s32 $0x1980;
	_ =	swait.ge [sflag:s23], $0x3480  }
0x7c: {  	s0 =	sshrl.u32 s0, $0x2;
	s2 =	sshra.s32 s2, $0x2;
	[sflag:s23] =	ssyncset.done $0x0  }
.LBB2_6:
0x7d: {  	s7 =	sadd.s32 $0xFFFFE880, s30;
	s2 =	sadd.s32 $0x3000, s2;
	[sflag:s23] =	ssyncadd.s32 $0xFFFFCB80  }
0x7e: {  	s8 =	smov.u32 s29;
	s11 =	smov.u32 s26;
	s26 =	smov.u32 s30  }
0x7f: {  	[tilespmem:s2], [sflag:$0x1] =	stream.indirect.gather [hbm4b:s5+s19], $0x80, s31, s19, $0xb8;
	[tilespmem:$0x1E000] =	vst v63  }
0x80: {  	p1 =	sne.s32 s29, $0x2F;
	s29 =	sadd.s32 $0x1, s29;
	s0 =	sadd.s32 $0x3000, s0  }
0x81: {  	[spmem:s3] =	stream.indirect.scatter.add.f32 [tilespmem:s0], [sflag:$0x2], $0x80, s11, s19, $0xb8;
	[tilespmem:$0x1E000] =	vst v63  }
.Ltmp5:
0x82: {  	s0 =	sand.u32 $0x1, s28;
	_ =	swait.ge [sflag:s22], $0x3480;
	(pc) =	sbr.rel @p1 .LBB2_6-.Ltmp5, $4  }
0x83: {  	s2 =	sxor.u32 $0x1, s0;
	s0 =	smul.u32 $0xE000, s0;
	[sflag:s22] =	ssyncset.done $0x0  }
0x84: {  	s31 =	smov.u32 s7;
	s2 =	smul.u32 $0xE000, s2;
	[sflag:s22] =	ssyncadd.s32 $0xFFFFCB80  }
0x85: {  	s28 =	smov.u32 s8;
	s0 =	sshrl.u32 s0, $0x2;
	_ =	swait.ge [sflag:s23], $0x3480  }
0x86: {  	s30 =	sadd.s32 $0x80, s30;
	s2 =	sshra.s32 s2, $0x2;
	[sflag:s23] =	ssyncset.done $0x0  }
.Ltmp6:
0x87: {  	_ = 	snop;
	(pc) =	sbr.rel .LBB2_7-.Ltmp6, $1  }
0x88: {  	_ =	sdelay $0x3  }
.LBB2_9:
0x89: {  	_ =	sfence.sel $0x180000  }
0x8a: {  	[bflag:$0x0] =	sbarrier.arrive $0xFFFF  }
0x8b: {  	_ =	strace $0x9000004D  }
0x8c: {  	s0 =	stileid.u32;
	[bflag:$0x2] =	sbarrier.arrive $0xFFFF  }
0x8d: {  	p0 =	sne.s32 s0, $0x0;
	s0 =	rddreg [dreg:$0x3]  }
0x8e: {  	s0 =	sadd.s32 @!p0 $0x100000, s0  }
0x8f: {  	[sflag:s0] =	ssyncadd.tile.s32 @!p0 $0x1;
	_ =	shalt  }
.Lfunc_end2:
_tile_overlayer_lowered:
.L_overlay_start_2:
0x90: {  	(tag) =	ssettag $0x2  }
0x91: {  	s0 =	rddreg [dreg:$0x0];
	s2 =	stileid.u32  }
0x92: {  	s1 =	rddreg [dreg:$0x1];
	p0 =	sne.s32 s2, $0x0  }
0x93: {  	s3 =	rddreg [dreg:$0x2];
	[bflag:$0x3] =	sbarrier.arrive $0xFFFF;
	s2 =	simm.s32 @!p0 $0x1C03  }
0x94: {  	[timem:s3], [sflag:s2] =	dma.local @!p0 [hbm:s0], s1  }
0x95: {  	s0 =	simm.s32 @!p0 $0x3  }
0x96: {  	_ =	swait.ge @!p0 [sflag:s0], s1  }
0x97: {  	s1 =	ssub.s32 @!p0 $0x0, s1;
	[sflag:s0] =	ssyncset.done @!p0 $0x0  }
0x98: {  	[sflag:s0] =	ssyncadd.s32 @!p0 s1  }
0x99: {  	[bflag:$0x3] =	sbarrier.arrive $0xFFFF  }
0x9a: {  	_ =	shalt  }

// kernel: kernel.8.cloned.1.call-start
scs
__scs_entry_jumppad:
0x0: {  	(pc) =	sbr.rel $0x88, $3  }
0x1: {  	(tag) =	ssettag $0x0;
	lr =	simm.s32 $0x1  }
0x2: {  	[smem:$0x3F90] =	sst lr;
	_ =	strace $0xD0000000  }
0x3: {  	_ = 	snop  }
0x4: {  	_ = 	snop  }
0x5: {  	_ = 	snop  }
0x6: {  	_ = 	snop  }
0x7: {  	_ = 	snop  }
__scs_overlays_trampoline_lowered:
0x8: {  	[smem:$0x3F9F] =	sst s0  }
0x9: {  	[smem:$0x3FA0] =	sst s1  }
0xa: {  	[smem:$0x3FA1] =	sst s2  }
0xb: {  	[smem:$0x3FA2] =	sst s3  }
0xc: {  	[smem:$0x3FA3] =	sst s4  }
0xd: {  	[smem:$0x3FA4] =	sst s5  }
0xe: {  	[smem:$0x3FA5] =	sst s6  }
0xf: {  	[smem:$0x3FA6] =	sst s7  }
0x10: {  	[smem:$0x3FA7] =	sst s8  }
0x11: {  	[smem:$0x3FA8] =	sst s9;
	s0 =	simm.s32 @!p0 $0x0  }
0x12: {  	s1 =	sld [smem:$0x3F8E];
	s0 =	simm.s32 @p0 $0x1  }
0x13: {  	[smem:$0x3FA9] =	sst s0;
	s0 =	simm.s32 @!p1 $0x0  }
0x14: {  	s2 =	sld [smem:$0x3F8D];
	s0 =	simm.s32 @p1 $0x1  }
0x15: {  	[smem:$0x3FAA] =	sst s0;
	s0 =	simm.s32 @!p2 $0x0  }
0x16: {  	s3 =	sld [smem:$0x3FDB];
	s0 =	simm.s32 @p2 $0x1  }
0x17: {  	s4 =	simm.s32 $0x1BF5;
	[smem:$0x3FAC] =	sst s0  }
0x18: {  	s0 =	sld [smem:$0x3F8F];
	_ =	swait.ge [sflag:s4], $0x0  }
0x19: {  	s7 =	sld [smem:$0x3F90]  }
0x1a: {  	s8 =	sadd.s32 $0xFFFFE003, lr  }
0x1b: {  	s9 =	sadd.s32 $0xFFFFFEF7, lr;
	s5 =	simm.s32 $0xFFFFFFFF;
	p2 =	slt.u32 s8, $0xFFFFF086  }
0x1c: {  	p1 =	slt.u32 s9, $0xF7A;
	s5 =	simm.s32 @!p2 $0x0  }
0x1d: {  	s5 =	simm.s32 @p1 $0x1;
	p0 =	seq.s32 s7, s2  }
0x1e: {  	s7 =	smul.u32 @!p0 $0xF7A, s2;
	p2 =	seq.s32 @!p0 s5, $0x0  }
0x1f: {  	s9 =	smul.u32 $0xF7A, s1;
	s8 =	simm.s32 @!p0 $0x1BF5;
	p2 =	por !p2, p0  }
0x20: {  	[sflag:s8] =	ssyncset.s32 @!p0 $0xFFFFF086;
	s6 =	sadd.s32 @!p0 s3, s7;
	s7 =	simm.s32 @!p0 $0x108  }
0x21: {  	s3 =	sadd.s32 s3, s9;
	s6 =	sadd.s32 @!p0 $0x88, s6;
	s7 =	simm.s32 @p2 $0x1082  }
0x22: {  	[simem:s7], [sflag:s8] =	dma.local @!p0 [hbm:s6], $0xF7A  }
0x23: {  	s9 =	sor.u32 $0xD0000000, s2;
	s6 =	simm.s32 $0x108;
	_ =	swait.ge @!p0 [sflag:s8], $0x0  }
0x24: {  	s3 =	sadd.s32 $0x88, s3;
	s6 =	simm.s32 @!p1 $0x1082;
	[sflag:s4] =	ssyncset.s32 $0xFFFFF086  }
0x25: {  	[simem:s6], [sflag:s4] =	dma.local [hbm:s3], $0xF7A  }
0x26: {  	[smem:$0x3F90] =	sst s1;
	(tag) =	ssettag s2;
	_ =	strace s9  }
0x27: {  	s1 =	sld [smem:$0x3FA0]  }
0x28: {  	s2 =	sld [smem:$0x3FA1]  }
0x29: {  	s4 =	sld [smem:$0x3FA3]  }
0x2a: {  	p0 =	seq.s32 s5, $0x0;
	s5 =	sld [smem:$0x3FA4]  }
0x2b: {  	s6 =	sld [smem:$0x3FA5]  }
0x2c: {  	s7 =	sld [smem:$0x3FA6]  }
0x2d: {  	s3 =	simm.s32 $0x108;
	s8 =	sld [smem:$0x3FA7]  }
0x2e: {  	s3 =	simm.s32 @!p0 $0x1082;
	s9 =	sld [smem:$0x3FA8]  }
0x2f: {  	lr =	sadd.s32 s0, s3;
	s0 =	sld [smem:$0x3F9F]  }
0x30: {  	s3 =	sld [smem:$0x3FA2]  }
0x31: {  	[smem:$0x3FAB] =	sst s10  }
0x32: {  	s10 =	sld [smem:$0x3FA9];
	_ =	sdelay $0x3  }
0x33: {  	p0 =	seq.s32 s10, $0x1;
	s10 =	sld [smem:$0x3FAB];
	_ =	sdelay $0x3  }
0x34: {  	[smem:$0x3FAB] =	sst s10  }
0x35: {  	s10 =	sld [smem:$0x3FAA];
	_ =	sdelay $0x3  }
0x36: {  	p1 =	seq.s32 s10, $0x1;
	s10 =	sld [smem:$0x3FAB];
	_ =	sdelay $0x3  }
0x37: {  	[smem:$0x3FAB] =	sst s10  }
0x38: {  	s10 =	sld [smem:$0x3FAC]  }
0x39: {  	_ = 	snop;
	(pc) =	sbr.ind lr, $3  }
0x3a: {  	_ = 	snop  }
0x3b: {  	_ = 	snop  }
0x3c: {  	p2 =	seq.s32 s10, $0x1;
	s10 =	sld [smem:$0x3FAB]  }
0x3d: {  	_ =	shalt  }
0x3e: {  	_ =	shalt  }
0x3f: {  	_ =	shalt  }
0x40: {  	_ =	shalt  }
0x41: {  	_ =	shalt  }
0x42: {  	_ =	shalt  }
0x43: {  	_ =	shalt  }
0x44: {  	_ =	shalt  }
0x45: {  	_ =	shalt  }
0x46: {  	_ =	shalt  }
0x47: {  	_ =	shalt  }
0x48: {  	_ =	shalt  }
0x49: {  	_ =	shalt  }
0x4a: {  	_ =	shalt  }
0x4b: {  	_ =	shalt  }
0x4c: {  	_ =	shalt  }
0x4d: {  	_ =	shalt  }
0x4e: {  	_ =	shalt  }
0x4f: {  	_ =	shalt  }
0x50: {  	_ =	shalt  }
0x51: {  	_ =	shalt  }
0x52: {  	_ =	shalt  }
0x53: {  	_ =	shalt  }
0x54: {  	_ =	shalt  }
0x55: {  	_ =	shalt  }
0x56: {  	_ =	shalt  }
0x57: {  	_ =	shalt  }
0x58: {  	_ =	shalt  }
0x59: {  	_ =	shalt  }
0x5a: {  	_ =	shalt  }
0x5b: {  	_ =	shalt  }
0x5c: {  	_ =	shalt  }
0x5d: {  	_ =	shalt  }
0x5e: {  	_ =	shalt  }
0x5f: {  	_ =	shalt  }
0x60: {  	_ =	shalt  }
0x61: {  	_ =	shalt  }
0x62: {  	_ =	shalt  }
0x63: {  	_ =	shalt  }
0x64: {  	_ =	shalt  }
0x65: {  	_ =	shalt  }
0x66: {  	_ =	shalt  }
0x67: {  	_ =	shalt  }
0x68: {  	_ =	shalt  }
0x69: {  	_ =	shalt  }
0x6a: {  	_ =	shalt  }
0x6b: {  	_ =	shalt  }
0x6c: {  	_ =	shalt  }
0x6d: {  	_ =	shalt  }
0x6e: {  	_ =	shalt  }
0x6f: {  	_ =	shalt  }
0x70: {  	_ =	shalt  }
0x71: {  	_ =	shalt  }
0x72: {  	_ =	shalt  }
0x73: {  	_ =	shalt  }
0x74: {  	_ =	shalt  }
0x75: {  	_ =	shalt  }
0x76: {  	_ =	shalt  }
0x77: {  	_ =	shalt  }
0x78: {  	_ =	shalt  }
0x79: {  	_ =	shalt  }
0x7a: {  	_ =	shalt  }
0x7b: {  	_ =	shalt  }
0x7c: {  	_ =	shalt  }
0x7d: {  	_ =	shalt  }
0x7e: {  	_ =	shalt  }
0x7f: {  	_ =	shalt  }
0x80: {  	_ =	shalt  }
0x81: {  	_ =	shalt  }
0x82: {  	_ =	shalt  }
0x83: {  	_ =	shalt  }
0x84: {  	_ =	shalt  }
0x85: {  	_ =	shalt  }
0x86: {  	_ =	shalt  }
0x87: {  	_ =	shalt  }
.Lfunc_end0:
.L_simem_size_0:
called_computation_lowered:
.L_overlay_start_0:
0x88: {  	s2 =	sld [smem:$0x3FD9]  }
0x89: {  	s3 =	sld [smem:$0x3FFE];
	_ =	sdelay $0x1  }
0x8a: {  	s1 =	srdreg.scid  }
0x8b: {  	s0 =	sand.u32 $0x1, s1  }
0x8c: {  	s17 =	sshll.u32 s0, $0xA;
	s2 =	sadd.s32 s3, s2  }
0x8d: {  	s2 =	sadd.s32 s2, s17  }
0x8e: {  	[smem:$0x3FB7] =	sst s2  }
0x8f: {  	_ = 	snop  }
0x90: {  	s2 =	sld [smem:$0x3FD0];
	(tm) =	ssettm $0x1  }
0x91: {  	s18 =	sld [smem:$0x3FFB];
	_ =	sdelay $0x3  }
0x92: {  	_ =	strace s18  }
0x93: {  	s3 =	sld [smem:$0x3FFC];
	_ =	sdelay $0x3  }
0x94: {  	_ =	strace s3  }
0x95: {  	s3 =	sld [smem:$0x3FFD];
	_ =	sdelay $0x3  }
0x96: {  	_ =	strace s3  }
0x97: {  	_ =	strace $0x8FFFFFFF  }
0x98: {  	s19 =	sld [smem:$0x3FDB];
	_ =	sdelay $0x1  }
0x99: {  	s4 =	simm.s32 $_scs_section_size  }
0x9a: {  	s5 =	simm.s32 $_size__tile_overlayer_lowered;
	s6 =	simm.s32 $_tile_overlayer_lowered  }
0x9b: {  	s22 =	simm.s32 $0x1BFF;
	s21 =	sshll.u32 s6, $0x1;
	s3 =	sadd.s32 s4, s19  }
0x9c: {  	s7 =	simm.s32 $0x0;
	s20 =	sshll.u32 s5, $0x1;
	s5 =	sadd.s32 s21, s3  }
0x9d: {  	[timem:s7], [sflag:s22] =	dma.local [hbm:s5], s20  }
0x9e: {  	_ =	swait.ge [sflag:s22], s20  }
0x9f: {  	s4 =	ssub.s32 $0x0, s20;
	[sflag:s22] =	ssyncset.done $0x0  }
0xa0: {  	[sflag:s22] =	ssyncadd.s32 s4;
	_ =	sdelay $0x1  }
0xa1: {  	s23 =	simm.s32 $0x1B8B  }
0xa2: {  	_ =	swait.ge [sflag:s23], $0x1  }
0xa3: {  	[sflag:s23] =	ssyncset.done $0x0  }
0xa4: {  	s25 =	simm.s32 $0x1B8E;
	s24 =	sld [smem:$0x3FFE];
	[sflag:s23] =	ssyncadd.s32 $0xFFFFFFFF  }
0xa5: {  	s26 =	simm.s32 $execute0_lowered;
	[smem:$0x3FD2] =	sst s25  }
0xa6: {  	s5 =	sshll.u32 s26, $0x1;
	_ =	strace $0x80000046;
	[dreg:$0x1] =	wrdreg $0xFFFFFFFF  }
0xa7: {  	s28 =	simm.s32 $_size_execute0_lowered;
	s3 =	sadd.s32 s3, s5;
	[dreg:$0x0] =	wrdreg $0x0  }
0xa8: {  	s5 =	sshll.u32 s28, $0x1;
	[dreg:$0x2] =	wrdreg s3  }
0xa9: {  	[dreg:$0x3] =	wrdreg s5  }
0xaa: {  	[dreg:$0x4] =	wrdreg $0xC0  }
0xab: {  	_ =	task [dreg:s7], $0x5FFFF  }
0xac: {  	[dreg:$0x1] =	wrdreg $0xFFFFFFFF  }
0xad: {  	[dreg:$0x0] =	wrdreg $0x60  }
0xae: {  	[dreg:$0x2] =	wrdreg s24  }
0xaf: {  	[dreg:$0x3] =	wrdreg s2  }
0xb0: {  	[dreg:$0x4] =	wrdreg $0xA0000  }
0xb1: {  	[dreg:$0x5] =	wrdreg $0x1E0800  }
0xb2: {  	[dreg:$0x6] =	wrdreg $0x9  }
0xb3: {  	_ =	task.clear_ibuf [dreg:s7], $0x7FFFF;
	_ =	strace $0x90000046  }
0xb4: {  	s29 =	simm.s32 $0x9;
	_ =	strace $0x80000048  }
0xb5: {  	_ =	swait.ge [sflag:s29], $0x1  }
0xb6: {  	[sflag:s29] =	ssyncadd.s32 $0xFFFFFFFF  }
0xb7: {  	_ =	strace $0x90000048  }
0xb8: {  	_ =	sfence  }
0xb9: {  	s30 =	sld [smem:$0x0];
	_ =	sdelay $0x2  }
0xba: {  	s31 =	sshll.u32 s1, $0xD;
	s1 =	sshrl.u32 s1, $0x2  }
0xbb: {  	s3 =	sand.u32 $0x4000, s31;
	s1 =	sadd.s32 s1, s30  }
0xbc: {  	s0 =	sor.u32 s3, s0;
	s1 =	sshll.u32 s1, $0x11  }
0xbd: {  	s0 =	sor.u32 s1, s0  }
0xbe: {  	s0 =	sadd.s32 $0x8F2B, s0  }
0xbf: {  	[sflag:s0] =	ssyncadd.remote.s32 $0x1  }
0xc0: {  	_ =	sfence.sel $0xFFFF  }
0xc1: {  	[dreg:$0x0] =	wrdreg $0xFFFFFFFF;
	(pc) =	sbr.abs _section_cstart, $3  }
0xc2: {  	[dreg:$0x1] =	wrdreg $0xFFFFFFFF  }
0xc3: {  	_ =	task.clear_ibuf [dreg:s7], $0x2FFFF;
	_ =	strace $0x9FFFFFFF  }
0xc4: {  	(tm) =	ssettm $0x7FFFFFFF  }
0xc5: {  	_ =	shalt  }
tec
execute0_lowered:
.L_overlay_start_1:
0x0: {  	(tag) =	ssettag $0x1  }
0x1: {  	s0 =	rddreg [dreg:$0x0]  }
0x2: {  	s1 =	rddreg [dreg:$0x1]  }
0x3: {  	s2 =	rddreg [dreg:$0x2]  }
0x4: {  	s3 =	rddreg [dreg:$0x3];
	s5 =	simm.s32 $0x0;
	s14 =	stileid.u32  }
0x5: {  	s10 =	srdreg.scid;
	s28 =	simm.s32 $0x2;
	s29 =	simm.s32 $0x2F80  }
0x6: {  	s30 =	simm.s32 $0x3;
	s31 =	simm.s32 $0x0;
	s7 =	smul.u32 $0x280, s14  }
0x7: {  	[smem:$0x7FF] =	sst s5;
	s6 =	sadd.s32 $0x10A00, s0;
	s8 =	smul.u32 $0x2800, s14  }
0x8: {  	s4 =	sadd.s32 $0xAA00, s0;
	s9 =	sadd.s32 $0x4A00, s0;
	s12 =	smul.u32 $0x50000, s14  }
0x9: {  	s10 =	sand.u32 $0x1, s10;
	s13 =	smul.u32 $0x3000, s14;
	s18 =	sshll.u32 s14, $0x6  }
0xa: {  	_ =	strace $0x80000047;
	s16 =	ssub.s32 $0x2, s10;
	p0 =	sne.s32 s10, $0x0  }
0xb: {  	s11 =	sshrl.u32 s7, $0x3;
	s15 =	sadd.s32 s8, s0;
	s17 =	sshrl.u32 s16, $0x1  }
0xc: {  	s12 =	sshrl.u32 s12, $0x2;
	s8 =	sor.u32 $0x1C04, s18;
	s20 =	sshrl.u32 s13, $0x3  }
0xd: {  	s7 =	sadd.s32 s7, s3;
	s0 =	sadd.s32 s11, s0;
	s16 =	ssub.s32 s16, s17  }
0xe: {  	s17 =	sadd.s32 s12, s2;
	s19 =	sadd.s32 $0x38A00, s15;
	[dreg:$0x6] =	wrdreg s7  }
0xf: {  	s22 =	sadd.s32 $0x300, s20;
	s23 =	sadd.s32 s4, s20;
	[dreg:$0x5] =	wrdreg s19  }
0x10: {  	s24 =	sadd.s32 s9, s20;
	s25 =	sadd.s32 $0x89600, s15;
	[dreg:$0x8] =	wrdreg s23  }
0x11: {  	s26 =	sadd.s32 $0x61600, s15;
	s20 =	simm.s32 $0x4;
	[dreg:$0x9] =	wrdreg s24  }
0x12: {  	s21 =	sadd.s32 $0x60A00, s0;
	s4 =	sadd.s32 s4, s22;
	[dreg:$0xb] =	wrdreg s25  }
.Ltmp0:
0x13: {  	s14 =	sadd.s32 s9, s22;
	[dreg:$0xc] =	wrdreg s26;
	(pc) =	sbr.rel .LBB2_1-.Ltmp0, $4  }
0x14: {  	s0 =	sadd.s32 $0x61000, s0;
	s18 =	smax.u32 s16, $0x1;
	s19 =	sshrl.u32 s17, $0x3  }
0x15: {  	s22 =	simm.s32 $0x69;
	s23 =	simm.s32 $0x3000;
	[dreg:$0x7] =	wrdreg s21  }
0x16: {  	s24 =	simm.s32 $0x80;
	s25 =	simm.s32 $0x1E000;
	[dreg:$0xa] =	wrdreg s4  }
0x17: {  	v0 =	vimm.f32 $1.000000000e+00;
	s26 =	simm.s32 $0x1;
	[dreg:$0xd] =	wrdreg s0;
	s21 =	simm.s32 $0x1800  }
.LBB2_13:
0x18: {  	s7 =	sadd.s32 $0x3000, s7;
	[sflag:s28] =	ssyncadd.s32 $0xFFFFCB80  }
0x19: {  	[tilespmem:s7], [sflag:$0x1] =	stream.indirect.gather [hbm4b:s1+s22], $0x80, s15, s22, $0xb8;
	[tilespmem:$0x1E300] =	vst v63  }
0x1a: {  	s15 =	sadd.s32 $0x3000, s16  }
0x1b: {  	[spmem:s2] =	stream.indirect.scatter.add.f32 [tilespmem:s15], [sflag:$0x2], $0x80, s0, s22, $0xb8;
	[tilespmem:$0x1E300] =	vst v63  }
0x1c: {  	_ =	swait.ge [sflag:s26], $0x3480  }
0x1d: {  	s16 =	sand.u32 $0x1, s4;
	[sflag:s26] =	ssyncset.done $0x0  }
0x1e: {  	s0 =	smul.u32 $0xE000, s16;
	[sflag:s26] =	ssyncadd.s32 $0xFFFFCB80  }
0x1f: {  	_ =	swait.ge [sflag:s28], $0x3480  }
0x20: {  	s0 =	sshrl.u32 s0, $0x2;
	[sflag:s28] =	ssyncset.done $0x0  }
0x21: {  	s0 =	sadd.s32 $0x3000, s0;
	[sflag:s28] =	ssyncadd.s32 $0xFFFFCB80  }
0x22: {  	[spmem:s2] =	stream.indirect.scatter.add.f32 [tilespmem:s0], [sflag:$0x2], $0x80, s29, s22, $0xb8;
	[tilespmem:$0x1E300] =	vst v63  }
0x23: {  	_ =	swait.ge [sflag:s28], $0x3480  }
0x24: {  	[sflag:s28] =	ssyncset.done $0x0  }
0x25: {  	[sflag:s28] =	ssyncadd.s32 $0xFFFFCB80  }
0x26: {  	[bflag:$0x0] =	sbarrier.arrive $0xFFFF  }
0x27: {  	s17 =	rddreg [dreg:$0xb]  }
0x28: {  	[hbm:s17], [sflag:s8] =	dma.local [spmem:s19], $0x2800  }
0x29: {  	_ =	swait.ge [sflag:s20], $0x2800  }
0x2a: {  	[sflag:s20] =	ssyncset.done $0x0  }
0x2b: {  	[sflag:s20] =	ssyncadd.s32 $0xFFFFD800  }
.LBB2_14:
0x2c: {  	s31 =	sadd.s32 $0x1, s31  }
0x2d: {  	p1 =	sne.s32 s31, s18  }
.Ltmp1:
0x2e: {  	_ = 	snop;
	(pc) =	sbr.rel @!p1 .LBB2_15-.Ltmp1, $1  }
0x2f: {  	_ =	sdelay $0x3  }
.LBB2_1:
.Ltmp2:
0x30: {  	s0 =	rddreg [dreg:$0x5];
	(pc) =	sbr.rel @p0 .LBB2_9-.Ltmp2, $4  }
0x31: {  	[spmem:s19], [sflag:s8] =	dma.local [hbm:s0], $0x2800  }
0x32: {  	_ =	swait.ge [sflag:s20], $0x2800  }
0x33: {  	[sflag:s20] =	ssyncset.done $0x0  }
0x34: {  	[sflag:s20] =	ssyncadd.s32 $0xFFFFD800  }
0x35: {  	s0 =	rddreg [dreg:$0x6]  }
0x36: {  	s4 =	rddreg [dreg:$0x7];
	s0 =	sshrl.u32 s0, $0x3  }
0x37: {  	[spmem:s0], [sflag:s8] =	dma.local [hbm:s4], $0x50  }
0x38: {  	_ =	swait.ge [sflag:s20], $0x50  }
0x39: {  	[sflag:s20] =	ssyncset.done $0x0  }
0x3a: {  	[sflag:s20] =	ssyncadd.s32 $0xFFFFFFB0  }
0x3b: {  	[tilespmem:$0x1E000] =	vst v0  }
0x3c: {  	[tilespmem:$0x1E010] =	vst v0  }
0x3d: {  	[tilespmem:$0x1E020] =	vst v0  }
0x3e: {  	[tilespmem:$0x1E030] =	vst v0  }
0x3f: {  	[tilespmem:$0x1E040] =	vst v0  }
0x40: {  	[tilespmem:$0x1E050] =	vst v0  }
0x41: {  	[tilespmem:$0x1E059] =	vst v0  }
0x42: {  	[bflag:$0x0] =	sbarrier.arrive $0xFFFF  }
0x43: {  	s10 =	rddreg [dreg:$0x8]  }
0x44: {  	[tilespmem:s5], [sflag:$0x4] =	stream.linear.gather [hbm4b:s10+s5], $0x1800, $0x38;
	[tilespmem:$0x1E300] =	vst v63  }
0x45: {  	_ =	swait.ge [sflag:s20], $0x1800  }
0x46: {  	[sflag:s20] =	ssyncset.done $0x0  }
0x47: {  	s11 =	rddreg [dreg:$0x9];
	[sflag:s20] =	ssyncadd.s32 $0xFFFFE800  }
0x48: {  	[tilespmem:s21], [sflag:$0x4] =	stream.linear.gather [hbm4b:s11+s5], $0x1800, $0x38;
	[tilespmem:$0x1E300] =	vst v63  }
0x49: {  	_ =	swait.ge [sflag:s20], $0x1800  }
0x4a: {  	[sflag:s20] =	ssyncset.done $0x0  }
0x4b: {  	s12 =	simm.s32 $0x1;
	[sflag:s20] =	ssyncadd.s32 $0xFFFFE800  }
0x4c: {  	[tilespmem:s23], [sflag:$0x1] =	stream.indirect.gather [hbm4b:s6+s22], $0x80, s5, s22, $0xb8;
	[tilespmem:$0x1E300] =	vst v63  }
0x4d: {  	_ =	swait.ge [sflag:s12], $0x3480  }
0x4e: {  	[sflag:s12] =	ssyncset.done $0x0  }
0x4f: {  	s7 =	simm.s32 $0x6800;
	[sflag:s12] =	ssyncadd.s32 $0xFFFFCB80  }
0x50: {  	[tilespmem:s7], [sflag:$0x1] =	stream.indirect.gather [hbm4b:s6+s22], $0x80, s24, s22, $0xb8;
	[tilespmem:$0x1E300] =	vst v63  }
0x51: {  	_ = 	snop  }
0x52: {  	[spmem:s2] =	stream.indirect.scatter.add.f32 [tilespmem:s23], [sflag:$0x2], $0x80, s21, s22, $0xb8;
	[tilespmem:$0x1E300] =	vst v63  }
0x53: {  	_ = 	snop  }
0x54: {  	[spmem:s3] =	stream.indirect.scatter.add.f32 [tilespmem:s25], [sflag:$0x3], $0x1, s21, s22, $0xb8;
	[tilespmem:$0x1E300] =	vst v63  }
0x55: {  	_ =	swait.ge [sflag:s12], $0x3480  }
0x56: {  	s9 =	sxor.u32 $0x1, s12;
	[sflag:s12] =	ssyncset.done $0x0  }
0x57: {  	s15 =	simm.s32 $0x2;
	s13 =	smul.u32 $0xE000, s9;
	[sflag:s12] =	ssyncadd.s32 $0xFFFFCB80  }
0x58: {  	_ =	swait.ge [sflag:s15], $0x3480  }
0x59: {  	s4 =	sshra.s32 s13, $0x2;
	[sflag:s15] =	ssyncset.done $0x0  }
0x5a: {  	s16 =	simm.s32 $0x100;
	s4 =	sadd.s32 $0x3000, s4;
	[sflag:s15] =	ssyncadd.s32 $0xFFFFCB80  }
0x5b: {  	[tilespmem:s4], [sflag:$0x1] =	stream.indirect.gather [hbm4b:s6+s22], $0x80, s16, s22, $0xb8;
	[tilespmem:$0x1E300] =	vst v63  }
0x5c: {  	s10 =	simm.s32 $0x1880  }
0x5d: {  	[spmem:s2] =	stream.indirect.scatter.add.f32 [tilespmem:s7], [sflag:$0x2], $0x80, s10, s22, $0xb8;
	[tilespmem:$0x1E300] =	vst v63  }
0x5e: {  	s17 =	sand.u32 $0x1, s15;
	s9 =	simm.s32 $0x3  }
0x5f: {  	[spmem:s3] =	stream.indirect.scatter.add.f32 [tilespmem:s25], [sflag:$0x3], $0x1, s10, s22, $0xb8;
	[tilespmem:$0x1E300] =	vst v63  }
0x60: {  	s15 =	simm.s32 $0x4;
	s4 =	simm.s32 $0x1900;
	_ =	swait.ge [sflag:s26], $0x3480  }
0x61: {  	s16 =	sxor.u32 $0x1, s17;
	s7 =	smul.u32 $0xE000, s17;
	[sflag:s26] =	ssyncset.done $0x0  }
0x62: {  	s17 =	smul.u32 $0xE000, s16;
	s16 =	simm.s32 $0x1980;
	[sflag:s26] =	ssyncadd.s32 $0xFFFFCB80  }
0x63: {  	s10 =	simm.s32 $0x180;
	s11 =	sshrl.u32 s7, $0x2;
	_ =	swait.ge [sflag:s28], $0x3480  }
0x64: {  	s7 =	sshra.s32 s17, $0x2;
	s17 =	sadd.s32 $0x3000, s11;
	[sflag:s28] =	ssyncset.done $0x0  }
.LBB2_3:
0x65: {  	s11 =	sadd.s32 $0xFFFFE880, s16;
	s7 =	sadd.s32 $0x3000, s7;
	[sflag:s28] =	ssyncadd.s32 $0xFFFFCB80  }
0x66: {  	s12 =	smov.u32 s15;
	s13 =	smov.u32 s4;
	s4 =	smov.u32 s16  }
0x67: {  	[tilespmem:s7], [sflag:$0x1] =	stream.indirect.gather [hbm4b:s6+s22], $0x80, s10, s22, $0xb8;
	[tilespmem:$0x1E300] =	vst v63  }
0x68: {  	p1 =	sne.s32 s15, $0x2F;
	s15 =	sadd.s32 $0x1, s15;
	s10 =	smov.u32 s11  }
0x69: {  	[spmem:s2] =	stream.indirect.scatter.add.f32 [tilespmem:s17], [sflag:$0x2], $0x80, s13, s22, $0xb8;
	[tilespmem:$0x1E300] =	vst v63  }
0x6a: {  	_ = 	snop  }
0x6b: {  	[spmem:s3] =	stream.indirect.scatter.add.f32 [tilespmem:s25], [sflag:$0x3], $0x1, s13, s22, $0xb8;
	[tilespmem:$0x1E300] =	vst v63  }
.Ltmp3:
0x6c: {  	s7 =	sand.u32 $0x1, s9;
	_ =	swait.ge [sflag:s26], $0x3480;
	(pc) =	sbr.rel @p1 .LBB2_3-.Ltmp3, $4  }
0x6d: {  	s9 =	sxor.u32 $0x1, s7;
	s7 =	smul.u32 $0xE000, s7;
	[sflag:s26] =	ssyncset.done $0x0  }
0x6e: {  	s11 =	smul.u32 $0xE000, s9;
	s9 =	smov.u32 s12;
	[sflag:s26] =	ssyncadd.s32 $0xFFFFCB80  }
0x6f: {  	s16 =	sadd.s32 $0x80, s16;
	s12 =	sshrl.u32 s7, $0x2;
	_ =	swait.ge [sflag:s28], $0x3480  }
0x70: {  	s7 =	sshra.s32 s11, $0x2;
	s17 =	sadd.s32 $0x3000, s12;
	[sflag:s28] =	ssyncset.done $0x0  }
0x71: {  	s7 =	sadd.s32 $0x3000, s7;
	[sflag:s28] =	ssyncadd.s32 $0xFFFFCB80  }
0x72: {  	[tilespmem:s7], [sflag:$0x1] =	stream.indirect.gather [hbm4b:s6+s22], $0x80, s10, s22, $0xb8;
	[tilespmem:$0x1E300] =	vst v63  }
0x73: {  	_ = 	snop  }
0x74: {  	[spmem:s2] =	stream.indirect.scatter.add.f32 [tilespmem:s17], [sflag:$0x2], $0x80, s4, s22, $0xb8;
	[tilespmem:$0x1E300] =	vst v63  }
0x75: {  	_ = 	snop  }
0x76: {  	[spmem:s3] =	stream.indirect.scatter.add.f32 [tilespmem:s25], [sflag:$0x3], $0x1, s4, s22, $0xb8;
	[tilespmem:$0x1E300] =	vst v63  }
0x77: {  	_ =	swait.ge [sflag:s26], $0x3480  }
0x78: {  	s9 =	sand.u32 $0x1, s9;
	[sflag:s26] =	ssyncset.done $0x0  }
0x79: {  	s4 =	smul.u32 $0xE000, s9;
	[sflag:s26] =	ssyncadd.s32 $0xFFFFCB80  }
0x7a: {  	_ =	swait.ge [sflag:s28], $0x3480  }
0x7b: {  	s4 =	sshrl.u32 s4, $0x2;
	[sflag:s28] =	ssyncset.done $0x0  }
0x7c: {  	s4 =	sadd.s32 $0x3000, s4;
	[sflag:s28] =	ssyncadd.s32 $0xFFFFCB80  }
0x7d: {  	[spmem:s2] =	stream.indirect.scatter.add.f32 [tilespmem:s4], [sflag:$0x2], $0x80, s29, s22, $0xb8;
	[tilespmem:$0x1E300] =	vst v63  }
0x7e: {  	s7 =	simm.s32 $0x2  }
0x7f: {  	[spmem:s3] =	stream.indirect.scatter.add.f32 [tilespmem:s25], [sflag:$0x3], $0x1, s29, s22, $0xb8;
	[tilespmem:$0x1E300] =	vst v63  }
0x80: {  	_ =	swait.ge [sflag:s7], $0x3480  }
0x81: {  	[sflag:s7] =	ssyncset.done $0x0  }
0x82: {  	s10 =	rddreg [dreg:$0xa];
	[sflag:s7] =	ssyncadd.s32 $0xFFFFCB80  }
0x83: {  	[tilespmem:s5], [sflag:$0x4] =	stream.linear.gather [hbm4b:s10+s5], $0x1800, $0x38;
	[tilespmem:$0x1E300] =	vst v63  }
0x84: {  	_ =	swait.ge [sflag:s20], $0x1800  }
0x85: {  	[sflag:s20] =	ssyncset.done $0x0  }
0x86: {  	[sflag:s20] =	ssyncadd.s32 $0xFFFFE800  }
0x87: {  	[tilespmem:s21], [sflag:$0x4] =	stream.linear.gather [hbm4b:s14+s5], $0x1800, $0x38;
	[tilespmem:$0x1E300] =	vst v63  }
0x88: {  	_ =	swait.ge [sflag:s20], $0x1800  }
0x89: {  	[sflag:s20] =	ssyncset.done $0x0  }
0x8a: {  	s11 =	simm.s32 $0x1;
	[sflag:s20] =	ssyncadd.s32 $0xFFFFE800  }
0x8b: {  	[tilespmem:s23], [sflag:$0x1] =	stream.indirect.gather [hbm4b:s6+s22], $0x80, s5, s22, $0xb8;
	[tilespmem:$0x1E300] =	vst v63  }
0x8c: {  	_ =	swait.ge [sflag:s11], $0x3480  }
0x8d: {  	[sflag:s11] =	ssyncset.done $0x0  }
0x8e: {  	s12 =	simm.s32 $0x6800;
	[sflag:s11] =	ssyncadd.s32 $0xFFFFCB80  }
0x8f: {  	[tilespmem:s12], [sflag:$0x1] =	stream.indirect.gather [hbm4b:s6+s22], $0x80, s24, s22, $0xb8;
	[tilespmem:$0x1E300] =	vst v63  }
0x90: {  	_ = 	snop  }
0x91: {  	[spmem:s2] =	stream.indirect.scatter.add.f32 [tilespmem:s23], [sflag:$0x2], $0x80, s21, s22, $0xb8;
	[tilespmem:$0x1E300] =	vst v63  }
0x92: {  	_ = 	snop  }
0x93: {  	[spmem:s3] =	stream.indirect.scatter.add.f32 [tilespmem:s25], [sflag:$0x3], $0x1, s21, s22, $0xb8;
	[tilespmem:$0x1E300] =	vst v63  }
0x94: {  	_ =	swait.ge [sflag:s11], $0x3480  }
0x95: {  	s13 =	sxor.u32 $0x1, s11;
	[sflag:s11] =	ssyncset.done $0x0  }
0x96: {  	s15 =	smul.u32 $0xE000, s13;
	[sflag:s11] =	ssyncadd.s32 $0xFFFFCB80  }
0x97: {  	_ =	swait.ge [sflag:s7], $0x3480  }
0x98: {  	s4 =	sshra.s32 s15, $0x2;
	[sflag:s7] =	ssyncset.done $0x0  }
0x99: {  	s16 =	simm.s32 $0x100;
	s4 =	sadd.s32 $0x3000, s4;
	[sflag:s7] =	ssyncadd.s32 $0xFFFFCB80  }
0x9a: {  	[tilespmem:s4], [sflag:$0x1] =	stream.indirect.gather [hbm4b:s6+s22], $0x80, s16, s22, $0xb8;
	[tilespmem:$0x1E300] =	vst v63  }
0x9b: {  	s17 =	simm.s32 $0x1880  }
0x9c: {  	[spmem:s2] =	stream.indirect.scatter.add.f32 [tilespmem:s12], [sflag:$0x2], $0x80, s17, s22, $0xb8;
	[tilespmem:$0x1E300] =	vst v63  }
0x9d: {  	s9 =	simm.s32 $0x3;
	s15 =	simm.s32 $0x4  }
0x9e: {  	[spmem:s3] =	stream.indirect.scatter.add.f32 [tilespmem:s25], [sflag:$0x3], $0x1, s17, s22, $0xb8;
	[tilespmem:$0x1E300] =	vst v63  }
0x9f: {  	s10 =	simm.s32 $0x180;
	s7 =	sand.u32 $0x1, s7;
	_ =	swait.ge [sflag:s26], $0x3480  }
0xa0: {  	s11 =	sxor.u32 $0x1, s7;
	s7 =	smul.u32 $0xE000, s7;
	[sflag:s26] =	ssyncset.done $0x0  }
0xa1: {  	s4 =	simm.s32 $0x1900;
	s11 =	smul.u32 $0xE000, s11;
	[sflag:s26] =	ssyncadd.s32 $0xFFFFCB80  }
0xa2: {  	s16 =	simm.s32 $0x1980;
	s12 =	sshrl.u32 s7, $0x2;
	_ =	swait.ge [sflag:s28], $0x3480  }
0xa3: {  	s7 =	sshra.s32 s11, $0x2;
	s17 =	sadd.s32 $0x3000, s12;
	[sflag:s28] =	ssyncset.done $0x0  }
.LBB2_5:
0xa4: {  	s11 =	sadd.s32 $0xFFFFE880, s16;
	s7 =	sadd.s32 $0x3000, s7;
	[sflag:s28] =	ssyncadd.s32 $0xFFFFCB80  }
0xa5: {  	s12 =	smov.u32 s15;
	s13 =	smov.u32 s4;
	s4 =	smov.u32 s16  }
0xa6: {  	[tilespmem:s7], [sflag:$0x1] =	stream.indirect.gather [hbm4b:s6+s22], $0x80, s10, s22, $0xb8;
	[tilespmem:$0x1E300] =	vst v63  }
0xa7: {  	p1 =	sne.s32 s15, $0x2F;
	s15 =	sadd.s32 $0x1, s15;
	s10 =	smov.u32 s11  }
0xa8: {  	[spmem:s2] =	stream.indirect.scatter.add.f32 [tilespmem:s17], [sflag:$0x2], $0x80, s13, s22, $0xb8;
	[tilespmem:$0x1E300] =	vst v63  }
0xa9: {  	_ = 	snop  }
0xaa: {  	[spmem:s3] =	stream.indirect.scatter.add.f32 [tilespmem:s25], [sflag:$0x3], $0x1, s13, s22, $0xb8;
	[tilespmem:$0x1E300] =	vst v63  }
.Ltmp4:
0xab: {  	s7 =	sand.u32 $0x1, s9;
	_ =	swait.ge [sflag:s26], $0x3480;
	(pc) =	sbr.rel @p1 .LBB2_5-.Ltmp4, $4  }
0xac: {  	s9 =	sxor.u32 $0x1, s7;
	s7 =	smul.u32 $0xE000, s7;
	[sflag:s26] =	ssyncset.done $0x0  }
0xad: {  	s11 =	smul.u32 $0xE000, s9;
	s9 =	smov.u32 s12;
	[sflag:s26] =	ssyncadd.s32 $0xFFFFCB80  }
0xae: {  	s16 =	sadd.s32 $0x80, s16;
	s12 =	sshrl.u32 s7, $0x2;
	_ =	swait.ge [sflag:s28], $0x3480  }
0xaf: {  	s7 =	sshra.s32 s11, $0x2;
	s17 =	sadd.s32 $0x3000, s12;
	[sflag:s28] =	ssyncset.done $0x0  }
0xb0: {  	s7 =	sadd.s32 $0x3000, s7;
	[sflag:s28] =	ssyncadd.s32 $0xFFFFCB80  }
0xb1: {  	[tilespmem:s7], [sflag:$0x1] =	stream.indirect.gather [hbm4b:s6+s22], $0x80, s10, s22, $0xb8;
	[tilespmem:$0x1E300] =	vst v63  }
0xb2: {  	_ = 	snop  }
0xb3: {  	[spmem:s2] =	stream.indirect.scatter.add.f32 [tilespmem:s17], [sflag:$0x2], $0x80, s4, s22, $0xb8;
	[tilespmem:$0x1E300] =	vst v63  }
0xb4: {  	_ = 	snop  }
0xb5: {  	[spmem:s3] =	stream.indirect.scatter.add.f32 [tilespmem:s25], [sflag:$0x3], $0x1, s4, s22, $0xb8;
	[tilespmem:$0x1E300] =	vst v63  }
0xb6: {  	_ =	swait.ge [sflag:s26], $0x3480  }
0xb7: {  	s17 =	sand.u32 $0x1, s9;
	[sflag:s26] =	ssyncset.done $0x0  }
0xb8: {  	s4 =	smul.u32 $0xE000, s17;
	[sflag:s26] =	ssyncadd.s32 $0xFFFFCB80  }
0xb9: {  	_ =	swait.ge [sflag:s28], $0x3480  }
0xba: {  	s4 =	sshrl.u32 s4, $0x2;
	[sflag:s28] =	ssyncset.done $0x0  }
0xbb: {  	s4 =	sadd.s32 $0x3000, s4;
	[sflag:s28] =	ssyncadd.s32 $0xFFFFCB80  }
0xbc: {  	[spmem:s2] =	stream.indirect.scatter.add.f32 [tilespmem:s4], [sflag:$0x2], $0x80, s29, s22, $0xb8;
	[tilespmem:$0x1E300] =	vst v63  }
0xbd: {  	_ = 	snop  }
0xbe: {  	[spmem:s3] =	stream.indirect.scatter.add.f32 [tilespmem:s25], [sflag:$0x3], $0x1, s29, s22, $0xb8;
	[tilespmem:$0x1E300] =	vst v63  }
0xbf: {  	_ =	swait.ge [sflag:s28], $0x3480  }
0xc0: {  	[sflag:s28] =	ssyncset.done $0x0  }
0xc1: {  	[sflag:s28] =	ssyncadd.s32 $0xFFFFCB80  }
0xc2: {  	_ =	swait.ge [sflag:s30], $0x69  }
0xc3: {  	s4 =	simm.s32 $0x5F;
	[sflag:s30] =	ssyncset.done $0x0  }
.LBB2_7:
0xc4: {  	p1 =	sne.s32 s4, $0x1;
	s4 =	sadd.s32 $0xFFFFFFFF, s4;
	[sflag:s30] =	ssyncadd.s32 $0xFFFFFF97  }
.Ltmp5:
0xc5: {  	(pc) =	sbr.rel @p1 .LBB2_7-.Ltmp5, $3  }
0xc6: {  	_ =	sdelay $0x1  }
0xc7: {  	_ =	swait.ge [sflag:s30], $0x69  }
0xc8: {  	[sflag:s30] =	ssyncset.done $0x0  }
0xc9: {  	[sflag:s30] =	ssyncadd.s32 $0xFFFFFF97  }
0xca: {  	[bflag:$0x0] =	sbarrier.arrive $0xFFFF  }
0xcb: {  	s4 =	rddreg [dreg:$0xc]  }
0xcc: {  	[hbm:s4], [sflag:s8] =	dma.local [spmem:s19], $0x2800  }
0xcd: {  	_ =	swait.ge [sflag:s20], $0x2800  }
0xce: {  	[sflag:s20] =	ssyncset.done $0x0  }
.Ltmp6:
0xcf: {  	s17 =	rddreg [dreg:$0xd];
	[sflag:s20] =	ssyncadd.s32 $0xFFFFD800;
	(pc) =	sbr.rel .LBB2_14-.Ltmp6, $4  }
0xd0: {  	[hbm:s17], [sflag:s8] =	dma.local [spmem:s0], $0x50  }
0xd1: {  	_ =	swait.ge [sflag:s20], $0x50  }
0xd2: {  	[sflag:s20] =	ssyncset.done $0x0  }
0xd3: {  	[sflag:s20] =	ssyncadd.s32 $0xFFFFFFB0  }
.LBB2_9:
0xd4: {  	[tilespmem:$0x1E000] =	vst v0  }
0xd5: {  	[tilespmem:$0x1E010] =	vst v0  }
0xd6: {  	[tilespmem:$0x1E020] =	vst v0  }
0xd7: {  	[tilespmem:$0x1E030] =	vst v0  }
0xd8: {  	[tilespmem:$0x1E040] =	vst v0  }
0xd9: {  	[tilespmem:$0x1E050] =	vst v0  }
0xda: {  	[tilespmem:$0x1E059] =	vst v0  }
0xdb: {  	[bflag:$0x0] =	sbarrier.arrive $0xFFFF  }
0xdc: {  	s0 =	rddreg [dreg:$0x8]  }
0xdd: {  	[tilespmem:s5], [sflag:$0x4] =	stream.linear.gather [hbm4b:s0+s5], $0x1800, $0x38;
	[tilespmem:$0x1E300] =	vst v63  }
0xde: {  	_ =	swait.ge [sflag:s20], $0x1800  }
0xdf: {  	[sflag:s20] =	ssyncset.done $0x0  }
0xe0: {  	s11 =	rddreg [dreg:$0x9];
	[sflag:s20] =	ssyncadd.s32 $0xFFFFE800  }
0xe1: {  	[tilespmem:s21], [sflag:$0x4] =	stream.linear.gather [hbm4b:s11+s5], $0x1800, $0x38;
	[tilespmem:$0x1E300] =	vst v63  }
0xe2: {  	_ =	swait.ge [sflag:s20], $0x1800  }
0xe3: {  	[sflag:s20] =	ssyncset.done $0x0  }
0xe4: {  	s12 =	simm.s32 $0x1;
	[sflag:s20] =	ssyncadd.s32 $0xFFFFE800  }
0xe5: {  	[tilespmem:s23], [sflag:$0x1] =	stream.indirect.gather [hbm4b:s1+s22], $0x80, s5, s22, $0xb8;
	[tilespmem:$0x1E300] =	vst v63  }
0xe6: {  	_ =	swait.ge [sflag:s12], $0x3480  }
0xe7: {  	[sflag:s12] =	ssyncset.done $0x0  }
0xe8: {  	s7 =	simm.s32 $0x6800;
	[sflag:s12] =	ssyncadd.s32 $0xFFFFCB80  }
0xe9: {  	[tilespmem:s7], [sflag:$0x1] =	stream.indirect.gather [hbm4b:s1+s22], $0x80, s24, s22, $0xb8;
	[tilespmem:$0x1E300] =	vst v63  }
0xea: {  	_ = 	snop  }
0xeb: {  	[spmem:s2] =	stream.indirect.scatter.add.f32 [tilespmem:s23], [sflag:$0x2], $0x80, s21, s22, $0xb8;
	[tilespmem:$0x1E300] =	vst v63  }
0xec: {  	_ =	swait.ge [sflag:s12], $0x3480  }
0xed: {  	s4 =	sxor.u32 $0x1, s12;
	[sflag:s12] =	ssyncset.done $0x0  }
0xee: {  	s9 =	simm.s32 $0x2;
	s13 =	smul.u32 $0xE000, s4;
	[sflag:s12] =	ssyncadd.s32 $0xFFFFCB80  }
0xef: {  	_ =	swait.ge [sflag:s9], $0x3480  }
0xf0: {  	s0 =	sshra.s32 s13, $0x2;
	[sflag:s9] =	ssyncset.done $0x0  }
0xf1: {  	s15 =	simm.s32 $0x100;
	s0 =	sadd.s32 $0x3000, s0;
	[sflag:s9] =	ssyncadd.s32 $0xFFFFCB80  }
0xf2: {  	[tilespmem:s0], [sflag:$0x1] =	stream.indirect.gather [hbm4b:s1+s22], $0x80, s15, s22, $0xb8;
	[tilespmem:$0x1E300] =	vst v63  }
0xf3: {  	s16 =	simm.s32 $0x1880;
	s17 =	sand.u32 $0x1, s9  }
0xf4: {  	[spmem:s2] =	stream.indirect.scatter.add.f32 [tilespmem:s7], [sflag:$0x2], $0x80, s16, s22, $0xb8;
	[tilespmem:$0x1E300] =	vst v63  }
0xf5: {  	s4 =	simm.s32 $0x3;
	s9 =	sxor.u32 $0x1, s17;
	_ =	swait.ge [sflag:s26], $0x3480  }
0xf6: {  	s0 =	simm.s32 $0x1900;
	s7 =	smul.u32 $0xE000, s17;
	[sflag:s26] =	ssyncset.done $0x0  }
0xf7: {  	s15 =	simm.s32 $0x180;
	s10 =	smul.u32 $0xE000, s9;
	[sflag:s26] =	ssyncadd.s32 $0xFFFFCB80  }
0xf8: {  	s9 =	simm.s32 $0x4;
	s16 =	sshrl.u32 s7, $0x2;
	_ =	swait.ge [sflag:s28], $0x3480  }
0xf9: {  	s7 =	sshra.s32 s10, $0x2;
	s10 =	simm.s32 $0x1980;
	[sflag:s28] =	ssyncset.done $0x0  }
.LBB2_10:
0xfa: {  	s11 =	sadd.s32 $0xFFFFE880, s10;
	s7 =	sadd.s32 $0x3000, s7;
	[sflag:s28] =	ssyncadd.s32 $0xFFFFCB80  }
0xfb: {  	s12 =	smov.u32 s9;
	s13 =	smov.u32 s0;
	s0 =	smov.u32 s10  }
0xfc: {  	[tilespmem:s7], [sflag:$0x1] =	stream.indirect.gather [hbm4b:s1+s22], $0x80, s15, s22, $0xb8;
	[tilespmem:$0x1E300] =	vst v63  }
0xfd: {  	p1 =	sne.s32 s9, $0x2F;
	s9 =	sadd.s32 $0x1, s9;
	s7 =	sadd.s32 $0x3000, s16  }
0xfe: {  	[spmem:s2] =	stream.indirect.scatter.add.f32 [tilespmem:s7], [sflag:$0x2], $0x80, s13, s22, $0xb8;
	[tilespmem:$0x1E300] =	vst v63  }
.Ltmp7:
0xff: {  	s4 =	sand.u32 $0x1, s4;
	_ =	swait.ge [sflag:s26], $0x3480;
	(pc) =	sbr.rel @p1 .LBB2_10-.Ltmp7, $4  }
0x100: {  	s7 =	sxor.u32 $0x1, s4;
	s4 =	smul.u32 $0xE000, s4;
	[sflag:s26] =	ssyncset.done $0x0  }
0x101: {  	s15 =	smov.u32 s11;
	s7 =	smul.u32 $0xE000, s7;
	[sflag:s26] =	ssyncadd.s32 $0xFFFFCB80  }
0x102: {  	s16 =	sshrl.u32 s4, $0x2;
	s4 =	smov.u32 s12;
	_ =	swait.ge [sflag:s28], $0x3480  }
0x103: {  	s10 =	sadd.s32 $0x80, s10;
	s7 =	sshra.s32 s7, $0x2;
	[sflag:s28] =	ssyncset.done $0x0  }
0x104: {  	s7 =	sadd.s32 $0x3000, s7;
	[sflag:s28] =	ssyncadd.s32 $0xFFFFCB80  }
0x105: {  	[tilespmem:s7], [sflag:$0x1] =	stream.indirect.gather [hbm4b:s1+s22], $0x80, s15, s22, $0xb8;
	[tilespmem:$0x1E300] =	vst v63  }
0x106: {  	s15 =	sadd.s32 $0x3000, s16  }
0x107: {  	[spmem:s2] =	stream.indirect.scatter.add.f32 [tilespmem:s15], [sflag:$0x2], $0x80, s0, s22, $0xb8;
	[tilespmem:$0x1E300] =	vst v63  }
0x108: {  	_ =	swait.ge [sflag:s26], $0x3480  }
0x109: {  	s16 =	sand.u32 $0x1, s4;
	[sflag:s26] =	ssyncset.done $0x0  }
0x10a: {  	s0 =	smul.u32 $0xE000, s16;
	[sflag:s26] =	ssyncadd.s32 $0xFFFFCB80  }
0x10b: {  	_ =	swait.ge [sflag:s28], $0x3480  }
0x10c: {  	s0 =	sshrl.u32 s0, $0x2;
	[sflag:s28] =	ssyncset.done $0x0  }
0x10d: {  	s17 =	simm.s32 $0x2;
	s0 =	sadd.s32 $0x3000, s0;
	[sflag:s28] =	ssyncadd.s32 $0xFFFFCB80  }
0x10e: {  	[spmem:s2] =	stream.indirect.scatter.add.f32 [tilespmem:s0], [sflag:$0x2], $0x80, s29, s22, $0xb8;
	[tilespmem:$0x1E300] =	vst v63  }
0x10f: {  	_ =	swait.ge [sflag:s17], $0x3480  }
0x110: {  	[sflag:s17] =	ssyncset.done $0x0  }
0x111: {  	s10 =	rddreg [dreg:$0xa];
	[sflag:s17] =	ssyncadd.s32 $0xFFFFCB80  }
0x112: {  	[tilespmem:s5], [sflag:$0x4] =	stream.linear.gather [hbm4b:s10+s5], $0x1800, $0x38;
	[tilespmem:$0x1E300] =	vst v63  }
0x113: {  	_ =	swait.ge [sflag:s20], $0x1800  }
0x114: {  	[sflag:s20] =	ssyncset.done $0x0  }
0x115: {  	[sflag:s20] =	ssyncadd.s32 $0xFFFFE800  }
0x116: {  	[tilespmem:s21], [sflag:$0x4] =	stream.linear.gather [hbm4b:s14+s5], $0x1800, $0x38;
	[tilespmem:$0x1E300] =	vst v63  }
0x117: {  	_ =	swait.ge [sflag:s20], $0x1800  }
0x118: {  	[sflag:s20] =	ssyncset.done $0x0  }
0x119: {  	s11 =	simm.s32 $0x1;
	[sflag:s20] =	ssyncadd.s32 $0xFFFFE800  }
0x11a: {  	[tilespmem:s23], [sflag:$0x1] =	stream.indirect.gather [hbm4b:s1+s22], $0x80, s5, s22, $0xb8;
	[tilespmem:$0x1E300] =	vst v63  }
0x11b: {  	_ =	swait.ge [sflag:s11], $0x3480  }
0x11c: {  	[sflag:s11] =	ssyncset.done $0x0  }
0x11d: {  	s9 =	simm.s32 $0x6800;
	[sflag:s11] =	ssyncadd.s32 $0xFFFFCB80  }
0x11e: {  	[tilespmem:s9], [sflag:$0x1] =	stream.indirect.gather [hbm4b:s1+s22], $0x80, s24, s22, $0xb8;
	[tilespmem:$0x1E300] =	vst v63  }
0x11f: {  	_ = 	snop  }
0x120: {  	[spmem:s2] =	stream.indirect.scatter.add.f32 [tilespmem:s23], [sflag:$0x2], $0x80, s21, s22, $0xb8;
	[tilespmem:$0x1E300] =	vst v63  }
0x121: {  	_ =	swait.ge [sflag:s11], $0x3480  }
0x122: {  	s12 =	sxor.u32 $0x1, s11;
	[sflag:s11] =	ssyncset.done $0x0  }
0x123: {  	s13 =	smul.u32 $0xE000, s12;
	[sflag:s11] =	ssyncadd.s32 $0xFFFFCB80  }
0x124: {  	_ =	swait.ge [sflag:s17], $0x3480  }
0x125: {  	s0 =	sshra.s32 s13, $0x2;
	[sflag:s17] =	ssyncset.done $0x0  }
0x126: {  	s15 =	simm.s32 $0x100;
	s0 =	sadd.s32 $0x3000, s0;
	[sflag:s17] =	ssyncadd.s32 $0xFFFFCB80  }
0x127: {  	[tilespmem:s0], [sflag:$0x1] =	stream.indirect.gather [hbm4b:s1+s22], $0x80, s15, s22, $0xb8;
	[tilespmem:$0x1E300] =	vst v63  }
0x128: {  	s7 =	sand.u32 $0x1, s17;
	s16 =	simm.s32 $0x1880  }
0x129: {  	[spmem:s2] =	stream.indirect.scatter.add.f32 [tilespmem:s9], [sflag:$0x2], $0x80, s16, s22, $0xb8;
	[tilespmem:$0x1E300] =	vst v63  }
0x12a: {  	s4 =	simm.s32 $0x3;
	s17 =	sxor.u32 $0x1, s7;
	_ =	swait.ge [sflag:s26], $0x3480  }
0x12b: {  	s7 =	smul.u32 $0xE000, s7;
	s0 =	simm.s32 $0x1900;
	[sflag:s26] =	ssyncset.done $0x0  }
0x12c: {  	s15 =	simm.s32 $0x180;
	s10 =	smul.u32 $0xE000, s17;
	[sflag:s26] =	ssyncadd.s32 $0xFFFFCB80  }
0x12d: {  	s9 =	simm.s32 $0x4;
	s16 =	sshrl.u32 s7, $0x2;
	_ =	swait.ge [sflag:s28], $0x3480  }
0x12e: {  	s7 =	sshra.s32 s10, $0x2;
	s10 =	simm.s32 $0x1980;
	[sflag:s28] =	ssyncset.done $0x0  }
.LBB2_12:
0x12f: {  	s11 =	sadd.s32 $0xFFFFE880, s10;
	s7 =	sadd.s32 $0x3000, s7;
	[sflag:s28] =	ssyncadd.s32 $0xFFFFCB80  }
0x130: {  	s12 =	smov.u32 s9;
	s13 =	smov.u32 s0;
	s0 =	smov.u32 s10  }
0x131: {  	[tilespmem:s7], [sflag:$0x1] =	stream.indirect.gather [hbm4b:s1+s22], $0x80, s15, s22, $0xb8;
	[tilespmem:$0x1E300] =	vst v63  }
0x132: {  	p1 =	sne.s32 s9, $0x2F;
	s9 =	sadd.s32 $0x1, s9;
	s7 =	sadd.s32 $0x3000, s16  }
0x133: {  	[spmem:s2] =	stream.indirect.scatter.add.f32 [tilespmem:s7], [sflag:$0x2], $0x80, s13, s22, $0xb8;
	[tilespmem:$0x1E300] =	vst v63  }
.Ltmp8:
0x134: {  	s4 =	sand.u32 $0x1, s4;
	_ =	swait.ge [sflag:s26], $0x3480;
	(pc) =	sbr.rel @p1 .LBB2_12-.Ltmp8, $4  }
0x135: {  	s7 =	sxor.u32 $0x1, s4;
	s4 =	smul.u32 $0xE000, s4;
	[sflag:s26] =	ssyncset.done $0x0  }
0x136: {  	s15 =	smov.u32 s11;
	s7 =	smul.u32 $0xE000, s7;
	[sflag:s26] =	ssyncadd.s32 $0xFFFFCB80  }
0x137: {  	s16 =	sshrl.u32 s4, $0x2;
	s4 =	smov.u32 s12;
	_ =	swait.ge [sflag:s28], $0x3480  }
0x138: {  	s10 =	sadd.s32 $0x80, s10;
	s7 =	sshra.s32 s7, $0x2;
	[sflag:s28] =	ssyncset.done $0x0  }
.Ltmp9:
0x139: {  	_ = 	snop;
	(pc) =	sbr.rel .LBB2_13-.Ltmp9, $1  }
0x13a: {  	_ =	sdelay $0x3  }
.LBB2_15:
0x13b: {  	_ =	sfence.sel $0x180000  }
0x13c: {  	[bflag:$0x0] =	sbarrier.arrive $0xFFFF  }
0x13d: {  	_ =	strace $0x90000047  }
0x13e: {  	s0 =	stileid.u32;
	[bflag:$0x2] =	sbarrier.arrive $0xFFFF  }
0x13f: {  	p0 =	sne.s32 s0, $0x0;
	s0 =	rddreg [dreg:$0x4]  }
0x140: {  	s0 =	sadd.s32 @!p0 $0x100000, s0  }
0x141: {  	[sflag:s0] =	ssyncadd.tile.s32 @!p0 $0x1;
	_ =	shalt  }
.Lfunc_end2:
_tile_overlayer_lowered:
.L_overlay_start_2:
0x142: {  	(tag) =	ssettag $0x2  }
0x143: {  	s0 =	rddreg [dreg:$0x0];
	s2 =	stileid.u32  }
0x144: {  	s1 =	rddreg [dreg:$0x1];
	p0 =	sne.s32 s2, $0x0  }
0x145: {  	s3 =	rddreg [dreg:$0x2];
	[bflag:$0x3] =	sbarrier.arrive $0xFFFF;
	s2 =	simm.s32 @!p0 $0x1C04  }
0x146: {  	[timem:s3], [sflag:s2] =	dma.local @!p0 [hbm:s0], s1  }
0x147: {  	s0 =	simm.s32 @!p0 $0x4  }
0x148: {  	_ =	swait.ge @!p0 [sflag:s0], s1  }
0x149: {  	s1 =	ssub.s32 @!p0 $0x0, s1;
	[sflag:s0] =	ssyncset.done @!p0 $0x0  }
0x14a: {  	[sflag:s0] =	ssyncadd.s32 @!p0 s1  }
0x14b: {  	[bflag:$0x3] =	sbarrier.arrive $0xFFFF  }
0x14c: {  	_ =	shalt  }

</sc_bundles>
